<compile_context>
chip_gen: v7x
topology: tpu7x:2x2x1
jax: 0.10.2.dev20260603
libtpu: 0.0.44.dev20260713+nightly
codegen_flags: <defaults>
</compile_context>

<pallas_src>
import functools

import jax
import jax.numpy as jnp
from jax import lax
from jax.experimental import pallas as pl
from jax.experimental.pallas import tpu as pltpu
from jax.experimental.pallas import tpu_sc as plsc

N = 10000
E = 160000
H = 256
NB = 4
SUB = H // NB
NREL = 100

NC = 2
NS = 16
NW = NC * NS
CH = 128

TE = 256
E_PAD = 188416
NT = E_PAD // TE
NR = 10240
DUMMY = N
COLH = H // NC
RPT = NR // NS
DEGW = 128
TN = 1024


def _mesh():
  return plsc.VectorSubcoreMesh(core_axis_name="c", subcore_axis_name="s",
                                num_cores=NC, num_subcores=NS)


def _sc_gather(out_rows):
  n_chunks = out_rows // (NS * CH)
  assert n_chunks * NS * CH == out_rows

  @functools.partial(
      pl.kernel,
      out_type=jax.ShapeDtypeStruct((NC, out_rows, COLH), jnp.float32),
      mesh=_mesh(),
      scratch_types=[
          pltpu.VMEM((2, CH), jnp.int32),
          pltpu.VMEM((2, CH, COLH), jnp.float32),
          pltpu.VMEM_SHARED((NR, COLH), jnp.float32),
          pltpu.SemaphoreType.DMA,
          pltpu.SemaphoreType.DMA,
          pltpu.SemaphoreType.DMA,
      ],
  )
  def k(table_hbm, idx_hbm, out_hbm, idx2, buf2, table_sh, sem_i, sem_g,
        sem_o):
    c = lax.axis_index("c")
    s = lax.axis_index("s")
    rbase = s * RPT

    def stage(i, carry):
      r0 = rbase + i * CH
      pltpu.sync_copy(table_hbm.at[c, pl.ds(r0, CH)], buf2.at[0])
      pltpu.sync_copy(buf2.at[0], table_sh.at[pl.ds(r0, CH)])
      return carry

    lax.fori_loop(0, RPT // CH, stage, 0)
    plsc.subcore_barrier()

    base = s * n_chunks
    pltpu.sync_copy(idx_hbm.at[pl.ds(base * CH, CH)], idx2.at[0])

    def body(i, carry):
      p = lax.rem(i, 2)
      e0 = (base + i) * CH

      @pl.when(i >= 2)
      def _():
        pltpu.make_async_copy(
            buf2.at[p], out_hbm.at[c, pl.ds(e0, CH)], sem_o
        ).wait()

      @pl.when(i + 1 < n_chunks)
      def _():
        pltpu.async_copy(
            idx_hbm.at[pl.ds(e0 + CH, CH)], idx2.at[1 - p], sem_i
        )

      pltpu.async_copy(table_sh.at[idx2.at[p]], buf2.at[p], sem_g).wait()
      pltpu.async_copy(buf2.at[p], out_hbm.at[c, pl.ds(e0, CH)], sem_o)

      @pl.when(i + 1 < n_chunks)
      def _():
        pltpu.make_async_copy(
            idx_hbm.at[pl.ds(e0 + CH, CH)], idx2.at[1 - p], sem_i
        ).wait()

      return carry

    lax.fori_loop(0, n_chunks, body, 0)

    def drain(i, carry):
      pltpu.make_async_copy(
          buf2.at[0], out_hbm.at[c, pl.ds(base * CH, CH)], sem_o
      ).wait()
      return carry

    lax.fori_loop(0, min(n_chunks, 2), drain, 0)

  return k


def _sc_scatter():
  n_chunks = E_PAD // (NS * CH)
  zc = RPT // CH

  @functools.partial(
      pl.kernel,
      out_type=jax.ShapeDtypeStruct((NC, NR, COLH), jnp.float32),
      mesh=_mesh(),
      scratch_types=[
          pltpu.VMEM((2, CH), jnp.int32),
          pltpu.VMEM((2, CH, COLH), jnp.float32),
          pltpu.VMEM_SHARED((NR, COLH), jnp.float32),
          pltpu.SemaphoreType.DMA,
          pltpu.SemaphoreType.DMA,
      ],
  )
  def k(msg_hbm, dst_hbm, zeros_hbm, out_hbm, idx2, buf2, table_sh, sem_i,
        sem_m):
    c = lax.axis_index("c")
    s = lax.axis_index("s")
    rbase = s * RPT

    pltpu.sync_copy(zeros_hbm, buf2.at[0])

    def zbody(i, carry):
      r0 = rbase + i * CH
      pltpu.sync_copy(buf2.at[0], table_sh.at[pl.ds(r0, CH)])
      return carry

    lax.fori_loop(0, zc, zbody, 0)
    plsc.subcore_barrier()

    base = s * n_chunks
    pltpu.sync_copy(dst_hbm.at[pl.ds(base * CH, CH)], idx2.at[0])
    pltpu.sync_copy(msg_hbm.at[c, pl.ds(base * CH, CH)], buf2.at[0])

    def body(i, carry):
      p = lax.rem(i, 2)
      e0 = (base + i) * CH

      @pl.when(i + 1 < n_chunks)
      def _():
        pltpu.async_copy(
            dst_hbm.at[pl.ds(e0 + CH, CH)], idx2.at[1 - p], sem_i
        )
        pltpu.async_copy(
            msg_hbm.at[c, pl.ds(e0 + CH, CH)], buf2.at[1 - p], sem_m
        )

      pltpu.sync_copy(buf2.at[p], table_sh.at[idx2.at[p]], add=True)

      @pl.when(i + 1 < n_chunks)
      def _():
        pltpu.make_async_copy(
            dst_hbm.at[pl.ds(e0 + CH, CH)], idx2.at[1 - p], sem_i
        ).wait()
        pltpu.make_async_copy(
            msg_hbm.at[c, pl.ds(e0 + CH, CH)], buf2.at[1 - p], sem_m
        ).wait()

      return carry

    lax.fori_loop(0, n_chunks, body, 0)
    plsc.subcore_barrier()

    def obody(i, carry):
      r0 = rbase + i * CH
      pltpu.sync_copy(table_sh.at[pl.ds(r0, CH)], buf2.at[0])
      pltpu.sync_copy(buf2.at[0], out_hbm.at[c, pl.ds(r0, CH)])
      return carry

    lax.fori_loop(0, zc, obody, 0)

  return k


def _sc_degree():
  half = E_PAD // NC
  n_chunks = half // (NS * CH)
  zc = RPT // CH

  @functools.partial(
      pl.kernel,
      out_type=jax.ShapeDtypeStruct((NC, NR, DEGW), jnp.float32),
      mesh=_mesh(),
      scratch_types=[
          pltpu.VMEM((CH,), jnp.int32),
          pltpu.VMEM((CH, DEGW), jnp.float32),
          pltpu.VMEM((CH, DEGW), jnp.float32),
          pltpu.VMEM_SHARED((NR, DEGW), jnp.float32),
          pltpu.SemaphoreType.DMA,
      ],
  )
  def k(dst_hbm, zeros_hbm, ones_hbm, out_hbm, idx_v, buf_v, ones_v, table_sh,
        sem):
    c = lax.axis_index("c")
    s = lax.axis_index("s")
    rbase = s * RPT
    pltpu.sync_copy(ones_hbm, ones_v)
    pltpu.sync_copy(zeros_hbm, buf_v)

    def zbody(i, carry):
      r0 = rbase + i * CH
      pltpu.sync_copy(buf_v, table_sh.at[pl.ds(r0, CH)])
      return carry

    lax.fori_loop(0, zc, zbody, 0)
    plsc.subcore_barrier()

    def body(i, carry):
      e0 = c * half + (s * n_chunks + i) * CH
      pltpu.sync_copy(dst_hbm.at[pl.ds(e0, CH)], idx_v)
      pltpu.sync_copy(ones_v, table_sh.at[idx_v], add=True)
      return carry

    lax.fori_loop(0, n_chunks, body, 0)
    plsc.subcore_barrier()

    def obody(i, carry):
      r0 = rbase + i * CH
      pltpu.sync_copy(table_sh.at[pl.ds(r0, CH)], buf_v)
      pltpu.sync_copy(buf_v, out_hbm.at[c, pl.ds(r0, CH)])
      return carry

    lax.fori_loop(0, zc, obody, 0)

  return k


def _tc_matmul():

  def body(rel_ref, hs_ref, w_ref, o_ref):
    x = jnp.concatenate([hs_ref[0], hs_ref[1]], axis=1).astype(jnp.bfloat16)
    y = jnp.dot(x, w_ref[0], preferred_element_type=jnp.float32)
    o_ref[0] = y[:, :COLH]
    o_ref[1] = y[:, COLH:]

  grid_spec = pltpu.PrefetchScalarGridSpec(
      num_scalar_prefetch=1,
      grid=(NT,),
      in_specs=[
          pl.BlockSpec((NC, TE, COLH), lambda i, rel: (0, i, 0)),
          pl.BlockSpec((1, H, H), lambda i, rel: (rel[i], 0, 0)),
      ],
      out_specs=pl.BlockSpec((NC, TE, COLH), lambda i, rel: (0, i, 0)),
  )
  return pl.pallas_call(
      body,
      grid_spec=grid_spec,
      out_shape=jax.ShapeDtypeStruct((NC, E_PAD, COLH), jnp.float32),
  )


def _tc_combine(act):

  def body(agg_ref, deg_ref, h_ref, w_ref, o_ref):
    deg = deg_ref[0, :, 0:1] + deg_ref[1, :, 0:1]
    norm = 1.0 / jnp.maximum(deg, 1.0)
    agg = jnp.concatenate([agg_ref[0], agg_ref[1]], axis=1)
    h = jnp.concatenate([h_ref[0], h_ref[1]], axis=1).astype(jnp.bfloat16)
    out = agg * norm + jnp.dot(h, w_ref[...], preferred_element_type=jnp.float32)
    if act:
      out = jnp.maximum(out, 0.0)
    o_ref[0] = out[:, :COLH]
    o_ref[1] = out[:, COLH:]

  return pl.pallas_call(
      body,
      grid=(NR // TN,),
      in_specs=[
          pl.BlockSpec((NC, TN, COLH), lambda i: (0, i, 0)),
          pl.BlockSpec((NC, TN, DEGW), lambda i: (0, i, 0)),
          pl.BlockSpec((NC, TN, COLH), lambda i: (0, i, 0)),
          pl.BlockSpec((H, H), lambda i: (0, 0)),
      ],
      out_specs=pl.BlockSpec((NC, TN, COLH), lambda i: (0, i, 0)),
      out_shape=jax.ShapeDtypeStruct((NC, NR, COLH), jnp.float32),
  )


def _blockdiag(W):
  Wf = jnp.zeros((NREL, NB, SUB, NB, SUB), W.dtype)
  for b in range(NB):
    Wf = Wf.at[:, b, :, b, :].set(W[:, b])
  return Wf.reshape(NREL, H, H)


def kernel(node_embeds, W1, loop1, W2, loop2, edge_index, edge_type, init_ids):
  et = edge_type.astype(jnp.int32)
  src = edge_index[0].astype(jnp.int32)
  dst = edge_index[1].astype(jnp.int32)
  iid = init_ids.astype(jnp.int32)

  counts = jnp.sum(
      (et[:, None] == jnp.arange(NREL, dtype=jnp.int32)[None, :]).astype(
          jnp.float32
      ),
      axis=0,
  ).astype(jnp.int32)
  pcounts = ((counts + TE - 1) // TE) * TE
  gaps = pcounts - counts
  gapend = jnp.cumsum(gaps)
  padn = E_PAD - E
  pad_rel = jnp.searchsorted(
      gapend, jnp.arange(padn, dtype=jnp.int32), side="right"
  ).astype(jnp.int32)
  keys = jnp.concatenate([et, pad_rel])
  packed = jnp.concatenate(
      [src * 16384 + dst, jnp.full((padn,), DUMMY, jnp.int32)]
  )
  _, packed_s = lax.sort((keys, packed), num_keys=1)
  src_pad = packed_s // 16384
  dst_pad = packed_s % 16384
  pstarts = jnp.concatenate(
      [jnp.zeros((1,), jnp.int32), jnp.cumsum(pcounts)[:-1]]
  )
  tile_rel = jnp.clip(
      jnp.searchsorted(
          pstarts, jnp.arange(NT, dtype=jnp.int32) * TE, side="right"
      ).astype(jnp.int32) - 1,
      0,
      NREL - 1,
  )

  iid_pad = jnp.concatenate([iid, jnp.zeros((NR - N,), jnp.int32)])
  zeros_col = jnp.zeros((CH, COLH), jnp.float32)
  ones_deg = jnp.ones((CH, DEGW), jnp.float32)
  Wd1 = _blockdiag(W1).astype(jnp.bfloat16)
  Wd2 = _blockdiag(W2).astype(jnp.bfloat16)
  loop1 = loop1.astype(jnp.bfloat16)
  loop2 = loop2.astype(jnp.bfloat16)

  ne_pad = jnp.concatenate(
      [node_embeds, jnp.zeros((NR - N, H), jnp.float32)]
  )
  ne_plane = jnp.stack([ne_pad[:, :COLH], ne_pad[:, COLH:]])

  gather_init = _sc_gather(NR)
  gather_edges = _sc_gather(E_PAD)
  scatter = _sc_scatter()
  degree = _sc_degree()
  matmul = _tc_matmul()

  h0 = gather_init(ne_plane, iid_pad)
  deg = degree(dst_pad, zeros_col, ones_deg)

  hs1 = gather_edges(h0, src_pad)
  msg1 = matmul(tile_rel, hs1, Wd1)
  agg1 = scatter(msg1, dst_pad, zeros_col)
  h1 = _tc_combine(True)(agg1, deg, h0, loop1)

  hs2 = gather_edges(h1, src_pad)
  msg2 = matmul(tile_rel, hs2, Wd2)
  agg2 = scatter(msg2, dst_pad, zeros_col)
  out = _tc_combine(False)(agg2, deg, h1, loop2)
  return jnp.concatenate([out[0], out[1]], axis=1)[:N]

# --- scband reference (transcript-rebuilt; emitter-appended) ---
"""Pipeline reference for scband-rgcn-11536282157155 (READ-ONLY COPY).

The authoritative reference and input builder live on the scoring server;
editing this copy changes nothing except your own understanding.
"""

import jax, jax.numpy as jnp
import numpy as np

N = 10000      # num_nodes
E = 160000     # num edges
H = 256        # h_dim
NB = 4         # num_bases (block count)
SUB = H // NB  # 64, submat size
NREL = 100     # 2 * num_rels relation types


def setup_inputs(seed: int = 0) -> dict:
    key = jax.random.key(seed)
    ks = jax.random.split(key, 8)
    edge_index = jax.random.randint(ks[0], (2, E), 0, N, dtype=jnp.int64 if jax.config.jax_enable_x64 else jnp.int32)
    edge_type = jax.random.randint(ks[1], (E,), 0, NREL, dtype=edge_index.dtype)
    init_ids = jax.random.randint(ks[2], (N,), 0, N, dtype=edge_index.dtype)
    node_embeds = jax.random.normal(ks[3], (N, H), dtype=jnp.float32) * 0.05
    W1 = jax.random.normal(ks[4], (NREL, NB, SUB, SUB), dtype=jnp.float32) * 0.05
    W2 = jax.random.normal(ks[5], (NREL, NB, SUB, SUB), dtype=jnp.float32) * 0.05
    loop1 = jax.random.normal(ks[6], (H, H), dtype=jnp.float32) * 0.02
    loop2 = jax.random.normal(ks[7], (H, H), dtype=jnp.float32) * 0.02
    return {"node_embeds": node_embeds, "W1": W1, "loop1": loop1,
            "W2": W2, "loop2": loop2,
            "edge_index": edge_index, "edge_type": edge_type, "init_ids": init_ids}


def _rgcn_block_layer(h, edge_index, edge_type, W, loop_w, act):
    # RGCNBlockLayer: block-diagonal relation weights, sum aggregation + degree norm,
    # self-loop transform, optional ReLU (dropout is identity in eval/reference mode).
    src = edge_index[0]
    dst = edge_index[1]
    hs = h[src].reshape(-1, NB, SUB)                 # gather src features, split into blocks
    Wr = W[edge_type]                                 # [E, NB, SUB, SUB] per-edge relation weight
    msg = jnp.einsum('ebi,ebio->ebo', hs, Wr).reshape(-1, H)
    agg = jax.ops.segment_sum(msg, dst, num_segments=N)
    deg = jax.ops.segment_sum(jnp.ones((msg.shape[0],), dtype=h.dtype), dst, num_segments=N)
    norm = 1.0 / jnp.clip(deg, 1.0, None)
    agg = agg * norm[:, None]
    loop = h @ loop_w                                 # self-loop message
    out = agg + loop
    if act:
        out = jax.nn.relu(out)
    return out


def reference(node_embeds, W1, loop1, W2, loop2, edge_index, edge_type, init_ids):
    # init_embed: initialize node states by gathering rows of the learned node embedding
    # table via the init_dict mapping (random_init path).
    h = node_embeds[init_ids]
    # num_layers=2 hidden RGCN block layers; ReLU on all but the last layer.
    h = _rgcn_block_layer(h, edge_index, edge_type, W1, loop1, True)
    h = _rgcn_block_layer(h, edge_index, edge_type, W2, loop2, False)
    return h

if __name__ == "__main__":
    import jax
    _d = setup_inputs()
    print(jax.jit(kernel)(*tuple(_d.values())))

</pallas_src>

<mosaic_0001>
#map = affine_map<(d0, d1) -> (0)>
#map1 = affine_map<(d0, d1) -> (0, 0)>
#map2 = affine_map<(d0, d1) -> (0, 0, 0)>
module attributes {stable_mosaic.version = 14 : i64} {
  func.func @k(%arg0: i32, %arg1: i32, %arg2: memref<188416xi32, #tpu.memory_space<hbm>>, %arg3: memref<128x128xf32, #tpu.memory_space<hbm>>, %arg4: memref<128x128xf32, #tpu.memory_space<hbm>>, %arg5: memref<2x10240x128xf32, #tpu.memory_space<hbm>>, %arg6: memref<128xi32, #tpu.memory_space<vmem>>, %arg7: memref<128x128xf32, #tpu.memory_space<vmem>>, %arg8: memref<128x128xf32, #tpu.memory_space<vmem>>, %arg9: memref<10240x128xf32, #tpu.memory_space<vmem_shared>>, %arg10: memref<!tpu.dma_semaphore, #tpu.memory_space<semaphore_mem>>) attributes {dimension_semantics = [#tpu.dimension_semantics<core_parallel>, #tpu.dimension_semantics<subcore_parallel>], iteration_bounds = array<i64: 2, 16>, scalar_prefetch = 0 : i64, scratch_operands = 5 : i64, tpu.core_type = #tpu.core_type<sc_vector_subcore>, window_params = [{transform_indices = #map}, {transform_indices = #map1}, {transform_indices = #map1}, {transform_indices = #map2}]} {
    %mul3A = arith.constant 640 : i32
    %mul3A_0 = arith.muli %arg1, %mul3A : i32
    "tpu.region"() ({
      %run_scoped3A = tpu.sem_alloc : memref<!tpu.dma_semaphore, #tpu.memory_space<semaphore_mem>>
      tpu.enqueue_dma source(%arg4 : memref<128x128xf32, #tpu.memory_space<hbm>>) target(%arg8 : memref<128x128xf32, #tpu.memory_space<vmem>>) target_semaphore(%run_scoped3A : memref<!tpu.dma_semaphore, #tpu.memory_space<semaphore_mem>>)
      tpu.wait_dma2 semaphore(%run_scoped3A : memref<!tpu.dma_semaphore, #tpu.memory_space<semaphore_mem>>) src(%arg4 : memref<128x128xf32, #tpu.memory_space<hbm>>) dst(%arg8 : memref<128x128xf32, #tpu.memory_space<vmem>>)
      tpu.yield
    }) : () -> ()
    "tpu.region"() ({
      %run_scoped3A = tpu.sem_alloc : memref<!tpu.dma_semaphore, #tpu.memory_space<semaphore_mem>>
      tpu.enqueue_dma source(%arg3 : memref<128x128xf32, #tpu.memory_space<hbm>>) target(%arg7 : memref<128x128xf32, #tpu.memory_space<vmem>>) target_semaphore(%run_scoped3A : memref<!tpu.dma_semaphore, #tpu.memory_space<semaphore_mem>>)
      tpu.wait_dma2 semaphore(%run_scoped3A : memref<!tpu.dma_semaphore, #tpu.memory_space<semaphore_mem>>) src(%arg3 : memref<128x128xf32, #tpu.memory_space<hbm>>) dst(%arg7 : memref<128x128xf32, #tpu.memory_space<vmem>>)
      tpu.yield
    }) : () -> ()
    %scan3A = arith.constant 0 : i32
    %scan3A_1 = arith.constant 0 : i32
    %scan3A_2 = arith.constant 5 : i32
    %scan3A_3 = arith.addi %scan3A_1, %scan3A_2 : i32
    %scan3A_4 = arith.constant 1 : i32
    scf.for %scan3A_19 = %scan3A_1 to %scan3A_3 step %scan3A_4  : i32 {
      %mul3A_20 = arith.constant 128 : i32
      %mul3A_21 = arith.muli %scan3A_19, %mul3A_20 : i32
      %add3A = arith.addi %mul3A_0, %mul3A_21 : i32
      "tpu.region"() ({
        %run_scoped3A = tpu.sem_alloc : memref<!tpu.dma_semaphore, #tpu.memory_space<semaphore_mem>>
        %dma_start3A = arith.constant 0 : i32
        %dma_start3A_22 = tpu.memref_slice %arg9[%add3A, %dma_start3A] : memref<10240x128xf32, #tpu.memory_space<vmem_shared>> -> memref<128x128xf32, #tpu.memory_space<vmem_shared>>
        %dma_start3A_23 = arith.constant 0 : i32
        %dma_start3A_24 = tpu.memref_slice %arg9[%add3A, %dma_start3A_23] : memref<10240x128xf32, #tpu.memory_space<vmem_shared>> -> memref<128x128xf32, #tpu.memory_space<vmem_shared>>
        tpu.enqueue_dma source(%arg7 : memref<128x128xf32, #tpu.memory_space<vmem>>) target(%dma_start3A_24 : memref<128x128xf32, #tpu.memory_space<vmem_shared>>) target_semaphore(%run_scoped3A : memref<!tpu.dma_semaphore, #tpu.memory_space<semaphore_mem>>)
        %dma_wait3A = arith.constant 0 : i32
        %dma_wait3A_25 = tpu.memref_slice %arg9[%add3A, %dma_wait3A] : memref<10240x128xf32, #tpu.memory_space<vmem_shared>> -> memref<128x128xf32, #tpu.memory_space<vmem_shared>>
        %dma_wait3A_26 = arith.constant 0 : i32
        %dma_wait3A_27 = tpu.memref_slice %arg9[%add3A, %dma_wait3A_26] : memref<10240x128xf32, #tpu.memory_space<vmem_shared>> -> memref<128x128xf32, #tpu.memory_space<vmem_shared>>
        tpu.wait_dma2 semaphore(%run_scoped3A : memref<!tpu.dma_semaphore, #tpu.memory_space<semaphore_mem>>) src(%arg7 : memref<128x128xf32, #tpu.memory_space<vmem>>) dst(%dma_wait3A_27 : memref<128x128xf32, #tpu.memory_space<vmem_shared>>)
        tpu.yield
      }) : () -> ()
    }
    %scan3A_5 = arith.constant 5 : i32
    %barrier3A = arith.constant 0 : index
    tpu.barrier barrier_id(%barrier3A)
    %scan3A_6 = arith.constant 0 : i32
    %scan3A_7 = arith.constant 0 : i32
    %scan3A_8 = arith.constant 46 : i32
    %scan3A_9 = arith.addi %scan3A_7, %scan3A_8 : i32
    %scan3A_10 = arith.constant 1 : i32
    scf.for %scan3A_19 = %scan3A_7 to %scan3A_9 step %scan3A_10  : i32 {
      %mul3A_20 = arith.constant 94208 : i32
      %mul3A_21 = arith.muli %arg0, %mul3A_20 : i32
      %mul3A_22 = arith.constant 46 : i32
      %mul3A_23 = arith.muli %arg1, %mul3A_22 : i32
      %add3A = arith.addi %mul3A_23, %scan3A_19 : i32
      %mul3A_24 = arith.constant 128 : i32
      %mul3A_25 = arith.muli %add3A, %mul3A_24 : i32
      %add3A_26 = arith.addi %mul3A_21, %mul3A_25 : i32
      "tpu.region"() ({
        %run_scoped3A = tpu.sem_alloc : memref<!tpu.dma_semaphore, #tpu.memory_space<semaphore_mem>>
        %dma_start3A = tpu.memref_slice %arg2[%add3A_26] : memref<188416xi32, #tpu.memory_space<hbm>> -> memref<128xi32, #tpu.memory_space<hbm>>
        %dma_start3A_27 = tpu.memref_slice %arg2[%add3A_26] : memref<188416xi32, #tpu.memory_space<hbm>> -> memref<128xi32, #tpu.memory_space<hbm>>
        tpu.enqueue_dma source(%dma_start3A_27 : memref<128xi32, #tpu.memory_space<hbm>>) target(%arg6 : memref<128xi32, #tpu.memory_space<vmem>>) target_semaphore(%run_scoped3A : memref<!tpu.dma_semaphore, #tpu.memory_space<semaphore_mem>>)
        %dma_wait3A = tpu.memref_slice %arg2[%add3A_26] : memref<188416xi32, #tpu.memory_space<hbm>> -> memref<128xi32, #tpu.memory_space<hbm>>
        %dma_wait3A_28 = tpu.memref_slice %arg2[%add3A_26] : memref<188416xi32, #tpu.memory_space<hbm>> -> memref<128xi32, #tpu.memory_space<hbm>>
        tpu.wait_dma2 semaphore(%run_scoped3A : memref<!tpu.dma_semaphore, #tpu.memory_space<semaphore_mem>>) src(%dma_wait3A_28 : memref<128xi32, #tpu.memory_space<hbm>>) dst(%arg6 : memref<128xi32, #tpu.memory_space<vmem>>)
        tpu.yield
      }) : () -> ()
      "tpu.region"() ({
        %run_scoped3A = tpu.sem_alloc : memref<!tpu.dma_semaphore, #tpu.memory_space<semaphore_mem>>
        %dma_start3A = arith.constant 0 : i32
        %dma_start3A_27 = arith.constant 0 : i32
        %dma_start3A_28 = tpu.memref_slice %arg9[%dma_start3A, %dma_start3A_27] : memref<10240x128xf32, #tpu.memory_space<vmem_shared>> -> memref<10240x128xf32, #tpu.memory_space<vmem_shared>>
        tpu.enqueue_indirect_dma source(%arg8 : memref<128x128xf32, #tpu.memory_space<vmem>>) target(%dma_start3A_28 : memref<10240x128xf32, #tpu.memory_space<vmem_shared>>) offsets(%arg6 : memref<128xi32, #tpu.memory_space<vmem>>) semaphore(%run_scoped3A : memref<!tpu.dma_semaphore, #tpu.memory_space<semaphore_mem>>) {add = true}
        %dma_wait3A = arith.constant 0 : i32
        %dma_wait3A_29 = arith.constant 0 : i32
        %dma_wait3A_30 = tpu.memref_slice %arg9[%dma_wait3A, %dma_wait3A_29] : memref<10240x128xf32, #tpu.memory_space<vmem_shared>> -> memref<10240x128xf32, #tpu.memory_space<vmem_shared>>
        tpu.wait_indirect_dma semaphore(%run_scoped3A : memref<!tpu.dma_semaphore, #tpu.memory_space<semaphore_mem>>) src(%arg8 : memref<128x128xf32, #tpu.memory_space<vmem>>) dst(%dma_wait3A_30 : memref<10240x128xf32, #tpu.memory_space<vmem_shared>>)
        tpu.yield
      }) : () -> ()
    }
    %scan3A_11 = arith.constant 46 : i32
    %barrier3A_12 = arith.constant 0 : index
    tpu.barrier barrier_id(%barrier3A_12)
    %scan3A_13 = arith.constant 0 : i32
    %scan3A_14 = arith.constant 0 : i32
    %scan3A_15 = arith.constant 5 : i32
    %scan3A_16 = arith.addi %scan3A_14, %scan3A_15 : i32
    %scan3A_17 = arith.constant 1 : i32
    scf.for %scan3A_19 = %scan3A_14 to %scan3A_16 step %scan3A_17  : i32 {
      %mul3A_20 = arith.constant 128 : i32
      %mul3A_21 = arith.muli %scan3A_19, %mul3A_20 : i32
      %add3A = arith.addi %mul3A_0, %mul3A_21 : i32
      "tpu.region"() ({
        %run_scoped3A = tpu.sem_alloc : memref<!tpu.dma_semaphore, #tpu.memory_space<semaphore_mem>>
        %dma_start3A = arith.constant 0 : i32
        %dma_start3A_22 = tpu.memref_slice %arg9[%add3A, %dma_start3A] : memref<10240x128xf32, #tpu.memory_space<vmem_shared>> -> memref<128x128xf32, #tpu.memory_space<vmem_shared>>
        %dma_start3A_23 = arith.constant 0 : i32
        %dma_start3A_24 = tpu.memref_slice %arg9[%add3A, %dma_start3A_23] : memref<10240x128xf32, #tpu.memory_space<vmem_shared>> -> memref<128x128xf32, #tpu.memory_space<vmem_shared>>
        tpu.enqueue_dma source(%dma_start3A_24 : memref<128x128xf32, #tpu.memory_space<vmem_shared>>) target(%arg7 : memref<128x128xf32, #tpu.memory_space<vmem>>) target_semaphore(%run_scoped3A : memref<!tpu.dma_semaphore, #tpu.memory_space<semaphore_mem>>)
        %dma_wait3A = arith.constant 0 : i32
        %dma_wait3A_25 = tpu.memref_slice %arg9[%add3A, %dma_wait3A] : memref<10240x128xf32, #tpu.memory_space<vmem_shared>> -> memref<128x128xf32, #tpu.memory_space<vmem_shared>>
        %dma_wait3A_26 = arith.constant 0 : i32
        %dma_wait3A_27 = tpu.memref_slice %arg9[%add3A, %dma_wait3A_26] : memref<10240x128xf32, #tpu.memory_space<vmem_shared>> -> memref<128x128xf32, #tpu.memory_space<vmem_shared>>
        tpu.wait_dma2 semaphore(%run_scoped3A : memref<!tpu.dma_semaphore, #tpu.memory_space<semaphore_mem>>) src(%dma_wait3A_27 : memref<128x128xf32, #tpu.memory_space<vmem_shared>>) dst(%arg7 : memref<128x128xf32, #tpu.memory_space<vmem>>)
        tpu.yield
      }) : () -> ()
      "tpu.region"() ({
        %run_scoped3A = tpu.sem_alloc : memref<!tpu.dma_semaphore, #tpu.memory_space<semaphore_mem>>
        %dma_start3A = arith.constant 0 : i32
        %dma_start3A_22 = tpu.memref_slice %arg5[%arg0, %add3A, %dma_start3A] : memref<2x10240x128xf32, #tpu.memory_space<hbm>> -> memref<1x128x128xf32, #tpu.memory_space<hbm>>
        %dma_start3A_23 = tpu.memref_squeeze %dma_start3A_22 : memref<1x128x128xf32, #tpu.memory_space<hbm>> -> memref<128x128xf32, #tpu.memory_space<hbm>>
        %dma_start3A_24 = arith.constant 0 : i32
        %dma_start3A_25 = tpu.memref_slice %arg5[%arg0, %add3A, %dma_start3A_24] : memref<2x10240x128xf32, #tpu.memory_space<hbm>> -> memref<1x128x128xf32, #tpu.memory_space<hbm>>
        %dma_start3A_26 = tpu.memref_squeeze %dma_start3A_25 : memref<1x128x128xf32, #tpu.memory_space<hbm>> -> memref<128x128xf32, #tpu.memory_space<hbm>>
        tpu.enqueue_dma source(%arg7 : memref<128x128xf32, #tpu.memory_space<vmem>>) target(%dma_start3A_26 : memref<128x128xf32, #tpu.memory_space<hbm>>) target_semaphore(%run_scoped3A : memref<!tpu.dma_semaphore, #tpu.memory_space<semaphore_mem>>)
        %dma_wait3A = arith.constant 0 : i32
        %dma_wait3A_27 = tpu.memref_slice %arg5[%arg0, %add3A, %dma_wait3A] : memref<2x10240x128xf32, #tpu.memory_space<hbm>> -> memref<1x128x128xf32, #tpu.memory_space<hbm>>
        %dma_wait3A_28 = tpu.memref_squeeze %dma_wait3A_27 : memref<1x128x128xf32, #tpu.memory_space<hbm>> -> memref<128x128xf32, #tpu.memory_space<hbm>>
        %dma_wait3A_29 = arith.constant 0 : i32
        %dma_wait3A_30 = tpu.memref_slice %arg5[%arg0, %add3A, %dma_wait3A_29] : memref<2x10240x128xf32, #tpu.memory_space<hbm>> -> memref<1x128x128xf32, #tpu.memory_space<hbm>>
        %dma_wait3A_31 = tpu.memref_squeeze %dma_wait3A_30 : memref<1x128x128xf32, #tpu.memory_space<hbm>> -> memref<128x128xf32, #tpu.memory_space<hbm>>
        tpu.wait_dma2 semaphore(%run_scoped3A : memref<!tpu.dma_semaphore, #tpu.memory_space<semaphore_mem>>) src(%arg7 : memref<128x128xf32, #tpu.memory_space<vmem>>) dst(%dma_wait3A_31 : memref<128x128xf32, #tpu.memory_space<hbm>>)
        tpu.yield
      }) : () -> ()
    }
    %scan3A_18 = arith.constant 5 : i32
    return
  }
}

#map = affine_map<(d0, d1) -> (0, 0, 0)>
#map1 = affine_map<(d0, d1) -> (0)>
#map2 = affine_map<(d0, d1) -> (0, 0)>
module attributes {stable_mosaic.version = 14 : i64} {
  func.func @k(%arg0: i32, %arg1: i32, %arg2: memref<2x188416x128xf32, #tpu.memory_space<hbm>>, %arg3: memref<188416xi32, #tpu.memory_space<hbm>>, %arg4: memref<128x128xf32, #tpu.memory_space<hbm>>, %arg5: memref<2x10240x128xf32, #tpu.memory_space<hbm>>, %arg6: memref<2x128xi32, #tpu.memory_space<vmem>>, %arg7: memref<2x128x128xf32, #tpu.memory_space<vmem>>, %arg8: memref<10240x128xf32, #tpu.memory_space<vmem_shared>>, %arg9: memref<!tpu.dma_semaphore, #tpu.memory_space<semaphore_mem>>, %arg10: memref<!tpu.dma_semaphore, #tpu.memory_space<semaphore_mem>>) attributes {dimension_semantics = [#tpu.dimension_semantics<core_parallel>, #tpu.dimension_semantics<subcore_parallel>], iteration_bounds = array<i64: 2, 16>, scalar_prefetch = 0 : i64, scratch_operands = 5 : i64, tpu.core_type = #tpu.core_type<sc_vector_subcore>, window_params = [{transform_indices = #map}, {transform_indices = #map1}, {transform_indices = #map2}, {transform_indices = #map}]} {
    %mul3A = arith.constant 640 : i32
    %mul3A_0 = arith.muli %arg1, %mul3A : i32
    %run_scoped3A = arith.constant 0 : i32
    "tpu.region"() ({
      %run_scoped3A_27 = tpu.sem_alloc : memref<!tpu.dma_semaphore, #tpu.memory_space<semaphore_mem>>
      %dma_start3A = arith.constant 0 : i32
      %dma_start3A_28 = arith.constant 0 : i32
      %dma_start3A_29 = tpu.memref_slice %arg7[%run_scoped3A, %dma_start3A, %dma_start3A_28] : memref<2x128x128xf32, #tpu.memory_space<vmem>> -> memref<1x128x128xf32, #tpu.memory_space<vmem>>
      %dma_start3A_30 = tpu.memref_squeeze %dma_start3A_29 : memref<1x128x128xf32, #tpu.memory_space<vmem>> -> memref<128x128xf32, #tpu.memory_space<vmem>>
      %dma_start3A_31 = arith.constant 0 : i32
      %dma_start3A_32 = arith.constant 0 : i32
      %dma_start3A_33 = tpu.memref_slice %arg7[%run_scoped3A, %dma_start3A_31, %dma_start3A_32] : memref<2x128x128xf32, #tpu.memory_space<vmem>> -> memref<1x128x128xf32, #tpu.memory_space<vmem>>
      %dma_start3A_34 = tpu.memref_squeeze %dma_start3A_33 : memref<1x128x128xf32, #tpu.memory_space<vmem>> -> memref<128x128xf32, #tpu.memory_space<vmem>>
      tpu.enqueue_dma source(%arg4 : memref<128x128xf32, #tpu.memory_space<hbm>>) target(%dma_start3A_34 : memref<128x128xf32, #tpu.memory_space<vmem>>) target_semaphore(%run_scoped3A_27 : memref<!tpu.dma_semaphore, #tpu.memory_space<semaphore_mem>>)
      %dma_wait3A = arith.constant 0 : i32
      %dma_wait3A_35 = arith.constant 0 : i32
      %dma_wait3A_36 = tpu.memref_slice %arg7[%run_scoped3A, %dma_wait3A, %dma_wait3A_35] : memref<2x128x128xf32, #tpu.memory_space<vmem>> -> memref<1x128x128xf32, #tpu.memory_space<vmem>>
      %dma_wait3A_37 = tpu.memref_squeeze %dma_wait3A_36 : memref<1x128x128xf32, #tpu.memory_space<vmem>> -> memref<128x128xf32, #tpu.memory_space<vmem>>
      %dma_wait3A_38 = arith.constant 0 : i32
      %dma_wait3A_39 = arith.constant 0 : i32
      %dma_wait3A_40 = tpu.memref_slice %arg7[%run_scoped3A, %dma_wait3A_38, %dma_wait3A_39] : memref<2x128x128xf32, #tpu.memory_space<vmem>> -> memref<1x128x128xf32, #tpu.memory_space<vmem>>
      %dma_wait3A_41 = tpu.memref_squeeze %dma_wait3A_40 : memref<1x128x128xf32, #tpu.memory_space<vmem>> -> memref<128x128xf32, #tpu.memory_space<vmem>>
      tpu.wait_dma2 semaphore(%run_scoped3A_27 : memref<!tpu.dma_semaphore, #tpu.memory_space<semaphore_mem>>) src(%arg4 : memref<128x128xf32, #tpu.memory_space<hbm>>) dst(%dma_wait3A_41 : memref<128x128xf32, #tpu.memory_space<vmem>>)
      tpu.yield
    }) : () -> ()
    %scan3A = arith.constant 0 : i32
    %scan3A_1 = arith.constant 0 : i32
    %scan3A_2 = arith.constant 5 : i32
    %scan3A_3 = arith.addi %scan3A_1, %scan3A_2 : i32
    %scan3A_4 = arith.constant 1 : i32
    scf.for %scan3A_27 = %scan3A_1 to %scan3A_3 step %scan3A_4  : i32 {
      %mul3A_28 = arith.constant 128 : i32
      %mul3A_29 = arith.muli %scan3A_27, %mul3A_28 : i32
      %add3A = arith.addi %mul3A_0, %mul3A_29 : i32
      %run_scoped3A_30 = arith.constant 0 : i32
      "tpu.region"() ({
        %run_scoped3A_31 = tpu.sem_alloc : memref<!tpu.dma_semaphore, #tpu.memory_space<semaphore_mem>>
        %dma_start3A = arith.constant 0 : i32
        %dma_start3A_32 = arith.constant 0 : i32
        %dma_start3A_33 = tpu.memref_slice %arg7[%run_scoped3A_30, %dma_start3A, %dma_start3A_32] : memref<2x128x128xf32, #tpu.memory_space<vmem>> -> memref<1x128x128xf32, #tpu.memory_space<vmem>>
        %dma_start3A_34 = tpu.memref_squeeze %dma_start3A_33 : memref<1x128x128xf32, #tpu.memory_space<vmem>> -> memref<128x128xf32, #tpu.memory_space<vmem>>
        %dma_start3A_35 = arith.constant 0 : i32
        %dma_start3A_36 = tpu.memref_slice %arg8[%add3A, %dma_start3A_35] : memref<10240x128xf32, #tpu.memory_space<vmem_shared>> -> memref<128x128xf32, #tpu.memory_space<vmem_shared>>
        %dma_start3A_37 = arith.constant 0 : i32
        %dma_start3A_38 = tpu.memref_slice %arg8[%add3A, %dma_start3A_37] : memref<10240x128xf32, #tpu.memory_space<vmem_shared>> -> memref<128x128xf32, #tpu.memory_space<vmem_shared>>
        %dma_start3A_39 = arith.constant 0 : i32
        %dma_start3A_40 = arith.constant 0 : i32
        %dma_start3A_41 = tpu.memref_slice %arg7[%run_scoped3A_30, %dma_start3A_39, %dma_start3A_40] : memref<2x128x128xf32, #tpu.memory_space<vmem>> -> memref<1x128x128xf32, #tpu.memory_space<vmem>>
        %dma_start3A_42 = tpu.memref_squeeze %dma_start3A_41 : memref<1x128x128xf32, #tpu.memory_space<vmem>> -> memref<128x128xf32, #tpu.memory_space<vmem>>
        tpu.enqueue_dma source(%dma_start3A_42 : memref<128x128xf32, #tpu.memory_space<vmem>>) target(%dma_start3A_38 : memref<128x128xf32, #tpu.memory_space<vmem_shared>>) target_semaphore(%run_scoped3A_31 : memref<!tpu.dma_semaphore, #tpu.memory_space<semaphore_mem>>)
        %dma_wait3A = arith.constant 0 : i32
        %dma_wait3A_43 = arith.constant 0 : i32
        %dma_wait3A_44 = tpu.memref_slice %arg7[%run_scoped3A_30, %dma_wait3A, %dma_wait3A_43] : memref<2x128x128xf32, #tpu.memory_space<vmem>> -> memref<1x128x128xf32, #tpu.memory_space<vmem>>
        %dma_wait3A_45 = tpu.memref_squeeze %dma_wait3A_44 : memref<1x128x128xf32, #tpu.memory_space<vmem>> -> memref<128x128xf32, #tpu.memory_space<vmem>>
        %dma_wait3A_46 = arith.constant 0 : i32
        %dma_wait3A_47 = tpu.memref_slice %arg8[%add3A, %dma_wait3A_46] : memref<10240x128xf32, #tpu.memory_space<vmem_shared>> -> memref<128x128xf32, #tpu.memory_space<vmem_shared>>
        %dma_wait3A_48 = arith.constant 0 : i32
        %dma_wait3A_49 = tpu.memref_slice %arg8[%add3A, %dma_wait3A_48] : memref<10240x128xf32, #tpu.memory_space<vmem_shared>> -> memref<128x128xf32, #tpu.memory_space<vmem_shared>>
        %dma_wait3A_50 = arith.constant 0 : i32
        %dma_wait3A_51 = arith.constant 0 : i32
        %dma_wait3A_52 = tpu.memref_slice %arg7[%run_scoped3A_30, %dma_wait3A_50, %dma_wait3A_51] : memref<2x128x128xf32, #tpu.memory_space<vmem>> -> memref<1x128x128xf32, #tpu.memory_space<vmem>>
        %dma_wait3A_53 = tpu.memref_squeeze %dma_wait3A_52 : memref<1x128x128xf32, #tpu.memory_space<vmem>> -> memref<128x128xf32, #tpu.memory_space<vmem>>
        tpu.wait_dma2 semaphore(%run_scoped3A_31 : memref<!tpu.dma_semaphore, #tpu.memory_space<semaphore_mem>>) src(%dma_wait3A_53 : memref<128x128xf32, #tpu.memory_space<vmem>>) dst(%dma_wait3A_49 : memref<128x128xf32, #tpu.memory_space<vmem_shared>>)
        tpu.yield
      }) : () -> ()
    }
    %scan3A_5 = arith.constant 5 : i32
    %barrier3A = arith.constant 0 : index
    tpu.barrier barrier_id(%barrier3A)
    %mul3A_6 = arith.constant 92 : i32
    %mul3A_7 = arith.muli %arg1, %mul3A_6 : i32
    %mul3A_8 = arith.constant 128 : i32
    %mul3A_9 = arith.muli %mul3A_7, %mul3A_8 : i32
    %run_scoped3A_10 = arith.constant 0 : i32
    "tpu.region"() ({
      %run_scoped3A_27 = tpu.sem_alloc : memref<!tpu.dma_semaphore, #tpu.memory_space<semaphore_mem>>
      %dma_start3A = arith.constant 0 : i32
      %dma_start3A_28 = tpu.memref_slice %arg6[%run_scoped3A_10, %dma_start3A] : memref<2x128xi32, #tpu.memory_space<vmem>> -> memref<1x128xi32, #tpu.memory_space<vmem>>
      %dma_start3A_29 = tpu.memref_squeeze %dma_start3A_28 : memref<1x128xi32, #tpu.memory_space<vmem>> -> memref<128xi32, #tpu.memory_space<vmem>>
      %dma_start3A_30 = tpu.memref_slice %arg3[%mul3A_9] : memref<188416xi32, #tpu.memory_space<hbm>> -> memref<128xi32, #tpu.memory_space<hbm>>
      %dma_start3A_31 = arith.constant 0 : i32
      %dma_start3A_32 = tpu.memref_slice %arg6[%run_scoped3A_10, %dma_start3A_31] : memref<2x128xi32, #tpu.memory_space<vmem>> -> memref<1x128xi32, #tpu.memory_space<vmem>>
      %dma_start3A_33 = tpu.memref_squeeze %dma_start3A_32 : memref<1x128xi32, #tpu.memory_space<vmem>> -> memref<128xi32, #tpu.memory_space<vmem>>
      %dma_start3A_34 = tpu.memref_slice %arg3[%mul3A_9] : memref<188416xi32, #tpu.memory_space<hbm>> -> memref<128xi32, #tpu.memory_space<hbm>>
      tpu.enqueue_dma source(%dma_start3A_34 : memref<128xi32, #tpu.memory_space<hbm>>) target(%dma_start3A_33 : memref<128xi32, #tpu.memory_space<vmem>>) target_semaphore(%run_scoped3A_27 : memref<!tpu.dma_semaphore, #tpu.memory_space<semaphore_mem>>)
      %dma_wait3A = arith.constant 0 : i32
      %dma_wait3A_35 = tpu.memref_slice %arg6[%run_scoped3A_10, %dma_wait3A] : memref<2x128xi32, #tpu.memory_space<vmem>> -> memref<1x128xi32, #tpu.memory_space<vmem>>
      %dma_wait3A_36 = tpu.memref_squeeze %dma_wait3A_35 : memref<1x128xi32, #tpu.memory_space<vmem>> -> memref<128xi32, #tpu.memory_space<vmem>>
      %dma_wait3A_37 = tpu.memref_slice %arg3[%mul3A_9] : memref<188416xi32, #tpu.memory_space<hbm>> -> memref<128xi32, #tpu.memory_space<hbm>>
      %dma_wait3A_38 = arith.constant 0 : i32
      %dma_wait3A_39 = tpu.memref_slice %arg6[%run_scoped3A_10, %dma_wait3A_38] : memref<2x128xi32, #tpu.memory_space<vmem>> -> memref<1x128xi32, #tpu.memory_space<vmem>>
      %dma_wait3A_40 = tpu.memref_squeeze %dma_wait3A_39 : memref<1x128xi32, #tpu.memory_space<vmem>> -> memref<128xi32, #tpu.memory_space<vmem>>
      %dma_wait3A_41 = tpu.memref_slice %arg3[%mul3A_9] : memref<188416xi32, #tpu.memory_space<hbm>> -> memref<128xi32, #tpu.memory_space<hbm>>
      tpu.wait_dma2 semaphore(%run_scoped3A_27 : memref<!tpu.dma_semaphore, #tpu.memory_space<semaphore_mem>>) src(%dma_wait3A_41 : memref<128xi32, #tpu.memory_space<hbm>>) dst(%dma_wait3A_40 : memref<128xi32, #tpu.memory_space<vmem>>)
      tpu.yield
    }) : () -> ()
    %mul3A_11 = arith.constant 128 : i32
    %mul3A_12 = arith.muli %mul3A_7, %mul3A_11 : i32
    %run_scoped3A_13 = arith.constant 0 : i32
    "tpu.region"() ({
      %run_scoped3A_27 = tpu.sem_alloc : memref<!tpu.dma_semaphore, #tpu.memory_space<semaphore_mem>>
      %dma_start3A = arith.constant 0 : i32
      %dma_start3A_28 = arith.constant 0 : i32
      %dma_start3A_29 = tpu.memref_slice %arg7[%run_scoped3A_13, %dma_start3A, %dma_start3A_28] : memref<2x128x128xf32, #tpu.memory_space<vmem>> -> memref<1x128x128xf32, #tpu.memory_space<vmem>>
      %dma_start3A_30 = tpu.memref_squeeze %dma_start3A_29 : memref<1x128x128xf32, #tpu.memory_space<vmem>> -> memref<128x128xf32, #tpu.memory_space<vmem>>
      %dma_start3A_31 = arith.constant 0 : i32
      %dma_start3A_32 = tpu.memref_slice %arg2[%arg0, %mul3A_12, %dma_start3A_31] : memref<2x188416x128xf32, #tpu.memory_space<hbm>> -> memref<1x128x128xf32, #tpu.memory_space<hbm>>
      %dma_start3A_33 = tpu.memref_squeeze %dma_start3A_32 : memref<1x128x128xf32, #tpu.memory_space<hbm>> -> memref<128x128xf32, #tpu.memory_space<hbm>>
      %dma_start3A_34 = arith.constant 0 : i32
      %dma_start3A_35 = arith.constant 0 : i32
      %dma_start3A_36 = tpu.memref_slice %arg7[%run_scoped3A_13, %dma_start3A_34, %dma_start3A_35] : memref<2x128x128xf32, #tpu.memory_space<vmem>> -> memref<1x128x128xf32, #tpu.memory_space<vmem>>
      %dma_start3A_37 = tpu.memref_squeeze %dma_start3A_36 : memref<1x128x128xf32, #tpu.memory_space<vmem>> -> memref<128x128xf32, #tpu.memory_space<vmem>>
      %dma_start3A_38 = arith.constant 0 : i32
      %dma_start3A_39 = tpu.memref_slice %arg2[%arg0, %mul3A_12, %dma_start3A_38] : memref<2x188416x128xf32, #tpu.memory_space<hbm>> -> memref<1x128x128xf32, #tpu.memory_space<hbm>>
      %dma_start3A_40 = tpu.memref_squeeze %dma_start3A_39 : memref<1x128x128xf32, #tpu.memory_space<hbm>> -> memref<128x128xf32, #tpu.memory_space<hbm>>
      tpu.enqueue_dma source(%dma_start3A_40 : memref<128x128xf32, #tpu.memory_space<hbm>>) target(%dma_start3A_37 : memref<128x128xf32, #tpu.memory_space<vmem>>) target_semaphore(%run_scoped3A_27 : memref<!tpu.dma_semaphore, #tpu.memory_space<semaphore_mem>>)
      %dma_wait3A = arith.constant 0 : i32
      %dma_wait3A_41 = arith.constant 0 : i32
      %dma_wait3A_42 = tpu.memref_slice %arg7[%run_scoped3A_13, %dma_wait3A, %dma_wait3A_41] : memref<2x128x128xf32, #tpu.memory_space<vmem>> -> memref<1x128x128xf32, #tpu.memory_space<vmem>>
      %dma_wait3A_43 = tpu.memref_squeeze %dma_wait3A_42 : memref<1x128x128xf32, #tpu.memory_space<vmem>> -> memref<128x128xf32, #tpu.memory_space<vmem>>
      %dma_wait3A_44 = arith.constant 0 : i32
      %dma_wait3A_45 = tpu.memref_slice %arg2[%arg0, %mul3A_12, %dma_wait3A_44] : memref<2x188416x128xf32, #tpu.memory_space<hbm>> -> memref<1x128x128xf32, #tpu.memory_space<hbm>>
      %dma_wait3A_46 = tpu.memref_squeeze %dma_wait3A_45 : memref<1x128x128xf32, #tpu.memory_space<hbm>> -> memref<128x128xf32, #tpu.memory_space<hbm>>
      %dma_wait3A_47 = arith.constant 0 : i32
      %dma_wait3A_48 = arith.constant 0 : i32
      %dma_wait3A_49 = tpu.memref_slice %arg7[%run_scoped3A_13, %dma_wait3A_47, %dma_wait3A_48] : memref<2x128x128xf32, #tpu.memory_space<vmem>> -> memref<1x128x128xf32, #tpu.memory_space<vmem>>
      %dma_wait3A_50 = tpu.memref_squeeze %dma_wait3A_49 : memref<1x128x128xf32, #tpu.memory_space<vmem>> -> memref<128x128xf32, #tpu.memory_space<vmem>>
      %dma_wait3A_51 = arith.constant 0 : i32
      %dma_wait3A_52 = tpu.memref_slice %arg2[%arg0, %mul3A_12, %dma_wait3A_51] : memref<2x188416x128xf32, #tpu.memory_space<hbm>> -> memref<1x128x128xf32, #tpu.memory_space<hbm>>
      %dma_wait3A_53 = tpu.memref_squeeze %dma_wait3A_52 : memref<1x128x128xf32, #tpu.memory_space<hbm>> -> memref<128x128xf32, #tpu.memory_space<hbm>>
      tpu.wait_dma2 semaphore(%run_scoped3A_27 : memref<!tpu.dma_semaphore, #tpu.memory_space<semaphore_mem>>) src(%dma_wait3A_53 : memref<128x128xf32, #tpu.memory_space<hbm>>) dst(%dma_wait3A_50 : memref<128x128xf32, #tpu.memory_space<vmem>>)
      tpu.yield
    }) : () -> ()
    %scan3A_14 = arith.constant 0 : i32
    %scan3A_15 = arith.constant 0 : i32
    %scan3A_16 = arith.constant 92 : i32
    %scan3A_17 = arith.addi %scan3A_15, %scan3A_16 : i32
    %scan3A_18 = arith.constant 1 : i32
    scf.for %scan3A_27 = %scan3A_15 to %scan3A_17 step %scan3A_18  : i32 {
      %rem3A = arith.constant 2 : i32
      %rem3A_28 = arith.remsi %scan3A_27, %rem3A : i32
      %add3A = arith.addi %mul3A_7, %scan3A_27 : i32
      %mul3A_29 = arith.constant 128 : i32
      %mul3A_30 = arith.muli %add3A, %mul3A_29 : i32
      %add3A_31 = arith.constant 1 : i32
      %add3A_32 = arith.addi %scan3A_27, %add3A_31 : i32
      %lt3A = arith.constant 92 : i32
      %lt3A_33 = arith.cmpi slt, %add3A_32, %lt3A : i32
      %convert_element_type3A = arith.extui %lt3A_33 : i1 to i32
      %cond3A = arith.constant 0 : i32
      %cond3A_34 = arith.cmpi ne, %convert_element_type3A, %cond3A : i32
      scf.if %cond3A_34 {
        %add3A_42 = arith.constant 128 : i32
        %add3A_43 = arith.addi %mul3A_30, %add3A_42 : i32
        %sub3A = arith.constant 1 : i32
        %sub3A_44 = arith.subi %sub3A, %rem3A_28 : i32
        %dma_start3A = arith.constant 0 : i32
        %dma_start3A_45 = tpu.memref_slice %arg6[%sub3A_44, %dma_start3A] : memref<2x128xi32, #tpu.memory_space<vmem>> -> memref<1x128xi32, #tpu.memory_space<vmem>>
        %dma_start3A_46 = tpu.memref_squeeze %dma_start3A_45 : memref<1x128xi32, #tpu.memory_space<vmem>> -> memref<128xi32, #tpu.memory_space<vmem>>
        %dma_start3A_47 = tpu.memref_slice %arg3[%add3A_43] : memref<188416xi32, #tpu.memory_space<hbm>> -> memref<128xi32, #tpu.memory_space<hbm>>
        %dma_start3A_48 = arith.constant 0 : i32
        %dma_start3A_49 = tpu.memref_slice %arg6[%sub3A_44, %dma_start3A_48] : memref<2x128xi32, #tpu.memory_space<vmem>> -> memref<1x128xi32, #tpu.memory_space<vmem>>
        %dma_start3A_50 = tpu.memref_squeeze %dma_start3A_49 : memref<1x128xi32, #tpu.memory_space<vmem>> -> memref<128xi32, #tpu.memory_space<vmem>>
        %dma_start3A_51 = tpu.memref_slice %arg3[%add3A_43] : memref<188416xi32, #tpu.memory_space<hbm>> -> memref<128xi32, #tpu.memory_space<hbm>>
        tpu.enqueue_dma source(%dma_start3A_51 : memref<128xi32, #tpu.memory_space<hbm>>) target(%dma_start3A_50 : memref<128xi32, #tpu.memory_space<vmem>>) target_semaphore(%arg9 : memref<!tpu.dma_semaphore, #tpu.memory_space<semaphore_mem>>)
        %add3A_52 = arith.constant 128 : i32
        %add3A_53 = arith.addi %mul3A_30, %add3A_52 : i32
        %sub3A_54 = arith.constant 1 : i32
        %sub3A_55 = arith.subi %sub3A_54, %rem3A_28 : i32
        %dma_start3A_56 = arith.constant 0 : i32
        %dma_start3A_57 = arith.constant 0 : i32
        %dma_start3A_58 = tpu.memref_slice %arg7[%sub3A_55, %dma_start3A_56, %dma_start3A_57] : memref<2x128x128xf32, #tpu.memory_space<vmem>> -> memref<1x128x128xf32, #tpu.memory_space<vmem>>
        %dma_start3A_59 = tpu.memref_squeeze %dma_start3A_58 : memref<1x128x128xf32, #tpu.memory_space<vmem>> -> memref<128x128xf32, #tpu.memory_space<vmem>>
        %dma_start3A_60 = arith.constant 0 : i32
        %dma_start3A_61 = tpu.memref_slice %arg2[%arg0, %add3A_53, %dma_start3A_60] : memref<2x188416x128xf32, #tpu.memory_space<hbm>> -> memref<1x128x128xf32, #tpu.memory_space<hbm>>
        %dma_start3A_62 = tpu.memref_squeeze %dma_start3A_61 : memref<1x128x128xf32, #tpu.memory_space<hbm>> -> memref<128x128xf32, #tpu.memory_space<hbm>>
        %dma_start3A_63 = arith.constant 0 : i32
        %dma_start3A_64 = arith.constant 0 : i32
        %dma_start3A_65 = tpu.memref_slice %arg7[%sub3A_55, %dma_start3A_63, %dma_start3A_64] : memref<2x128x128xf32, #tpu.memory_space<vmem>> -> memref<1x128x128xf32, #tpu.memory_space<vmem>>
        %dma_start3A_66 = tpu.memref_squeeze %dma_start3A_65 : memref<1x128x128xf32, #tpu.memory_space<vmem>> -> memref<128x128xf32, #tpu.memory_space<vmem>>
        %dma_start3A_67 = arith.constant 0 : i32
        %dma_start3A_68 = tpu.memref_slice %arg2[%arg0, %add3A_53, %dma_start3A_67] : memref<2x188416x128xf32, #tpu.memory_space<hbm>> -> memref<1x128x128xf32, #tpu.memory_space<hbm>>
        %dma_start3A_69 = tpu.memref_squeeze %dma_start3A_68 : memref<1x128x128xf32, #tpu.memory_space<hbm>> -> memref<128x128xf32, #tpu.memory_space<hbm>>
        tpu.enqueue_dma source(%dma_start3A_69 : memref<128x128xf32, #tpu.memory_space<hbm>>) target(%dma_start3A_66 : memref<128x128xf32, #tpu.memory_space<vmem>>) target_semaphore(%arg10 : memref<!tpu.dma_semaphore, #tpu.memory_space<semaphore_mem>>)
      } else {
      }
      "tpu.region"() ({
        %run_scoped3A_42 = tpu.sem_alloc : memref<!tpu.dma_semaphore, #tpu.memory_space<semaphore_mem>>
        %dma_start3A = arith.constant 0 : i32
        %dma_start3A_43 = arith.constant 0 : i32
        %dma_start3A_44 = tpu.memref_slice %arg7[%rem3A_28, %dma_start3A, %dma_start3A_43] : memref<2x128x128xf32, #tpu.memory_space<vmem>> -> memref<1x128x128xf32, #tpu.memory_space<vmem>>
        %dma_start3A_45 = tpu.memref_squeeze %dma_start3A_44 : memref<1x128x128xf32, #tpu.memory_space<vmem>> -> memref<128x128xf32, #tpu.memory_space<vmem>>
        %dma_start3A_46 = arith.constant 0 : i32
        %dma_start3A_47 = tpu.memref_slice %arg6[%rem3A_28, %dma_start3A_46] : memref<2x128xi32, #tpu.memory_space<vmem>> -> memref<1x128xi32, #tpu.memory_space<vmem>>
        %dma_start3A_48 = tpu.memref_squeeze %dma_start3A_47 : memref<1x128xi32, #tpu.memory_space<vmem>> -> memref<128xi32, #tpu.memory_space<vmem>>
        %dma_start3A_49 = arith.constant 0 : i32
        %dma_start3A_50 = arith.constant 0 : i32
        %dma_start3A_51 = tpu.memref_slice %arg8[%dma_start3A_49, %dma_start3A_50] : memref<10240x128xf32, #tpu.memory_space<vmem_shared>> -> memref<10240x128xf32, #tpu.memory_space<vmem_shared>>
        tpu.enqueue_indirect_dma source(%dma_start3A_45 : memref<128x128xf32, #tpu.memory_space<vmem>>) target(%dma_start3A_51 : memref<10240x128xf32, #tpu.memory_space<vmem_shared>>) offsets(%dma_start3A_48 : memref<128xi32, #tpu.memory_space<vmem>>) semaphore(%run_scoped3A_42 : memref<!tpu.dma_semaphore, #tpu.memory_space<semaphore_mem>>) {add = true}
        %dma_wait3A = arith.constant 0 : i32
        %dma_wait3A_52 = arith.constant 0 : i32
        %dma_wait3A_53 = tpu.memref_slice %arg7[%rem3A_28, %dma_wait3A, %dma_wait3A_52] : memref<2x128x128xf32, #tpu.memory_space<vmem>> -> memref<1x128x128xf32, #tpu.memory_space<vmem>>
        %dma_wait3A_54 = tpu.memref_squeeze %dma_wait3A_53 : memref<1x128x128xf32, #tpu.memory_space<vmem>> -> memref<128x128xf32, #tpu.memory_space<vmem>>
        %dma_wait3A_55 = arith.constant 0 : i32
        %dma_wait3A_56 = tpu.memref_slice %arg6[%rem3A_28, %dma_wait3A_55] : memref<2x128xi32, #tpu.memory_space<vmem>> -> memref<1x128xi32, #tpu.memory_space<vmem>>
        %dma_wait3A_57 = tpu.memref_squeeze %dma_wait3A_56 : memref<1x128xi32, #tpu.memory_space<vmem>> -> memref<128xi32, #tpu.memory_space<vmem>>
        %dma_wait3A_58 = arith.constant 0 : i32
        %dma_wait3A_59 = arith.constant 0 : i32
        %dma_wait3A_60 = tpu.memref_slice %arg8[%dma_wait3A_58, %dma_wait3A_59] : memref<10240x128xf32, #tpu.memory_space<vmem_shared>> -> memref<10240x128xf32, #tpu.memory_space<vmem_shared>>
        tpu.wait_indirect_dma semaphore(%run_scoped3A_42 : memref<!tpu.dma_semaphore, #tpu.memory_space<semaphore_mem>>) src(%dma_wait3A_54 : memref<128x128xf32, #tpu.memory_space<vmem>>) dst(%dma_wait3A_60 : memref<10240x128xf32, #tpu.memory_space<vmem_shared>>)
        tpu.yield
      }) : () -> ()
      %add3A_35 = arith.constant 1 : i32
      %add3A_36 = arith.addi %scan3A_27, %add3A_35 : i32
      %lt3A_37 = arith.constant 92 : i32
      %lt3A_38 = arith.cmpi slt, %add3A_36, %lt3A_37 : i32
      %convert_element_type3A_39 = arith.extui %lt3A_38 : i1 to i32
      %cond3A_40 = arith.constant 0 : i32
      %cond3A_41 = arith.cmpi ne, %convert_element_type3A_39, %cond3A_40 : i32
      scf.if %cond3A_41 {
        %add3A_42 = arith.constant 128 : i32
        %add3A_43 = arith.addi %mul3A_30, %add3A_42 : i32
        %sub3A = arith.constant 1 : i32
        %sub3A_44 = arith.subi %sub3A, %rem3A_28 : i32
        %dma_wait3A = arith.constant 0 : i32
        %dma_wait3A_45 = tpu.memref_slice %arg6[%sub3A_44, %dma_wait3A] : memref<2x128xi32, #tpu.memory_space<vmem>> -> memref<1x128xi32, #tpu.memory_space<vmem>>
        %dma_wait3A_46 = tpu.memref_squeeze %dma_wait3A_45 : memref<1x128xi32, #tpu.memory_space<vmem>> -> memref<128xi32, #tpu.memory_space<vmem>>
        %dma_wait3A_47 = tpu.memref_slice %arg3[%add3A_43] : memref<188416xi32, #tpu.memory_space<hbm>> -> memref<128xi32, #tpu.memory_space<hbm>>
        %dma_wait3A_48 = arith.constant 0 : i32
        %dma_wait3A_49 = tpu.memref_slice %arg6[%sub3A_44, %dma_wait3A_48] : memref<2x128xi32, #tpu.memory_space<vmem>> -> memref<1x128xi32, #tpu.memory_space<vmem>>
        %dma_wait3A_50 = tpu.memref_squeeze %dma_wait3A_49 : memref<1x128xi32, #tpu.memory_space<vmem>> -> memref<128xi32, #tpu.memory_space<vmem>>
        %dma_wait3A_51 = tpu.memref_slice %arg3[%add3A_43] : memref<188416xi32, #tpu.memory_space<hbm>> -> memref<128xi32, #tpu.memory_space<hbm>>
        tpu.wait_dma2 semaphore(%arg9 : memref<!tpu.dma_semaphore, #tpu.memory_space<semaphore_mem>>) src(%dma_wait3A_51 : memref<128xi32, #tpu.memory_space<hbm>>) dst(%dma_wait3A_50 : memref<128xi32, #tpu.memory_space<vmem>>)
        %add3A_52 = arith.constant 128 : i32
        %add3A_53 = arith.addi %mul3A_30, %add3A_52 : i32
        %sub3A_54 = arith.constant 1 : i32
        %sub3A_55 = arith.subi %sub3A_54, %rem3A_28 : i32
        %dma_wait3A_56 = arith.constant 0 : i32
        %dma_wait3A_57 = arith.constant 0 : i32
        %dma_wait3A_58 = tpu.memref_slice %arg7[%sub3A_55, %dma_wait3A_56, %dma_wait3A_57] : memref<2x128x128xf32, #tpu.memory_space<vmem>> -> memref<1x128x128xf32, #tpu.memory_space<vmem>>
        %dma_wait3A_59 = tpu.memref_squeeze %dma_wait3A_58 : memref<1x128x128xf32, #tpu.memory_space<vmem>> -> memref<128x128xf32, #tpu.memory_space<vmem>>
        %dma_wait3A_60 = arith.constant 0 : i32
        %dma_wait3A_61 = tpu.memref_slice %arg2[%arg0, %add3A_53, %dma_wait3A_60] : memref<2x188416x128xf32, #tpu.memory_space<hbm>> -> memref<1x128x128xf32, #tpu.memory_space<hbm>>
        %dma_wait3A_62 = tpu.memref_squeeze %dma_wait3A_61 : memref<1x128x128xf32, #tpu.memory_space<hbm>> -> memref<128x128xf32, #tpu.memory_space<hbm>>
        %dma_wait3A_63 = arith.constant 0 : i32
        %dma_wait3A_64 = arith.constant 0 : i32
        %dma_wait3A_65 = tpu.memref_slice %arg7[%sub3A_55, %dma_wait3A_63, %dma_wait3A_64] : memref<2x128x128xf32, #tpu.memory_space<vmem>> -> memref<1x128x128xf32, #tpu.memory_space<vmem>>
        %dma_wait3A_66 = tpu.memref_squeeze %dma_wait3A_65 : memref<1x128x128xf32, #tpu.memory_space<vmem>> -> memref<128x128xf32, #tpu.memory_space<vmem>>
        %dma_wait3A_67 = arith.constant 0 : i32
        %dma_wait3A_68 = tpu.memref_slice %arg2[%arg0, %add3A_53, %dma_wait3A_67] : memref<2x188416x128xf32, #tpu.memory_space<hbm>> -> memref<1x128x128xf32, #tpu.memory_space<hbm>>
        %dma_wait3A_69 = tpu.memref_squeeze %dma_wait3A_68 : memref<1x128x128xf32, #tpu.memory_space<hbm>> -> memref<128x128xf32, #tpu.memory_space<hbm>>
        tpu.wait_dma2 semaphore(%arg10 : memref<!tpu.dma_semaphore, #tpu.memory_space<semaphore_mem>>) src(%dma_wait3A_69 : memref<128x128xf32, #tpu.memory_space<hbm>>) dst(%dma_wait3A_66 : memref<128x128xf32, #tpu.memory_space<vmem>>)
      } else {
      }
    }
    %scan3A_19 = arith.constant 92 : i32
    %barrier3A_20 = arith.constant 0 : index
    tpu.barrier barrier_id(%barrier3A_20)
    %scan3A_21 = arith.constant 0 : i32
    %scan3A_22 = arith.constant 0 : i32
    %scan3A_23 = arith.constant 5 : i32
    %scan3A_24 = arith.addi %scan3A_22, %scan3A_23 : i32
    %scan3A_25 = arith.constant 1 : i32
    scf.for %scan3A_27 = %scan3A_22 to %scan3A_24 step %scan3A_25  : i32 {
      %mul3A_28 = arith.constant 128 : i32
      %mul3A_29 = arith.muli %scan3A_27, %mul3A_28 : i32
      %add3A = arith.addi %mul3A_0, %mul3A_29 : i32
      %run_scoped3A_30 = arith.constant 0 : i32
      "tpu.region"() ({
        %run_scoped3A_32 = tpu.sem_alloc : memref<!tpu.dma_semaphore, #tpu.memory_space<semaphore_mem>>
        %dma_start3A = arith.constant 0 : i32
        %dma_start3A_33 = arith.constant 0 : i32
        %dma_start3A_34 = tpu.memref_slice %arg7[%run_scoped3A_30, %dma_start3A, %dma_start3A_33] : memref<2x128x128xf32, #tpu.memory_space<vmem>> -> memref<1x128x128xf32, #tpu.memory_space<vmem>>
        %dma_start3A_35 = tpu.memref_squeeze %dma_start3A_34 : memref<1x128x128xf32, #tpu.memory_space<vmem>> -> memref<128x128xf32, #tpu.memory_space<vmem>>
        %dma_start3A_36 = arith.constant 0 : i32
        %dma_start3A_37 = tpu.memref_slice %arg8[%add3A, %dma_start3A_36] : memref<10240x128xf32, #tpu.memory_space<vmem_shared>> -> memref<128x128xf32, #tpu.memory_space<vmem_shared>>
        %dma_start3A_38 = arith.constant 0 : i32
        %dma_start3A_39 = arith.constant 0 : i32
        %dma_start3A_40 = tpu.memref_slice %arg7[%run_scoped3A_30, %dma_start3A_38, %dma_start3A_39] : memref<2x128x128xf32, #tpu.memory_space<vmem>> -> memref<1x128x128xf32, #tpu.memory_space<vmem>>
        %dma_start3A_41 = tpu.memref_squeeze %dma_start3A_40 : memref<1x128x128xf32, #tpu.memory_space<vmem>> -> memref<128x128xf32, #tpu.memory_space<vmem>>
        %dma_start3A_42 = arith.constant 0 : i32
        %dma_start3A_43 = tpu.memref_slice %arg8[%add3A, %dma_start3A_42] : memref<10240x128xf32, #tpu.memory_space<vmem_shared>> -> memref<128x128xf32, #tpu.memory_space<vmem_shared>>
        tpu.enqueue_dma source(%dma_start3A_43 : memref<128x128xf32, #tpu.memory_space<vmem_shared>>) target(%dma_start3A_41 : memref<128x128xf32, #tpu.memory_space<vmem>>) target_semaphore(%run_scoped3A_32 : memref<!tpu.dma_semaphore, #tpu.memory_space<semaphore_mem>>)
        %dma_wait3A = arith.constant 0 : i32
        %dma_wait3A_44 = arith.constant 0 : i32
        %dma_wait3A_45 = tpu.memref_slice %arg7[%run_scoped3A_30, %dma_wait3A, %dma_wait3A_44] : memref<2x128x128xf32, #tpu.memory_space<vmem>> -> memref<1x128x128xf32, #tpu.memory_space<vmem>>
        %dma_wait3A_46 = tpu.memref_squeeze %dma_wait3A_45 : memref<1x128x128xf32, #tpu.memory_space<vmem>> -> memref<128x128xf32, #tpu.memory_space<vmem>>
        %dma_wait3A_47 = arith.constant 0 : i32
        %dma_wait3A_48 = tpu.memref_slice %arg8[%add3A, %dma_wait3A_47] : memref<10240x128xf32, #tpu.memory_space<vmem_shared>> -> memref<128x128xf32, #tpu.memory_space<vmem_shared>>
        %dma_wait3A_49 = arith.constant 0 : i32
        %dma_wait3A_50 = arith.constant 0 : i32
        %dma_wait3A_51 = tpu.memref_slice %arg7[%run_scoped3A_30, %dma_wait3A_49, %dma_wait3A_50] : memref<2x128x128xf32, #tpu.memory_space<vmem>> -> memref<1x128x128xf32, #tpu.memory_space<vmem>>
        %dma_wait3A_52 = tpu.memref_squeeze %dma_wait3A_51 : memref<1x128x128xf32, #tpu.memory_space<vmem>> -> memref<128x128xf32, #tpu.memory_space<vmem>>
        %dma_wait3A_53 = arith.constant 0 : i32
        %dma_wait3A_54 = tpu.memref_slice %arg8[%add3A, %dma_wait3A_53] : memref<10240x128xf32, #tpu.memory_space<vmem_shared>> -> memref<128x128xf32, #tpu.memory_space<vmem_shared>>
        tpu.wait_dma2 semaphore(%run_scoped3A_32 : memref<!tpu.dma_semaphore, #tpu.memory_space<semaphore_mem>>) src(%dma_wait3A_54 : memref<128x128xf32, #tpu.memory_space<vmem_shared>>) dst(%dma_wait3A_52 : memref<128x128xf32, #tpu.memory_space<vmem>>)
        tpu.yield
      }) : () -> ()
      %run_scoped3A_31 = arith.constant 0 : i32
      "tpu.region"() ({
        %run_scoped3A_32 = tpu.sem_alloc : memref<!tpu.dma_semaphore, #tpu.memory_space<semaphore_mem>>
        %dma_start3A = arith.constant 0 : i32
        %dma_start3A_33 = arith.constant 0 : i32
        %dma_start3A_34 = tpu.memref_slice %arg7[%run_scoped3A_31, %dma_start3A, %dma_start3A_33] : memref<2x128x128xf32, #tpu.memory_space<vmem>> -> memref<1x128x128xf32, #tpu.memory_space<vmem>>
        %dma_start3A_35 = tpu.memref_squeeze %dma_start3A_34 : memref<1x128x128xf32, #tpu.memory_space<vmem>> -> memref<128x128xf32, #tpu.memory_space<vmem>>
        %dma_start3A_36 = arith.constant 0 : i32
        %dma_start3A_37 = tpu.memref_slice %arg5[%arg0, %add3A, %dma_start3A_36] : memref<2x10240x128xf32, #tpu.memory_space<hbm>> -> memref<1x128x128xf32, #tpu.memory_space<hbm>>
        %dma_start3A_38 = tpu.memref_squeeze %dma_start3A_37 : memref<1x128x128xf32, #tpu.memory_space<hbm>> -> memref<128x128xf32, #tpu.memory_space<hbm>>
        %dma_start3A_39 = arith.constant 0 : i32
        %dma_start3A_40 = tpu.memref_slice %arg5[%arg0, %add3A, %dma_start3A_39] : memref<2x10240x128xf32, #tpu.memory_space<hbm>> -> memref<1x128x128xf32, #tpu.memory_space<hbm>>
        %dma_start3A_41 = tpu.memref_squeeze %dma_start3A_40 : memref<1x128x128xf32, #tpu.memory_space<hbm>> -> memref<128x128xf32, #tpu.memory_space<hbm>>
        %dma_start3A_42 = arith.constant 0 : i32
        %dma_start3A_43 = arith.constant 0 : i32
        %dma_start3A_44 = tpu.memref_slice %arg7[%run_scoped3A_31, %dma_start3A_42, %dma_start3A_43] : memref<2x128x128xf32, #tpu.memory_space<vmem>> -> memref<1x128x128xf32, #tpu.memory_space<vmem>>
        %dma_start3A_45 = tpu.memref_squeeze %dma_start3A_44 : memref<1x128x128xf32, #tpu.memory_space<vmem>> -> memref<128x128xf32, #tpu.memory_space<vmem>>
        tpu.enqueue_dma source(%dma_start3A_45 : memref<128x128xf32, #tpu.memory_space<vmem>>) target(%dma_start3A_41 : memref<128x128xf32, #tpu.memory_space<hbm>>) target_semaphore(%run_scoped3A_32 : memref<!tpu.dma_semaphore, #tpu.memory_space<semaphore_mem>>)
        %dma_wait3A = arith.constant 0 : i32
        %dma_wait3A_46 = arith.constant 0 : i32
        %dma_wait3A_47 = tpu.memref_slice %arg7[%run_scoped3A_31, %dma_wait3A, %dma_wait3A_46] : memref<2x128x128xf32, #tpu.memory_space<vmem>> -> memref<1x128x128xf32, #tpu.memory_space<vmem>>
        %dma_wait3A_48 = tpu.memref_squeeze %dma_wait3A_47 : memref<1x128x128xf32, #tpu.memory_space<vmem>> -> memref<128x128xf32, #tpu.memory_space<vmem>>
        %dma_wait3A_49 = arith.constant 0 : i32
        %dma_wait3A_50 = tpu.memref_slice %arg5[%arg0, %add3A, %dma_wait3A_49] : memref<2x10240x128xf32, #tpu.memory_space<hbm>> -> memref<1x128x128xf32, #tpu.memory_space<hbm>>
        %dma_wait3A_51 = tpu.memref_squeeze %dma_wait3A_50 : memref<1x128x128xf32, #tpu.memory_space<hbm>> -> memref<128x128xf32, #tpu.memory_space<hbm>>
        %dma_wait3A_52 = arith.constant 0 : i32
        %dma_wait3A_53 = tpu.memref_slice %arg5[%arg0, %add3A, %dma_wait3A_52] : memref<2x10240x128xf32, #tpu.memory_space<hbm>> -> memref<1x128x128xf32, #tpu.memory_space<hbm>>
        %dma_wait3A_54 = tpu.memref_squeeze %dma_wait3A_53 : memref<1x128x128xf32, #tpu.memory_space<hbm>> -> memref<128x128xf32, #tpu.memory_space<hbm>>
        %dma_wait3A_55 = arith.constant 0 : i32
        %dma_wait3A_56 = arith.constant 0 : i32
        %dma_wait3A_57 = tpu.memref_slice %arg7[%run_scoped3A_31, %dma_wait3A_55, %dma_wait3A_56] : memref<2x128x128xf32, #tpu.memory_space<vmem>> -> memref<1x128x128xf32, #tpu.memory_space<vmem>>
        %dma_wait3A_58 = tpu.memref_squeeze %dma_wait3A_57 : memref<1x128x128xf32, #tpu.memory_space<vmem>> -> memref<128x128xf32, #tpu.memory_space<vmem>>
        tpu.wait_dma2 semaphore(%run_scoped3A_32 : memref<!tpu.dma_semaphore, #tpu.memory_space<semaphore_mem>>) src(%dma_wait3A_58 : memref<128x128xf32, #tpu.memory_space<vmem>>) dst(%dma_wait3A_54 : memref<128x128xf32, #tpu.memory_space<hbm>>)
        tpu.yield
      }) : () -> ()
    }
    %scan3A_26 = arith.constant 5 : i32
    return
  }
}

#map = affine_map<(d0, d1) -> (0, 0, 0)>
#map1 = affine_map<(d0, d1) -> (0)>
module attributes {stable_mosaic.version = 14 : i64} {
  func.func @k(%arg0: i32, %arg1: i32, %arg2: memref<2x10240x128xf32, #tpu.memory_space<hbm>>, %arg3: memref<10240xi32, #tpu.memory_space<hbm>>, %arg4: memref<2x10240x128xf32, #tpu.memory_space<hbm>>, %arg5: memref<2x128xi32, #tpu.memory_space<vmem>>, %arg6: memref<2x128x128xf32, #tpu.memory_space<vmem>>, %arg7: memref<10240x128xf32, #tpu.memory_space<vmem_shared>>, %arg8: memref<!tpu.dma_semaphore, #tpu.memory_space<semaphore_mem>>, %arg9: memref<!tpu.dma_semaphore, #tpu.memory_space<semaphore_mem>>, %arg10: memref<!tpu.dma_semaphore, #tpu.memory_space<semaphore_mem>>) attributes {dimension_semantics = [#tpu.dimension_semantics<core_parallel>, #tpu.dimension_semantics<subcore_parallel>], iteration_bounds = array<i64: 2, 16>, scalar_prefetch = 0 : i64, scratch_operands = 6 : i64, tpu.core_type = #tpu.core_type<sc_vector_subcore>, window_params = [{transform_indices = #map}, {transform_indices = #map1}, {transform_indices = #map}]} {
    %mul3A = arith.constant 640 : i32
    %mul3A_0 = arith.muli %arg1, %mul3A : i32
    %scan3A = arith.constant 0 : i32
    %scan3A_1 = arith.constant 0 : i32
    %scan3A_2 = arith.constant 5 : i32
    %scan3A_3 = arith.addi %scan3A_1, %scan3A_2 : i32
    %scan3A_4 = arith.constant 1 : i32
    scf.for %scan3A_22 = %scan3A_1 to %scan3A_3 step %scan3A_4  : i32 {
      %mul3A_23 = arith.constant 128 : i32
      %mul3A_24 = arith.muli %scan3A_22, %mul3A_23 : i32
      %add3A = arith.addi %mul3A_0, %mul3A_24 : i32
      %run_scoped3A_25 = arith.constant 0 : i32
      "tpu.region"() ({
        %run_scoped3A_27 = tpu.sem_alloc : memref<!tpu.dma_semaphore, #tpu.memory_space<semaphore_mem>>
        %dma_start3A = arith.constant 0 : i32
        %dma_start3A_28 = arith.constant 0 : i32
        %dma_start3A_29 = tpu.memref_slice %arg6[%run_scoped3A_25, %dma_start3A, %dma_start3A_28] : memref<2x128x128xf32, #tpu.memory_space<vmem>> -> memref<1x128x128xf32, #tpu.memory_space<vmem>>
        %dma_start3A_30 = tpu.memref_squeeze %dma_start3A_29 : memref<1x128x128xf32, #tpu.memory_space<vmem>> -> memref<128x128xf32, #tpu.memory_space<vmem>>
        %dma_start3A_31 = arith.constant 0 : i32
        %dma_start3A_32 = tpu.memref_slice %arg2[%arg0, %add3A, %dma_start3A_31] : memref<2x10240x128xf32, #tpu.memory_space<hbm>> -> memref<1x128x128xf32, #tpu.memory_space<hbm>>
        %dma_start3A_33 = tpu.memref_squeeze %dma_start3A_32 : memref<1x128x128xf32, #tpu.memory_space<hbm>> -> memref<128x128xf32, #tpu.memory_space<hbm>>
        %dma_start3A_34 = arith.constant 0 : i32
        %dma_start3A_35 = arith.constant 0 : i32
        %dma_start3A_36 = tpu.memref_slice %arg6[%run_scoped3A_25, %dma_start3A_34, %dma_start3A_35] : memref<2x128x128xf32, #tpu.memory_space<vmem>> -> memref<1x128x128xf32, #tpu.memory_space<vmem>>
        %dma_start3A_37 = tpu.memref_squeeze %dma_start3A_36 : memref<1x128x128xf32, #tpu.memory_space<vmem>> -> memref<128x128xf32, #tpu.memory_space<vmem>>
        %dma_start3A_38 = arith.constant 0 : i32
        %dma_start3A_39 = tpu.memref_slice %arg2[%arg0, %add3A, %dma_start3A_38] : memref<2x10240x128xf32, #tpu.memory_space<hbm>> -> memref<1x128x128xf32, #tpu.memory_space<hbm>>
        %dma_start3A_40 = tpu.memref_squeeze %dma_start3A_39 : memref<1x128x128xf32, #tpu.memory_space<hbm>> -> memref<128x128xf32, #tpu.memory_space<hbm>>
        tpu.enqueue_dma source(%dma_start3A_40 : memref<128x128xf32, #tpu.memory_space<hbm>>) target(%dma_start3A_37 : memref<128x128xf32, #tpu.memory_space<vmem>>) target_semaphore(%run_scoped3A_27 : memref<!tpu.dma_semaphore, #tpu.memory_space<semaphore_mem>>)
        %dma_wait3A = arith.constant 0 : i32
        %dma_wait3A_41 = arith.constant 0 : i32
        %dma_wait3A_42 = tpu.memref_slice %arg6[%run_scoped3A_25, %dma_wait3A, %dma_wait3A_41] : memref<2x128x128xf32, #tpu.memory_space<vmem>> -> memref<1x128x128xf32, #tpu.memory_space<vmem>>
        %dma_wait3A_43 = tpu.memref_squeeze %dma_wait3A_42 : memref<1x128x128xf32, #tpu.memory_space<vmem>> -> memref<128x128xf32, #tpu.memory_space<vmem>>
        %dma_wait3A_44 = arith.constant 0 : i32
        %dma_wait3A_45 = tpu.memref_slice %arg2[%arg0, %add3A, %dma_wait3A_44] : memref<2x10240x128xf32, #tpu.memory_space<hbm>> -> memref<1x128x128xf32, #tpu.memory_space<hbm>>
        %dma_wait3A_46 = tpu.memref_squeeze %dma_wait3A_45 : memref<1x128x128xf32, #tpu.memory_space<hbm>> -> memref<128x128xf32, #tpu.memory_space<hbm>>
        %dma_wait3A_47 = arith.constant 0 : i32
        %dma_wait3A_48 = arith.constant 0 : i32
        %dma_wait3A_49 = tpu.memref_slice %arg6[%run_scoped3A_25, %dma_wait3A_47, %dma_wait3A_48] : memref<2x128x128xf32, #tpu.memory_space<vmem>> -> memref<1x128x128xf32, #tpu.memory_space<vmem>>
        %dma_wait3A_50 = tpu.memref_squeeze %dma_wait3A_49 : memref<1x128x128xf32, #tpu.memory_space<vmem>> -> memref<128x128xf32, #tpu.memory_space<vmem>>
        %dma_wait3A_51 = arith.constant 0 : i32
        %dma_wait3A_52 = tpu.memref_slice %arg2[%arg0, %add3A, %dma_wait3A_51] : memref<2x10240x128xf32, #tpu.memory_space<hbm>> -> memref<1x128x128xf32, #tpu.memory_space<hbm>>
        %dma_wait3A_53 = tpu.memref_squeeze %dma_wait3A_52 : memref<1x128x128xf32, #tpu.memory_space<hbm>> -> memref<128x128xf32, #tpu.memory_space<hbm>>
        tpu.wait_dma2 semaphore(%run_scoped3A_27 : memref<!tpu.dma_semaphore, #tpu.memory_space<semaphore_mem>>) src(%dma_wait3A_53 : memref<128x128xf32, #tpu.memory_space<hbm>>) dst(%dma_wait3A_50 : memref<128x128xf32, #tpu.memory_space<vmem>>)
        tpu.yield
      }) : () -> ()
      %run_scoped3A_26 = arith.constant 0 : i32
      "tpu.region"() ({
        %run_scoped3A_27 = tpu.sem_alloc : memref<!tpu.dma_semaphore, #tpu.memory_space<semaphore_mem>>
        %dma_start3A = arith.constant 0 : i32
        %dma_start3A_28 = arith.constant 0 : i32
        %dma_start3A_29 = tpu.memref_slice %arg6[%run_scoped3A_26, %dma_start3A, %dma_start3A_28] : memref<2x128x128xf32, #tpu.memory_space<vmem>> -> memref<1x128x128xf32, #tpu.memory_space<vmem>>
        %dma_start3A_30 = tpu.memref_squeeze %dma_start3A_29 : memref<1x128x128xf32, #tpu.memory_space<vmem>> -> memref<128x128xf32, #tpu.memory_space<vmem>>
        %dma_start3A_31 = arith.constant 0 : i32
        %dma_start3A_32 = tpu.memref_slice %arg7[%add3A, %dma_start3A_31] : memref<10240x128xf32, #tpu.memory_space<vmem_shared>> -> memref<128x128xf32, #tpu.memory_space<vmem_shared>>
        %dma_start3A_33 = arith.constant 0 : i32
        %dma_start3A_34 = tpu.memref_slice %arg7[%add3A, %dma_start3A_33] : memref<10240x128xf32, #tpu.memory_space<vmem_shared>> -> memref<128x128xf32, #tpu.memory_space<vmem_shared>>
        %dma_start3A_35 = arith.constant 0 : i32
        %dma_start3A_36 = arith.constant 0 : i32
        %dma_start3A_37 = tpu.memref_slice %arg6[%run_scoped3A_26, %dma_start3A_35, %dma_start3A_36] : memref<2x128x128xf32, #tpu.memory_space<vmem>> -> memref<1x128x128xf32, #tpu.memory_space<vmem>>
        %dma_start3A_38 = tpu.memref_squeeze %dma_start3A_37 : memref<1x128x128xf32, #tpu.memory_space<vmem>> -> memref<128x128xf32, #tpu.memory_space<vmem>>
        tpu.enqueue_dma source(%dma_start3A_38 : memref<128x128xf32, #tpu.memory_space<vmem>>) target(%dma_start3A_34 : memref<128x128xf32, #tpu.memory_space<vmem_shared>>) target_semaphore(%run_scoped3A_27 : memref<!tpu.dma_semaphore, #tpu.memory_space<semaphore_mem>>)
        %dma_wait3A = arith.constant 0 : i32
        %dma_wait3A_39 = arith.constant 0 : i32
        %dma_wait3A_40 = tpu.memref_slice %arg6[%run_scoped3A_26, %dma_wait3A, %dma_wait3A_39] : memref<2x128x128xf32, #tpu.memory_space<vmem>> -> memref<1x128x128xf32, #tpu.memory_space<vmem>>
        %dma_wait3A_41 = tpu.memref_squeeze %dma_wait3A_40 : memref<1x128x128xf32, #tpu.memory_space<vmem>> -> memref<128x128xf32, #tpu.memory_space<vmem>>
        %dma_wait3A_42 = arith.constant 0 : i32
        %dma_wait3A_43 = tpu.memref_slice %arg7[%add3A, %dma_wait3A_42] : memref<10240x128xf32, #tpu.memory_space<vmem_shared>> -> memref<128x128xf32, #tpu.memory_space<vmem_shared>>
        %dma_wait3A_44 = arith.constant 0 : i32
        %dma_wait3A_45 = tpu.memref_slice %arg7[%add3A, %dma_wait3A_44] : memref<10240x128xf32, #tpu.memory_space<vmem_shared>> -> memref<128x128xf32, #tpu.memory_space<vmem_shared>>
        %dma_wait3A_46 = arith.constant 0 : i32
        %dma_wait3A_47 = arith.constant 0 : i32
        %dma_wait3A_48 = tpu.memref_slice %arg6[%run_scoped3A_26, %dma_wait3A_46, %dma_wait3A_47] : memref<2x128x128xf32, #tpu.memory_space<vmem>> -> memref<1x128x128xf32, #tpu.memory_space<vmem>>
        %dma_wait3A_49 = tpu.memref_squeeze %dma_wait3A_48 : memref<1x128x128xf32, #tpu.memory_space<vmem>> -> memref<128x128xf32, #tpu.memory_space<vmem>>
        tpu.wait_dma2 semaphore(%run_scoped3A_27 : memref<!tpu.dma_semaphore, #tpu.memory_space<semaphore_mem>>) src(%dma_wait3A_49 : memref<128x128xf32, #tpu.memory_space<vmem>>) dst(%dma_wait3A_45 : memref<128x128xf32, #tpu.memory_space<vmem_shared>>)
        tpu.yield
      }) : () -> ()
    }
    %scan3A_5 = arith.constant 5 : i32
    %barrier3A = arith.constant 0 : index
    tpu.barrier barrier_id(%barrier3A)
    %mul3A_6 = arith.constant 5 : i32
    %mul3A_7 = arith.muli %arg1, %mul3A_6 : i32
    %mul3A_8 = arith.constant 128 : i32
    %mul3A_9 = arith.muli %mul3A_7, %mul3A_8 : i32
    %run_scoped3A = arith.constant 0 : i32
    "tpu.region"() ({
      %run_scoped3A_22 = tpu.sem_alloc : memref<!tpu.dma_semaphore, #tpu.memory_space<semaphore_mem>>
      %dma_start3A = arith.constant 0 : i32
      %dma_start3A_23 = tpu.memref_slice %arg5[%run_scoped3A, %dma_start3A] : memref<2x128xi32, #tpu.memory_space<vmem>> -> memref<1x128xi32, #tpu.memory_space<vmem>>
      %dma_start3A_24 = tpu.memref_squeeze %dma_start3A_23 : memref<1x128xi32, #tpu.memory_space<vmem>> -> memref<128xi32, #tpu.memory_space<vmem>>
      %dma_start3A_25 = tpu.memref_slice %arg3[%mul3A_9] : memref<10240xi32, #tpu.memory_space<hbm>> -> memref<128xi32, #tpu.memory_space<hbm>>
      %dma_start3A_26 = arith.constant 0 : i32
      %dma_start3A_27 = tpu.memref_slice %arg5[%run_scoped3A, %dma_start3A_26] : memref<2x128xi32, #tpu.memory_space<vmem>> -> memref<1x128xi32, #tpu.memory_space<vmem>>
      %dma_start3A_28 = tpu.memref_squeeze %dma_start3A_27 : memref<1x128xi32, #tpu.memory_space<vmem>> -> memref<128xi32, #tpu.memory_space<vmem>>
      %dma_start3A_29 = tpu.memref_slice %arg3[%mul3A_9] : memref<10240xi32, #tpu.memory_space<hbm>> -> memref<128xi32, #tpu.memory_space<hbm>>
      tpu.enqueue_dma source(%dma_start3A_29 : memref<128xi32, #tpu.memory_space<hbm>>) target(%dma_start3A_28 : memref<128xi32, #tpu.memory_space<vmem>>) target_semaphore(%run_scoped3A_22 : memref<!tpu.dma_semaphore, #tpu.memory_space<semaphore_mem>>)
      %dma_wait3A = arith.constant 0 : i32
      %dma_wait3A_30 = tpu.memref_slice %arg5[%run_scoped3A, %dma_wait3A] : memref<2x128xi32, #tpu.memory_space<vmem>> -> memref<1x128xi32, #tpu.memory_space<vmem>>
      %dma_wait3A_31 = tpu.memref_squeeze %dma_wait3A_30 : memref<1x128xi32, #tpu.memory_space<vmem>> -> memref<128xi32, #tpu.memory_space<vmem>>
      %dma_wait3A_32 = tpu.memref_slice %arg3[%mul3A_9] : memref<10240xi32, #tpu.memory_space<hbm>> -> memref<128xi32, #tpu.memory_space<hbm>>
      %dma_wait3A_33 = arith.constant 0 : i32
      %dma_wait3A_34 = tpu.memref_slice %arg5[%run_scoped3A, %dma_wait3A_33] : memref<2x128xi32, #tpu.memory_space<vmem>> -> memref<1x128xi32, #tpu.memory_space<vmem>>
      %dma_wait3A_35 = tpu.memref_squeeze %dma_wait3A_34 : memref<1x128xi32, #tpu.memory_space<vmem>> -> memref<128xi32, #tpu.memory_space<vmem>>
      %dma_wait3A_36 = tpu.memref_slice %arg3[%mul3A_9] : memref<10240xi32, #tpu.memory_space<hbm>> -> memref<128xi32, #tpu.memory_space<hbm>>
      tpu.wait_dma2 semaphore(%run_scoped3A_22 : memref<!tpu.dma_semaphore, #tpu.memory_space<semaphore_mem>>) src(%dma_wait3A_36 : memref<128xi32, #tpu.memory_space<hbm>>) dst(%dma_wait3A_35 : memref<128xi32, #tpu.memory_space<vmem>>)
      tpu.yield
    }) : () -> ()
    %scan3A_10 = arith.constant 0 : i32
    %scan3A_11 = arith.constant 0 : i32
    %scan3A_12 = arith.constant 5 : i32
    %scan3A_13 = arith.addi %scan3A_11, %scan3A_12 : i32
    %scan3A_14 = arith.constant 1 : i32
    scf.for %scan3A_22 = %scan3A_11 to %scan3A_13 step %scan3A_14  : i32 {
      %rem3A = arith.constant 2 : i32
      %rem3A_23 = arith.remsi %scan3A_22, %rem3A : i32
      %add3A = arith.addi %mul3A_7, %scan3A_22 : i32
      %mul3A_24 = arith.constant 128 : i32
      %mul3A_25 = arith.muli %add3A, %mul3A_24 : i32
      %ge3A = arith.constant 2 : i32
      %ge3A_26 = arith.cmpi sge, %scan3A_22, %ge3A : i32
      %convert_element_type3A = arith.extui %ge3A_26 : i1 to i32
      %cond3A = arith.constant 0 : i32
      %cond3A_27 = arith.cmpi ne, %convert_element_type3A, %cond3A : i32
      scf.if %cond3A_27 {
        %dma_wait3A_73 = arith.constant 0 : i32
        %dma_wait3A_74 = arith.constant 0 : i32
        %dma_wait3A_75 = tpu.memref_slice %arg6[%rem3A_23, %dma_wait3A_73, %dma_wait3A_74] : memref<2x128x128xf32, #tpu.memory_space<vmem>> -> memref<1x128x128xf32, #tpu.memory_space<vmem>>
        %dma_wait3A_76 = tpu.memref_squeeze %dma_wait3A_75 : memref<1x128x128xf32, #tpu.memory_space<vmem>> -> memref<128x128xf32, #tpu.memory_space<vmem>>
        %dma_wait3A_77 = arith.constant 0 : i32
        %dma_wait3A_78 = tpu.memref_slice %arg4[%arg0, %mul3A_25, %dma_wait3A_77] : memref<2x10240x128xf32, #tpu.memory_space<hbm>> -> memref<1x128x128xf32, #tpu.memory_space<hbm>>
        %dma_wait3A_79 = tpu.memref_squeeze %dma_wait3A_78 : memref<1x128x128xf32, #tpu.memory_space<hbm>> -> memref<128x128xf32, #tpu.memory_space<hbm>>
        %dma_wait3A_80 = arith.constant 0 : i32
        %dma_wait3A_81 = tpu.memref_slice %arg4[%arg0, %mul3A_25, %dma_wait3A_80] : memref<2x10240x128xf32, #tpu.memory_space<hbm>> -> memref<1x128x128xf32, #tpu.memory_space<hbm>>
        %dma_wait3A_82 = tpu.memref_squeeze %dma_wait3A_81 : memref<1x128x128xf32, #tpu.memory_space<hbm>> -> memref<128x128xf32, #tpu.memory_space<hbm>>
        %dma_wait3A_83 = arith.constant 0 : i32
        %dma_wait3A_84 = arith.constant 0 : i32
        %dma_wait3A_85 = tpu.memref_slice %arg6[%rem3A_23, %dma_wait3A_83, %dma_wait3A_84] : memref<2x128x128xf32, #tpu.memory_space<vmem>> -> memref<1x128x128xf32, #tpu.memory_space<vmem>>
        %dma_wait3A_86 = tpu.memref_squeeze %dma_wait3A_85 : memref<1x128x128xf32, #tpu.memory_space<vmem>> -> memref<128x128xf32, #tpu.memory_space<vmem>>
        tpu.wait_dma2 semaphore(%arg10 : memref<!tpu.dma_semaphore, #tpu.memory_space<semaphore_mem>>) src(%dma_wait3A_86 : memref<128x128xf32, #tpu.memory_space<vmem>>) dst(%dma_wait3A_82 : memref<128x128xf32, #tpu.memory_space<hbm>>)
      } else {
      }
      %add3A_28 = arith.constant 1 : i32
      %add3A_29 = arith.addi %scan3A_22, %add3A_28 : i32
      %lt3A = arith.constant 5 : i32
      %lt3A_30 = arith.cmpi slt, %add3A_29, %lt3A : i32
      %convert_element_type3A_31 = arith.extui %lt3A_30 : i1 to i32
      %cond3A_32 = arith.constant 0 : i32
      %cond3A_33 = arith.cmpi ne, %convert_element_type3A_31, %cond3A_32 : i32
      scf.if %cond3A_33 {
        %add3A_73 = arith.constant 128 : i32
        %add3A_74 = arith.addi %mul3A_25, %add3A_73 : i32
        %sub3A = arith.constant 1 : i32
        %sub3A_75 = arith.subi %sub3A, %rem3A_23 : i32
        %dma_start3A_76 = arith.constant 0 : i32
        %dma_start3A_77 = tpu.memref_slice %arg5[%sub3A_75, %dma_start3A_76] : memref<2x128xi32, #tpu.memory_space<vmem>> -> memref<1x128xi32, #tpu.memory_space<vmem>>
        %dma_start3A_78 = tpu.memref_squeeze %dma_start3A_77 : memref<1x128xi32, #tpu.memory_space<vmem>> -> memref<128xi32, #tpu.memory_space<vmem>>
        %dma_start3A_79 = tpu.memref_slice %arg3[%add3A_74] : memref<10240xi32, #tpu.memory_space<hbm>> -> memref<128xi32, #tpu.memory_space<hbm>>
        %dma_start3A_80 = arith.constant 0 : i32
        %dma_start3A_81 = tpu.memref_slice %arg5[%sub3A_75, %dma_start3A_80] : memref<2x128xi32, #tpu.memory_space<vmem>> -> memref<1x128xi32, #tpu.memory_space<vmem>>
        %dma_start3A_82 = tpu.memref_squeeze %dma_start3A_81 : memref<1x128xi32, #tpu.memory_space<vmem>> -> memref<128xi32, #tpu.memory_space<vmem>>
        %dma_start3A_83 = tpu.memref_slice %arg3[%add3A_74] : memref<10240xi32, #tpu.memory_space<hbm>> -> memref<128xi32, #tpu.memory_space<hbm>>
        tpu.enqueue_dma source(%dma_start3A_83 : memref<128xi32, #tpu.memory_space<hbm>>) target(%dma_start3A_82 : memref<128xi32, #tpu.memory_space<vmem>>) target_semaphore(%arg8 : memref<!tpu.dma_semaphore, #tpu.memory_space<semaphore_mem>>)
      } else {
      }
      %dma_start3A = arith.constant 0 : i32
      %dma_start3A_34 = arith.constant 0 : i32
      %dma_start3A_35 = tpu.memref_slice %arg6[%rem3A_23, %dma_start3A, %dma_start3A_34] : memref<2x128x128xf32, #tpu.memory_space<vmem>> -> memref<1x128x128xf32, #tpu.memory_space<vmem>>
      %dma_start3A_36 = tpu.memref_squeeze %dma_start3A_35 : memref<1x128x128xf32, #tpu.memory_space<vmem>> -> memref<128x128xf32, #tpu.memory_space<vmem>>
      %dma_start3A_37 = arith.constant 0 : i32
      %dma_start3A_38 = tpu.memref_slice %arg5[%rem3A_23, %dma_start3A_37] : memref<2x128xi32, #tpu.memory_space<vmem>> -> memref<1x128xi32, #tpu.memory_space<vmem>>
      %dma_start3A_39 = tpu.memref_squeeze %dma_start3A_38 : memref<1x128xi32, #tpu.memory_space<vmem>> -> memref<128xi32, #tpu.memory_space<vmem>>
      %dma_start3A_40 = arith.constant 0 : i32
      %dma_start3A_41 = arith.constant 0 : i32
      %dma_start3A_42 = tpu.memref_slice %arg7[%dma_start3A_40, %dma_start3A_41] : memref<10240x128xf32, #tpu.memory_space<vmem_shared>> -> memref<10240x128xf32, #tpu.memory_space<vmem_shared>>
      tpu.enqueue_indirect_dma source(%dma_start3A_42 : memref<10240x128xf32, #tpu.memory_space<vmem_shared>>) target(%dma_start3A_36 : memref<128x128xf32, #tpu.memory_space<vmem>>) offsets(%dma_start3A_39 : memref<128xi32, #tpu.memory_space<vmem>>) semaphore(%arg9 : memref<!tpu.dma_semaphore, #tpu.memory_space<semaphore_mem>>)
      %dma_wait3A = arith.constant 0 : i32
      %dma_wait3A_43 = arith.constant 0 : i32
      %dma_wait3A_44 = tpu.memref_slice %arg6[%rem3A_23, %dma_wait3A, %dma_wait3A_43] : memref<2x128x128xf32, #tpu.memory_space<vmem>> -> memref<1x128x128xf32, #tpu.memory_space<vmem>>
      %dma_wait3A_45 = tpu.memref_squeeze %dma_wait3A_44 : memref<1x128x128xf32, #tpu.memory_space<vmem>> -> memref<128x128xf32, #tpu.memory_space<vmem>>
      %dma_wait3A_46 = arith.constant 0 : i32
      %dma_wait3A_47 = tpu.memref_slice %arg5[%rem3A_23, %dma_wait3A_46] : memref<2x128xi32, #tpu.memory_space<vmem>> -> memref<1x128xi32, #tpu.memory_space<vmem>>
      %dma_wait3A_48 = tpu.memref_squeeze %dma_wait3A_47 : memref<1x128xi32, #tpu.memory_space<vmem>> -> memref<128xi32, #tpu.memory_space<vmem>>
      %dma_wait3A_49 = arith.constant 0 : i32
      %dma_wait3A_50 = arith.constant 0 : i32
      %dma_wait3A_51 = tpu.memref_slice %arg7[%dma_wait3A_49, %dma_wait3A_50] : memref<10240x128xf32, #tpu.memory_space<vmem_shared>> -> memref<10240x128xf32, #tpu.memory_space<vmem_shared>>
      tpu.wait_indirect_dma semaphore(%arg9 : memref<!tpu.dma_semaphore, #tpu.memory_space<semaphore_mem>>) src(%dma_wait3A_51 : memref<10240x128xf32, #tpu.memory_space<vmem_shared>>) dst(%dma_wait3A_45 : memref<128x128xf32, #tpu.memory_space<vmem>>)
      %dma_start3A_52 = arith.constant 0 : i32
      %dma_start3A_53 = arith.constant 0 : i32
      %dma_start3A_54 = tpu.memref_slice %arg6[%rem3A_23, %dma_start3A_52, %dma_start3A_53] : memref<2x128x128xf32, #tpu.memory_space<vmem>> -> memref<1x128x128xf32, #tpu.memory_space<vmem>>
      %dma_start3A_55 = tpu.memref_squeeze %dma_start3A_54 : memref<1x128x128xf32, #tpu.memory_space<vmem>> -> memref<128x128xf32, #tpu.memory_space<vmem>>
      %dma_start3A_56 = arith.constant 0 : i32
      %dma_start3A_57 = tpu.memref_slice %arg4[%arg0, %mul3A_25, %dma_start3A_56] : memref<2x10240x128xf32, #tpu.memory_space<hbm>> -> memref<1x128x128xf32, #tpu.memory_space<hbm>>
      %dma_start3A_58 = tpu.memref_squeeze %dma_start3A_57 : memref<1x128x128xf32, #tpu.memory_space<hbm>> -> memref<128x128xf32, #tpu.memory_space<hbm>>
      %dma_start3A_59 = arith.constant 0 : i32
      %dma_start3A_60 = tpu.memref_slice %arg4[%arg0, %mul3A_25, %dma_start3A_59] : memref<2x10240x128xf32, #tpu.memory_space<hbm>> -> memref<1x128x128xf32, #tpu.memory_space<hbm>>
      %dma_start3A_61 = tpu.memref_squeeze %dma_start3A_60 : memref<1x128x128xf32, #tpu.memory_space<hbm>> -> memref<128x128xf32, #tpu.memory_space<hbm>>
      %dma_start3A_62 = arith.constant 0 : i32
      %dma_start3A_63 = arith.constant 0 : i32
      %dma_start3A_64 = tpu.memref_slice %arg6[%rem3A_23, %dma_start3A_62, %dma_start3A_63] : memref<2x128x128xf32, #tpu.memory_space<vmem>> -> memref<1x128x128xf32, #tpu.memory_space<vmem>>
      %dma_start3A_65 = tpu.memref_squeeze %dma_start3A_64 : memref<1x128x128xf32, #tpu.memory_space<vmem>> -> memref<128x128xf32, #tpu.memory_space<vmem>>
      tpu.enqueue_dma source(%dma_start3A_65 : memref<128x128xf32, #tpu.memory_space<vmem>>) target(%dma_start3A_61 : memref<128x128xf32, #tpu.memory_space<hbm>>) target_semaphore(%arg10 : memref<!tpu.dma_semaphore, #tpu.memory_space<semaphore_mem>>)
      %add3A_66 = arith.constant 1 : i32
      %add3A_67 = arith.addi %scan3A_22, %add3A_66 : i32
      %lt3A_68 = arith.constant 5 : i32
      %lt3A_69 = arith.cmpi slt, %add3A_67, %lt3A_68 : i32
      %convert_element_type3A_70 = arith.extui %lt3A_69 : i1 to i32
      %cond3A_71 = arith.constant 0 : i32
      %cond3A_72 = arith.cmpi ne, %convert_element_type3A_70, %cond3A_71 : i32
      scf.if %cond3A_72 {
        %add3A_73 = arith.constant 128 : i32
        %add3A_74 = arith.addi %mul3A_25, %add3A_73 : i32
        %sub3A = arith.constant 1 : i32
        %sub3A_75 = arith.subi %sub3A, %rem3A_23 : i32
        %dma_wait3A_76 = arith.constant 0 : i32
        %dma_wait3A_77 = tpu.memref_slice %arg5[%sub3A_75, %dma_wait3A_76] : memref<2x128xi32, #tpu.memory_space<vmem>> -> memref<1x128xi32, #tpu.memory_space<vmem>>
        %dma_wait3A_78 = tpu.memref_squeeze %dma_wait3A_77 : memref<1x128xi32, #tpu.memory_space<vmem>> -> memref<128xi32, #tpu.memory_space<vmem>>
        %dma_wait3A_79 = tpu.memref_slice %arg3[%add3A_74] : memref<10240xi32, #tpu.memory_space<hbm>> -> memref<128xi32, #tpu.memory_space<hbm>>
        %dma_wait3A_80 = arith.constant 0 : i32
        %dma_wait3A_81 = tpu.memref_slice %arg5[%sub3A_75, %dma_wait3A_80] : memref<2x128xi32, #tpu.memory_space<vmem>> -> memref<1x128xi32, #tpu.memory_space<vmem>>
        %dma_wait3A_82 = tpu.memref_squeeze %dma_wait3A_81 : memref<1x128xi32, #tpu.memory_space<vmem>> -> memref<128xi32, #tpu.memory_space<vmem>>
        %dma_wait3A_83 = tpu.memref_slice %arg3[%add3A_74] : memref<10240xi32, #tpu.memory_space<hbm>> -> memref<128xi32, #tpu.memory_space<hbm>>
        tpu.wait_dma2 semaphore(%arg8 : memref<!tpu.dma_semaphore, #tpu.memory_space<semaphore_mem>>) src(%dma_wait3A_83 : memref<128xi32, #tpu.memory_space<hbm>>) dst(%dma_wait3A_82 : memref<128xi32, #tpu.memory_space<vmem>>)
      } else {
      }
    }
    %scan3A_15 = arith.constant 5 : i32
    %scan3A_16 = arith.constant 0 : i32
    %scan3A_17 = arith.constant 0 : i32
    %scan3A_18 = arith.constant 2 : i32
    %scan3A_19 = arith.addi %scan3A_17, %scan3A_18 : i32
    %scan3A_20 = arith.constant 1 : i32
    scf.for %scan3A_22 = %scan3A_17 to %scan3A_19 step %scan3A_20  : i32 {
      %mul3A_23 = arith.constant 128 : i32
      %mul3A_24 = arith.muli %mul3A_7, %mul3A_23 : i32
      %dma_wait3A = arith.constant 0 : i32
      %dma_wait3A_25 = arith.constant 0 : i32
      %dma_wait3A_26 = arith.constant 0 : i32
      %dma_wait3A_27 = tpu.memref_slice %arg6[%dma_wait3A, %dma_wait3A_25, %dma_wait3A_26] : memref<2x128x128xf32, #tpu.memory_space<vmem>> -> memref<1x128x128xf32, #tpu.memory_space<vmem>>
      %dma_wait3A_28 = tpu.memref_squeeze %dma_wait3A_27 : memref<1x128x128xf32, #tpu.memory_space<vmem>> -> memref<128x128xf32, #tpu.memory_space<vmem>>
      %dma_wait3A_29 = arith.constant 0 : i32
      %dma_wait3A_30 = tpu.memref_slice %arg4[%arg0, %mul3A_24, %dma_wait3A_29] : memref<2x10240x128xf32, #tpu.memory_space<hbm>> -> memref<1x128x128xf32, #tpu.memory_space<hbm>>
      %dma_wait3A_31 = tpu.memref_squeeze %dma_wait3A_30 : memref<1x128x128xf32, #tpu.memory_space<hbm>> -> memref<128x128xf32, #tpu.memory_space<hbm>>
      %dma_wait3A_32 = arith.constant 0 : i32
      %dma_wait3A_33 = tpu.memref_slice %arg4[%arg0, %mul3A_24, %dma_wait3A_32] : memref<2x10240x128xf32, #tpu.memory_space<hbm>> -> memref<1x128x128xf32, #tpu.memory_space<hbm>>
      %dma_wait3A_34 = tpu.memref_squeeze %dma_wait3A_33 : memref<1x128x128xf32, #tpu.memory_space<hbm>> -> memref<128x128xf32, #tpu.memory_space<hbm>>
      %dma_wait3A_35 = arith.constant 0 : i32
      %dma_wait3A_36 = arith.constant 0 : i32
      %dma_wait3A_37 = tpu.memref_slice %arg6[%dma_wait3A, %dma_wait3A_35, %dma_wait3A_36] : memref<2x128x128xf32, #tpu.memory_space<vmem>> -> memref<1x128x128xf32, #tpu.memory_space<vmem>>
      %dma_wait3A_38 = tpu.memref_squeeze %dma_wait3A_37 : memref<1x128x128xf32, #tpu.memory_space<vmem>> -> memref<128x128xf32, #tpu.memory_space<vmem>>
      tpu.wait_dma2 semaphore(%arg10 : memref<!tpu.dma_semaphore, #tpu.memory_space<semaphore_mem>>) src(%dma_wait3A_38 : memref<128x128xf32, #tpu.memory_space<vmem>>) dst(%dma_wait3A_34 : memref<128x128xf32, #tpu.memory_space<hbm>>)
    }
    %scan3A_21 = arith.constant 2 : i32
    return
  }
}

#map = affine_map<(d0, d1) -> (0, 0, 0)>
#map1 = affine_map<(d0, d1) -> (0)>
module attributes {stable_mosaic.version = 14 : i64} {
  func.func @k(%arg0: i32, %arg1: i32, %arg2: memref<2x10240x128xf32, #tpu.memory_space<hbm>>, %arg3: memref<188416xi32, #tpu.memory_space<hbm>>, %arg4: memref<2x188416x128xf32, #tpu.memory_space<hbm>>, %arg5: memref<2x128xi32, #tpu.memory_space<vmem>>, %arg6: memref<2x128x128xf32, #tpu.memory_space<vmem>>, %arg7: memref<10240x128xf32, #tpu.memory_space<vmem_shared>>, %arg8: memref<!tpu.dma_semaphore, #tpu.memory_space<semaphore_mem>>, %arg9: memref<!tpu.dma_semaphore, #tpu.memory_space<semaphore_mem>>, %arg10: memref<!tpu.dma_semaphore, #tpu.memory_space<semaphore_mem>>) attributes {dimension_semantics = [#tpu.dimension_semantics<core_parallel>, #tpu.dimension_semantics<subcore_parallel>], iteration_bounds = array<i64: 2, 16>, scalar_prefetch = 0 : i64, scratch_operands = 6 : i64, tpu.core_type = #tpu.core_type<sc_vector_subcore>, window_params = [{transform_indices = #map}, {transform_indices = #map1}, {transform_indices = #map}]} {
    %mul3A = arith.constant 640 : i32
    %mul3A_0 = arith.muli %arg1, %mul3A : i32
    %scan3A = arith.constant 0 : i32
    %scan3A_1 = arith.constant 0 : i32
    %scan3A_2 = arith.constant 5 : i32
    %scan3A_3 = arith.addi %scan3A_1, %scan3A_2 : i32
    %scan3A_4 = arith.constant 1 : i32
    scf.for %scan3A_22 = %scan3A_1 to %scan3A_3 step %scan3A_4  : i32 {
      %mul3A_23 = arith.constant 128 : i32
      %mul3A_24 = arith.muli %scan3A_22, %mul3A_23 : i32
      %add3A = arith.addi %mul3A_0, %mul3A_24 : i32
      %run_scoped3A_25 = arith.constant 0 : i32
      "tpu.region"() ({
        %run_scoped3A_27 = tpu.sem_alloc : memref<!tpu.dma_semaphore, #tpu.memory_space<semaphore_mem>>
        %dma_start3A = arith.constant 0 : i32
        %dma_start3A_28 = arith.constant 0 : i32
        %dma_start3A_29 = tpu.memref_slice %arg6[%run_scoped3A_25, %dma_start3A, %dma_start3A_28] : memref<2x128x128xf32, #tpu.memory_space<vmem>> -> memref<1x128x128xf32, #tpu.memory_space<vmem>>
        %dma_start3A_30 = tpu.memref_squeeze %dma_start3A_29 : memref<1x128x128xf32, #tpu.memory_space<vmem>> -> memref<128x128xf32, #tpu.memory_space<vmem>>
        %dma_start3A_31 = arith.constant 0 : i32
        %dma_start3A_32 = tpu.memref_slice %arg2[%arg0, %add3A, %dma_start3A_31] : memref<2x10240x128xf32, #tpu.memory_space<hbm>> -> memref<1x128x128xf32, #tpu.memory_space<hbm>>
        %dma_start3A_33 = tpu.memref_squeeze %dma_start3A_32 : memref<1x128x128xf32, #tpu.memory_space<hbm>> -> memref<128x128xf32, #tpu.memory_space<hbm>>
        %dma_start3A_34 = arith.constant 0 : i32
        %dma_start3A_35 = arith.constant 0 : i32
        %dma_start3A_36 = tpu.memref_slice %arg6[%run_scoped3A_25, %dma_start3A_34, %dma_start3A_35] : memref<2x128x128xf32, #tpu.memory_space<vmem>> -> memref<1x128x128xf32, #tpu.memory_space<vmem>>
        %dma_start3A_37 = tpu.memref_squeeze %dma_start3A_36 : memref<1x128x128xf32, #tpu.memory_space<vmem>> -> memref<128x128xf32, #tpu.memory_space<vmem>>
        %dma_start3A_38 = arith.constant 0 : i32
        %dma_start3A_39 = tpu.memref_slice %arg2[%arg0, %add3A, %dma_start3A_38] : memref<2x10240x128xf32, #tpu.memory_space<hbm>> -> memref<1x128x128xf32, #tpu.memory_space<hbm>>
        %dma_start3A_40 = tpu.memref_squeeze %dma_start3A_39 : memref<1x128x128xf32, #tpu.memory_space<hbm>> -> memref<128x128xf32, #tpu.memory_space<hbm>>
        tpu.enqueue_dma source(%dma_start3A_40 : memref<128x128xf32, #tpu.memory_space<hbm>>) target(%dma_start3A_37 : memref<128x128xf32, #tpu.memory_space<vmem>>) target_semaphore(%run_scoped3A_27 : memref<!tpu.dma_semaphore, #tpu.memory_space<semaphore_mem>>)
        %dma_wait3A = arith.constant 0 : i32
        %dma_wait3A_41 = arith.constant 0 : i32
        %dma_wait3A_42 = tpu.memref_slice %arg6[%run_scoped3A_25, %dma_wait3A, %dma_wait3A_41] : memref<2x128x128xf32, #tpu.memory_space<vmem>> -> memref<1x128x128xf32, #tpu.memory_space<vmem>>
        %dma_wait3A_43 = tpu.memref_squeeze %dma_wait3A_42 : memref<1x128x128xf32, #tpu.memory_space<vmem>> -> memref<128x128xf32, #tpu.memory_space<vmem>>
        %dma_wait3A_44 = arith.constant 0 : i32
        %dma_wait3A_45 = tpu.memref_slice %arg2[%arg0, %add3A, %dma_wait3A_44] : memref<2x10240x128xf32, #tpu.memory_space<hbm>> -> memref<1x128x128xf32, #tpu.memory_space<hbm>>
        %dma_wait3A_46 = tpu.memref_squeeze %dma_wait3A_45 : memref<1x128x128xf32, #tpu.memory_space<hbm>> -> memref<128x128xf32, #tpu.memory_space<hbm>>
        %dma_wait3A_47 = arith.constant 0 : i32
        %dma_wait3A_48 = arith.constant 0 : i32
        %dma_wait3A_49 = tpu.memref_slice %arg6[%run_scoped3A_25, %dma_wait3A_47, %dma_wait3A_48] : memref<2x128x128xf32, #tpu.memory_space<vmem>> -> memref<1x128x128xf32, #tpu.memory_space<vmem>>
        %dma_wait3A_50 = tpu.memref_squeeze %dma_wait3A_49 : memref<1x128x128xf32, #tpu.memory_space<vmem>> -> memref<128x128xf32, #tpu.memory_space<vmem>>
        %dma_wait3A_51 = arith.constant 0 : i32
        %dma_wait3A_52 = tpu.memref_slice %arg2[%arg0, %add3A, %dma_wait3A_51] : memref<2x10240x128xf32, #tpu.memory_space<hbm>> -> memref<1x128x128xf32, #tpu.memory_space<hbm>>
        %dma_wait3A_53 = tpu.memref_squeeze %dma_wait3A_52 : memref<1x128x128xf32, #tpu.memory_space<hbm>> -> memref<128x128xf32, #tpu.memory_space<hbm>>
        tpu.wait_dma2 semaphore(%run_scoped3A_27 : memref<!tpu.dma_semaphore, #tpu.memory_space<semaphore_mem>>) src(%dma_wait3A_53 : memref<128x128xf32, #tpu.memory_space<hbm>>) dst(%dma_wait3A_50 : memref<128x128xf32, #tpu.memory_space<vmem>>)
        tpu.yield
      }) : () -> ()
      %run_scoped3A_26 = arith.constant 0 : i32
      "tpu.region"() ({
        %run_scoped3A_27 = tpu.sem_alloc : memref<!tpu.dma_semaphore, #tpu.memory_space<semaphore_mem>>
        %dma_start3A = arith.constant 0 : i32
        %dma_start3A_28 = arith.constant 0 : i32
        %dma_start3A_29 = tpu.memref_slice %arg6[%run_scoped3A_26, %dma_start3A, %dma_start3A_28] : memref<2x128x128xf32, #tpu.memory_space<vmem>> -> memref<1x128x128xf32, #tpu.memory_space<vmem>>
        %dma_start3A_30 = tpu.memref_squeeze %dma_start3A_29 : memref<1x128x128xf32, #tpu.memory_space<vmem>> -> memref<128x128xf32, #tpu.memory_space<vmem>>
        %dma_start3A_31 = arith.constant 0 : i32
        %dma_start3A_32 = tpu.memref_slice %arg7[%add3A, %dma_start3A_31] : memref<10240x128xf32, #tpu.memory_space<vmem_shared>> -> memref<128x128xf32, #tpu.memory_space<vmem_shared>>
        %dma_start3A_33 = arith.constant 0 : i32
        %dma_start3A_34 = tpu.memref_slice %arg7[%add3A, %dma_start3A_33] : memref<10240x128xf32, #tpu.memory_space<vmem_shared>> -> memref<128x128xf32, #tpu.memory_space<vmem_shared>>
        %dma_start3A_35 = arith.constant 0 : i32
        %dma_start3A_36 = arith.constant 0 : i32
        %dma_start3A_37 = tpu.memref_slice %arg6[%run_scoped3A_26, %dma_start3A_35, %dma_start3A_36] : memref<2x128x128xf32, #tpu.memory_space<vmem>> -> memref<1x128x128xf32, #tpu.memory_space<vmem>>
        %dma_start3A_38 = tpu.memref_squeeze %dma_start3A_37 : memref<1x128x128xf32, #tpu.memory_space<vmem>> -> memref<128x128xf32, #tpu.memory_space<vmem>>
        tpu.enqueue_dma source(%dma_start3A_38 : memref<128x128xf32, #tpu.memory_space<vmem>>) target(%dma_start3A_34 : memref<128x128xf32, #tpu.memory_space<vmem_shared>>) target_semaphore(%run_scoped3A_27 : memref<!tpu.dma_semaphore, #tpu.memory_space<semaphore_mem>>)
        %dma_wait3A = arith.constant 0 : i32
        %dma_wait3A_39 = arith.constant 0 : i32
        %dma_wait3A_40 = tpu.memref_slice %arg6[%run_scoped3A_26, %dma_wait3A, %dma_wait3A_39] : memref<2x128x128xf32, #tpu.memory_space<vmem>> -> memref<1x128x128xf32, #tpu.memory_space<vmem>>
        %dma_wait3A_41 = tpu.memref_squeeze %dma_wait3A_40 : memref<1x128x128xf32, #tpu.memory_space<vmem>> -> memref<128x128xf32, #tpu.memory_space<vmem>>
        %dma_wait3A_42 = arith.constant 0 : i32
        %dma_wait3A_43 = tpu.memref_slice %arg7[%add3A, %dma_wait3A_42] : memref<10240x128xf32, #tpu.memory_space<vmem_shared>> -> memref<128x128xf32, #tpu.memory_space<vmem_shared>>
        %dma_wait3A_44 = arith.constant 0 : i32
        %dma_wait3A_45 = tpu.memref_slice %arg7[%add3A, %dma_wait3A_44] : memref<10240x128xf32, #tpu.memory_space<vmem_shared>> -> memref<128x128xf32, #tpu.memory_space<vmem_shared>>
        %dma_wait3A_46 = arith.constant 0 : i32
        %dma_wait3A_47 = arith.constant 0 : i32
        %dma_wait3A_48 = tpu.memref_slice %arg6[%run_scoped3A_26, %dma_wait3A_46, %dma_wait3A_47] : memref<2x128x128xf32, #tpu.memory_space<vmem>> -> memref<1x128x128xf32, #tpu.memory_space<vmem>>
        %dma_wait3A_49 = tpu.memref_squeeze %dma_wait3A_48 : memref<1x128x128xf32, #tpu.memory_space<vmem>> -> memref<128x128xf32, #tpu.memory_space<vmem>>
        tpu.wait_dma2 semaphore(%run_scoped3A_27 : memref<!tpu.dma_semaphore, #tpu.memory_space<semaphore_mem>>) src(%dma_wait3A_49 : memref<128x128xf32, #tpu.memory_space<vmem>>) dst(%dma_wait3A_45 : memref<128x128xf32, #tpu.memory_space<vmem_shared>>)
        tpu.yield
      }) : () -> ()
    }
    %scan3A_5 = arith.constant 5 : i32
    %barrier3A = arith.constant 0 : index
    tpu.barrier barrier_id(%barrier3A)
    %mul3A_6 = arith.constant 92 : i32
    %mul3A_7 = arith.muli %arg1, %mul3A_6 : i32
    %mul3A_8 = arith.constant 128 : i32
    %mul3A_9 = arith.muli %mul3A_7, %mul3A_8 : i32
    %run_scoped3A = arith.constant 0 : i32
    "tpu.region"() ({
      %run_scoped3A_22 = tpu.sem_alloc : memref<!tpu.dma_semaphore, #tpu.memory_space<semaphore_mem>>
      %dma_start3A = arith.constant 0 : i32
      %dma_start3A_23 = tpu.memref_slice %arg5[%run_scoped3A, %dma_start3A] : memref<2x128xi32, #tpu.memory_space<vmem>> -> memref<1x128xi32, #tpu.memory_space<vmem>>
      %dma_start3A_24 = tpu.memref_squeeze %dma_start3A_23 : memref<1x128xi32, #tpu.memory_space<vmem>> -> memref<128xi32, #tpu.memory_space<vmem>>
      %dma_start3A_25 = tpu.memref_slice %arg3[%mul3A_9] : memref<188416xi32, #tpu.memory_space<hbm>> -> memref<128xi32, #tpu.memory_space<hbm>>
      %dma_start3A_26 = arith.constant 0 : i32
      %dma_start3A_27 = tpu.memref_slice %arg5[%run_scoped3A, %dma_start3A_26] : memref<2x128xi32, #tpu.memory_space<vmem>> -> memref<1x128xi32, #tpu.memory_space<vmem>>
      %dma_start3A_28 = tpu.memref_squeeze %dma_start3A_27 : memref<1x128xi32, #tpu.memory_space<vmem>> -> memref<128xi32, #tpu.memory_space<vmem>>
      %dma_start3A_29 = tpu.memref_slice %arg3[%mul3A_9] : memref<188416xi32, #tpu.memory_space<hbm>> -> memref<128xi32, #tpu.memory_space<hbm>>
      tpu.enqueue_dma source(%dma_start3A_29 : memref<128xi32, #tpu.memory_space<hbm>>) target(%dma_start3A_28 : memref<128xi32, #tpu.memory_space<vmem>>) target_semaphore(%run_scoped3A_22 : memref<!tpu.dma_semaphore, #tpu.memory_space<semaphore_mem>>)
      %dma_wait3A = arith.constant 0 : i32
      %dma_wait3A_30 = tpu.memref_slice %arg5[%run_scoped3A, %dma_wait3A] : memref<2x128xi32, #tpu.memory_space<vmem>> -> memref<1x128xi32, #tpu.memory_space<vmem>>
      %dma_wait3A_31 = tpu.memref_squeeze %dma_wait3A_30 : memref<1x128xi32, #tpu.memory_space<vmem>> -> memref<128xi32, #tpu.memory_space<vmem>>
      %dma_wait3A_32 = tpu.memref_slice %arg3[%mul3A_9] : memref<188416xi32, #tpu.memory_space<hbm>> -> memref<128xi32, #tpu.memory_space<hbm>>
      %dma_wait3A_33 = arith.constant 0 : i32
      %dma_wait3A_34 = tpu.memref_slice %arg5[%run_scoped3A, %dma_wait3A_33] : memref<2x128xi32, #tpu.memory_space<vmem>> -> memref<1x128xi32, #tpu.memory_space<vmem>>
      %dma_wait3A_35 = tpu.memref_squeeze %dma_wait3A_34 : memref<1x128xi32, #tpu.memory_space<vmem>> -> memref<128xi32, #tpu.memory_space<vmem>>
      %dma_wait3A_36 = tpu.memref_slice %arg3[%mul3A_9] : memref<188416xi32, #tpu.memory_space<hbm>> -> memref<128xi32, #tpu.memory_space<hbm>>
      tpu.wait_dma2 semaphore(%run_scoped3A_22 : memref<!tpu.dma_semaphore, #tpu.memory_space<semaphore_mem>>) src(%dma_wait3A_36 : memref<128xi32, #tpu.memory_space<hbm>>) dst(%dma_wait3A_35 : memref<128xi32, #tpu.memory_space<vmem>>)
      tpu.yield
    }) : () -> ()
    %scan3A_10 = arith.constant 0 : i32
    %scan3A_11 = arith.constant 0 : i32
    %scan3A_12 = arith.constant 92 : i32
    %scan3A_13 = arith.addi %scan3A_11, %scan3A_12 : i32
    %scan3A_14 = arith.constant 1 : i32
    scf.for %scan3A_22 = %scan3A_11 to %scan3A_13 step %scan3A_14  : i32 {
      %rem3A = arith.constant 2 : i32
      %rem3A_23 = arith.remsi %scan3A_22, %rem3A : i32
      %add3A = arith.addi %mul3A_7, %scan3A_22 : i32
      %mul3A_24 = arith.constant 128 : i32
      %mul3A_25 = arith.muli %add3A, %mul3A_24 : i32
      %ge3A = arith.constant 2 : i32
      %ge3A_26 = arith.cmpi sge, %scan3A_22, %ge3A : i32
      %convert_element_type3A = arith.extui %ge3A_26 : i1 to i32
      %cond3A = arith.constant 0 : i32
      %cond3A_27 = arith.cmpi ne, %convert_element_type3A, %cond3A : i32
      scf.if %cond3A_27 {
        %dma_wait3A_73 = arith.constant 0 : i32
        %dma_wait3A_74 = arith.constant 0 : i32
        %dma_wait3A_75 = tpu.memref_slice %arg6[%rem3A_23, %dma_wait3A_73, %dma_wait3A_74] : memref<2x128x128xf32, #tpu.memory_space<vmem>> -> memref<1x128x128xf32, #tpu.memory_space<vmem>>
        %dma_wait3A_76 = tpu.memref_squeeze %dma_wait3A_75 : memref<1x128x128xf32, #tpu.memory_space<vmem>> -> memref<128x128xf32, #tpu.memory_space<vmem>>
        %dma_wait3A_77 = arith.constant 0 : i32
        %dma_wait3A_78 = tpu.memref_slice %arg4[%arg0, %mul3A_25, %dma_wait3A_77] : memref<2x188416x128xf32, #tpu.memory_space<hbm>> -> memref<1x128x128xf32, #tpu.memory_space<hbm>>
        %dma_wait3A_79 = tpu.memref_squeeze %dma_wait3A_78 : memref<1x128x128xf32, #tpu.memory_space<hbm>> -> memref<128x128xf32, #tpu.memory_space<hbm>>
        %dma_wait3A_80 = arith.constant 0 : i32
        %dma_wait3A_81 = tpu.memref_slice %arg4[%arg0, %mul3A_25, %dma_wait3A_80] : memref<2x188416x128xf32, #tpu.memory_space<hbm>> -> memref<1x128x128xf32, #tpu.memory_space<hbm>>
        %dma_wait3A_82 = tpu.memref_squeeze %dma_wait3A_81 : memref<1x128x128xf32, #tpu.memory_space<hbm>> -> memref<128x128xf32, #tpu.memory_space<hbm>>
        %dma_wait3A_83 = arith.constant 0 : i32
        %dma_wait3A_84 = arith.constant 0 : i32
        %dma_wait3A_85 = tpu.memref_slice %arg6[%rem3A_23, %dma_wait3A_83, %dma_wait3A_84] : memref<2x128x128xf32, #tpu.memory_space<vmem>> -> memref<1x128x128xf32, #tpu.memory_space<vmem>>
        %dma_wait3A_86 = tpu.memref_squeeze %dma_wait3A_85 : memref<1x128x128xf32, #tpu.memory_space<vmem>> -> memref<128x128xf32, #tpu.memory_space<vmem>>
        tpu.wait_dma2 semaphore(%arg10 : memref<!tpu.dma_semaphore, #tpu.memory_space<semaphore_mem>>) src(%dma_wait3A_86 : memref<128x128xf32, #tpu.memory_space<vmem>>) dst(%dma_wait3A_82 : memref<128x128xf32, #tpu.memory_space<hbm>>)
      } else {
      }
      %add3A_28 = arith.constant 1 : i32
      %add3A_29 = arith.addi %scan3A_22, %add3A_28 : i32
      %lt3A = arith.constant 92 : i32
      %lt3A_30 = arith.cmpi slt, %add3A_29, %lt3A : i32
      %convert_element_type3A_31 = arith.extui %lt3A_30 : i1 to i32
      %cond3A_32 = arith.constant 0 : i32
      %cond3A_33 = arith.cmpi ne, %convert_element_type3A_31, %cond3A_32 : i32
      scf.if %cond3A_33 {
        %add3A_73 = arith.constant 128 : i32
        %add3A_74 = arith.addi %mul3A_25, %add3A_73 : i32
        %sub3A = arith.constant 1 : i32
        %sub3A_75 = arith.subi %sub3A, %rem3A_23 : i32
        %dma_start3A_76 = arith.constant 0 : i32
        %dma_start3A_77 = tpu.memref_slice %arg5[%sub3A_75, %dma_start3A_76] : memref<2x128xi32, #tpu.memory_space<vmem>> -> memref<1x128xi32, #tpu.memory_space<vmem>>
        %dma_start3A_78 = tpu.memref_squeeze %dma_start3A_77 : memref<1x128xi32, #tpu.memory_space<vmem>> -> memref<128xi32, #tpu.memory_space<vmem>>
        %dma_start3A_79 = tpu.memref_slice %arg3[%add3A_74] : memref<188416xi32, #tpu.memory_space<hbm>> -> memref<128xi32, #tpu.memory_space<hbm>>
        %dma_start3A_80 = arith.constant 0 : i32
        %dma_start3A_81 = tpu.memref_slice %arg5[%sub3A_75, %dma_start3A_80] : memref<2x128xi32, #tpu.memory_space<vmem>> -> memref<1x128xi32, #tpu.memory_space<vmem>>
        %dma_start3A_82 = tpu.memref_squeeze %dma_start3A_81 : memref<1x128xi32, #tpu.memory_space<vmem>> -> memref<128xi32, #tpu.memory_space<vmem>>
        %dma_start3A_83 = tpu.memref_slice %arg3[%add3A_74] : memref<188416xi32, #tpu.memory_space<hbm>> -> memref<128xi32, #tpu.memory_space<hbm>>
        tpu.enqueue_dma source(%dma_start3A_83 : memref<128xi32, #tpu.memory_space<hbm>>) target(%dma_start3A_82 : memref<128xi32, #tpu.memory_space<vmem>>) target_semaphore(%arg8 : memref<!tpu.dma_semaphore, #tpu.memory_space<semaphore_mem>>)
      } else {
      }
      %dma_start3A = arith.constant 0 : i32
      %dma_start3A_34 = arith.constant 0 : i32
      %dma_start3A_35 = tpu.memref_slice %arg6[%rem3A_23, %dma_start3A, %dma_start3A_34] : memref<2x128x128xf32, #tpu.memory_space<vmem>> -> memref<1x128x128xf32, #tpu.memory_space<vmem>>
      %dma_start3A_36 = tpu.memref_squeeze %dma_start3A_35 : memref<1x128x128xf32, #tpu.memory_space<vmem>> -> memref<128x128xf32, #tpu.memory_space<vmem>>
      %dma_start3A_37 = arith.constant 0 : i32
      %dma_start3A_38 = tpu.memref_slice %arg5[%rem3A_23, %dma_start3A_37] : memref<2x128xi32, #tpu.memory_space<vmem>> -> memref<1x128xi32, #tpu.memory_space<vmem>>
      %dma_start3A_39 = tpu.memref_squeeze %dma_start3A_38 : memref<1x128xi32, #tpu.memory_space<vmem>> -> memref<128xi32, #tpu.memory_space<vmem>>
      %dma_start3A_40 = arith.constant 0 : i32
      %dma_start3A_41 = arith.constant 0 : i32
      %dma_start3A_42 = tpu.memref_slice %arg7[%dma_start3A_40, %dma_start3A_41] : memref<10240x128xf32, #tpu.memory_space<vmem_shared>> -> memref<10240x128xf32, #tpu.memory_space<vmem_shared>>
      tpu.enqueue_indirect_dma source(%dma_start3A_42 : memref<10240x128xf32, #tpu.memory_space<vmem_shared>>) target(%dma_start3A_36 : memref<128x128xf32, #tpu.memory_space<vmem>>) offsets(%dma_start3A_39 : memref<128xi32, #tpu.memory_space<vmem>>) semaphore(%arg9 : memref<!tpu.dma_semaphore, #tpu.memory_space<semaphore_mem>>)
      %dma_wait3A = arith.constant 0 : i32
      %dma_wait3A_43 = arith.constant 0 : i32
      %dma_wait3A_44 = tpu.memref_slice %arg6[%rem3A_23, %dma_wait3A, %dma_wait3A_43] : memref<2x128x128xf32, #tpu.memory_space<vmem>> -> memref<1x128x128xf32, #tpu.memory_space<vmem>>
      %dma_wait3A_45 = tpu.memref_squeeze %dma_wait3A_44 : memref<1x128x128xf32, #tpu.memory_space<vmem>> -> memref<128x128xf32, #tpu.memory_space<vmem>>
      %dma_wait3A_46 = arith.constant 0 : i32
      %dma_wait3A_47 = tpu.memref_slice %arg5[%rem3A_23, %dma_wait3A_46] : memref<2x128xi32, #tpu.memory_space<vmem>> -> memref<1x128xi32, #tpu.memory_space<vmem>>
      %dma_wait3A_48 = tpu.memref_squeeze %dma_wait3A_47 : memref<1x128xi32, #tpu.memory_space<vmem>> -> memref<128xi32, #tpu.memory_space<vmem>>
      %dma_wait3A_49 = arith.constant 0 : i32
      %dma_wait3A_50 = arith.constant 0 : i32
      %dma_wait3A_51 = tpu.memref_slice %arg7[%dma_wait3A_49, %dma_wait3A_50] : memref<10240x128xf32, #tpu.memory_space<vmem_shared>> -> memref<10240x128xf32, #tpu.memory_space<vmem_shared>>
      tpu.wait_indirect_dma semaphore(%arg9 : memref<!tpu.dma_semaphore, #tpu.memory_space<semaphore_mem>>) src(%dma_wait3A_51 : memref<10240x128xf32, #tpu.memory_space<vmem_shared>>) dst(%dma_wait3A_45 : memref<128x128xf32, #tpu.memory_space<vmem>>)
      %dma_start3A_52 = arith.constant 0 : i32
      %dma_start3A_53 = arith.constant 0 : i32
      %dma_start3A_54 = tpu.memref_slice %arg6[%rem3A_23, %dma_start3A_52, %dma_start3A_53] : memref<2x128x128xf32, #tpu.memory_space<vmem>> -> memref<1x128x128xf32, #tpu.memory_space<vmem>>
      %dma_start3A_55 = tpu.memref_squeeze %dma_start3A_54 : memref<1x128x128xf32, #tpu.memory_space<vmem>> -> memref<128x128xf32, #tpu.memory_space<vmem>>
      %dma_start3A_56 = arith.constant 0 : i32
      %dma_start3A_57 = tpu.memref_slice %arg4[%arg0, %mul3A_25, %dma_start3A_56] : memref<2x188416x128xf32, #tpu.memory_space<hbm>> -> memref<1x128x128xf32, #tpu.memory_space<hbm>>
      %dma_start3A_58 = tpu.memref_squeeze %dma_start3A_57 : memref<1x128x128xf32, #tpu.memory_space<hbm>> -> memref<128x128xf32, #tpu.memory_space<hbm>>
      %dma_start3A_59 = arith.constant 0 : i32
      %dma_start3A_60 = tpu.memref_slice %arg4[%arg0, %mul3A_25, %dma_start3A_59] : memref<2x188416x128xf32, #tpu.memory_space<hbm>> -> memref<1x128x128xf32, #tpu.memory_space<hbm>>
      %dma_start3A_61 = tpu.memref_squeeze %dma_start3A_60 : memref<1x128x128xf32, #tpu.memory_space<hbm>> -> memref<128x128xf32, #tpu.memory_space<hbm>>
      %dma_start3A_62 = arith.constant 0 : i32
      %dma_start3A_63 = arith.constant 0 : i32
      %dma_start3A_64 = tpu.memref_slice %arg6[%rem3A_23, %dma_start3A_62, %dma_start3A_63] : memref<2x128x128xf32, #tpu.memory_space<vmem>> -> memref<1x128x128xf32, #tpu.memory_space<vmem>>
      %dma_start3A_65 = tpu.memref_squeeze %dma_start3A_64 : memref<1x128x128xf32, #tpu.memory_space<vmem>> -> memref<128x128xf32, #tpu.memory_space<vmem>>
      tpu.enqueue_dma source(%dma_start3A_65 : memref<128x128xf32, #tpu.memory_space<vmem>>) target(%dma_start3A_61 : memref<128x128xf32, #tpu.memory_space<hbm>>) target_semaphore(%arg10 : memref<!tpu.dma_semaphore, #tpu.memory_space<semaphore_mem>>)
      %add3A_66 = arith.constant 1 : i32
      %add3A_67 = arith.addi %scan3A_22, %add3A_66 : i32
      %lt3A_68 = arith.constant 92 : i32
      %lt3A_69 = arith.cmpi slt, %add3A_67, %lt3A_68 : i32
      %convert_element_type3A_70 = arith.extui %lt3A_69 : i1 to i32
      %cond3A_71 = arith.constant 0 : i32
      %cond3A_72 = arith.cmpi ne, %convert_element_type3A_70, %cond3A_71 : i32
      scf.if %cond3A_72 {
        %add3A_73 = arith.constant 128 : i32
        %add3A_74 = arith.addi %mul3A_25, %add3A_73 : i32
        %sub3A = arith.constant 1 : i32
        %sub3A_75 = arith.subi %sub3A, %rem3A_23 : i32
        %dma_wait3A_76 = arith.constant 0 : i32
        %dma_wait3A_77 = tpu.memref_slice %arg5[%sub3A_75, %dma_wait3A_76] : memref<2x128xi32, #tpu.memory_space<vmem>> -> memref<1x128xi32, #tpu.memory_space<vmem>>
        %dma_wait3A_78 = tpu.memref_squeeze %dma_wait3A_77 : memref<1x128xi32, #tpu.memory_space<vmem>> -> memref<128xi32, #tpu.memory_space<vmem>>
        %dma_wait3A_79 = tpu.memref_slice %arg3[%add3A_74] : memref<188416xi32, #tpu.memory_space<hbm>> -> memref<128xi32, #tpu.memory_space<hbm>>
        %dma_wait3A_80 = arith.constant 0 : i32
        %dma_wait3A_81 = tpu.memref_slice %arg5[%sub3A_75, %dma_wait3A_80] : memref<2x128xi32, #tpu.memory_space<vmem>> -> memref<1x128xi32, #tpu.memory_space<vmem>>
        %dma_wait3A_82 = tpu.memref_squeeze %dma_wait3A_81 : memref<1x128xi32, #tpu.memory_space<vmem>> -> memref<128xi32, #tpu.memory_space<vmem>>
        %dma_wait3A_83 = tpu.memref_slice %arg3[%add3A_74] : memref<188416xi32, #tpu.memory_space<hbm>> -> memref<128xi32, #tpu.memory_space<hbm>>
        tpu.wait_dma2 semaphore(%arg8 : memref<!tpu.dma_semaphore, #tpu.memory_space<semaphore_mem>>) src(%dma_wait3A_83 : memref<128xi32, #tpu.memory_space<hbm>>) dst(%dma_wait3A_82 : memref<128xi32, #tpu.memory_space<vmem>>)
      } else {
      }
    }
    %scan3A_15 = arith.constant 92 : i32
    %scan3A_16 = arith.constant 0 : i32
    %scan3A_17 = arith.constant 0 : i32
    %scan3A_18 = arith.constant 2 : i32
    %scan3A_19 = arith.addi %scan3A_17, %scan3A_18 : i32
    %scan3A_20 = arith.constant 1 : i32
    scf.for %scan3A_22 = %scan3A_17 to %scan3A_19 step %scan3A_20  : i32 {
      %mul3A_23 = arith.constant 128 : i32
      %mul3A_24 = arith.muli %mul3A_7, %mul3A_23 : i32
      %dma_wait3A = arith.constant 0 : i32
      %dma_wait3A_25 = arith.constant 0 : i32
      %dma_wait3A_26 = arith.constant 0 : i32
      %dma_wait3A_27 = tpu.memref_slice %arg6[%dma_wait3A, %dma_wait3A_25, %dma_wait3A_26] : memref<2x128x128xf32, #tpu.memory_space<vmem>> -> memref<1x128x128xf32, #tpu.memory_space<vmem>>
      %dma_wait3A_28 = tpu.memref_squeeze %dma_wait3A_27 : memref<1x128x128xf32, #tpu.memory_space<vmem>> -> memref<128x128xf32, #tpu.memory_space<vmem>>
      %dma_wait3A_29 = arith.constant 0 : i32
      %dma_wait3A_30 = tpu.memref_slice %arg4[%arg0, %mul3A_24, %dma_wait3A_29] : memref<2x188416x128xf32, #tpu.memory_space<hbm>> -> memref<1x128x128xf32, #tpu.memory_space<hbm>>
      %dma_wait3A_31 = tpu.memref_squeeze %dma_wait3A_30 : memref<1x128x128xf32, #tpu.memory_space<hbm>> -> memref<128x128xf32, #tpu.memory_space<hbm>>
      %dma_wait3A_32 = arith.constant 0 : i32
      %dma_wait3A_33 = tpu.memref_slice %arg4[%arg0, %mul3A_24, %dma_wait3A_32] : memref<2x188416x128xf32, #tpu.memory_space<hbm>> -> memref<1x128x128xf32, #tpu.memory_space<hbm>>
      %dma_wait3A_34 = tpu.memref_squeeze %dma_wait3A_33 : memref<1x128x128xf32, #tpu.memory_space<hbm>> -> memref<128x128xf32, #tpu.memory_space<hbm>>
      %dma_wait3A_35 = arith.constant 0 : i32
      %dma_wait3A_36 = arith.constant 0 : i32
      %dma_wait3A_37 = tpu.memref_slice %arg6[%dma_wait3A, %dma_wait3A_35, %dma_wait3A_36] : memref<2x128x128xf32, #tpu.memory_space<vmem>> -> memref<1x128x128xf32, #tpu.memory_space<vmem>>
      %dma_wait3A_38 = tpu.memref_squeeze %dma_wait3A_37 : memref<1x128x128xf32, #tpu.memory_space<vmem>> -> memref<128x128xf32, #tpu.memory_space<vmem>>
      tpu.wait_dma2 semaphore(%arg10 : memref<!tpu.dma_semaphore, #tpu.memory_space<semaphore_mem>>) src(%dma_wait3A_38 : memref<128x128xf32, #tpu.memory_space<vmem>>) dst(%dma_wait3A_34 : memref<128x128xf32, #tpu.memory_space<hbm>>)
    }
    %scan3A_21 = arith.constant 2 : i32
    return
  }
}

#map = affine_map<(d0, d1) -> (0, 0, 0)>
#map1 = affine_map<(d0, d1) -> (0)>
module attributes {stable_mosaic.version = 14 : i64} {
  func.func @k(%arg0: i32, %arg1: i32, %arg2: memref<2x10240x128xf32, #tpu.memory_space<hbm>>, %arg3: memref<188416xi32, #tpu.memory_space<hbm>>, %arg4: memref<2x188416x128xf32, #tpu.memory_space<hbm>>, %arg5: memref<2x128xi32, #tpu.memory_space<vmem>>, %arg6: memref<2x128x128xf32, #tpu.memory_space<vmem>>, %arg7: memref<10240x128xf32, #tpu.memory_space<vmem_shared>>, %arg8: memref<!tpu.dma_semaphore, #tpu.memory_space<semaphore_mem>>, %arg9: memref<!tpu.dma_semaphore, #tpu.memory_space<semaphore_mem>>, %arg10: memref<!tpu.dma_semaphore, #tpu.memory_space<semaphore_mem>>) attributes {dimension_semantics = [#tpu.dimension_semantics<core_parallel>, #tpu.dimension_semantics<subcore_parallel>], iteration_bounds = array<i64: 2, 16>, scalar_prefetch = 0 : i64, scratch_operands = 6 : i64, tpu.core_type = #tpu.core_type<sc_vector_subcore>, window_params = [{transform_indices = #map}, {transform_indices = #map1}, {transform_indices = #map}]} {
    %mul3A = arith.constant 640 : i32
    %mul3A_0 = arith.muli %arg1, %mul3A : i32
    %scan3A = arith.constant 0 : i32
    %scan3A_1 = arith.constant 0 : i32
    %scan3A_2 = arith.constant 5 : i32
    %scan3A_3 = arith.addi %scan3A_1, %scan3A_2 : i32
    %scan3A_4 = arith.constant 1 : i32
    scf.for %scan3A_22 = %scan3A_1 to %scan3A_3 step %scan3A_4  : i32 {
      %mul3A_23 = arith.constant 128 : i32
      %mul3A_24 = arith.muli %scan3A_22, %mul3A_23 : i32
      %add3A = arith.addi %mul3A_0, %mul3A_24 : i32
      %run_scoped3A_25 = arith.constant 0 : i32
      "tpu.region"() ({
        %run_scoped3A_27 = tpu.sem_alloc : memref<!tpu.dma_semaphore, #tpu.memory_space<semaphore_mem>>
        %dma_start3A = arith.constant 0 : i32
        %dma_start3A_28 = arith.constant 0 : i32
        %dma_start3A_29 = tpu.memref_slice %arg6[%run_scoped3A_25, %dma_start3A, %dma_start3A_28] : memref<2x128x128xf32, #tpu.memory_space<vmem>> -> memref<1x128x128xf32, #tpu.memory_space<vmem>>
        %dma_start3A_30 = tpu.memref_squeeze %dma_start3A_29 : memref<1x128x128xf32, #tpu.memory_space<vmem>> -> memref<128x128xf32, #tpu.memory_space<vmem>>
        %dma_start3A_31 = arith.constant 0 : i32
        %dma_start3A_32 = tpu.memref_slice %arg2[%arg0, %add3A, %dma_start3A_31] : memref<2x10240x128xf32, #tpu.memory_space<hbm>> -> memref<1x128x128xf32, #tpu.memory_space<hbm>>
        %dma_start3A_33 = tpu.memref_squeeze %dma_start3A_32 : memref<1x128x128xf32, #tpu.memory_space<hbm>> -> memref<128x128xf32, #tpu.memory_space<hbm>>
        %dma_start3A_34 = arith.constant 0 : i32
        %dma_start3A_35 = arith.constant 0 : i32
        %dma_start3A_36 = tpu.memref_slice %arg6[%run_scoped3A_25, %dma_start3A_34, %dma_start3A_35] : memref<2x128x128xf32, #tpu.memory_space<vmem>> -> memref<1x128x128xf32, #tpu.memory_space<vmem>>
        %dma_start3A_37 = tpu.memref_squeeze %dma_start3A_36 : memref<1x128x128xf32, #tpu.memory_space<vmem>> -> memref<128x128xf32, #tpu.memory_space<vmem>>
        %dma_start3A_38 = arith.constant 0 : i32
        %dma_start3A_39 = tpu.memref_slice %arg2[%arg0, %add3A, %dma_start3A_38] : memref<2x10240x128xf32, #tpu.memory_space<hbm>> -> memref<1x128x128xf32, #tpu.memory_space<hbm>>
        %dma_start3A_40 = tpu.memref_squeeze %dma_start3A_39 : memref<1x128x128xf32, #tpu.memory_space<hbm>> -> memref<128x128xf32, #tpu.memory_space<hbm>>
        tpu.enqueue_dma source(%dma_start3A_40 : memref<128x128xf32, #tpu.memory_space<hbm>>) target(%dma_start3A_37 : memref<128x128xf32, #tpu.memory_space<vmem>>) target_semaphore(%run_scoped3A_27 : memref<!tpu.dma_semaphore, #tpu.memory_space<semaphore_mem>>)
        %dma_wait3A = arith.constant 0 : i32
        %dma_wait3A_41 = arith.constant 0 : i32
        %dma_wait3A_42 = tpu.memref_slice %arg6[%run_scoped3A_25, %dma_wait3A, %dma_wait3A_41] : memref<2x128x128xf32, #tpu.memory_space<vmem>> -> memref<1x128x128xf32, #tpu.memory_space<vmem>>
        %dma_wait3A_43 = tpu.memref_squeeze %dma_wait3A_42 : memref<1x128x128xf32, #tpu.memory_space<vmem>> -> memref<128x128xf32, #tpu.memory_space<vmem>>
        %dma_wait3A_44 = arith.constant 0 : i32
        %dma_wait3A_45 = tpu.memref_slice %arg2[%arg0, %add3A, %dma_wait3A_44] : memref<2x10240x128xf32, #tpu.memory_space<hbm>> -> memref<1x128x128xf32, #tpu.memory_space<hbm>>
        %dma_wait3A_46 = tpu.memref_squeeze %dma_wait3A_45 : memref<1x128x128xf32, #tpu.memory_space<hbm>> -> memref<128x128xf32, #tpu.memory_space<hbm>>
        %dma_wait3A_47 = arith.constant 0 : i32
        %dma_wait3A_48 = arith.constant 0 : i32
        %dma_wait3A_49 = tpu.memref_slice %arg6[%run_scoped3A_25, %dma_wait3A_47, %dma_wait3A_48] : memref<2x128x128xf32, #tpu.memory_space<vmem>> -> memref<1x128x128xf32, #tpu.memory_space<vmem>>
        %dma_wait3A_50 = tpu.memref_squeeze %dma_wait3A_49 : memref<1x128x128xf32, #tpu.memory_space<vmem>> -> memref<128x128xf32, #tpu.memory_space<vmem>>
        %dma_wait3A_51 = arith.constant 0 : i32
        %dma_wait3A_52 = tpu.memref_slice %arg2[%arg0, %add3A, %dma_wait3A_51] : memref<2x10240x128xf32, #tpu.memory_space<hbm>> -> memref<1x128x128xf32, #tpu.memory_space<hbm>>
        %dma_wait3A_53 = tpu.memref_squeeze %dma_wait3A_52 : memref<1x128x128xf32, #tpu.memory_space<hbm>> -> memref<128x128xf32, #tpu.memory_space<hbm>>
        tpu.wait_dma2 semaphore(%run_scoped3A_27 : memref<!tpu.dma_semaphore, #tpu.memory_space<semaphore_mem>>) src(%dma_wait3A_53 : memref<128x128xf32, #tpu.memory_space<hbm>>) dst(%dma_wait3A_50 : memref<128x128xf32, #tpu.memory_space<vmem>>)
        tpu.yield
      }) : () -> ()
      %run_scoped3A_26 = arith.constant 0 : i32
      "tpu.region"() ({
        %run_scoped3A_27 = tpu.sem_alloc : memref<!tpu.dma_semaphore, #tpu.memory_space<semaphore_mem>>
        %dma_start3A = arith.constant 0 : i32
        %dma_start3A_28 = arith.constant 0 : i32
        %dma_start3A_29 = tpu.memref_slice %arg6[%run_scoped3A_26, %dma_start3A, %dma_start3A_28] : memref<2x128x128xf32, #tpu.memory_space<vmem>> -> memref<1x128x128xf32, #tpu.memory_space<vmem>>
        %dma_start3A_30 = tpu.memref_squeeze %dma_start3A_29 : memref<1x128x128xf32, #tpu.memory_space<vmem>> -> memref<128x128xf32, #tpu.memory_space<vmem>>
        %dma_start3A_31 = arith.constant 0 : i32
        %dma_start3A_32 = tpu.memref_slice %arg7[%add3A, %dma_start3A_31] : memref<10240x128xf32, #tpu.memory_space<vmem_shared>> -> memref<128x128xf32, #tpu.memory_space<vmem_shared>>
        %dma_start3A_33 = arith.constant 0 : i32
        %dma_start3A_34 = tpu.memref_slice %arg7[%add3A, %dma_start3A_33] : memref<10240x128xf32, #tpu.memory_space<vmem_shared>> -> memref<128x128xf32, #tpu.memory_space<vmem_shared>>
        %dma_start3A_35 = arith.constant 0 : i32
        %dma_start3A_36 = arith.constant 0 : i32
        %dma_start3A_37 = tpu.memref_slice %arg6[%run_scoped3A_26, %dma_start3A_35, %dma_start3A_36] : memref<2x128x128xf32, #tpu.memory_space<vmem>> -> memref<1x128x128xf32, #tpu.memory_space<vmem>>
        %dma_start3A_38 = tpu.memref_squeeze %dma_start3A_37 : memref<1x128x128xf32, #tpu.memory_space<vmem>> -> memref<128x128xf32, #tpu.memory_space<vmem>>
        tpu.enqueue_dma source(%dma_start3A_38 : memref<128x128xf32, #tpu.memory_space<vmem>>) target(%dma_start3A_34 : memref<128x128xf32, #tpu.memory_space<vmem_shared>>) target_semaphore(%run_scoped3A_27 : memref<!tpu.dma_semaphore, #tpu.memory_space<semaphore_mem>>)
        %dma_wait3A = arith.constant 0 : i32
        %dma_wait3A_39 = arith.constant 0 : i32
        %dma_wait3A_40 = tpu.memref_slice %arg6[%run_scoped3A_26, %dma_wait3A, %dma_wait3A_39] : memref<2x128x128xf32, #tpu.memory_space<vmem>> -> memref<1x128x128xf32, #tpu.memory_space<vmem>>
        %dma_wait3A_41 = tpu.memref_squeeze %dma_wait3A_40 : memref<1x128x128xf32, #tpu.memory_space<vmem>> -> memref<128x128xf32, #tpu.memory_space<vmem>>
        %dma_wait3A_42 = arith.constant 0 : i32
        %dma_wait3A_43 = tpu.memref_slice %arg7[%add3A, %dma_wait3A_42] : memref<10240x128xf32, #tpu.memory_space<vmem_shared>> -> memref<128x128xf32, #tpu.memory_space<vmem_shared>>
        %dma_wait3A_44 = arith.constant 0 : i32
        %dma_wait3A_45 = tpu.memref_slice %arg7[%add3A, %dma_wait3A_44] : memref<10240x128xf32, #tpu.memory_space<vmem_shared>> -> memref<128x128xf32, #tpu.memory_space<vmem_shared>>
        %dma_wait3A_46 = arith.constant 0 : i32
        %dma_wait3A_47 = arith.constant 0 : i32
        %dma_wait3A_48 = tpu.memref_slice %arg6[%run_scoped3A_26, %dma_wait3A_46, %dma_wait3A_47] : memref<2x128x128xf32, #tpu.memory_space<vmem>> -> memref<1x128x128xf32, #tpu.memory_space<vmem>>
        %dma_wait3A_49 = tpu.memref_squeeze %dma_wait3A_48 : memref<1x128x128xf32, #tpu.memory_space<vmem>> -> memref<128x128xf32, #tpu.memory_space<vmem>>
        tpu.wait_dma2 semaphore(%run_scoped3A_27 : memref<!tpu.dma_semaphore, #tpu.memory_space<semaphore_mem>>) src(%dma_wait3A_49 : memref<128x128xf32, #tpu.memory_space<vmem>>) dst(%dma_wait3A_45 : memref<128x128xf32, #tpu.memory_space<vmem_shared>>)
        tpu.yield
      }) : () -> ()
    }
    %scan3A_5 = arith.constant 5 : i32
    %barrier3A = arith.constant 0 : index
    tpu.barrier barrier_id(%barrier3A)
    %mul3A_6 = arith.constant 92 : i32
    %mul3A_7 = arith.muli %arg1, %mul3A_6 : i32
    %mul3A_8 = arith.constant 128 : i32
    %mul3A_9 = arith.muli %mul3A_7, %mul3A_8 : i32
    %run_scoped3A = arith.constant 0 : i32
    "tpu.region"() ({
      %run_scoped3A_22 = tpu.sem_alloc : memref<!tpu.dma_semaphore, #tpu.memory_space<semaphore_mem>>
      %dma_start3A = arith.constant 0 : i32
      %dma_start3A_23 = tpu.memref_slice %arg5[%run_scoped3A, %dma_start3A] : memref<2x128xi32, #tpu.memory_space<vmem>> -> memref<1x128xi32, #tpu.memory_space<vmem>>
      %dma_start3A_24 = tpu.memref_squeeze %dma_start3A_23 : memref<1x128xi32, #tpu.memory_space<vmem>> -> memref<128xi32, #tpu.memory_space<vmem>>
      %dma_start3A_25 = tpu.memref_slice %arg3[%mul3A_9] : memref<188416xi32, #tpu.memory_space<hbm>> -> memref<128xi32, #tpu.memory_space<hbm>>
      %dma_start3A_26 = arith.constant 0 : i32
      %dma_start3A_27 = tpu.memref_slice %arg5[%run_scoped3A, %dma_start3A_26] : memref<2x128xi32, #tpu.memory_space<vmem>> -> memref<1x128xi32, #tpu.memory_space<vmem>>
      %dma_start3A_28 = tpu.memref_squeeze %dma_start3A_27 : memref<1x128xi32, #tpu.memory_space<vmem>> -> memref<128xi32, #tpu.memory_space<vmem>>
      %dma_start3A_29 = tpu.memref_slice %arg3[%mul3A_9] : memref<188416xi32, #tpu.memory_space<hbm>> -> memref<128xi32, #tpu.memory_space<hbm>>
      tpu.enqueue_dma source(%dma_start3A_29 : memref<128xi32, #tpu.memory_space<hbm>>) target(%dma_start3A_28 : memref<128xi32, #tpu.memory_space<vmem>>) target_semaphore(%run_scoped3A_22 : memref<!tpu.dma_semaphore, #tpu.memory_space<semaphore_mem>>)
      %dma_wait3A = arith.constant 0 : i32
      %dma_wait3A_30 = tpu.memref_slice %arg5[%run_scoped3A, %dma_wait3A] : memref<2x128xi32, #tpu.memory_space<vmem>> -> memref<1x128xi32, #tpu.memory_space<vmem>>
      %dma_wait3A_31 = tpu.memref_squeeze %dma_wait3A_30 : memref<1x128xi32, #tpu.memory_space<vmem>> -> memref<128xi32, #tpu.memory_space<vmem>>
      %dma_wait3A_32 = tpu.memref_slice %arg3[%mul3A_9] : memref<188416xi32, #tpu.memory_space<hbm>> -> memref<128xi32, #tpu.memory_space<hbm>>
      %dma_wait3A_33 = arith.constant 0 : i32
      %dma_wait3A_34 = tpu.memref_slice %arg5[%run_scoped3A, %dma_wait3A_33] : memref<2x128xi32, #tpu.memory_space<vmem>> -> memref<1x128xi32, #tpu.memory_space<vmem>>
      %dma_wait3A_35 = tpu.memref_squeeze %dma_wait3A_34 : memref<1x128xi32, #tpu.memory_space<vmem>> -> memref<128xi32, #tpu.memory_space<vmem>>
      %dma_wait3A_36 = tpu.memref_slice %arg3[%mul3A_9] : memref<188416xi32, #tpu.memory_space<hbm>> -> memref<128xi32, #tpu.memory_space<hbm>>
      tpu.wait_dma2 semaphore(%run_scoped3A_22 : memref<!tpu.dma_semaphore, #tpu.memory_space<semaphore_mem>>) src(%dma_wait3A_36 : memref<128xi32, #tpu.memory_space<hbm>>) dst(%dma_wait3A_35 : memref<128xi32, #tpu.memory_space<vmem>>)
      tpu.yield
    }) : () -> ()
    %scan3A_10 = arith.constant 0 : i32
    %scan3A_11 = arith.constant 0 : i32
    %scan3A_12 = arith.constant 92 : i32
    %scan3A_13 = arith.addi %scan3A_11, %scan3A_12 : i32
    %scan3A_14 = arith.constant 1 : i32
    scf.for %scan3A_22 = %scan3A_11 to %scan3A_13 step %scan3A_14  : i32 {
      %rem3A = arith.constant 2 : i32
      %rem3A_23 = arith.remsi %scan3A_22, %rem3A : i32
      %add3A = arith.addi %mul3A_7, %scan3A_22 : i32
      %mul3A_24 = arith.constant 128 : i32
      %mul3A_25 = arith.muli %add3A, %mul3A_24 : i32
      %ge3A = arith.constant 2 : i32
      %ge3A_26 = arith.cmpi sge, %scan3A_22, %ge3A : i32
      %convert_element_type3A = arith.extui %ge3A_26 : i1 to i32
      %cond3A = arith.constant 0 : i32
      %cond3A_27 = arith.cmpi ne, %convert_element_type3A, %cond3A : i32
      scf.if %cond3A_27 {
        %dma_wait3A_73 = arith.constant 0 : i32
        %dma_wait3A_74 = arith.constant 0 : i32
        %dma_wait3A_75 = tpu.memref_slice %arg6[%rem3A_23, %dma_wait3A_73, %dma_wait3A_74] : memref<2x128x128xf32, #tpu.memory_space<vmem>> -> memref<1x128x128xf32, #tpu.memory_space<vmem>>
        %dma_wait3A_76 = tpu.memref_squeeze %dma_wait3A_75 : memref<1x128x128xf32, #tpu.memory_space<vmem>> -> memref<128x128xf32, #tpu.memory_space<vmem>>
        %dma_wait3A_77 = arith.constant 0 : i32
        %dma_wait3A_78 = tpu.memref_slice %arg4[%arg0, %mul3A_25, %dma_wait3A_77] : memref<2x188416x128xf32, #tpu.memory_space<hbm>> -> memref<1x128x128xf32, #tpu.memory_space<hbm>>
        %dma_wait3A_79 = tpu.memref_squeeze %dma_wait3A_78 : memref<1x128x128xf32, #tpu.memory_space<hbm>> -> memref<128x128xf32, #tpu.memory_space<hbm>>
        %dma_wait3A_80 = arith.constant 0 : i32
        %dma_wait3A_81 = tpu.memref_slice %arg4[%arg0, %mul3A_25, %dma_wait3A_80] : memref<2x188416x128xf32, #tpu.memory_space<hbm>> -> memref<1x128x128xf32, #tpu.memory_space<hbm>>
        %dma_wait3A_82 = tpu.memref_squeeze %dma_wait3A_81 : memref<1x128x128xf32, #tpu.memory_space<hbm>> -> memref<128x128xf32, #tpu.memory_space<hbm>>
        %dma_wait3A_83 = arith.constant 0 : i32
        %dma_wait3A_84 = arith.constant 0 : i32
        %dma_wait3A_85 = tpu.memref_slice %arg6[%rem3A_23, %dma_wait3A_83, %dma_wait3A_84] : memref<2x128x128xf32, #tpu.memory_space<vmem>> -> memref<1x128x128xf32, #tpu.memory_space<vmem>>
        %dma_wait3A_86 = tpu.memref_squeeze %dma_wait3A_85 : memref<1x128x128xf32, #tpu.memory_space<vmem>> -> memref<128x128xf32, #tpu.memory_space<vmem>>
        tpu.wait_dma2 semaphore(%arg10 : memref<!tpu.dma_semaphore, #tpu.memory_space<semaphore_mem>>) src(%dma_wait3A_86 : memref<128x128xf32, #tpu.memory_space<vmem>>) dst(%dma_wait3A_82 : memref<128x128xf32, #tpu.memory_space<hbm>>)
      } else {
      }
      %add3A_28 = arith.constant 1 : i32
      %add3A_29 = arith.addi %scan3A_22, %add3A_28 : i32
      %lt3A = arith.constant 92 : i32
      %lt3A_30 = arith.cmpi slt, %add3A_29, %lt3A : i32
      %convert_element_type3A_31 = arith.extui %lt3A_30 : i1 to i32
      %cond3A_32 = arith.constant 0 : i32
      %cond3A_33 = arith.cmpi ne, %convert_element_type3A_31, %cond3A_32 : i32
      scf.if %cond3A_33 {
        %add3A_73 = arith.constant 128 : i32
        %add3A_74 = arith.addi %mul3A_25, %add3A_73 : i32
        %sub3A = arith.constant 1 : i32
        %sub3A_75 = arith.subi %sub3A, %rem3A_23 : i32
        %dma_start3A_76 = arith.constant 0 : i32
        %dma_start3A_77 = tpu.memref_slice %arg5[%sub3A_75, %dma_start3A_76] : memref<2x128xi32, #tpu.memory_space<vmem>> -> memref<1x128xi32, #tpu.memory_space<vmem>>
        %dma_start3A_78 = tpu.memref_squeeze %dma_start3A_77 : memref<1x128xi32, #tpu.memory_space<vmem>> -> memref<128xi32, #tpu.memory_space<vmem>>
        %dma_start3A_79 = tpu.memref_slice %arg3[%add3A_74] : memref<188416xi32, #tpu.memory_space<hbm>> -> memref<128xi32, #tpu.memory_space<hbm>>
        %dma_start3A_80 = arith.constant 0 : i32
        %dma_start3A_81 = tpu.memref_slice %arg5[%sub3A_75, %dma_start3A_80] : memref<2x128xi32, #tpu.memory_space<vmem>> -> memref<1x128xi32, #tpu.memory_space<vmem>>
        %dma_start3A_82 = tpu.memref_squeeze %dma_start3A_81 : memref<1x128xi32, #tpu.memory_space<vmem>> -> memref<128xi32, #tpu.memory_space<vmem>>
        %dma_start3A_83 = tpu.memref_slice %arg3[%add3A_74] : memref<188416xi32, #tpu.memory_space<hbm>> -> memref<128xi32, #tpu.memory_space<hbm>>
        tpu.enqueue_dma source(%dma_start3A_83 : memref<128xi32, #tpu.memory_space<hbm>>) target(%dma_start3A_82 : memref<128xi32, #tpu.memory_space<vmem>>) target_semaphore(%arg8 : memref<!tpu.dma_semaphore, #tpu.memory_space<semaphore_mem>>)
      } else {
      }
      %dma_start3A = arith.constant 0 : i32
      %dma_start3A_34 = arith.constant 0 : i32
      %dma_start3A_35 = tpu.memref_slice %arg6[%rem3A_23, %dma_start3A, %dma_start3A_34] : memref<2x128x128xf32, #tpu.memory_space<vmem>> -> memref<1x128x128xf32, #tpu.memory_space<vmem>>
      %dma_start3A_36 = tpu.memref_squeeze %dma_start3A_35 : memref<1x128x128xf32, #tpu.memory_space<vmem>> -> memref<128x128xf32, #tpu.memory_space<vmem>>
      %dma_start3A_37 = arith.constant 0 : i32
      %dma_start3A_38 = tpu.memref_slice %arg5[%rem3A_23, %dma_start3A_37] : memref<2x128xi32, #tpu.memory_space<vmem>> -> memref<1x128xi32, #tpu.memory_space<vmem>>
      %dma_start3A_39 = tpu.memref_squeeze %dma_start3A_38 : memref<1x128xi32, #tpu.memory_space<vmem>> -> memref<128xi32, #tpu.memory_space<vmem>>
      %dma_start3A_40 = arith.constant 0 : i32
      %dma_start3A_41 = arith.constant 0 : i32
      %dma_start3A_42 = tpu.memref_slice %arg7[%dma_start3A_40, %dma_start3A_41] : memref<10240x128xf32, #tpu.memory_space<vmem_shared>> -> memref<10240x128xf32, #tpu.memory_space<vmem_shared>>
      tpu.enqueue_indirect_dma source(%dma_start3A_42 : memref<10240x128xf32, #tpu.memory_space<vmem_shared>>) target(%dma_start3A_36 : memref<128x128xf32, #tpu.memory_space<vmem>>) offsets(%dma_start3A_39 : memref<128xi32, #tpu.memory_space<vmem>>) semaphore(%arg9 : memref<!tpu.dma_semaphore, #tpu.memory_space<semaphore_mem>>)
      %dma_wait3A = arith.constant 0 : i32
      %dma_wait3A_43 = arith.constant 0 : i32
      %dma_wait3A_44 = tpu.memref_slice %arg6[%rem3A_23, %dma_wait3A, %dma_wait3A_43] : memref<2x128x128xf32, #tpu.memory_space<vmem>> -> memref<1x128x128xf32, #tpu.memory_space<vmem>>
      %dma_wait3A_45 = tpu.memref_squeeze %dma_wait3A_44 : memref<1x128x128xf32, #tpu.memory_space<vmem>> -> memref<128x128xf32, #tpu.memory_space<vmem>>
      %dma_wait3A_46 = arith.constant 0 : i32
      %dma_wait3A_47 = tpu.memref_slice %arg5[%rem3A_23, %dma_wait3A_46] : memref<2x128xi32, #tpu.memory_space<vmem>> -> memref<1x128xi32, #tpu.memory_space<vmem>>
      %dma_wait3A_48 = tpu.memref_squeeze %dma_wait3A_47 : memref<1x128xi32, #tpu.memory_space<vmem>> -> memref<128xi32, #tpu.memory_space<vmem>>
      %dma_wait3A_49 = arith.constant 0 : i32
      %dma_wait3A_50 = arith.constant 0 : i32
      %dma_wait3A_51 = tpu.memref_slice %arg7[%dma_wait3A_49, %dma_wait3A_50] : memref<10240x128xf32, #tpu.memory_space<vmem_shared>> -> memref<10240x128xf32, #tpu.memory_space<vmem_shared>>
      tpu.wait_indirect_dma semaphore(%arg9 : memref<!tpu.dma_semaphore, #tpu.memory_space<semaphore_mem>>) src(%dma_wait3A_51 : memref<10240x128xf32, #tpu.memory_space<vmem_shared>>) dst(%dma_wait3A_45 : memref<128x128xf32, #tpu.memory_space<vmem>>)
      %dma_start3A_52 = arith.constant 0 : i32
      %dma_start3A_53 = arith.constant 0 : i32
      %dma_start3A_54 = tpu.memref_slice %arg6[%rem3A_23, %dma_start3A_52, %dma_start3A_53] : memref<2x128x128xf32, #tpu.memory_space<vmem>> -> memref<1x128x128xf32, #tpu.memory_space<vmem>>
      %dma_start3A_55 = tpu.memref_squeeze %dma_start3A_54 : memref<1x128x128xf32, #tpu.memory_space<vmem>> -> memref<128x128xf32, #tpu.memory_space<vmem>>
      %dma_start3A_56 = arith.constant 0 : i32
      %dma_start3A_57 = tpu.memref_slice %arg4[%arg0, %mul3A_25, %dma_start3A_56] : memref<2x188416x128xf32, #tpu.memory_space<hbm>> -> memref<1x128x128xf32, #tpu.memory_space<hbm>>
      %dma_start3A_58 = tpu.memref_squeeze %dma_start3A_57 : memref<1x128x128xf32, #tpu.memory_space<hbm>> -> memref<128x128xf32, #tpu.memory_space<hbm>>
      %dma_start3A_59 = arith.constant 0 : i32
      %dma_start3A_60 = tpu.memref_slice %arg4[%arg0, %mul3A_25, %dma_start3A_59] : memref<2x188416x128xf32, #tpu.memory_space<hbm>> -> memref<1x128x128xf32, #tpu.memory_space<hbm>>
      %dma_start3A_61 = tpu.memref_squeeze %dma_start3A_60 : memref<1x128x128xf32, #tpu.memory_space<hbm>> -> memref<128x128xf32, #tpu.memory_space<hbm>>
      %dma_start3A_62 = arith.constant 0 : i32
      %dma_start3A_63 = arith.constant 0 : i32
      %dma_start3A_64 = tpu.memref_slice %arg6[%rem3A_23, %dma_start3A_62, %dma_start3A_63] : memref<2x128x128xf32, #tpu.memory_space<vmem>> -> memref<1x128x128xf32, #tpu.memory_space<vmem>>
      %dma_start3A_65 = tpu.memref_squeeze %dma_start3A_64 : memref<1x128x128xf32, #tpu.memory_space<vmem>> -> memref<128x128xf32, #tpu.memory_space<vmem>>
      tpu.enqueue_dma source(%dma_start3A_65 : memref<128x128xf32, #tpu.memory_space<vmem>>) target(%dma_start3A_61 : memref<128x128xf32, #tpu.memory_space<hbm>>) target_semaphore(%arg10 : memref<!tpu.dma_semaphore, #tpu.memory_space<semaphore_mem>>)
      %add3A_66 = arith.constant 1 : i32
      %add3A_67 = arith.addi %scan3A_22, %add3A_66 : i32
      %lt3A_68 = arith.constant 92 : i32
      %lt3A_69 = arith.cmpi slt, %add3A_67, %lt3A_68 : i32
      %convert_element_type3A_70 = arith.extui %lt3A_69 : i1 to i32
      %cond3A_71 = arith.constant 0 : i32
      %cond3A_72 = arith.cmpi ne, %convert_element_type3A_70, %cond3A_71 : i32
      scf.if %cond3A_72 {
        %add3A_73 = arith.constant 128 : i32
        %add3A_74 = arith.addi %mul3A_25, %add3A_73 : i32
        %sub3A = arith.constant 1 : i32
        %sub3A_75 = arith.subi %sub3A, %rem3A_23 : i32
        %dma_wait3A_76 = arith.constant 0 : i32
        %dma_wait3A_77 = tpu.memref_slice %arg5[%sub3A_75, %dma_wait3A_76] : memref<2x128xi32, #tpu.memory_space<vmem>> -> memref<1x128xi32, #tpu.memory_space<vmem>>
        %dma_wait3A_78 = tpu.memref_squeeze %dma_wait3A_77 : memref<1x128xi32, #tpu.memory_space<vmem>> -> memref<128xi32, #tpu.memory_space<vmem>>
        %dma_wait3A_79 = tpu.memref_slice %arg3[%add3A_74] : memref<188416xi32, #tpu.memory_space<hbm>> -> memref<128xi32, #tpu.memory_space<hbm>>
        %dma_wait3A_80 = arith.constant 0 : i32
        %dma_wait3A_81 = tpu.memref_slice %arg5[%sub3A_75, %dma_wait3A_80] : memref<2x128xi32, #tpu.memory_space<vmem>> -> memref<1x128xi32, #tpu.memory_space<vmem>>
        %dma_wait3A_82 = tpu.memref_squeeze %dma_wait3A_81 : memref<1x128xi32, #tpu.memory_space<vmem>> -> memref<128xi32, #tpu.memory_space<vmem>>
        %dma_wait3A_83 = tpu.memref_slice %arg3[%add3A_74] : memref<188416xi32, #tpu.memory_space<hbm>> -> memref<128xi32, #tpu.memory_space<hbm>>
        tpu.wait_dma2 semaphore(%arg8 : memref<!tpu.dma_semaphore, #tpu.memory_space<semaphore_mem>>) src(%dma_wait3A_83 : memref<128xi32, #tpu.memory_space<hbm>>) dst(%dma_wait3A_82 : memref<128xi32, #tpu.memory_space<vmem>>)
      } else {
      }
    }
    %scan3A_15 = arith.constant 92 : i32
    %scan3A_16 = arith.constant 0 : i32
    %scan3A_17 = arith.constant 0 : i32
    %scan3A_18 = arith.constant 2 : i32
    %scan3A_19 = arith.addi %scan3A_17, %scan3A_18 : i32
    %scan3A_20 = arith.constant 1 : i32
    scf.for %scan3A_22 = %scan3A_17 to %scan3A_19 step %scan3A_20  : i32 {
      %mul3A_23 = arith.constant 128 : i32
      %mul3A_24 = arith.muli %mul3A_7, %mul3A_23 : i32
      %dma_wait3A = arith.constant 0 : i32
      %dma_wait3A_25 = arith.constant 0 : i32
      %dma_wait3A_26 = arith.constant 0 : i32
      %dma_wait3A_27 = tpu.memref_slice %arg6[%dma_wait3A, %dma_wait3A_25, %dma_wait3A_26] : memref<2x128x128xf32, #tpu.memory_space<vmem>> -> memref<1x128x128xf32, #tpu.memory_space<vmem>>
      %dma_wait3A_28 = tpu.memref_squeeze %dma_wait3A_27 : memref<1x128x128xf32, #tpu.memory_space<vmem>> -> memref<128x128xf32, #tpu.memory_space<vmem>>
      %dma_wait3A_29 = arith.constant 0 : i32
      %dma_wait3A_30 = tpu.memref_slice %arg4[%arg0, %mul3A_24, %dma_wait3A_29] : memref<2x188416x128xf32, #tpu.memory_space<hbm>> -> memref<1x128x128xf32, #tpu.memory_space<hbm>>
      %dma_wait3A_31 = tpu.memref_squeeze %dma_wait3A_30 : memref<1x128x128xf32, #tpu.memory_space<hbm>> -> memref<128x128xf32, #tpu.memory_space<hbm>>
      %dma_wait3A_32 = arith.constant 0 : i32
      %dma_wait3A_33 = tpu.memref_slice %arg4[%arg0, %mul3A_24, %dma_wait3A_32] : memref<2x188416x128xf32, #tpu.memory_space<hbm>> -> memref<1x128x128xf32, #tpu.memory_space<hbm>>
      %dma_wait3A_34 = tpu.memref_squeeze %dma_wait3A_33 : memref<1x128x128xf32, #tpu.memory_space<hbm>> -> memref<128x128xf32, #tpu.memory_space<hbm>>
      %dma_wait3A_35 = arith.constant 0 : i32
      %dma_wait3A_36 = arith.constant 0 : i32
      %dma_wait3A_37 = tpu.memref_slice %arg6[%dma_wait3A, %dma_wait3A_35, %dma_wait3A_36] : memref<2x128x128xf32, #tpu.memory_space<vmem>> -> memref<1x128x128xf32, #tpu.memory_space<vmem>>
      %dma_wait3A_38 = tpu.memref_squeeze %dma_wait3A_37 : memref<1x128x128xf32, #tpu.memory_space<vmem>> -> memref<128x128xf32, #tpu.memory_space<vmem>>
      tpu.wait_dma2 semaphore(%arg10 : memref<!tpu.dma_semaphore, #tpu.memory_space<semaphore_mem>>) src(%dma_wait3A_38 : memref<128x128xf32, #tpu.memory_space<vmem>>) dst(%dma_wait3A_34 : memref<128x128xf32, #tpu.memory_space<hbm>>)
    }
    %scan3A_21 = arith.constant 2 : i32
    return
  }
}

#map = affine_map<(d0, d1) -> (0, 0, 0)>
#map1 = affine_map<(d0, d1) -> (0)>
#map2 = affine_map<(d0, d1) -> (0, 0)>
module attributes {stable_mosaic.version = 14 : i64} {
  func.func @k(%arg0: i32, %arg1: i32, %arg2: memref<2x188416x128xf32, #tpu.memory_space<hbm>>, %arg3: memref<188416xi32, #tpu.memory_space<hbm>>, %arg4: memref<128x128xf32, #tpu.memory_space<hbm>>, %arg5: memref<2x10240x128xf32, #tpu.memory_space<hbm>>, %arg6: memref<2x128xi32, #tpu.memory_space<vmem>>, %arg7: memref<2x128x128xf32, #tpu.memory_space<vmem>>, %arg8: memref<10240x128xf32, #tpu.memory_space<vmem_shared>>, %arg9: memref<!tpu.dma_semaphore, #tpu.memory_space<semaphore_mem>>, %arg10: memref<!tpu.dma_semaphore, #tpu.memory_space<semaphore_mem>>) attributes {dimension_semantics = [#tpu.dimension_semantics<core_parallel>, #tpu.dimension_semantics<subcore_parallel>], iteration_bounds = array<i64: 2, 16>, scalar_prefetch = 0 : i64, scratch_operands = 5 : i64, tpu.core_type = #tpu.core_type<sc_vector_subcore>, window_params = [{transform_indices = #map}, {transform_indices = #map1}, {transform_indices = #map2}, {transform_indices = #map}]} {
    %mul3A = arith.constant 640 : i32
    %mul3A_0 = arith.muli %arg1, %mul3A : i32
    %run_scoped3A = arith.constant 0 : i32
    "tpu.region"() ({
      %run_scoped3A_27 = tpu.sem_alloc : memref<!tpu.dma_semaphore, #tpu.memory_space<semaphore_mem>>
      %dma_start3A = arith.constant 0 : i32
      %dma_start3A_28 = arith.constant 0 : i32
      %dma_start3A_29 = tpu.memref_slice %arg7[%run_scoped3A, %dma_start3A, %dma_start3A_28] : memref<2x128x128xf32, #tpu.memory_space<vmem>> -> memref<1x128x128xf32, #tpu.memory_space<vmem>>
      %dma_start3A_30 = tpu.memref_squeeze %dma_start3A_29 : memref<1x128x128xf32, #tpu.memory_space<vmem>> -> memref<128x128xf32, #tpu.memory_space<vmem>>
      %dma_start3A_31 = arith.constant 0 : i32
      %dma_start3A_32 = arith.constant 0 : i32
      %dma_start3A_33 = tpu.memref_slice %arg7[%run_scoped3A, %dma_start3A_31, %dma_start3A_32] : memref<2x128x128xf32, #tpu.memory_space<vmem>> -> memref<1x128x128xf32, #tpu.memory_space<vmem>>
      %dma_start3A_34 = tpu.memref_squeeze %dma_start3A_33 : memref<1x128x128xf32, #tpu.memory_space<vmem>> -> memref<128x128xf32, #tpu.memory_space<vmem>>
      tpu.enqueue_dma source(%arg4 : memref<128x128xf32, #tpu.memory_space<hbm>>) target(%dma_start3A_34 : memref<128x128xf32, #tpu.memory_space<vmem>>) target_semaphore(%run_scoped3A_27 : memref<!tpu.dma_semaphore, #tpu.memory_space<semaphore_mem>>)
      %dma_wait3A = arith.constant 0 : i32
      %dma_wait3A_35 = arith.constant 0 : i32
      %dma_wait3A_36 = tpu.memref_slice %arg7[%run_scoped3A, %dma_wait3A, %dma_wait3A_35] : memref<2x128x128xf32, #tpu.memory_space<vmem>> -> memref<1x128x128xf32, #tpu.memory_space<vmem>>
      %dma_wait3A_37 = tpu.memref_squeeze %dma_wait3A_36 : memref<1x128x128xf32, #tpu.memory_space<vmem>> -> memref<128x128xf32, #tpu.memory_space<vmem>>
      %dma_wait3A_38 = arith.constant 0 : i32
      %dma_wait3A_39 = arith.constant 0 : i32
      %dma_wait3A_40 = tpu.memref_slice %arg7[%run_scoped3A, %dma_wait3A_38, %dma_wait3A_39] : memref<2x128x128xf32, #tpu.memory_space<vmem>> -> memref<1x128x128xf32, #tpu.memory_space<vmem>>
      %dma_wait3A_41 = tpu.memref_squeeze %dma_wait3A_40 : memref<1x128x128xf32, #tpu.memory_space<vmem>> -> memref<128x128xf32, #tpu.memory_space<vmem>>
      tpu.wait_dma2 semaphore(%run_scoped3A_27 : memref<!tpu.dma_semaphore, #tpu.memory_space<semaphore_mem>>) src(%arg4 : memref<128x128xf32, #tpu.memory_space<hbm>>) dst(%dma_wait3A_41 : memref<128x128xf32, #tpu.memory_space<vmem>>)
      tpu.yield
    }) : () -> ()
    %scan3A = arith.constant 0 : i32
    %scan3A_1 = arith.constant 0 : i32
    %scan3A_2 = arith.constant 5 : i32
    %scan3A_3 = arith.addi %scan3A_1, %scan3A_2 : i32
    %scan3A_4 = arith.constant 1 : i32
    scf.for %scan3A_27 = %scan3A_1 to %scan3A_3 step %scan3A_4  : i32 {
      %mul3A_28 = arith.constant 128 : i32
      %mul3A_29 = arith.muli %scan3A_27, %mul3A_28 : i32
      %add3A = arith.addi %mul3A_0, %mul3A_29 : i32
      %run_scoped3A_30 = arith.constant 0 : i32
      "tpu.region"() ({
        %run_scoped3A_31 = tpu.sem_alloc : memref<!tpu.dma_semaphore, #tpu.memory_space<semaphore_mem>>
        %dma_start3A = arith.constant 0 : i32
        %dma_start3A_32 = arith.constant 0 : i32
        %dma_start3A_33 = tpu.memref_slice %arg7[%run_scoped3A_30, %dma_start3A, %dma_start3A_32] : memref<2x128x128xf32, #tpu.memory_space<vmem>> -> memref<1x128x128xf32, #tpu.memory_space<vmem>>
        %dma_start3A_34 = tpu.memref_squeeze %dma_start3A_33 : memref<1x128x128xf32, #tpu.memory_space<vmem>> -> memref<128x128xf32, #tpu.memory_space<vmem>>
        %dma_start3A_35 = arith.constant 0 : i32
        %dma_start3A_36 = tpu.memref_slice %arg8[%add3A, %dma_start3A_35] : memref<10240x128xf32, #tpu.memory_space<vmem_shared>> -> memref<128x128xf32, #tpu.memory_space<vmem_shared>>
        %dma_start3A_37 = arith.constant 0 : i32
        %dma_start3A_38 = tpu.memref_slice %arg8[%add3A, %dma_start3A_37] : memref<10240x128xf32, #tpu.memory_space<vmem_shared>> -> memref<128x128xf32, #tpu.memory_space<vmem_shared>>
        %dma_start3A_39 = arith.constant 0 : i32
        %dma_start3A_40 = arith.constant 0 : i32
        %dma_start3A_41 = tpu.memref_slice %arg7[%run_scoped3A_30, %dma_start3A_39, %dma_start3A_40] : memref<2x128x128xf32, #tpu.memory_space<vmem>> -> memref<1x128x128xf32, #tpu.memory_space<vmem>>
        %dma_start3A_42 = tpu.memref_squeeze %dma_start3A_41 : memref<1x128x128xf32, #tpu.memory_space<vmem>> -> memref<128x128xf32, #tpu.memory_space<vmem>>
        tpu.enqueue_dma source(%dma_start3A_42 : memref<128x128xf32, #tpu.memory_space<vmem>>) target(%dma_start3A_38 : memref<128x128xf32, #tpu.memory_space<vmem_shared>>) target_semaphore(%run_scoped3A_31 : memref<!tpu.dma_semaphore, #tpu.memory_space<semaphore_mem>>)
        %dma_wait3A = arith.constant 0 : i32
        %dma_wait3A_43 = arith.constant 0 : i32
        %dma_wait3A_44 = tpu.memref_slice %arg7[%run_scoped3A_30, %dma_wait3A, %dma_wait3A_43] : memref<2x128x128xf32, #tpu.memory_space<vmem>> -> memref<1x128x128xf32, #tpu.memory_space<vmem>>
        %dma_wait3A_45 = tpu.memref_squeeze %dma_wait3A_44 : memref<1x128x128xf32, #tpu.memory_space<vmem>> -> memref<128x128xf32, #tpu.memory_space<vmem>>
        %dma_wait3A_46 = arith.constant 0 : i32
        %dma_wait3A_47 = tpu.memref_slice %arg8[%add3A, %dma_wait3A_46] : memref<10240x128xf32, #tpu.memory_space<vmem_shared>> -> memref<128x128xf32, #tpu.memory_space<vmem_shared>>
        %dma_wait3A_48 = arith.constant 0 : i32
        %dma_wait3A_49 = tpu.memref_slice %arg8[%add3A, %dma_wait3A_48] : memref<10240x128xf32, #tpu.memory_space<vmem_shared>> -> memref<128x128xf32, #tpu.memory_space<vmem_shared>>
        %dma_wait3A_50 = arith.constant 0 : i32
        %dma_wait3A_51 = arith.constant 0 : i32
        %dma_wait3A_52 = tpu.memref_slice %arg7[%run_scoped3A_30, %dma_wait3A_50, %dma_wait3A_51] : memref<2x128x128xf32, #tpu.memory_space<vmem>> -> memref<1x128x128xf32, #tpu.memory_space<vmem>>
        %dma_wait3A_53 = tpu.memref_squeeze %dma_wait3A_52 : memref<1x128x128xf32, #tpu.memory_space<vmem>> -> memref<128x128xf32, #tpu.memory_space<vmem>>
        tpu.wait_dma2 semaphore(%run_scoped3A_31 : memref<!tpu.dma_semaphore, #tpu.memory_space<semaphore_mem>>) src(%dma_wait3A_53 : memref<128x128xf32, #tpu.memory_space<vmem>>) dst(%dma_wait3A_49 : memref<128x128xf32, #tpu.memory_space<vmem_shared>>)
        tpu.yield
      }) : () -> ()
    }
    %scan3A_5 = arith.constant 5 : i32
    %barrier3A = arith.constant 0 : index
    tpu.barrier barrier_id(%barrier3A)
    %mul3A_6 = arith.constant 92 : i32
    %mul3A_7 = arith.muli %arg1, %mul3A_6 : i32
    %mul3A_8 = arith.constant 128 : i32
    %mul3A_9 = arith.muli %mul3A_7, %mul3A_8 : i32
    %run_scoped3A_10 = arith.constant 0 : i32
    "tpu.region"() ({
      %run_scoped3A_27 = tpu.sem_alloc : memref<!tpu.dma_semaphore, #tpu.memory_space<semaphore_mem>>
      %dma_start3A = arith.constant 0 : i32
      %dma_start3A_28 = tpu.memref_slice %arg6[%run_scoped3A_10, %dma_start3A] : memref<2x128xi32, #tpu.memory_space<vmem>> -> memref<1x128xi32, #tpu.memory_space<vmem>>
      %dma_start3A_29 = tpu.memref_squeeze %dma_start3A_28 : memref<1x128xi32, #tpu.memory_space<vmem>> -> memref<128xi32, #tpu.memory_space<vmem>>
      %dma_start3A_30 = tpu.memref_slice %arg3[%mul3A_9] : memref<188416xi32, #tpu.memory_space<hbm>> -> memref<128xi32, #tpu.memory_space<hbm>>
      %dma_start3A_31 = arith.constant 0 : i32
      %dma_start3A_32 = tpu.memref_slice %arg6[%run_scoped3A_10, %dma_start3A_31] : memref<2x128xi32, #tpu.memory_space<vmem>> -> memref<1x128xi32, #tpu.memory_space<vmem>>
      %dma_start3A_33 = tpu.memref_squeeze %dma_start3A_32 : memref<1x128xi32, #tpu.memory_space<vmem>> -> memref<128xi32, #tpu.memory_space<vmem>>
      %dma_start3A_34 = tpu.memref_slice %arg3[%mul3A_9] : memref<188416xi32, #tpu.memory_space<hbm>> -> memref<128xi32, #tpu.memory_space<hbm>>
      tpu.enqueue_dma source(%dma_start3A_34 : memref<128xi32, #tpu.memory_space<hbm>>) target(%dma_start3A_33 : memref<128xi32, #tpu.memory_space<vmem>>) target_semaphore(%run_scoped3A_27 : memref<!tpu.dma_semaphore, #tpu.memory_space<semaphore_mem>>)
      %dma_wait3A = arith.constant 0 : i32
      %dma_wait3A_35 = tpu.memref_slice %arg6[%run_scoped3A_10, %dma_wait3A] : memref<2x128xi32, #tpu.memory_space<vmem>> -> memref<1x128xi32, #tpu.memory_space<vmem>>
      %dma_wait3A_36 = tpu.memref_squeeze %dma_wait3A_35 : memref<1x128xi32, #tpu.memory_space<vmem>> -> memref<128xi32, #tpu.memory_space<vmem>>
      %dma_wait3A_37 = tpu.memref_slice %arg3[%mul3A_9] : memref<188416xi32, #tpu.memory_space<hbm>> -> memref<128xi32, #tpu.memory_space<hbm>>
      %dma_wait3A_38 = arith.constant 0 : i32
      %dma_wait3A_39 = tpu.memref_slice %arg6[%run_scoped3A_10, %dma_wait3A_38] : memref<2x128xi32, #tpu.memory_space<vmem>> -> memref<1x128xi32, #tpu.memory_space<vmem>>
      %dma_wait3A_40 = tpu.memref_squeeze %dma_wait3A_39 : memref<1x128xi32, #tpu.memory_space<vmem>> -> memref<128xi32, #tpu.memory_space<vmem>>
      %dma_wait3A_41 = tpu.memref_slice %arg3[%mul3A_9] : memref<188416xi32, #tpu.memory_space<hbm>> -> memref<128xi32, #tpu.memory_space<hbm>>
      tpu.wait_dma2 semaphore(%run_scoped3A_27 : memref<!tpu.dma_semaphore, #tpu.memory_space<semaphore_mem>>) src(%dma_wait3A_41 : memref<128xi32, #tpu.memory_space<hbm>>) dst(%dma_wait3A_40 : memref<128xi32, #tpu.memory_space<vmem>>)
      tpu.yield
    }) : () -> ()
    %mul3A_11 = arith.constant 128 : i32
    %mul3A_12 = arith.muli %mul3A_7, %mul3A_11 : i32
    %run_scoped3A_13 = arith.constant 0 : i32
    "tpu.region"() ({
      %run_scoped3A_27 = tpu.sem_alloc : memref<!tpu.dma_semaphore, #tpu.memory_space<semaphore_mem>>
      %dma_start3A = arith.constant 0 : i32
      %dma_start3A_28 = arith.constant 0 : i32
      %dma_start3A_29 = tpu.memref_slice %arg7[%run_scoped3A_13, %dma_start3A, %dma_start3A_28] : memref<2x128x128xf32, #tpu.memory_space<vmem>> -> memref<1x128x128xf32, #tpu.memory_space<vmem>>
      %dma_start3A_30 = tpu.memref_squeeze %dma_start3A_29 : memref<1x128x128xf32, #tpu.memory_space<vmem>> -> memref<128x128xf32, #tpu.memory_space<vmem>>
      %dma_start3A_31 = arith.constant 0 : i32
      %dma_start3A_32 = tpu.memref_slice %arg2[%arg0, %mul3A_12, %dma_start3A_31] : memref<2x188416x128xf32, #tpu.memory_space<hbm>> -> memref<1x128x128xf32, #tpu.memory_space<hbm>>
      %dma_start3A_33 = tpu.memref_squeeze %dma_start3A_32 : memref<1x128x128xf32, #tpu.memory_space<hbm>> -> memref<128x128xf32, #tpu.memory_space<hbm>>
      %dma_start3A_34 = arith.constant 0 : i32
      %dma_start3A_35 = arith.constant 0 : i32
      %dma_start3A_36 = tpu.memref_slice %arg7[%run_scoped3A_13, %dma_start3A_34, %dma_start3A_35] : memref<2x128x128xf32, #tpu.memory_space<vmem>> -> memref<1x128x128xf32, #tpu.memory_space<vmem>>
      %dma_start3A_37 = tpu.memref_squeeze %dma_start3A_36 : memref<1x128x128xf32, #tpu.memory_space<vmem>> -> memref<128x128xf32, #tpu.memory_space<vmem>>
      %dma_start3A_38 = arith.constant 0 : i32
      %dma_start3A_39 = tpu.memref_slice %arg2[%arg0, %mul3A_12, %dma_start3A_38] : memref<2x188416x128xf32, #tpu.memory_space<hbm>> -> memref<1x128x128xf32, #tpu.memory_space<hbm>>
      %dma_start3A_40 = tpu.memref_squeeze %dma_start3A_39 : memref<1x128x128xf32, #tpu.memory_space<hbm>> -> memref<128x128xf32, #tpu.memory_space<hbm>>
      tpu.enqueue_dma source(%dma_start3A_40 : memref<128x128xf32, #tpu.memory_space<hbm>>) target(%dma_start3A_37 : memref<128x128xf32, #tpu.memory_space<vmem>>) target_semaphore(%run_scoped3A_27 : memref<!tpu.dma_semaphore, #tpu.memory_space<semaphore_mem>>)
      %dma_wait3A = arith.constant 0 : i32
      %dma_wait3A_41 = arith.constant 0 : i32
      %dma_wait3A_42 = tpu.memref_slice %arg7[%run_scoped3A_13, %dma_wait3A, %dma_wait3A_41] : memref<2x128x128xf32, #tpu.memory_space<vmem>> -> memref<1x128x128xf32, #tpu.memory_space<vmem>>
      %dma_wait3A_43 = tpu.memref_squeeze %dma_wait3A_42 : memref<1x128x128xf32, #tpu.memory_space<vmem>> -> memref<128x128xf32, #tpu.memory_space<vmem>>
      %dma_wait3A_44 = arith.constant 0 : i32
      %dma_wait3A_45 = tpu.memref_slice %arg2[%arg0, %mul3A_12, %dma_wait3A_44] : memref<2x188416x128xf32, #tpu.memory_space<hbm>> -> memref<1x128x128xf32, #tpu.memory_space<hbm>>
      %dma_wait3A_46 = tpu.memref_squeeze %dma_wait3A_45 : memref<1x128x128xf32, #tpu.memory_space<hbm>> -> memref<128x128xf32, #tpu.memory_space<hbm>>
      %dma_wait3A_47 = arith.constant 0 : i32
      %dma_wait3A_48 = arith.constant 0 : i32
      %dma_wait3A_49 = tpu.memref_slice %arg7[%run_scoped3A_13, %dma_wait3A_47, %dma_wait3A_48] : memref<2x128x128xf32, #tpu.memory_space<vmem>> -> memref<1x128x128xf32, #tpu.memory_space<vmem>>
      %dma_wait3A_50 = tpu.memref_squeeze %dma_wait3A_49 : memref<1x128x128xf32, #tpu.memory_space<vmem>> -> memref<128x128xf32, #tpu.memory_space<vmem>>
      %dma_wait3A_51 = arith.constant 0 : i32
      %dma_wait3A_52 = tpu.memref_slice %arg2[%arg0, %mul3A_12, %dma_wait3A_51] : memref<2x188416x128xf32, #tpu.memory_space<hbm>> -> memref<1x128x128xf32, #tpu.memory_space<hbm>>
      %dma_wait3A_53 = tpu.memref_squeeze %dma_wait3A_52 : memref<1x128x128xf32, #tpu.memory_space<hbm>> -> memref<128x128xf32, #tpu.memory_space<hbm>>
      tpu.wait_dma2 semaphore(%run_scoped3A_27 : memref<!tpu.dma_semaphore, #tpu.memory_space<semaphore_mem>>) src(%dma_wait3A_53 : memref<128x128xf32, #tpu.memory_space<hbm>>) dst(%dma_wait3A_50 : memref<128x128xf32, #tpu.memory_space<vmem>>)
      tpu.yield
    }) : () -> ()
    %scan3A_14 = arith.constant 0 : i32
    %scan3A_15 = arith.constant 0 : i32
    %scan3A_16 = arith.constant 92 : i32
    %scan3A_17 = arith.addi %scan3A_15, %scan3A_16 : i32
    %scan3A_18 = arith.constant 1 : i32
    scf.for %scan3A_27 = %scan3A_15 to %scan3A_17 step %scan3A_18  : i32 {
      %rem3A = arith.constant 2 : i32
      %rem3A_28 = arith.remsi %scan3A_27, %rem3A : i32
      %add3A = arith.addi %mul3A_7, %scan3A_27 : i32
      %mul3A_29 = arith.constant 128 : i32
      %mul3A_30 = arith.muli %add3A, %mul3A_29 : i32
      %add3A_31 = arith.constant 1 : i32
      %add3A_32 = arith.addi %scan3A_27, %add3A_31 : i32
      %lt3A = arith.constant 92 : i32
      %lt3A_33 = arith.cmpi slt, %add3A_32, %lt3A : i32
      %convert_element_type3A = arith.extui %lt3A_33 : i1 to i32
      %cond3A = arith.constant 0 : i32
      %cond3A_34 = arith.cmpi ne, %convert_element_type3A, %cond3A : i32
      scf.if %cond3A_34 {
        %add3A_42 = arith.constant 128 : i32
        %add3A_43 = arith.addi %mul3A_30, %add3A_42 : i32
        %sub3A = arith.constant 1 : i32
        %sub3A_44 = arith.subi %sub3A, %rem3A_28 : i32
        %dma_start3A = arith.constant 0 : i32
        %dma_start3A_45 = tpu.memref_slice %arg6[%sub3A_44, %dma_start3A] : memref<2x128xi32, #tpu.memory_space<vmem>> -> memref<1x128xi32, #tpu.memory_space<vmem>>
        %dma_start3A_46 = tpu.memref_squeeze %dma_start3A_45 : memref<1x128xi32, #tpu.memory_space<vmem>> -> memref<128xi32, #tpu.memory_space<vmem>>
        %dma_start3A_47 = tpu.memref_slice %arg3[%add3A_43] : memref<188416xi32, #tpu.memory_space<hbm>> -> memref<128xi32, #tpu.memory_space<hbm>>
        %dma_start3A_48 = arith.constant 0 : i32
        %dma_start3A_49 = tpu.memref_slice %arg6[%sub3A_44, %dma_start3A_48] : memref<2x128xi32, #tpu.memory_space<vmem>> -> memref<1x128xi32, #tpu.memory_space<vmem>>
        %dma_start3A_50 = tpu.memref_squeeze %dma_start3A_49 : memref<1x128xi32, #tpu.memory_space<vmem>> -> memref<128xi32, #tpu.memory_space<vmem>>
        %dma_start3A_51 = tpu.memref_slice %arg3[%add3A_43] : memref<188416xi32, #tpu.memory_space<hbm>> -> memref<128xi32, #tpu.memory_space<hbm>>
        tpu.enqueue_dma source(%dma_start3A_51 : memref<128xi32, #tpu.memory_space<hbm>>) target(%dma_start3A_50 : memref<128xi32, #tpu.memory_space<vmem>>) target_semaphore(%arg9 : memref<!tpu.dma_semaphore, #tpu.memory_space<semaphore_mem>>)
        %add3A_52 = arith.constant 128 : i32
        %add3A_53 = arith.addi %mul3A_30, %add3A_52 : i32
        %sub3A_54 = arith.constant 1 : i32
        %sub3A_55 = arith.subi %sub3A_54, %rem3A_28 : i32
        %dma_start3A_56 = arith.constant 0 : i32
        %dma_start3A_57 = arith.constant 0 : i32
        %dma_start3A_58 = tpu.memref_slice %arg7[%sub3A_55, %dma_start3A_56, %dma_start3A_57] : memref<2x128x128xf32, #tpu.memory_space<vmem>> -> memref<1x128x128xf32, #tpu.memory_space<vmem>>
        %dma_start3A_59 = tpu.memref_squeeze %dma_start3A_58 : memref<1x128x128xf32, #tpu.memory_space<vmem>> -> memref<128x128xf32, #tpu.memory_space<vmem>>
        %dma_start3A_60 = arith.constant 0 : i32
        %dma_start3A_61 = tpu.memref_slice %arg2[%arg0, %add3A_53, %dma_start3A_60] : memref<2x188416x128xf32, #tpu.memory_space<hbm>> -> memref<1x128x128xf32, #tpu.memory_space<hbm>>
        %dma_start3A_62 = tpu.memref_squeeze %dma_start3A_61 : memref<1x128x128xf32, #tpu.memory_space<hbm>> -> memref<128x128xf32, #tpu.memory_space<hbm>>
        %dma_start3A_63 = arith.constant 0 : i32
        %dma_start3A_64 = arith.constant 0 : i32
        %dma_start3A_65 = tpu.memref_slice %arg7[%sub3A_55, %dma_start3A_63, %dma_start3A_64] : memref<2x128x128xf32, #tpu.memory_space<vmem>> -> memref<1x128x128xf32, #tpu.memory_space<vmem>>
        %dma_start3A_66 = tpu.memref_squeeze %dma_start3A_65 : memref<1x128x128xf32, #tpu.memory_space<vmem>> -> memref<128x128xf32, #tpu.memory_space<vmem>>
        %dma_start3A_67 = arith.constant 0 : i32
        %dma_start3A_68 = tpu.memref_slice %arg2[%arg0, %add3A_53, %dma_start3A_67] : memref<2x188416x128xf32, #tpu.memory_space<hbm>> -> memref<1x128x128xf32, #tpu.memory_space<hbm>>
        %dma_start3A_69 = tpu.memref_squeeze %dma_start3A_68 : memref<1x128x128xf32, #tpu.memory_space<hbm>> -> memref<128x128xf32, #tpu.memory_space<hbm>>
        tpu.enqueue_dma source(%dma_start3A_69 : memref<128x128xf32, #tpu.memory_space<hbm>>) target(%dma_start3A_66 : memref<128x128xf32, #tpu.memory_space<vmem>>) target_semaphore(%arg10 : memref<!tpu.dma_semaphore, #tpu.memory_space<semaphore_mem>>)
      } else {
      }
      "tpu.region"() ({
        %run_scoped3A_42 = tpu.sem_alloc : memref<!tpu.dma_semaphore, #tpu.memory_space<semaphore_mem>>
        %dma_start3A = arith.constant 0 : i32
        %dma_start3A_43 = arith.constant 0 : i32
        %dma_start3A_44 = tpu.memref_slice %arg7[%rem3A_28, %dma_start3A, %dma_start3A_43] : memref<2x128x128xf32, #tpu.memory_space<vmem>> -> memref<1x128x128xf32, #tpu.memory_space<vmem>>
        %dma_start3A_45 = tpu.memref_squeeze %dma_start3A_44 : memref<1x128x128xf32, #tpu.memory_space<vmem>> -> memref<128x128xf32, #tpu.memory_space<vmem>>
        %dma_start3A_46 = arith.constant 0 : i32
        %dma_start3A_47 = tpu.memref_slice %arg6[%rem3A_28, %dma_start3A_46] : memref<2x128xi32, #tpu.memory_space<vmem>> -> memref<1x128xi32, #tpu.memory_space<vmem>>
        %dma_start3A_48 = tpu.memref_squeeze %dma_start3A_47 : memref<1x128xi32, #tpu.memory_space<vmem>> -> memref<128xi32, #tpu.memory_space<vmem>>
        %dma_start3A_49 = arith.constant 0 : i32
        %dma_start3A_50 = arith.constant 0 : i32
        %dma_start3A_51 = tpu.memref_slice %arg8[%dma_start3A_49, %dma_start3A_50] : memref<10240x128xf32, #tpu.memory_space<vmem_shared>> -> memref<10240x128xf32, #tpu.memory_space<vmem_shared>>
        tpu.enqueue_indirect_dma source(%dma_start3A_45 : memref<128x128xf32, #tpu.memory_space<vmem>>) target(%dma_start3A_51 : memref<10240x128xf32, #tpu.memory_space<vmem_shared>>) offsets(%dma_start3A_48 : memref<128xi32, #tpu.memory_space<vmem>>) semaphore(%run_scoped3A_42 : memref<!tpu.dma_semaphore, #tpu.memory_space<semaphore_mem>>) {add = true}
        %dma_wait3A = arith.constant 0 : i32
        %dma_wait3A_52 = arith.constant 0 : i32
        %dma_wait3A_53 = tpu.memref_slice %arg7[%rem3A_28, %dma_wait3A, %dma_wait3A_52] : memref<2x128x128xf32, #tpu.memory_space<vmem>> -> memref<1x128x128xf32, #tpu.memory_space<vmem>>
        %dma_wait3A_54 = tpu.memref_squeeze %dma_wait3A_53 : memref<1x128x128xf32, #tpu.memory_space<vmem>> -> memref<128x128xf32, #tpu.memory_space<vmem>>
        %dma_wait3A_55 = arith.constant 0 : i32
        %dma_wait3A_56 = tpu.memref_slice %arg6[%rem3A_28, %dma_wait3A_55] : memref<2x128xi32, #tpu.memory_space<vmem>> -> memref<1x128xi32, #tpu.memory_space<vmem>>
        %dma_wait3A_57 = tpu.memref_squeeze %dma_wait3A_56 : memref<1x128xi32, #tpu.memory_space<vmem>> -> memref<128xi32, #tpu.memory_space<vmem>>
        %dma_wait3A_58 = arith.constant 0 : i32
        %dma_wait3A_59 = arith.constant 0 : i32
        %dma_wait3A_60 = tpu.memref_slice %arg8[%dma_wait3A_58, %dma_wait3A_59] : memref<10240x128xf32, #tpu.memory_space<vmem_shared>> -> memref<10240x128xf32, #tpu.memory_space<vmem_shared>>
        tpu.wait_indirect_dma semaphore(%run_scoped3A_42 : memref<!tpu.dma_semaphore, #tpu.memory_space<semaphore_mem>>) src(%dma_wait3A_54 : memref<128x128xf32, #tpu.memory_space<vmem>>) dst(%dma_wait3A_60 : memref<10240x128xf32, #tpu.memory_space<vmem_shared>>)
        tpu.yield
      }) : () -> ()
      %add3A_35 = arith.constant 1 : i32
      %add3A_36 = arith.addi %scan3A_27, %add3A_35 : i32
      %lt3A_37 = arith.constant 92 : i32
      %lt3A_38 = arith.cmpi slt, %add3A_36, %lt3A_37 : i32
      %convert_element_type3A_39 = arith.extui %lt3A_38 : i1 to i32
      %cond3A_40 = arith.constant 0 : i32
      %cond3A_41 = arith.cmpi ne, %convert_element_type3A_39, %cond3A_40 : i32
      scf.if %cond3A_41 {
        %add3A_42 = arith.constant 128 : i32
        %add3A_43 = arith.addi %mul3A_30, %add3A_42 : i32
        %sub3A = arith.constant 1 : i32
        %sub3A_44 = arith.subi %sub3A, %rem3A_28 : i32
        %dma_wait3A = arith.constant 0 : i32
        %dma_wait3A_45 = tpu.memref_slice %arg6[%sub3A_44, %dma_wait3A] : memref<2x128xi32, #tpu.memory_space<vmem>> -> memref<1x128xi32, #tpu.memory_space<vmem>>
        %dma_wait3A_46 = tpu.memref_squeeze %dma_wait3A_45 : memref<1x128xi32, #tpu.memory_space<vmem>> -> memref<128xi32, #tpu.memory_space<vmem>>
        %dma_wait3A_47 = tpu.memref_slice %arg3[%add3A_43] : memref<188416xi32, #tpu.memory_space<hbm>> -> memref<128xi32, #tpu.memory_space<hbm>>
        %dma_wait3A_48 = arith.constant 0 : i32
        %dma_wait3A_49 = tpu.memref_slice %arg6[%sub3A_44, %dma_wait3A_48] : memref<2x128xi32, #tpu.memory_space<vmem>> -> memref<1x128xi32, #tpu.memory_space<vmem>>
        %dma_wait3A_50 = tpu.memref_squeeze %dma_wait3A_49 : memref<1x128xi32, #tpu.memory_space<vmem>> -> memref<128xi32, #tpu.memory_space<vmem>>
        %dma_wait3A_51 = tpu.memref_slice %arg3[%add3A_43] : memref<188416xi32, #tpu.memory_space<hbm>> -> memref<128xi32, #tpu.memory_space<hbm>>
        tpu.wait_dma2 semaphore(%arg9 : memref<!tpu.dma_semaphore, #tpu.memory_space<semaphore_mem>>) src(%dma_wait3A_51 : memref<128xi32, #tpu.memory_space<hbm>>) dst(%dma_wait3A_50 : memref<128xi32, #tpu.memory_space<vmem>>)
        %add3A_52 = arith.constant 128 : i32
        %add3A_53 = arith.addi %mul3A_30, %add3A_52 : i32
        %sub3A_54 = arith.constant 1 : i32
        %sub3A_55 = arith.subi %sub3A_54, %rem3A_28 : i32
        %dma_wait3A_56 = arith.constant 0 : i32
        %dma_wait3A_57 = arith.constant 0 : i32
        %dma_wait3A_58 = tpu.memref_slice %arg7[%sub3A_55, %dma_wait3A_56, %dma_wait3A_57] : memref<2x128x128xf32, #tpu.memory_space<vmem>> -> memref<1x128x128xf32, #tpu.memory_space<vmem>>
        %dma_wait3A_59 = tpu.memref_squeeze %dma_wait3A_58 : memref<1x128x128xf32, #tpu.memory_space<vmem>> -> memref<128x128xf32, #tpu.memory_space<vmem>>
        %dma_wait3A_60 = arith.constant 0 : i32
        %dma_wait3A_61 = tpu.memref_slice %arg2[%arg0, %add3A_53, %dma_wait3A_60] : memref<2x188416x128xf32, #tpu.memory_space<hbm>> -> memref<1x128x128xf32, #tpu.memory_space<hbm>>
        %dma_wait3A_62 = tpu.memref_squeeze %dma_wait3A_61 : memref<1x128x128xf32, #tpu.memory_space<hbm>> -> memref<128x128xf32, #tpu.memory_space<hbm>>
        %dma_wait3A_63 = arith.constant 0 : i32
        %dma_wait3A_64 = arith.constant 0 : i32
        %dma_wait3A_65 = tpu.memref_slice %arg7[%sub3A_55, %dma_wait3A_63, %dma_wait3A_64] : memref<2x128x128xf32, #tpu.memory_space<vmem>> -> memref<1x128x128xf32, #tpu.memory_space<vmem>>
        %dma_wait3A_66 = tpu.memref_squeeze %dma_wait3A_65 : memref<1x128x128xf32, #tpu.memory_space<vmem>> -> memref<128x128xf32, #tpu.memory_space<vmem>>
        %dma_wait3A_67 = arith.constant 0 : i32
        %dma_wait3A_68 = tpu.memref_slice %arg2[%arg0, %add3A_53, %dma_wait3A_67] : memref<2x188416x128xf32, #tpu.memory_space<hbm>> -> memref<1x128x128xf32, #tpu.memory_space<hbm>>
        %dma_wait3A_69 = tpu.memref_squeeze %dma_wait3A_68 : memref<1x128x128xf32, #tpu.memory_space<hbm>> -> memref<128x128xf32, #tpu.memory_space<hbm>>
        tpu.wait_dma2 semaphore(%arg10 : memref<!tpu.dma_semaphore, #tpu.memory_space<semaphore_mem>>) src(%dma_wait3A_69 : memref<128x128xf32, #tpu.memory_space<hbm>>) dst(%dma_wait3A_66 : memref<128x128xf32, #tpu.memory_space<vmem>>)
      } else {
      }
    }
    %scan3A_19 = arith.constant 92 : i32
    %barrier3A_20 = arith.constant 0 : index
    tpu.barrier barrier_id(%barrier3A_20)
    %scan3A_21 = arith.constant 0 : i32
    %scan3A_22 = arith.constant 0 : i32
    %scan3A_23 = arith.constant 5 : i32
    %scan3A_24 = arith.addi %scan3A_22, %scan3A_23 : i32
    %scan3A_25 = arith.constant 1 : i32
    scf.for %scan3A_27 = %scan3A_22 to %scan3A_24 step %scan3A_25  : i32 {
      %mul3A_28 = arith.constant 128 : i32
      %mul3A_29 = arith.muli %scan3A_27, %mul3A_28 : i32
      %add3A = arith.addi %mul3A_0, %mul3A_29 : i32
      %run_scoped3A_30 = arith.constant 0 : i32
      "tpu.region"() ({
        %run_scoped3A_32 = tpu.sem_alloc : memref<!tpu.dma_semaphore, #tpu.memory_space<semaphore_mem>>
        %dma_start3A = arith.constant 0 : i32
        %dma_start3A_33 = arith.constant 0 : i32
        %dma_start3A_34 = tpu.memref_slice %arg7[%run_scoped3A_30, %dma_start3A, %dma_start3A_33] : memref<2x128x128xf32, #tpu.memory_space<vmem>> -> memref<1x128x128xf32, #tpu.memory_space<vmem>>
        %dma_start3A_35 = tpu.memref_squeeze %dma_start3A_34 : memref<1x128x128xf32, #tpu.memory_space<vmem>> -> memref<128x128xf32, #tpu.memory_space<vmem>>
        %dma_start3A_36 = arith.constant 0 : i32
        %dma_start3A_37 = tpu.memref_slice %arg8[%add3A, %dma_start3A_36] : memref<10240x128xf32, #tpu.memory_space<vmem_shared>> -> memref<128x128xf32, #tpu.memory_space<vmem_shared>>
        %dma_start3A_38 = arith.constant 0 : i32
        %dma_start3A_39 = arith.constant 0 : i32
        %dma_start3A_40 = tpu.memref_slice %arg7[%run_scoped3A_30, %dma_start3A_38, %dma_start3A_39] : memref<2x128x128xf32, #tpu.memory_space<vmem>> -> memref<1x128x128xf32, #tpu.memory_space<vmem>>
        %dma_start3A_41 = tpu.memref_squeeze %dma_start3A_40 : memref<1x128x128xf32, #tpu.memory_space<vmem>> -> memref<128x128xf32, #tpu.memory_space<vmem>>
        %dma_start3A_42 = arith.constant 0 : i32
        %dma_start3A_43 = tpu.memref_slice %arg8[%add3A, %dma_start3A_42] : memref<10240x128xf32, #tpu.memory_space<vmem_shared>> -> memref<128x128xf32, #tpu.memory_space<vmem_shared>>
        tpu.enqueue_dma source(%dma_start3A_43 : memref<128x128xf32, #tpu.memory_space<vmem_shared>>) target(%dma_start3A_41 : memref<128x128xf32, #tpu.memory_space<vmem>>) target_semaphore(%run_scoped3A_32 : memref<!tpu.dma_semaphore, #tpu.memory_space<semaphore_mem>>)
        %dma_wait3A = arith.constant 0 : i32
        %dma_wait3A_44 = arith.constant 0 : i32
        %dma_wait3A_45 = tpu.memref_slice %arg7[%run_scoped3A_30, %dma_wait3A, %dma_wait3A_44] : memref<2x128x128xf32, #tpu.memory_space<vmem>> -> memref<1x128x128xf32, #tpu.memory_space<vmem>>
        %dma_wait3A_46 = tpu.memref_squeeze %dma_wait3A_45 : memref<1x128x128xf32, #tpu.memory_space<vmem>> -> memref<128x128xf32, #tpu.memory_space<vmem>>
        %dma_wait3A_47 = arith.constant 0 : i32
        %dma_wait3A_48 = tpu.memref_slice %arg8[%add3A, %dma_wait3A_47] : memref<10240x128xf32, #tpu.memory_space<vmem_shared>> -> memref<128x128xf32, #tpu.memory_space<vmem_shared>>
        %dma_wait3A_49 = arith.constant 0 : i32
        %dma_wait3A_50 = arith.constant 0 : i32
        %dma_wait3A_51 = tpu.memref_slice %arg7[%run_scoped3A_30, %dma_wait3A_49, %dma_wait3A_50] : memref<2x128x128xf32, #tpu.memory_space<vmem>> -> memref<1x128x128xf32, #tpu.memory_space<vmem>>
        %dma_wait3A_52 = tpu.memref_squeeze %dma_wait3A_51 : memref<1x128x128xf32, #tpu.memory_space<vmem>> -> memref<128x128xf32, #tpu.memory_space<vmem>>
        %dma_wait3A_53 = arith.constant 0 : i32
        %dma_wait3A_54 = tpu.memref_slice %arg8[%add3A, %dma_wait3A_53] : memref<10240x128xf32, #tpu.memory_space<vmem_shared>> -> memref<128x128xf32, #tpu.memory_space<vmem_shared>>
        tpu.wait_dma2 semaphore(%run_scoped3A_32 : memref<!tpu.dma_semaphore, #tpu.memory_space<semaphore_mem>>) src(%dma_wait3A_54 : memref<128x128xf32, #tpu.memory_space<vmem_shared>>) dst(%dma_wait3A_52 : memref<128x128xf32, #tpu.memory_space<vmem>>)
        tpu.yield
      }) : () -> ()
      %run_scoped3A_31 = arith.constant 0 : i32
      "tpu.region"() ({
        %run_scoped3A_32 = tpu.sem_alloc : memref<!tpu.dma_semaphore, #tpu.memory_space<semaphore_mem>>
        %dma_start3A = arith.constant 0 : i32
        %dma_start3A_33 = arith.constant 0 : i32
        %dma_start3A_34 = tpu.memref_slice %arg7[%run_scoped3A_31, %dma_start3A, %dma_start3A_33] : memref<2x128x128xf32, #tpu.memory_space<vmem>> -> memref<1x128x128xf32, #tpu.memory_space<vmem>>
        %dma_start3A_35 = tpu.memref_squeeze %dma_start3A_34 : memref<1x128x128xf32, #tpu.memory_space<vmem>> -> memref<128x128xf32, #tpu.memory_space<vmem>>
        %dma_start3A_36 = arith.constant 0 : i32
        %dma_start3A_37 = tpu.memref_slice %arg5[%arg0, %add3A, %dma_start3A_36] : memref<2x10240x128xf32, #tpu.memory_space<hbm>> -> memref<1x128x128xf32, #tpu.memory_space<hbm>>
        %dma_start3A_38 = tpu.memref_squeeze %dma_start3A_37 : memref<1x128x128xf32, #tpu.memory_space<hbm>> -> memref<128x128xf32, #tpu.memory_space<hbm>>
        %dma_start3A_39 = arith.constant 0 : i32
        %dma_start3A_40 = tpu.memref_slice %arg5[%arg0, %add3A, %dma_start3A_39] : memref<2x10240x128xf32, #tpu.memory_space<hbm>> -> memref<1x128x128xf32, #tpu.memory_space<hbm>>
        %dma_start3A_41 = tpu.memref_squeeze %dma_start3A_40 : memref<1x128x128xf32, #tpu.memory_space<hbm>> -> memref<128x128xf32, #tpu.memory_space<hbm>>
        %dma_start3A_42 = arith.constant 0 : i32
        %dma_start3A_43 = arith.constant 0 : i32
        %dma_start3A_44 = tpu.memref_slice %arg7[%run_scoped3A_31, %dma_start3A_42, %dma_start3A_43] : memref<2x128x128xf32, #tpu.memory_space<vmem>> -> memref<1x128x128xf32, #tpu.memory_space<vmem>>
        %dma_start3A_45 = tpu.memref_squeeze %dma_start3A_44 : memref<1x128x128xf32, #tpu.memory_space<vmem>> -> memref<128x128xf32, #tpu.memory_space<vmem>>
        tpu.enqueue_dma source(%dma_start3A_45 : memref<128x128xf32, #tpu.memory_space<vmem>>) target(%dma_start3A_41 : memref<128x128xf32, #tpu.memory_space<hbm>>) target_semaphore(%run_scoped3A_32 : memref<!tpu.dma_semaphore, #tpu.memory_space<semaphore_mem>>)
        %dma_wait3A = arith.constant 0 : i32
        %dma_wait3A_46 = arith.constant 0 : i32
        %dma_wait3A_47 = tpu.memref_slice %arg7[%run_scoped3A_31, %dma_wait3A, %dma_wait3A_46] : memref<2x128x128xf32, #tpu.memory_space<vmem>> -> memref<1x128x128xf32, #tpu.memory_space<vmem>>
        %dma_wait3A_48 = tpu.memref_squeeze %dma_wait3A_47 : memref<1x128x128xf32, #tpu.memory_space<vmem>> -> memref<128x128xf32, #tpu.memory_space<vmem>>
        %dma_wait3A_49 = arith.constant 0 : i32
        %dma_wait3A_50 = tpu.memref_slice %arg5[%arg0, %add3A, %dma_wait3A_49] : memref<2x10240x128xf32, #tpu.memory_space<hbm>> -> memref<1x128x128xf32, #tpu.memory_space<hbm>>
        %dma_wait3A_51 = tpu.memref_squeeze %dma_wait3A_50 : memref<1x128x128xf32, #tpu.memory_space<hbm>> -> memref<128x128xf32, #tpu.memory_space<hbm>>
        %dma_wait3A_52 = arith.constant 0 : i32
        %dma_wait3A_53 = tpu.memref_slice %arg5[%arg0, %add3A, %dma_wait3A_52] : memref<2x10240x128xf32, #tpu.memory_space<hbm>> -> memref<1x128x128xf32, #tpu.memory_space<hbm>>
        %dma_wait3A_54 = tpu.memref_squeeze %dma_wait3A_53 : memref<1x128x128xf32, #tpu.memory_space<hbm>> -> memref<128x128xf32, #tpu.memory_space<hbm>>
        %dma_wait3A_55 = arith.constant 0 : i32
        %dma_wait3A_56 = arith.constant 0 : i32
        %dma_wait3A_57 = tpu.memref_slice %arg7[%run_scoped3A_31, %dma_wait3A_55, %dma_wait3A_56] : memref<2x128x128xf32, #tpu.memory_space<vmem>> -> memref<1x128x128xf32, #tpu.memory_space<vmem>>
        %dma_wait3A_58 = tpu.memref_squeeze %dma_wait3A_57 : memref<1x128x128xf32, #tpu.memory_space<vmem>> -> memref<128x128xf32, #tpu.memory_space<vmem>>
        tpu.wait_dma2 semaphore(%run_scoped3A_32 : memref<!tpu.dma_semaphore, #tpu.memory_space<semaphore_mem>>) src(%dma_wait3A_58 : memref<128x128xf32, #tpu.memory_space<vmem>>) dst(%dma_wait3A_54 : memref<128x128xf32, #tpu.memory_space<hbm>>)
        tpu.yield
      }) : () -> ()
    }
    %scan3A_26 = arith.constant 5 : i32
    return
  }
}

module attributes {stable_mosaic.version = 14 : i64} {
  func.func @body(%arg0: i32, %arg1: memref<736xi32, #tpu.memory_space<smem>>, %arg2: memref<2x256x128xf32, #tpu.memory_space<vmem>>, %arg3: memref<1x256x256xbf16, #tpu.memory_space<vmem>>, %arg4: memref<2x256x128xf32, #tpu.memory_space<vmem>>) attributes {dimension_semantics = [#tpu.dimension_semantics<arbitrary>], iteration_bounds = array<i64: 736>, scalar_prefetch = 1 : i64, scratch_operands = 0 : i64, tpu.core_type = #tpu.core_type<tc>, window_params = [{transform_indices = @transform_0, window_bounds = array<i64: 2, 256, 128>}, {transform_indices = @transform_1, window_bounds = array<i64: 1, 256, 256>}, {transform_indices = @transform_2, window_bounds = array<i64: 2, 256, 128>}]} {
    %get3A = arith.constant 0 : index
    %get3A_0 = arith.constant 0 : index
    %get3A_1 = arith.constant 0 : index
    %get3A_2 = vector.load %arg2[%get3A, %get3A_0, %get3A_1] : memref<2x256x128xf32, #tpu.memory_space<vmem>>, vector<1x256x128xf32>
    %get3A_3 = vector.shape_cast %get3A_2 : vector<1x256x128xf32> to vector<256x128xf32>
    %get3A_4 = arith.constant 1 : index
    %get3A_5 = arith.constant 0 : index
    %get3A_6 = arith.constant 0 : index
    %get3A_7 = vector.load %arg2[%get3A_4, %get3A_5, %get3A_6] : memref<2x256x128xf32, #tpu.memory_space<vmem>>, vector<1x256x128xf32>
    %get3A_8 = vector.shape_cast %get3A_7 : vector<1x256x128xf32> to vector<256x128xf32>
    %concatenate3A = tpu.concatenate %get3A_3, %get3A_8 in 1 : vector<256x128xf32>, vector<256x128xf32> -> vector<256x256xf32>
    %convert_element_type3A = arith.truncf %concatenate3A : vector<256x256xf32> to vector<256x256xbf16>
    %get3A_9 = arith.constant 0 : index
    %get3A_10 = arith.constant 0 : index
    %get3A_11 = arith.constant 0 : index
    %get3A_12 = vector.load %arg3[%get3A_9, %get3A_10, %get3A_11] : memref<1x256x256xbf16, #tpu.memory_space<vmem>>, vector<1x256x256xbf16>
    %get3A_13 = vector.shape_cast %get3A_12 : vector<1x256x256xbf16> to vector<256x256xbf16>
    %dot_general3A = arith.constant dense<0.000000e+00> : vector<256x256xf32>
    %dot_general3A_14 = tpu.matmul %convert_element_type3A, %get3A_13, %dot_general3A {dimension_numbers = #tpu.dot_dimension_numbers<[1], [0], [0], [1], [0, 0, 1, 1], [], []>, transpose_lhs_hint = false} : vector<256x256xbf16>, vector<256x256xbf16>, vector<256x256xf32> -> vector<256x256xf32>
    %slice3A = vector.extract_strided_slice %dot_general3A_14 {offsets = [0, 0], sizes = [256, 128], strides = [1, 1]} : vector<256x256xf32> to vector<256x128xf32>
    %swap3A = arith.constant 0 : index
    %swap3A_15 = arith.constant 0 : index
    %swap3A_16 = arith.constant 0 : index
    %swap3A_17 = vector.load %arg4[%swap3A, %swap3A_15, %swap3A_16] : memref<2x256x128xf32, #tpu.memory_space<vmem>>, vector<1x256x128xf32>
    %swap3A_18 = vector.shape_cast %swap3A_17 : vector<1x256x128xf32> to vector<256x128xf32>
    %swap3A_19 = vector.shape_cast %slice3A : vector<256x128xf32> to vector<1x256x128xf32>
    tpu.vector_store %arg4[%swap3A, %swap3A_15, %swap3A_16], %swap3A_19 {strides = array<i32>} : memref<2x256x128xf32, #tpu.memory_space<vmem>>, vector<1x256x128xf32>,
    %slice3A_20 = vector.extract_strided_slice %dot_general3A_14 {offsets = [0, 128], sizes = [256, 128], strides = [1, 1]} : vector<256x256xf32> to vector<256x128xf32>
    %swap3A_21 = arith.constant 1 : index
    %swap3A_22 = arith.constant 0 : index
    %swap3A_23 = arith.constant 0 : index
    %swap3A_24 = vector.load %arg4[%swap3A_21, %swap3A_22, %swap3A_23] : memref<2x256x128xf32, #tpu.memory_space<vmem>>, vector<1x256x128xf32>
    %swap3A_25 = vector.shape_cast %swap3A_24 : vector<1x256x128xf32> to vector<256x128xf32>
    %swap3A_26 = vector.shape_cast %slice3A_20 : vector<256x128xf32> to vector<1x256x128xf32>
    tpu.vector_store %arg4[%swap3A_21, %swap3A_22, %swap3A_23], %swap3A_26 {strides = array<i32>} : memref<2x256x128xf32, #tpu.memory_space<vmem>>, vector<1x256x128xf32>,
    return
  }
  func.func @transform_0(%arg0: i32, %arg1: memref<736xi32, #tpu.memory_space<smem>>) -> (i32, i32, i32) {
    %c0_i32 = arith.constant 0 : i32
    %c0_i32_0 = arith.constant 0 : i32
    %c0_i32_1 = arith.constant 0 : i32
    return %c0_i32, %arg0, %c0_i32_0 : i32, i32, i32
  }
  func.func @transform_1(%arg0: i32, %arg1: memref<736xi32, #tpu.memory_space<smem>>) -> (i32, i32, i32) {
    %get3A = arith.index_cast %arg0 : i32 to index
    %get3A_0 = memref.load %arg1[%get3A] : memref<736xi32, #tpu.memory_space<smem>>
    %c0_i32 = arith.constant 0 : i32
    %c0_i32_1 = arith.constant 0 : i32
    %c0_i32_2 = arith.constant 0 : i32
    return %get3A_0, %c0_i32, %c0_i32_1 : i32, i32, i32
  }
  func.func @transform_2(%arg0: i32, %arg1: memref<736xi32, #tpu.memory_space<smem>>) -> (i32, i32, i32) {
    %c0_i32 = arith.constant 0 : i32
    %c0_i32_0 = arith.constant 0 : i32
    %c0_i32_1 = arith.constant 0 : i32
    return %c0_i32, %arg0, %c0_i32_0 : i32, i32, i32
  }
}

module attributes {stable_mosaic.version = 14 : i64} {
  func.func @body(%arg0: i32, %arg1: memref<2x1024x128xf32, #tpu.memory_space<vmem>>, %arg2: memref<2x1024x128xf32, #tpu.memory_space<vmem>>, %arg3: memref<2x1024x128xf32, #tpu.memory_space<vmem>>, %arg4: memref<256x256xbf16, #tpu.memory_space<vmem>>, %arg5: memref<2x1024x128xf32, #tpu.memory_space<vmem>>) attributes {dimension_semantics = [#tpu.dimension_semantics<arbitrary>], iteration_bounds = array<i64: 10>, scalar_prefetch = 0 : i64, scratch_operands = 0 : i64, tpu.core_type = #tpu.core_type<tc>, window_params = [{transform_indices = @transform_0, window_bounds = array<i64: 2, 1024, 128>}, {transform_indices = @transform_1, window_bounds = array<i64: 2, 1024, 128>}, {transform_indices = @transform_2, window_bounds = array<i64: 2, 1024, 128>}, {pipeline_mode = #tpu.pipeline_mode<synchronous>, transform_indices = @transform_3, window_bounds = array<i64: 256, 256>}, {transform_indices = @transform_4, window_bounds = array<i64: 2, 1024, 128>}]} {
    %get3A = arith.constant 0 : index
    %get3A_0 = arith.constant 0 : index
    %get3A_1 = arith.constant 0 : index
    %get3A_2 = vector.load %arg2[%get3A, %get3A_0, %get3A_1] : memref<2x1024x128xf32, #tpu.memory_space<vmem>>, vector<1x1024x1xf32>
    %get3A_3 = vector.shape_cast %get3A_2 : vector<1x1024x1xf32> to vector<1024x1xf32>
    %get3A_4 = arith.constant 1 : index
    %get3A_5 = arith.constant 0 : index
    %get3A_6 = arith.constant 0 : index
    %get3A_7 = vector.load %arg2[%get3A_4, %get3A_5, %get3A_6] : memref<2x1024x128xf32, #tpu.memory_space<vmem>>, vector<1x1024x1xf32>
    %get3A_8 = vector.shape_cast %get3A_7 : vector<1x1024x1xf32> to vector<1024x1xf32>
    %add3A = arith.addf %get3A_3, %get3A_8 : vector<1024x1xf32>
    %max3A = arith.constant 1.000000e+00 : f32
    %max3A_9 = vector.broadcast %max3A : f32 to vector<1024x1xf32>
    %max3A_10 = arith.maximumf %add3A, %max3A_9 : vector<1024x1xf32>
    %div3A = arith.constant 1.000000e+00 : f32
    %div3A_11 = vector.broadcast %div3A : f32 to vector<1024x1xf32>
    %div3A_12 = arith.divf %div3A_11, %max3A_10 : vector<1024x1xf32>
    %get3A_13 = arith.constant 0 : index
    %get3A_14 = arith.constant 0 : index
    %get3A_15 = arith.constant 0 : index
    %get3A_16 = vector.load %arg1[%get3A_13, %get3A_14, %get3A_15] : memref<2x1024x128xf32, #tpu.memory_space<vmem>>, vector<1x1024x128xf32>
    %get3A_17 = vector.shape_cast %get3A_16 : vector<1x1024x128xf32> to vector<1024x128xf32>
    %get3A_18 = arith.constant 1 : index
    %get3A_19 = arith.constant 0 : index
    %get3A_20 = arith.constant 0 : index
    %get3A_21 = vector.load %arg1[%get3A_18, %get3A_19, %get3A_20] : memref<2x1024x128xf32, #tpu.memory_space<vmem>>, vector<1x1024x128xf32>
    %get3A_22 = vector.shape_cast %get3A_21 : vector<1x1024x128xf32> to vector<1024x128xf32>
    %concatenate3A = tpu.concatenate %get3A_17, %get3A_22 in 1 : vector<1024x128xf32>, vector<1024x128xf32> -> vector<1024x256xf32>
    %get3A_23 = arith.constant 0 : index
    %get3A_24 = arith.constant 0 : index
    %get3A_25 = arith.constant 0 : index
    %get3A_26 = vector.load %arg3[%get3A_23, %get3A_24, %get3A_25] : memref<2x1024x128xf32, #tpu.memory_space<vmem>>, vector<1x1024x128xf32>
    %get3A_27 = vector.shape_cast %get3A_26 : vector<1x1024x128xf32> to vector<1024x128xf32>
    %get3A_28 = arith.constant 1 : index
    %get3A_29 = arith.constant 0 : index
    %get3A_30 = arith.constant 0 : index
    %get3A_31 = vector.load %arg3[%get3A_28, %get3A_29, %get3A_30] : memref<2x1024x128xf32, #tpu.memory_space<vmem>>, vector<1x1024x128xf32>
    %get3A_32 = vector.shape_cast %get3A_31 : vector<1x1024x128xf32> to vector<1024x128xf32>
    %concatenate3A_33 = tpu.concatenate %get3A_27, %get3A_32 in 1 : vector<1024x128xf32>, vector<1024x128xf32> -> vector<1024x256xf32>
    %convert_element_type3A = arith.truncf %concatenate3A_33 : vector<1024x256xf32> to vector<1024x256xbf16>
    %mul3A = vector.broadcast %div3A_12 : vector<1024x1xf32> to vector<1024x256xf32>
    %mul3A_34 = arith.mulf %concatenate3A, %mul3A : vector<1024x256xf32>
    %get3A_35 = arith.constant 0 : index
    %get3A_36 = arith.constant 0 : index
    %get3A_37 = vector.load %arg4[%get3A_35, %get3A_36] : memref<256x256xbf16, #tpu.memory_space<vmem>>, vector<256x256xbf16>
    %dot_general3A = arith.constant dense<0.000000e+00> : vector<1024x256xf32>
    %dot_general3A_38 = tpu.matmul %convert_element_type3A, %get3A_37, %dot_general3A {dimension_numbers = #tpu.dot_dimension_numbers<[1], [0], [0], [1], [0, 0, 1, 1], [], []>, transpose_lhs_hint = false} : vector<1024x256xbf16>, vector<256x256xbf16>, vector<1024x256xf32> -> vector<1024x256xf32>
    %add3A_39 = arith.addf %mul3A_34, %dot_general3A_38 : vector<1024x256xf32>
    %max3A_40 = arith.constant 0.000000e+00 : f32
    %max3A_41 = vector.broadcast %max3A_40 : f32 to vector<1024x256xf32>
    %max3A_42 = arith.maximumf %add3A_39, %max3A_41 : vector<1024x256xf32>
    %slice3A = vector.extract_strided_slice %max3A_42 {offsets = [0, 0], sizes = [1024, 128], strides = [1, 1]} : vector<1024x256xf32> to vector<1024x128xf32>
    %swap3A = arith.constant 0 : index
    %swap3A_43 = arith.constant 0 : index
    %swap3A_44 = arith.constant 0 : index
    %swap3A_45 = vector.load %arg5[%swap3A, %swap3A_43, %swap3A_44] : memref<2x1024x128xf32, #tpu.memory_space<vmem>>, vector<1x1024x128xf32>
    %swap3A_46 = vector.shape_cast %swap3A_45 : vector<1x1024x128xf32> to vector<1024x128xf32>
    %swap3A_47 = vector.shape_cast %slice3A : vector<1024x128xf32> to vector<1x1024x128xf32>
    tpu.vector_store %arg5[%swap3A, %swap3A_43, %swap3A_44], %swap3A_47 {strides = array<i32>} : memref<2x1024x128xf32, #tpu.memory_space<vmem>>, vector<1x1024x128xf32>,
    %slice3A_48 = vector.extract_strided_slice %max3A_42 {offsets = [0, 128], sizes = [1024, 128], strides = [1, 1]} : vector<1024x256xf32> to vector<1024x128xf32>
    %swap3A_49 = arith.constant 1 : index
    %swap3A_50 = arith.constant 0 : index
    %swap3A_51 = arith.constant 0 : index
    %swap3A_52 = vector.load %arg5[%swap3A_49, %swap3A_50, %swap3A_51] : memref<2x1024x128xf32, #tpu.memory_space<vmem>>, vector<1x1024x128xf32>
    %swap3A_53 = vector.shape_cast %swap3A_52 : vector<1x1024x128xf32> to vector<1024x128xf32>
    %swap3A_54 = vector.shape_cast %slice3A_48 : vector<1024x128xf32> to vector<1x1024x128xf32>
    tpu.vector_store %arg5[%swap3A_49, %swap3A_50, %swap3A_51], %swap3A_54 {strides = array<i32>} : memref<2x1024x128xf32, #tpu.memory_space<vmem>>, vector<1x1024x128xf32>,
    return
  }
  func.func @transform_0(%arg0: i32) -> (i32, i32, i32) {
    %c0_i32 = arith.constant 0 : i32
    %c0_i32_0 = arith.constant 0 : i32
    %c0_i32_1 = arith.constant 0 : i32
    return %c0_i32, %arg0, %c0_i32_0 : i32, i32, i32
  }
  func.func @transform_1(%arg0: i32) -> (i32, i32, i32) {
    %c0_i32 = arith.constant 0 : i32
    %c0_i32_0 = arith.constant 0 : i32
    %c0_i32_1 = arith.constant 0 : i32
    return %c0_i32, %arg0, %c0_i32_0 : i32, i32, i32
  }
  func.func @transform_2(%arg0: i32) -> (i32, i32, i32) {
    %c0_i32 = arith.constant 0 : i32
    %c0_i32_0 = arith.constant 0 : i32
    %c0_i32_1 = arith.constant 0 : i32
    return %c0_i32, %arg0, %c0_i32_0 : i32, i32, i32
  }
  func.func @transform_3(%arg0: i32) -> (i32, i32) {
    %c0_i32 = arith.constant 0 : i32
    %c0_i32_0 = arith.constant 0 : i32
    %c0_i32_1 = arith.constant 0 : i32
    return %c0_i32, %c0_i32_0 : i32, i32
  }
  func.func @transform_4(%arg0: i32) -> (i32, i32, i32) {
    %c0_i32 = arith.constant 0 : i32
    %c0_i32_0 = arith.constant 0 : i32
    %c0_i32_1 = arith.constant 0 : i32
    return %c0_i32, %arg0, %c0_i32_0 : i32, i32, i32
  }
}

module attributes {stable_mosaic.version = 14 : i64} {
  func.func @body(%arg0: i32, %arg1: memref<2x1024x128xf32, #tpu.memory_space<vmem>>, %arg2: memref<2x1024x128xf32, #tpu.memory_space<vmem>>, %arg3: memref<2x1024x128xf32, #tpu.memory_space<vmem>>, %arg4: memref<256x256xbf16, #tpu.memory_space<vmem>>, %arg5: memref<2x1024x128xf32, #tpu.memory_space<vmem>>) attributes {dimension_semantics = [#tpu.dimension_semantics<arbitrary>], iteration_bounds = array<i64: 10>, scalar_prefetch = 0 : i64, scratch_operands = 0 : i64, tpu.core_type = #tpu.core_type<tc>, window_params = [{transform_indices = @transform_0, window_bounds = array<i64: 2, 1024, 128>}, {transform_indices = @transform_1, window_bounds = array<i64: 2, 1024, 128>}, {transform_indices = @transform_2, window_bounds = array<i64: 2, 1024, 128>}, {pipeline_mode = #tpu.pipeline_mode<synchronous>, transform_indices = @transform_3, window_bounds = array<i64: 256, 256>}, {transform_indices = @transform_4, window_bounds = array<i64: 2, 1024, 128>}]} {
    %get3A = arith.constant 0 : index
    %get3A_0 = arith.constant 0 : index
    %get3A_1 = arith.constant 0 : index
    %get3A_2 = vector.load %arg2[%get3A, %get3A_0, %get3A_1] : memref<2x1024x128xf32, #tpu.memory_space<vmem>>, vector<1x1024x1xf32>
    %get3A_3 = vector.shape_cast %get3A_2 : vector<1x1024x1xf32> to vector<1024x1xf32>
    %get3A_4 = arith.constant 1 : index
    %get3A_5 = arith.constant 0 : index
    %get3A_6 = arith.constant 0 : index
    %get3A_7 = vector.load %arg2[%get3A_4, %get3A_5, %get3A_6] : memref<2x1024x128xf32, #tpu.memory_space<vmem>>, vector<1x1024x1xf32>
    %get3A_8 = vector.shape_cast %get3A_7 : vector<1x1024x1xf32> to vector<1024x1xf32>
    %add3A = arith.addf %get3A_3, %get3A_8 : vector<1024x1xf32>
    %max3A = arith.constant 1.000000e+00 : f32
    %max3A_9 = vector.broadcast %max3A : f32 to vector<1024x1xf32>
    %max3A_10 = arith.maximumf %add3A, %max3A_9 : vector<1024x1xf32>
    %div3A = arith.constant 1.000000e+00 : f32
    %div3A_11 = vector.broadcast %div3A : f32 to vector<1024x1xf32>
    %div3A_12 = arith.divf %div3A_11, %max3A_10 : vector<1024x1xf32>
    %get3A_13 = arith.constant 0 : index
    %get3A_14 = arith.constant 0 : index
    %get3A_15 = arith.constant 0 : index
    %get3A_16 = vector.load %arg1[%get3A_13, %get3A_14, %get3A_15] : memref<2x1024x128xf32, #tpu.memory_space<vmem>>, vector<1x1024x128xf32>
    %get3A_17 = vector.shape_cast %get3A_16 : vector<1x1024x128xf32> to vector<1024x128xf32>
    %get3A_18 = arith.constant 1 : index
    %get3A_19 = arith.constant 0 : index
    %get3A_20 = arith.constant 0 : index
    %get3A_21 = vector.load %arg1[%get3A_18, %get3A_19, %get3A_20] : memref<2x1024x128xf32, #tpu.memory_space<vmem>>, vector<1x1024x128xf32>
    %get3A_22 = vector.shape_cast %get3A_21 : vector<1x1024x128xf32> to vector<1024x128xf32>
    %concatenate3A = tpu.concatenate %get3A_17, %get3A_22 in 1 : vector<1024x128xf32>, vector<1024x128xf32> -> vector<1024x256xf32>
    %get3A_23 = arith.constant 0 : index
    %get3A_24 = arith.constant 0 : index
    %get3A_25 = arith.constant 0 : index
    %get3A_26 = vector.load %arg3[%get3A_23, %get3A_24, %get3A_25] : memref<2x1024x128xf32, #tpu.memory_space<vmem>>, vector<1x1024x128xf32>
    %get3A_27 = vector.shape_cast %get3A_26 : vector<1x1024x128xf32> to vector<1024x128xf32>
    %get3A_28 = arith.constant 1 : index
    %get3A_29 = arith.constant 0 : index
    %get3A_30 = arith.constant 0 : index
    %get3A_31 = vector.load %arg3[%get3A_28, %get3A_29, %get3A_30] : memref<2x1024x128xf32, #tpu.memory_space<vmem>>, vector<1x1024x128xf32>
    %get3A_32 = vector.shape_cast %get3A_31 : vector<1x1024x128xf32> to vector<1024x128xf32>
    %concatenate3A_33 = tpu.concatenate %get3A_27, %get3A_32 in 1 : vector<1024x128xf32>, vector<1024x128xf32> -> vector<1024x256xf32>
    %convert_element_type3A = arith.truncf %concatenate3A_33 : vector<1024x256xf32> to vector<1024x256xbf16>
    %mul3A = vector.broadcast %div3A_12 : vector<1024x1xf32> to vector<1024x256xf32>
    %mul3A_34 = arith.mulf %concatenate3A, %mul3A : vector<1024x256xf32>
    %get3A_35 = arith.constant 0 : index
    %get3A_36 = arith.constant 0 : index
    %get3A_37 = vector.load %arg4[%get3A_35, %get3A_36] : memref<256x256xbf16, #tpu.memory_space<vmem>>, vector<256x256xbf16>
    %dot_general3A = arith.constant dense<0.000000e+00> : vector<1024x256xf32>
    %dot_general3A_38 = tpu.matmul %convert_element_type3A, %get3A_37, %dot_general3A {dimension_numbers = #tpu.dot_dimension_numbers<[1], [0], [0], [1], [0, 0, 1, 1], [], []>, transpose_lhs_hint = false} : vector<1024x256xbf16>, vector<256x256xbf16>, vector<1024x256xf32> -> vector<1024x256xf32>
    %add3A_39 = arith.addf %mul3A_34, %dot_general3A_38 : vector<1024x256xf32>
    %slice3A = vector.extract_strided_slice %add3A_39 {offsets = [0, 0], sizes = [1024, 128], strides = [1, 1]} : vector<1024x256xf32> to vector<1024x128xf32>
    %swap3A = arith.constant 0 : index
    %swap3A_40 = arith.constant 0 : index
    %swap3A_41 = arith.constant 0 : index
    %swap3A_42 = vector.load %arg5[%swap3A, %swap3A_40, %swap3A_41] : memref<2x1024x128xf32, #tpu.memory_space<vmem>>, vector<1x1024x128xf32>
    %swap3A_43 = vector.shape_cast %swap3A_42 : vector<1x1024x128xf32> to vector<1024x128xf32>
    %swap3A_44 = vector.shape_cast %slice3A : vector<1024x128xf32> to vector<1x1024x128xf32>
    tpu.vector_store %arg5[%swap3A, %swap3A_40, %swap3A_41], %swap3A_44 {strides = array<i32>} : memref<2x1024x128xf32, #tpu.memory_space<vmem>>, vector<1x1024x128xf32>,
    %slice3A_45 = vector.extract_strided_slice %add3A_39 {offsets = [0, 128], sizes = [1024, 128], strides = [1, 1]} : vector<1024x256xf32> to vector<1024x128xf32>
    %swap3A_46 = arith.constant 1 : index
    %swap3A_47 = arith.constant 0 : index
    %swap3A_48 = arith.constant 0 : index
    %swap3A_49 = vector.load %arg5[%swap3A_46, %swap3A_47, %swap3A_48] : memref<2x1024x128xf32, #tpu.memory_space<vmem>>, vector<1x1024x128xf32>
    %swap3A_50 = vector.shape_cast %swap3A_49 : vector<1x1024x128xf32> to vector<1024x128xf32>
    %swap3A_51 = vector.shape_cast %slice3A_45 : vector<1024x128xf32> to vector<1x1024x128xf32>
    tpu.vector_store %arg5[%swap3A_46, %swap3A_47, %swap3A_48], %swap3A_51 {strides = array<i32>} : memref<2x1024x128xf32, #tpu.memory_space<vmem>>, vector<1x1024x128xf32>,
    return
  }
  func.func @transform_0(%arg0: i32) -> (i32, i32, i32) {
    %c0_i32 = arith.constant 0 : i32
    %c0_i32_0 = arith.constant 0 : i32
    %c0_i32_1 = arith.constant 0 : i32
    return %c0_i32, %arg0, %c0_i32_0 : i32, i32, i32
  }
  func.func @transform_1(%arg0: i32) -> (i32, i32, i32) {
    %c0_i32 = arith.constant 0 : i32
    %c0_i32_0 = arith.constant 0 : i32
    %c0_i32_1 = arith.constant 0 : i32
    return %c0_i32, %arg0, %c0_i32_0 : i32, i32, i32
  }
  func.func @transform_2(%arg0: i32) -> (i32, i32, i32) {
    %c0_i32 = arith.constant 0 : i32
    %c0_i32_0 = arith.constant 0 : i32
    %c0_i32_1 = arith.constant 0 : i32
    return %c0_i32, %arg0, %c0_i32_0 : i32, i32, i32
  }
  func.func @transform_3(%arg0: i32) -> (i32, i32) {
    %c0_i32 = arith.constant 0 : i32
    %c0_i32_0 = arith.constant 0 : i32
    %c0_i32_1 = arith.constant 0 : i32
    return %c0_i32, %c0_i32_0 : i32, i32
  }
  func.func @transform_4(%arg0: i32) -> (i32, i32, i32) {
    %c0_i32 = arith.constant 0 : i32
    %c0_i32_0 = arith.constant 0 : i32
    %c0_i32_1 = arith.constant 0 : i32
    return %c0_i32, %arg0, %c0_i32_0 : i32, i32, i32
  }
}

</mosaic_0001>

<sc_bundles>
// kernel: kernel.12.cloned.1.call-start
scs
__scs_entry_jumppad:
0x0: {  	(pc) =	sbr.rel $0x88, $3  }
0x1: {  	(tag) =	ssettag $0x0;
	lr =	simm.s32 $0x1  }
0x2: {  	[smem:$0x3F99] =	sst lr;
	_ =	strace $0xD0000000  }
0x3: {  	_ = 	snop  }
0x4: {  	_ = 	snop  }
0x5: {  	_ = 	snop  }
0x6: {  	_ = 	snop  }
0x7: {  	_ = 	snop  }
__scs_overlays_trampoline_lowered:
0x8: {  	[smem:$0x3FA8] =	sst s0  }
0x9: {  	[smem:$0x3FA9] =	sst s1  }
0xa: {  	[smem:$0x3FAA] =	sst s2  }
0xb: {  	[smem:$0x3FAB] =	sst s3  }
0xc: {  	[smem:$0x3FAC] =	sst s4  }
0xd: {  	[smem:$0x3FAD] =	sst s5  }
0xe: {  	[smem:$0x3FAE] =	sst s6  }
0xf: {  	[smem:$0x3FAF] =	sst s7  }
0x10: {  	[smem:$0x3FB0] =	sst s8  }
0x11: {  	[smem:$0x3FB1] =	sst s9;
	s0 =	simm.s32 @!p0 $0x0  }
0x12: {  	s1 =	sld [smem:$0x3F97];
	s0 =	simm.s32 @p0 $0x1  }
0x13: {  	[smem:$0x3FB2] =	sst s0;
	s0 =	simm.s32 @!p1 $0x0  }
0x14: {  	s2 =	sld [smem:$0x3F96];
	s0 =	simm.s32 @p1 $0x1  }
0x15: {  	[smem:$0x3FB3] =	sst s0;
	s0 =	simm.s32 @!p2 $0x0  }
0x16: {  	s3 =	sld [smem:$0x3FDB];
	s0 =	simm.s32 @p2 $0x1  }
0x17: {  	s4 =	simm.s32 $0x1BF5;
	[smem:$0x3FB5] =	sst s0  }
0x18: {  	s0 =	sld [smem:$0x3F98];
	_ =	swait.ge [sflag:s4], $0x0  }
0x19: {  	s7 =	sld [smem:$0x3F99]  }
0x1a: {  	s8 =	sadd.s32 $0xFFFFE003, lr  }
0x1b: {  	s9 =	sadd.s32 $0xFFFFFEF7, lr;
	s5 =	simm.s32 $0xFFFFFFFF;
	p2 =	slt.u32 s8, $0xFFFFF086  }
0x1c: {  	p1 =	slt.u32 s9, $0xF7A;
	s5 =	simm.s32 @!p2 $0x0  }
0x1d: {  	s5 =	simm.s32 @p1 $0x1;
	p0 =	seq.s32 s7, s2  }
0x1e: {  	s7 =	smul.u32 @!p0 $0xF7A, s2;
	p2 =	seq.s32 @!p0 s5, $0x0  }
0x1f: {  	s9 =	smul.u32 $0xF7A, s1;
	s8 =	simm.s32 @!p0 $0x1BF5;
	p2 =	por !p2, p0  }
0x20: {  	[sflag:s8] =	ssyncset.s32 @!p0 $0xFFFFF086;
	s6 =	sadd.s32 @!p0 s3, s7;
	s7 =	simm.s32 @!p0 $0x108  }
0x21: {  	s3 =	sadd.s32 s3, s9;
	s6 =	sadd.s32 @!p0 $0x88, s6;
	s7 =	simm.s32 @p2 $0x1082  }
0x22: {  	[simem:s7], [sflag:s8] =	dma.local @!p0 [hbm:s6], $0xF7A  }
0x23: {  	s9 =	sor.u32 $0xD0000000, s2;
	s6 =	simm.s32 $0x108;
	_ =	swait.ge @!p0 [sflag:s8], $0x0  }
0x24: {  	s3 =	sadd.s32 $0x88, s3;
	s6 =	simm.s32 @!p1 $0x1082;
	[sflag:s4] =	ssyncset.s32 $0xFFFFF086  }
0x25: {  	[simem:s6], [sflag:s4] =	dma.local [hbm:s3], $0xF7A  }
0x26: {  	[smem:$0x3F99] =	sst s1;
	(tag) =	ssettag s2;
	_ =	strace s9  }
0x27: {  	s1 =	sld [smem:$0x3FA9]  }
0x28: {  	s2 =	sld [smem:$0x3FAA]  }
0x29: {  	s4 =	sld [smem:$0x3FAC]  }
0x2a: {  	p0 =	seq.s32 s5, $0x0;
	s5 =	sld [smem:$0x3FAD]  }
0x2b: {  	s6 =	sld [smem:$0x3FAE]  }
0x2c: {  	s7 =	sld [smem:$0x3FAF]  }
0x2d: {  	s3 =	simm.s32 $0x108;
	s8 =	sld [smem:$0x3FB0]  }
0x2e: {  	s3 =	simm.s32 @!p0 $0x1082;
	s9 =	sld [smem:$0x3FB1]  }
0x2f: {  	lr =	sadd.s32 s0, s3;
	s0 =	sld [smem:$0x3FA8]  }
0x30: {  	s3 =	sld [smem:$0x3FAB]  }
0x31: {  	[smem:$0x3FB4] =	sst s10  }
0x32: {  	s10 =	sld [smem:$0x3FB2];
	_ =	sdelay $0x3  }
0x33: {  	p0 =	seq.s32 s10, $0x1;
	s10 =	sld [smem:$0x3FB4];
	_ =	sdelay $0x3  }
0x34: {  	[smem:$0x3FB4] =	sst s10  }
0x35: {  	s10 =	sld [smem:$0x3FB3];
	_ =	sdelay $0x3  }
0x36: {  	p1 =	seq.s32 s10, $0x1;
	s10 =	sld [smem:$0x3FB4];
	_ =	sdelay $0x3  }
0x37: {  	[smem:$0x3FB4] =	sst s10  }
0x38: {  	s10 =	sld [smem:$0x3FB5]  }
0x39: {  	_ = 	snop;
	(pc) =	sbr.ind lr, $3  }
0x3a: {  	_ = 	snop  }
0x3b: {  	_ = 	snop  }
0x3c: {  	p2 =	seq.s32 s10, $0x1;
	s10 =	sld [smem:$0x3FB4]  }
0x3d: {  	_ =	shalt  }
0x3e: {  	_ =	shalt  }
0x3f: {  	_ =	shalt  }
0x40: {  	_ =	shalt  }
0x41: {  	_ =	shalt  }
0x42: {  	_ =	shalt  }
0x43: {  	_ =	shalt  }
0x44: {  	_ =	shalt  }
0x45: {  	_ =	shalt  }
0x46: {  	_ =	shalt  }
0x47: {  	_ =	shalt  }
0x48: {  	_ =	shalt  }
0x49: {  	_ =	shalt  }
0x4a: {  	_ =	shalt  }
0x4b: {  	_ =	shalt  }
0x4c: {  	_ =	shalt  }
0x4d: {  	_ =	shalt  }
0x4e: {  	_ =	shalt  }
0x4f: {  	_ =	shalt  }
0x50: {  	_ =	shalt  }
0x51: {  	_ =	shalt  }
0x52: {  	_ =	shalt  }
0x53: {  	_ =	shalt  }
0x54: {  	_ =	shalt  }
0x55: {  	_ =	shalt  }
0x56: {  	_ =	shalt  }
0x57: {  	_ =	shalt  }
0x58: {  	_ =	shalt  }
0x59: {  	_ =	shalt  }
0x5a: {  	_ =	shalt  }
0x5b: {  	_ =	shalt  }
0x5c: {  	_ =	shalt  }
0x5d: {  	_ =	shalt  }
0x5e: {  	_ =	shalt  }
0x5f: {  	_ =	shalt  }
0x60: {  	_ =	shalt  }
0x61: {  	_ =	shalt  }
0x62: {  	_ =	shalt  }
0x63: {  	_ =	shalt  }
0x64: {  	_ =	shalt  }
0x65: {  	_ =	shalt  }
0x66: {  	_ =	shalt  }
0x67: {  	_ =	shalt  }
0x68: {  	_ =	shalt  }
0x69: {  	_ =	shalt  }
0x6a: {  	_ =	shalt  }
0x6b: {  	_ =	shalt  }
0x6c: {  	_ =	shalt  }
0x6d: {  	_ =	shalt  }
0x6e: {  	_ =	shalt  }
0x6f: {  	_ =	shalt  }
0x70: {  	_ =	shalt  }
0x71: {  	_ =	shalt  }
0x72: {  	_ =	shalt  }
0x73: {  	_ =	shalt  }
0x74: {  	_ =	shalt  }
0x75: {  	_ =	shalt  }
0x76: {  	_ =	shalt  }
0x77: {  	_ =	shalt  }
0x78: {  	_ =	shalt  }
0x79: {  	_ =	shalt  }
0x7a: {  	_ =	shalt  }
0x7b: {  	_ =	shalt  }
0x7c: {  	_ =	shalt  }
0x7d: {  	_ =	shalt  }
0x7e: {  	_ =	shalt  }
0x7f: {  	_ =	shalt  }
0x80: {  	_ =	shalt  }
0x81: {  	_ =	shalt  }
0x82: {  	_ =	shalt  }
0x83: {  	_ =	shalt  }
0x84: {  	_ =	shalt  }
0x85: {  	_ =	shalt  }
0x86: {  	_ =	shalt  }
0x87: {  	_ =	shalt  }
.Lfunc_end0:
.L_simem_size_0:
called_computation_lowered:
.L_overlay_start_0:
0x88: {  	s2 =	sld [smem:$0x3FD9]  }
0x89: {  	s3 =	sld [smem:$0x3FFE];
	_ =	sdelay $0x1  }
0x8a: {  	s1 =	srdreg.scid  }
0x8b: {  	s0 =	sand.u32 $0x1, s1  }
0x8c: {  	s16 =	sshll.u32 s0, $0xA;
	s2 =	sadd.s32 s3, s2  }
0x8d: {  	s2 =	sadd.s32 s2, s16  }
0x8e: {  	[smem:$0x3FC0] =	sst s2  }
0x8f: {  	_ = 	snop  }
0x90: {  	(tm) =	ssettm $0x1  }
0x91: {  	s17 =	sld [smem:$0x3FFB];
	_ =	sdelay $0x3  }
0x92: {  	_ =	strace s17  }
0x93: {  	s2 =	sld [smem:$0x3FFC];
	_ =	sdelay $0x3  }
0x94: {  	_ =	strace s2  }
0x95: {  	s2 =	sld [smem:$0x3FFD];
	_ =	sdelay $0x3  }
0x96: {  	_ =	strace s2  }
0x97: {  	_ =	strace $0x8FFFFFFF  }
0x98: {  	s18 =	sld [smem:$0x3FDB];
	_ =	sdelay $0x1  }
0x99: {  	s19 =	simm.s32 $_scs_section_size  }
0x9a: {  	s4 =	simm.s32 $_size__tile_overlayer_lowered;
	s5 =	simm.s32 $_tile_overlayer_lowered  }
0x9b: {  	s22 =	simm.s32 $0x1BFF;
	s21 =	sshll.u32 s5, $0x1;
	s2 =	sadd.s32 s19, s18  }
0x9c: {  	s6 =	simm.s32 $0x0;
	s20 =	sshll.u32 s4, $0x1;
	s4 =	sadd.s32 s21, s2  }
0x9d: {  	[timem:s6], [sflag:s22] =	dma.local [hbm:s4], s20  }
0x9e: {  	_ =	swait.ge [sflag:s22], s20  }
0x9f: {  	s3 =	ssub.s32 $0x0, s20;
	[sflag:s22] =	ssyncset.done $0x0  }
0xa0: {  	[sflag:s22] =	ssyncadd.s32 s3;
	_ =	sdelay $0x1  }
0xa1: {  	s23 =	simm.s32 $0x1B8B  }
0xa2: {  	_ =	swait.ge [sflag:s23], $0x1  }
0xa3: {  	[sflag:s23] =	ssyncset.done $0x0  }
0xa4: {  	s25 =	simm.s32 $0x1B8E;
	s24 =	sld [smem:$0x3FFE];
	[sflag:s23] =	ssyncadd.s32 $0xFFFFFFFF  }
0xa5: {  	s26 =	simm.s32 $execute0_lowered;
	[smem:$0x3FD2] =	sst s25  }
0xa6: {  	s4 =	sshll.u32 s26, $0x1;
	_ =	strace $0x80000046;
	[dreg:$0x1] =	wrdreg $0xFFFFFFFF  }
0xa7: {  	s28 =	simm.s32 $_size_execute0_lowered;
	s2 =	sadd.s32 s2, s4;
	[dreg:$0x0] =	wrdreg $0x0  }
0xa8: {  	s4 =	sshll.u32 s28, $0x1;
	[dreg:$0x2] =	wrdreg s2  }
0xa9: {  	[dreg:$0x3] =	wrdreg s4  }
0xaa: {  	[dreg:$0x4] =	wrdreg $0xC0  }
0xab: {  	_ =	task [dreg:s6], $0x5FFFF  }
0xac: {  	[dreg:$0x1] =	wrdreg $0xFFFFFFFF  }
0xad: {  	[dreg:$0x0] =	wrdreg $0x60  }
0xae: {  	[dreg:$0x2] =	wrdreg s24  }
0xaf: {  	[dreg:$0x3] =	wrdreg $0x81000  }
0xb0: {  	[dreg:$0x4] =	wrdreg $0x9  }
0xb1: {  	_ =	task.clear_ibuf [dreg:s6], $0x5FFFF;
	_ =	strace $0x90000046  }
0xb2: {  	s29 =	simm.s32 $0x9;
	_ =	strace $0x80000048  }
0xb3: {  	_ =	swait.ge [sflag:s29], $0x1  }
0xb4: {  	[sflag:s29] =	ssyncadd.s32 $0xFFFFFFFF  }
0xb5: {  	_ =	strace $0x90000048  }
0xb6: {  	_ =	sfence  }
0xb7: {  	s30 =	sld [smem:$0x0];
	_ =	sdelay $0x2  }
0xb8: {  	s31 =	sshll.u32 s1, $0xD;
	s1 =	sshrl.u32 s1, $0x2  }
0xb9: {  	s3 =	sand.u32 $0x4000, s31;
	s1 =	sadd.s32 s1, s30  }
0xba: {  	s0 =	sor.u32 s3, s0;
	s1 =	sshll.u32 s1, $0x11  }
0xbb: {  	s0 =	sor.u32 s1, s0  }
0xbc: {  	s0 =	sadd.s32 $0x8F2B, s0  }
0xbd: {  	[sflag:s0] =	ssyncadd.remote.s32 $0x1  }
0xbe: {  	_ =	sfence.sel $0xFFFF  }
0xbf: {  	[dreg:$0x0] =	wrdreg $0xFFFFFFFF;
	(pc) =	sbr.abs _section_cstart, $3  }
0xc0: {  	[dreg:$0x1] =	wrdreg $0xFFFFFFFF  }
0xc1: {  	_ =	task.clear_ibuf [dreg:s6], $0x2FFFF;
	_ =	strace $0x9FFFFFFF  }
0xc2: {  	(tm) =	ssettm $0x7FFFFFFF  }
0xc3: {  	_ =	shalt  }
tec
execute0_lowered:
.L_overlay_start_1:
0x0: {  	(tag) =	ssettag $0x1  }
0x1: {  	s8 =	rddreg [dreg:$0x0]  }
0x2: {  	s2 =	rddreg [dreg:$0x1]  }
0x3: {  	s0 =	rddreg [dreg:$0x2]  }
0x4: {  	s3 =	simm.s32 $0x0;
	s1 =	stileid.u32;
	s4 =	srdreg.scid  }
0x5: {  	s21 =	simm.s32 $0x4;
	s22 =	simm.s32 $0x80;
	s23 =	simm.s32 $0x2  }
0x6: {  	s24 =	simm.s32 $0x3;
	[smem:$0x7FF] =	sst s3;
	s9 =	smul.u32 $0x280, s1  }
0x7: {  	s18 =	sadd.s32 $0xE00, s8;
	s4 =	sand.u32 $0x1, s4;
	s12 =	smul.u32 $0x14000, s1  }
0x8: {  	s6 =	sadd.s32 $0x51400, s8;
	s26 =	smul.u32 $0x50000, s1;
	_ =	strace $0x80000047  }
0x9: {  	s7 =	ssub.s32 $0x2, s4;
	s4 =	smul.u32 $0x140000, s4;
	s5 =	sshrl.u32 s9, $0x3  }
0xa: {  	s11 =	sshrl.u32 s7, $0x1;
	s14 =	sshll.u32 s9, $0x7;
	s10 =	sadd.s32 s5, s8  }
0xb: {  	s5 =	smul.u32 $0x5, s1;
	s11 =	ssub.s32 s7, s11;
	s8 =	sadd.s32 $0x50E10, s8  }
0xc: {  	s25 =	sadd.s32 s4, s12;
	s13 =	sadd.s32 $0x4000, s14;
	s12 =	sshrl.u32 s26, $0x2  }
0xd: {  	s29 =	sadd.s32 $0x8000, s14;
	s17 =	sadd.s32 $0xC000, s14;
	s20 =	sadd.s32 $0x10000, s14  }
0xe: {  	s7 =	sadd.s32 $0x50E00, s10;
	s9 =	smax.u32 s11, $0x1;
	s10 =	sshrl.u32 s25, $0x3  }
0xf: {  	s28 =	sadd.s32 s4, s13;
	s11 =	sadd.s32 s12, s2;
	s13 =	sadd.s32 s13, s2  }
0x10: {  	s16 =	sadd.s32 s4, s29;
	s19 =	sadd.s32 s4, s17;
	s31 =	sadd.s32 s4, s20  }
.Ltmp0:
0x11: {  	s17 =	sadd.s32 s17, s2;
	s25 =	simm.s32 $0x0;
	(pc) =	sbr.rel .LBB2_1-.Ltmp0, $4  }
0x12: {  	s10 =	sadd.s32 s18, s10;
	s15 =	sshrl.u32 s28, $0x3;
	s16 =	sshrl.u32 s16, $0x3  }
0x13: {  	s30 =	sshrl.u32 s19, $0x3;
	s19 =	sshrl.u32 s31, $0x3;
	s12 =	sadd.s32 s18, s15  }
0x14: {  	s14 =	sadd.s32 s18, s16;
	s15 =	sadd.s32 s29, s2;
	s16 =	sadd.s32 s18, s30  }
0x15: {  	s18 =	sadd.s32 s18, s19;
	s19 =	sadd.s32 s20, s2;
	s20 =	simm.s32 $0x100  }
.LBB2_6:
0x16: {  	s25 =	sadd.s32 $0x1, s25  }
0x17: {  	_ =	swait.ge [sflag:s24], $0x4000;
	p0 =	sne.s32 s25, s9  }
.Ltmp1:
0x18: {  	[sflag:s24] =	ssyncset.done $0x0;
	(pc) =	sbr.rel @!p0 .LBB2_7-.Ltmp1, $4  }
0x19: {  	[sflag:s24] =	ssyncadd.s32 $0xFFFFC000  }
0x1a: {  	_ =	swait.ge [sflag:s24], $0x4000  }
0x1b: {  	[sflag:s24] =	ssyncset.done $0x0  }
0x1c: {  	[sflag:s24] =	ssyncadd.s32 $0xFFFFC000  }
.LBB2_1:
0x1d: {  	[tilespmem:s20], [sflag:$0x4] =	stream.linear.gather [hbm4b:s10+s3], $0x4000, $0x38;
	[tilespmem:$0x1C100] =	vst v63  }
0x1e: {  	_ =	swait.ge [sflag:s21], $0x4000  }
0x1f: {  	[sflag:s21] =	ssyncset.done $0x0  }
0x20: {  	[sflag:s21] =	ssyncadd.s32 $0xFFFFC000  }
0x21: {  	[spmem:s11] =	stream.linear.scatter [tilespmem:s20], [sflag:$0x4], $0x4000, $0x38;
	[tilespmem:$0x1C100] =	vst v63  }
0x22: {  	_ =	swait.ge [sflag:s21], $0x4000  }
0x23: {  	[sflag:s21] =	ssyncset.done $0x0  }
0x24: {  	[sflag:s21] =	ssyncadd.s32 $0xFFFFC000  }
0x25: {  	[tilespmem:s20], [sflag:$0x4] =	stream.linear.gather [hbm4b:s12+s3], $0x4000, $0x38;
	[tilespmem:$0x1C100] =	vst v63  }
0x26: {  	_ =	swait.ge [sflag:s21], $0x4000  }
0x27: {  	[sflag:s21] =	ssyncset.done $0x0  }
0x28: {  	[sflag:s21] =	ssyncadd.s32 $0xFFFFC000  }
0x29: {  	[spmem:s13] =	stream.linear.scatter [tilespmem:s20], [sflag:$0x4], $0x4000, $0x38;
	[tilespmem:$0x1C100] =	vst v63  }
0x2a: {  	_ =	swait.ge [sflag:s21], $0x4000  }
0x2b: {  	[sflag:s21] =	ssyncset.done $0x0  }
0x2c: {  	[sflag:s21] =	ssyncadd.s32 $0xFFFFC000  }
0x2d: {  	[tilespmem:s20], [sflag:$0x4] =	stream.linear.gather [hbm4b:s14+s3], $0x4000, $0x38;
	[tilespmem:$0x1C100] =	vst v63  }
0x2e: {  	_ =	swait.ge [sflag:s21], $0x4000  }
0x2f: {  	[sflag:s21] =	ssyncset.done $0x0  }
0x30: {  	[sflag:s21] =	ssyncadd.s32 $0xFFFFC000  }
0x31: {  	[spmem:s15] =	stream.linear.scatter [tilespmem:s20], [sflag:$0x4], $0x4000, $0x38;
	[tilespmem:$0x1C100] =	vst v63  }
0x32: {  	_ =	swait.ge [sflag:s21], $0x4000  }
0x33: {  	[sflag:s21] =	ssyncset.done $0x0  }
0x34: {  	[sflag:s21] =	ssyncadd.s32 $0xFFFFC000  }
0x35: {  	[tilespmem:s20], [sflag:$0x4] =	stream.linear.gather [hbm4b:s16+s3], $0x4000, $0x38;
	[tilespmem:$0x1C100] =	vst v63  }
0x36: {  	_ =	swait.ge [sflag:s21], $0x4000  }
0x37: {  	[sflag:s21] =	ssyncset.done $0x0  }
0x38: {  	[sflag:s21] =	ssyncadd.s32 $0xFFFFC000  }
0x39: {  	[spmem:s17] =	stream.linear.scatter [tilespmem:s20], [sflag:$0x4], $0x4000, $0x38;
	[tilespmem:$0x1C100] =	vst v63  }
0x3a: {  	_ =	swait.ge [sflag:s21], $0x4000  }
0x3b: {  	[sflag:s21] =	ssyncset.done $0x0  }
0x3c: {  	[sflag:s21] =	ssyncadd.s32 $0xFFFFC000  }
0x3d: {  	[tilespmem:s20], [sflag:$0x4] =	stream.linear.gather [hbm4b:s18+s3], $0x4000, $0x38;
	[tilespmem:$0x1C100] =	vst v63  }
0x3e: {  	_ =	swait.ge [sflag:s21], $0x4000  }
0x3f: {  	[sflag:s21] =	ssyncset.done $0x0  }
0x40: {  	[sflag:s21] =	ssyncadd.s32 $0xFFFFC000  }
0x41: {  	[spmem:s19] =	stream.linear.scatter [tilespmem:s20], [sflag:$0x4], $0x4000, $0x38;
	[tilespmem:$0x1C100] =	vst v63  }
0x42: {  	_ =	swait.ge [sflag:s21], $0x4000  }
0x43: {  	[sflag:s21] =	ssyncset.done $0x0  }
0x44: {  	[sflag:s21] =	ssyncadd.s32 $0xFFFFC000  }
.Ltmp2:
0x45: {  	[bflag:$0x0] =	sbarrier.arrive $0xFFFF;
	(pc) =	sbr.rel .LBB2_2-.Ltmp2, $4  }
0x46: {  	[tilespmem:s3], [sflag:$0x4] =	stream.linear.gather [hbm4b:s7+s3], $0x80, $0x38;
	[tilespmem:$0x1C100] =	vst v63  }
0x47: {  	_ =	swait.ge [sflag:s21], $0x80  }
0x48: {  	[sflag:s21] =	ssyncset.done $0x0  }
0x49: {  	s26 =	simm.s32 $0x0;
	[sflag:s21] =	ssyncadd.s32 $0xFFFFFF80  }
.LBB2_4:
0x4a: {  	s30 =	sshll.u32 s28, $0x4;
	s31 =	sshll.u32 s29, $0x7;
	s26 =	sadd.s32 $0x1, s26  }
0x4b: {  	p0 =	por $0x0, $0x0;
	s31 =	sxor.u32 $0x80, s31;
	s30 =	sadd.s32 s30, s8  }
0x4c: {  	[tilespmem:s31], [sflag:$0x1] =	stream.linear.gather [hbm4b:s30+s3], $0x80, $0x38;
	[tilespmem:$0x1C100] =	vst v63  }
.LBB2_5:
0x4d: {  	s30 =	sshll.u32 s29, $0xE  }
0x4e: {  	s31 =	sshll.u32 s29, $0x7;
	s28 =	sshll.u32 s28, $0xE;
	s30 =	sor.u32 $0x100, s30  }
0x4f: {  	[tilespmem:s30], [sflag:$0x2] =	stream.indirect.gather [spmem:s2], $0x80, s31, s22, $0xb8;
	[tilespmem:$0x1C100] =	vst v63  }
0x50: {  	s28 =	sadd.s32 s4, s28;
	_ =	swait.ge [sflag:s23], $0x4000  }
0x51: {  	s28 =	sshrl.u32 s28, $0x3;
	[sflag:s23] =	ssyncset.done $0x0  }
0x52: {  	p1 =	slt.u32 s26, $0x5;
	s28 =	sadd.s32 s6, s28;
	[sflag:s23] =	ssyncadd.s32 $0xFFFFC000  }
0x53: {  	[hbm4b:s28+s3] =	stream.linear.scatter [tilespmem:s30], [sflag:$0x3], $0x4000, $0x38;
	[tilespmem:$0x1C100] =	vst v63  }
.Ltmp3:
0x54: {  	_ = 	snop;
	(pc) =	sbr.rel @!p1 .LBB2_6-.Ltmp3, $4  }
0x55: {  	s28 =	simm.s32 @!p0 $0x1  }
0x56: {  	_ =	swait.ge @!p0 [sflag:s28], $0x80  }
0x57: {  	[sflag:s28] =	ssyncset.done @!p0 $0x0  }
0x58: {  	[sflag:s28] =	ssyncadd.s32 @!p0 $0xFFFFFF80  }
.LBB2_2:
0x59: {  	p0 =	slt.u32 s26, $0x2  }
0x5a: {  	p1 =	seq.s32 @!p0 s26, $0x4  }
0x5b: {  	p1 =	por p0, !p1  }
.Ltmp4:
0x5c: {  	_ = 	snop;
	(pc) =	sbr.rel @p1 .LBB2_4-.Ltmp4, $4  }
0x5d: {  	s30 =	simm.s32 @!p0 $0x3  }
0x5e: {  	_ =	swait.ge @!p0 [sflag:s30], $0x4000  }
0x5f: {  	[sflag:s30] =	ssyncset.done @!p0 $0x0  }
0x60: {  	s29 =	sand.u32 $0x1, s26;
	s28 =	sadd.s32 s5, s26;
	[sflag:s30] =	ssyncadd.s32 @!p0 $0xFFFFC000  }
.Ltmp5:
0x61: {  	(pc) =	sbr.rel .LBB2_5-.Ltmp5, $2  }
0x62: {  	_ =	sdelay $0x2  }
0x63: {  	s26 =	simm.s32 @!p0 $0x5;
	p0 =	por @!p0 $0x1, $0x1  }
.LBB2_7:
0x64: {  	_ =	sfence.sel $0x180000  }
0x65: {  	[bflag:$0x0] =	sbarrier.arrive $0xFFFF  }
0x66: {  	p0 =	sne.s32 s1, $0x0;
	_ =	strace $0x90000047  }
0x67: {  	s0 =	sadd.s32 @!p0 $0x100000, s0;
	[bflag:$0x2] =	sbarrier.arrive $0xFFFF  }
0x68: {  	[sflag:s0] =	ssyncadd.tile.s32 @!p0 $0x1;
	_ =	shalt  }
.Lfunc_end2:
_tile_overlayer_lowered:
.L_overlay_start_2:
0x69: {  	(tag) =	ssettag $0x2  }
0x6a: {  	s0 =	rddreg [dreg:$0x0];
	s2 =	stileid.u32  }
0x6b: {  	s1 =	rddreg [dreg:$0x1];
	p0 =	sne.s32 s2, $0x0  }
0x6c: {  	s3 =	rddreg [dreg:$0x2];
	[bflag:$0x3] =	sbarrier.arrive $0xFFFF;
	s2 =	simm.s32 @!p0 $0x1C04  }
0x6d: {  	[timem:s3], [sflag:s2] =	dma.local @!p0 [hbm:s0], s1  }
0x6e: {  	s0 =	simm.s32 @!p0 $0x4  }
0x6f: {  	_ =	swait.ge @!p0 [sflag:s0], s1  }
0x70: {  	s1 =	ssub.s32 @!p0 $0x0, s1;
	[sflag:s0] =	ssyncset.done @!p0 $0x0  }
0x71: {  	[sflag:s0] =	ssyncadd.s32 @!p0 s1  }
0x72: {  	[bflag:$0x3] =	sbarrier.arrive $0xFFFF  }
0x73: {  	_ =	shalt  }

// kernel: kernel.15.cloned.1.call-start
scs
__scs_entry_jumppad:
0x0: {  	(pc) =	sbr.rel $0x88, $3  }
0x1: {  	(tag) =	ssettag $0x0;
	lr =	simm.s32 $0x1  }
0x2: {  	[smem:$0x3F99] =	sst lr;
	_ =	strace $0xD0000000  }
0x3: {  	_ = 	snop  }
0x4: {  	_ = 	snop  }
0x5: {  	_ = 	snop  }
0x6: {  	_ = 	snop  }
0x7: {  	_ = 	snop  }
__scs_overlays_trampoline_lowered:
0x8: {  	[smem:$0x3FA8] =	sst s0  }
0x9: {  	[smem:$0x3FA9] =	sst s1  }
0xa: {  	[smem:$0x3FAA] =	sst s2  }
0xb: {  	[smem:$0x3FAB] =	sst s3  }
0xc: {  	[smem:$0x3FAC] =	sst s4  }
0xd: {  	[smem:$0x3FAD] =	sst s5  }
0xe: {  	[smem:$0x3FAE] =	sst s6  }
0xf: {  	[smem:$0x3FAF] =	sst s7  }
0x10: {  	[smem:$0x3FB0] =	sst s8  }
0x11: {  	[smem:$0x3FB1] =	sst s9;
	s0 =	simm.s32 @!p0 $0x0  }
0x12: {  	s1 =	sld [smem:$0x3F97];
	s0 =	simm.s32 @p0 $0x1  }
0x13: {  	[smem:$0x3FB2] =	sst s0;
	s0 =	simm.s32 @!p1 $0x0  }
0x14: {  	s2 =	sld [smem:$0x3F96];
	s0 =	simm.s32 @p1 $0x1  }
0x15: {  	[smem:$0x3FB3] =	sst s0;
	s0 =	simm.s32 @!p2 $0x0  }
0x16: {  	s3 =	sld [smem:$0x3FDB];
	s0 =	simm.s32 @p2 $0x1  }
0x17: {  	s4 =	simm.s32 $0x1BF5;
	[smem:$0x3FB5] =	sst s0  }
0x18: {  	s0 =	sld [smem:$0x3F98];
	_ =	swait.ge [sflag:s4], $0x0  }
0x19: {  	s7 =	sld [smem:$0x3F99]  }
0x1a: {  	s8 =	sadd.s32 $0xFFFFE003, lr  }
0x1b: {  	s9 =	sadd.s32 $0xFFFFFEF7, lr;
	s5 =	simm.s32 $0xFFFFFFFF;
	p2 =	slt.u32 s8, $0xFFFFF086  }
0x1c: {  	p1 =	slt.u32 s9, $0xF7A;
	s5 =	simm.s32 @!p2 $0x0  }
0x1d: {  	s5 =	simm.s32 @p1 $0x1;
	p0 =	seq.s32 s7, s2  }
0x1e: {  	s7 =	smul.u32 @!p0 $0xF7A, s2;
	p2 =	seq.s32 @!p0 s5, $0x0  }
0x1f: {  	s9 =	smul.u32 $0xF7A, s1;
	s8 =	simm.s32 @!p0 $0x1BF5;
	p2 =	por !p2, p0  }
0x20: {  	[sflag:s8] =	ssyncset.s32 @!p0 $0xFFFFF086;
	s6 =	sadd.s32 @!p0 s3, s7;
	s7 =	simm.s32 @!p0 $0x108  }
0x21: {  	s3 =	sadd.s32 s3, s9;
	s6 =	sadd.s32 @!p0 $0x88, s6;
	s7 =	simm.s32 @p2 $0x1082  }
0x22: {  	[simem:s7], [sflag:s8] =	dma.local @!p0 [hbm:s6], $0xF7A  }
0x23: {  	s9 =	sor.u32 $0xD0000000, s2;
	s6 =	simm.s32 $0x108;
	_ =	swait.ge @!p0 [sflag:s8], $0x0  }
0x24: {  	s3 =	sadd.s32 $0x88, s3;
	s6 =	simm.s32 @!p1 $0x1082;
	[sflag:s4] =	ssyncset.s32 $0xFFFFF086  }
0x25: {  	[simem:s6], [sflag:s4] =	dma.local [hbm:s3], $0xF7A  }
0x26: {  	[smem:$0x3F99] =	sst s1;
	(tag) =	ssettag s2;
	_ =	strace s9  }
0x27: {  	s1 =	sld [smem:$0x3FA9]  }
0x28: {  	s2 =	sld [smem:$0x3FAA]  }
0x29: {  	s4 =	sld [smem:$0x3FAC]  }
0x2a: {  	p0 =	seq.s32 s5, $0x0;
	s5 =	sld [smem:$0x3FAD]  }
0x2b: {  	s6 =	sld [smem:$0x3FAE]  }
0x2c: {  	s7 =	sld [smem:$0x3FAF]  }
0x2d: {  	s3 =	simm.s32 $0x108;
	s8 =	sld [smem:$0x3FB0]  }
0x2e: {  	s3 =	simm.s32 @!p0 $0x1082;
	s9 =	sld [smem:$0x3FB1]  }
0x2f: {  	lr =	sadd.s32 s0, s3;
	s0 =	sld [smem:$0x3FA8]  }
0x30: {  	s3 =	sld [smem:$0x3FAB]  }
0x31: {  	[smem:$0x3FB4] =	sst s10  }
0x32: {  	s10 =	sld [smem:$0x3FB2];
	_ =	sdelay $0x3  }
0x33: {  	p0 =	seq.s32 s10, $0x1;
	s10 =	sld [smem:$0x3FB4];
	_ =	sdelay $0x3  }
0x34: {  	[smem:$0x3FB4] =	sst s10  }
0x35: {  	s10 =	sld [smem:$0x3FB3];
	_ =	sdelay $0x3  }
0x36: {  	p1 =	seq.s32 s10, $0x1;
	s10 =	sld [smem:$0x3FB4];
	_ =	sdelay $0x3  }
0x37: {  	[smem:$0x3FB4] =	sst s10  }
0x38: {  	s10 =	sld [smem:$0x3FB5]  }
0x39: {  	_ = 	snop;
	(pc) =	sbr.ind lr, $3  }
0x3a: {  	_ = 	snop  }
0x3b: {  	_ = 	snop  }
0x3c: {  	p2 =	seq.s32 s10, $0x1;
	s10 =	sld [smem:$0x3FB4]  }
0x3d: {  	_ =	shalt  }
0x3e: {  	_ =	shalt  }
0x3f: {  	_ =	shalt  }
0x40: {  	_ =	shalt  }
0x41: {  	_ =	shalt  }
0x42: {  	_ =	shalt  }
0x43: {  	_ =	shalt  }
0x44: {  	_ =	shalt  }
0x45: {  	_ =	shalt  }
0x46: {  	_ =	shalt  }
0x47: {  	_ =	shalt  }
0x48: {  	_ =	shalt  }
0x49: {  	_ =	shalt  }
0x4a: {  	_ =	shalt  }
0x4b: {  	_ =	shalt  }
0x4c: {  	_ =	shalt  }
0x4d: {  	_ =	shalt  }
0x4e: {  	_ =	shalt  }
0x4f: {  	_ =	shalt  }
0x50: {  	_ =	shalt  }
0x51: {  	_ =	shalt  }
0x52: {  	_ =	shalt  }
0x53: {  	_ =	shalt  }
0x54: {  	_ =	shalt  }
0x55: {  	_ =	shalt  }
0x56: {  	_ =	shalt  }
0x57: {  	_ =	shalt  }
0x58: {  	_ =	shalt  }
0x59: {  	_ =	shalt  }
0x5a: {  	_ =	shalt  }
0x5b: {  	_ =	shalt  }
0x5c: {  	_ =	shalt  }
0x5d: {  	_ =	shalt  }
0x5e: {  	_ =	shalt  }
0x5f: {  	_ =	shalt  }
0x60: {  	_ =	shalt  }
0x61: {  	_ =	shalt  }
0x62: {  	_ =	shalt  }
0x63: {  	_ =	shalt  }
0x64: {  	_ =	shalt  }
0x65: {  	_ =	shalt  }
0x66: {  	_ =	shalt  }
0x67: {  	_ =	shalt  }
0x68: {  	_ =	shalt  }
0x69: {  	_ =	shalt  }
0x6a: {  	_ =	shalt  }
0x6b: {  	_ =	shalt  }
0x6c: {  	_ =	shalt  }
0x6d: {  	_ =	shalt  }
0x6e: {  	_ =	shalt  }
0x6f: {  	_ =	shalt  }
0x70: {  	_ =	shalt  }
0x71: {  	_ =	shalt  }
0x72: {  	_ =	shalt  }
0x73: {  	_ =	shalt  }
0x74: {  	_ =	shalt  }
0x75: {  	_ =	shalt  }
0x76: {  	_ =	shalt  }
0x77: {  	_ =	shalt  }
0x78: {  	_ =	shalt  }
0x79: {  	_ =	shalt  }
0x7a: {  	_ =	shalt  }
0x7b: {  	_ =	shalt  }
0x7c: {  	_ =	shalt  }
0x7d: {  	_ =	shalt  }
0x7e: {  	_ =	shalt  }
0x7f: {  	_ =	shalt  }
0x80: {  	_ =	shalt  }
0x81: {  	_ =	shalt  }
0x82: {  	_ =	shalt  }
0x83: {  	_ =	shalt  }
0x84: {  	_ =	shalt  }
0x85: {  	_ =	shalt  }
0x86: {  	_ =	shalt  }
0x87: {  	_ =	shalt  }
.Lfunc_end0:
.L_simem_size_0:
called_computation.1_lowered:
.L_overlay_start_0:
0x88: {  	s2 =	sld [smem:$0x3FD9]  }
0x89: {  	s3 =	sld [smem:$0x3FFE];
	_ =	sdelay $0x1  }
0x8a: {  	s1 =	srdreg.scid  }
0x8b: {  	s0 =	sand.u32 $0x1, s1  }
0x8c: {  	s17 =	sshll.u32 s0, $0xA;
	s2 =	sadd.s32 s3, s2  }
0x8d: {  	s2 =	sadd.s32 s2, s17  }
0x8e: {  	[smem:$0x3FC0] =	sst s2  }
0x8f: {  	_ = 	snop  }
0x90: {  	s18 =	sld [smem:$0x3FD0];
	(tm) =	ssettm $0x1  }
0x91: {  	s19 =	sld [smem:$0x3FFB];
	_ =	sdelay $0x3  }
0x92: {  	_ =	strace s19  }
0x93: {  	s2 =	sld [smem:$0x3FFC];
	_ =	sdelay $0x3  }
0x94: {  	_ =	strace s2  }
0x95: {  	s2 =	sld [smem:$0x3FFD];
	_ =	sdelay $0x3  }
0x96: {  	_ =	strace s2  }
0x97: {  	_ =	strace $0x8FFFFFFF  }
0x98: {  	s20 =	sld [smem:$0x3FDB];
	_ =	sdelay $0x1  }
0x99: {  	s4 =	simm.s32 $_scs_section_size  }
0x9a: {  	s5 =	simm.s32 $_size__tile_overlayer_lowered;
	s6 =	simm.s32 $_tile_overlayer_lowered  }
0x9b: {  	s7 =	simm.s32 $0x1BFF;
	s21 =	sshll.u32 s6, $0x1;
	s4 =	sadd.s32 s4, s20  }
0x9c: {  	s22 =	simm.s32 $0x0;
	s5 =	sshll.u32 s5, $0x1;
	s6 =	sadd.s32 s21, s4  }
0x9d: {  	[timem:s22], [sflag:s7] =	dma.local [hbm:s6], s5  }
0x9e: {  	_ =	swait.ge [sflag:s7], s5  }
0x9f: {  	s5 =	ssub.s32 $0x0, s5;
	[sflag:s7] =	ssyncset.done $0x0  }
0xa0: {  	[sflag:s7] =	ssyncadd.s32 s5;
	_ =	sdelay $0x1  }
0xa1: {  	s23 =	simm.s32 $0x1B8B  }
0xa2: {  	_ =	swait.ge [sflag:s23], $0x1  }
0xa3: {  	[sflag:s23] =	ssyncset.done $0x0  }
0xa4: {  	[sflag:s23] =	ssyncadd.s32 $0xFFFFFFFF  }
0xa5: {  	s5 =	sld [smem:$0x0]  }
0xa6: {  	s6 =	sand.u32 $0xFFFFFFFE, s1  }
0xa7: {  	p0 =	sne.s32 s1, s6  }
0xa8: {  	s6 =	sshll.u32 @p0 s6, $0xE  }
0xa9: {  	s6 =	sadd.s32 @p0 $0x11B8D, s6;
	s7 =	sshll.u32 @p0 s5, $0x11  }
0xaa: {  	s6 =	sor.u32 @p0 s7, s6  }
0xab: {  	[sflag:s6] =	ssyncadd.remote.s32 @p0 $0x1;
	_ =	sdelay $0x1  }
0xac: {  	s6 =	simm.s32 @p0 $0x1B8D  }
0xad: {  	_ =	swait.eq @p0 [sflag:s6], $0x1  }
0xae: {  	[sflag:s6] =	ssyncadd.s32 @p0 $0xFFFFFFFF  }
0xaf: {  	s7 =	sshll.u32 @!p0 s1, $0xE  }
0xb0: {  	s7 =	sor.u32 @!p0 $0x4000, s7;
	s6 =	simm.s32 @!p0 $0x1B8D  }
0xb1: {  	s5 =	sshll.u32 @!p0 s5, $0x11;
	s7 =	sadd.s32 @!p0 $0x11B8D, s7;
	_ =	swait.eq @!p0 [sflag:s6], $0x1  }
0xb2: {  	s5 =	sor.u32 @!p0 s5, s7;
	[sflag:s6] =	ssyncadd.s32 @!p0 $0xFFFFFFFF  }
0xb3: {  	s25 =	simm.s32 $0x1B8E;
	s24 =	sld [smem:$0x3FFE];
	[sflag:s5] =	ssyncadd.remote.s32 @!p0 $0x1  }
0xb4: {  	s26 =	simm.s32 $execute0_lowered;
	[smem:$0x3FD2] =	sst s25  }
0xb5: {  	s6 =	sshll.u32 s26, $0x1;
	_ =	strace $0x8000004C;
	[dreg:$0x1] =	wrdreg $0xFFFFFFFF  }
0xb6: {  	s28 =	simm.s32 $_size_execute0_lowered;
	s4 =	sadd.s32 s4, s6;
	[dreg:$0x0] =	wrdreg $0x0  }
0xb7: {  	s6 =	sshll.u32 s28, $0x1;
	[dreg:$0x2] =	wrdreg s4  }
0xb8: {  	[dreg:$0x3] =	wrdreg s6  }
0xb9: {  	[dreg:$0x4] =	wrdreg $0xC0  }
0xba: {  	_ =	task [dreg:s22], $0x5FFFF  }
0xbb: {  	[dreg:$0x1] =	wrdreg $0xFFFFFFFF  }
0xbc: {  	[dreg:$0x0] =	wrdreg $0x60  }
0xbd: {  	[dreg:$0x2] =	wrdreg s18  }
0xbe: {  	[dreg:$0x3] =	wrdreg s24  }
0xbf: {  	[dreg:$0x4] =	wrdreg $0x80800  }
0xc0: {  	[dreg:$0x5] =	wrdreg $0x9  }
0xc1: {  	_ =	task.clear_ibuf [dreg:s22], $0x6FFFF;
	_ =	strace $0x9000004C  }
0xc2: {  	s29 =	simm.s32 $0x9;
	_ =	strace $0x8000004E  }
0xc3: {  	_ =	swait.ge [sflag:s29], $0x1  }
0xc4: {  	[sflag:s29] =	ssyncadd.s32 $0xFFFFFFFF  }
0xc5: {  	_ =	strace $0x9000004E  }
0xc6: {  	_ =	sfence  }
0xc7: {  	s30 =	sld [smem:$0x0];
	_ =	sdelay $0x2  }
0xc8: {  	s31 =	sshll.u32 s1, $0xD;
	s1 =	sshrl.u32 s1, $0x2  }
0xc9: {  	s4 =	sand.u32 $0x4000, s31;
	s1 =	sadd.s32 s1, s30  }
0xca: {  	s0 =	sor.u32 s4, s0;
	s1 =	sshll.u32 s1, $0x11  }
0xcb: {  	s0 =	sor.u32 s1, s0  }
0xcc: {  	s0 =	sadd.s32 $0x8F2B, s0  }
0xcd: {  	[sflag:s0] =	ssyncadd.remote.s32 $0x1  }
0xce: {  	_ =	sfence.sel $0xFFFF  }
0xcf: {  	[dreg:$0x0] =	wrdreg $0xFFFFFFFF;
	(pc) =	sbr.abs _section_cstart, $3  }
0xd0: {  	[dreg:$0x1] =	wrdreg $0xFFFFFFFF  }
0xd1: {  	_ =	task.clear_ibuf [dreg:s22], $0x2FFFF;
	_ =	strace $0x9FFFFFFF  }
0xd2: {  	(tm) =	ssettm $0x7FFFFFFF  }
0xd3: {  	_ =	shalt  }
tec
execute0_lowered:
.L_overlay_start_1:
0x0: {  	(tag) =	ssettag $0x1  }
0x1: {  	s20 =	rddreg [dreg:$0x0]  }
0x2: {  	s6 =	rddreg [dreg:$0x1]  }
0x3: {  	s1 =	rddreg [dreg:$0x2]  }
0x4: {  	s0 =	rddreg [dreg:$0x3]  }
0x5: {  	s3 =	simm.s32 $0x0;
	s5 =	srdreg.scid;
	s2 =	stileid.u32  }
0x6: {  	[smem:$0x7FF] =	sst s3;
	s7 =	smul.u32 $0x50000, s2  }
0x7: {  	s4 =	sadd.s32 $0xE00, s6;
	s18 =	sand.u32 $0x1, s5;
	s22 =	smul.u32 $0x14000, s2  }
0x8: {  	s5 =	sadd.s32 $0x1600, s6;
	s21 =	sadd.s32 $0x667200, s6;
	s25 =	smul.u32 $0x2E0, s2  }
0x9: {  	_ =	strace $0x8000004D;
	s28 =	ssub.s32 $0x2, s18;
	s19 =	smul.u32 $0x140000, s18  }
0xa: {  	s24 =	smul.u32 $0x2E00, s18;
	s8 =	sshrl.u32 s28, $0x1;
	s7 =	sshrl.u32 s7, $0x2  }
0xb: {  	s13 =	sadd.s32 $0x4000, s22;
	s15 =	sadd.s32 $0x8000, s22;
	s23 =	sadd.s32 $0xC000, s22  }
0xc: {  	s8 =	ssub.s32 s28, s8;
	s6 =	sadd.s32 s7, s1;
	s12 =	sadd.s32 s19, s22  }
0xd: {  	s14 =	sadd.s32 s19, s13;
	s13 =	sadd.s32 s13, s1;
	s16 =	sadd.s32 s19, s15  }
0xe: {  	s15 =	sadd.s32 s15, s1;
	s17 =	sadd.s32 s23, s1;
	s23 =	sadd.s32 s19, s23  }
0xf: {  	s22 =	sadd.s32 $0x10000, s22;
	s31 =	sadd.s32 s24, s20;
	s24 =	simm.s32 $0x80  }
0x10: {  	s7 =	smax.u32 s8, $0x1;
	s8 =	sadd.s32 $0x4000, s6;
	s9 =	sadd.s32 $0x8000, s6  }
0x11: {  	s10 =	sadd.s32 $0xC000, s6;
	s11 =	sadd.s32 $0x10000, s6;
	s12 =	sshrl.u32 s12, $0x3  }
0x12: {  	s14 =	sshrl.u32 s14, $0x3;
	s16 =	sshrl.u32 s16, $0x3;
	s23 =	sshrl.u32 s23, $0x3  }
0x13: {  	s29 =	sadd.s32 s19, s22;
	s19 =	sadd.s32 s22, s1;
	s22 =	simm.s32 $0x4080  }
0x14: {  	s12 =	sadd.s32 s21, s12;
	s14 =	sadd.s32 s21, s14;
	s16 =	sadd.s32 s21, s16  }
0x15: {  	s18 =	sadd.s32 s21, s23;
	s30 =	sshrl.u32 s29, $0x3;
	s23 =	simm.s32 $0x1  }
0x16: {  	s20 =	sadd.s32 s21, s30;
	s21 =	sadd.s32 s25, s31;
	s25 =	simm.s32 $0x0  }
.LBB2_1:
0x17: {  	[tilespmem:s22], [sflag:$0x1] =	stream.linear.gather [hbm4b:s5+s3], $0x4000, $0x38;
	[tilespmem:$0x1C080] =	vst v63  }
0x18: {  	_ =	swait.ge [sflag:s23], $0x4000  }
0x19: {  	[sflag:s23] =	ssyncset.done $0x0  }
0x1a: {  	[sflag:s23] =	ssyncadd.s32 $0xFFFFC000  }
0x1b: {  	[tilespmem:s24], [sflag:$0x1] =	stream.linear.gather [hbm4b:s4+s3], $0x4000, $0x38;
	[tilespmem:$0x1C080] =	vst v63  }
0x1c: {  	_ =	swait.ge [sflag:s23], $0x4000  }
0x1d: {  	[sflag:s23] =	ssyncset.done $0x0  }
0x1e: {  	[sflag:s23] =	ssyncadd.s32 $0xFFFFC000  }
0x1f: {  	[spmem:s6] =	stream.linear.scatter [tilespmem:s24], [sflag:$0x1], $0x4000, $0x38;
	[tilespmem:$0x1C080] =	vst v63  }
0x20: {  	_ =	swait.ge [sflag:s23], $0x4000  }
0x21: {  	[sflag:s23] =	ssyncset.done $0x0  }
0x22: {  	[sflag:s23] =	ssyncadd.s32 $0xFFFFC000  }
0x23: {  	[spmem:s8] =	stream.linear.scatter [tilespmem:s24], [sflag:$0x1], $0x4000, $0x38;
	[tilespmem:$0x1C080] =	vst v63  }
0x24: {  	_ =	swait.ge [sflag:s23], $0x4000  }
0x25: {  	[sflag:s23] =	ssyncset.done $0x0  }
0x26: {  	[sflag:s23] =	ssyncadd.s32 $0xFFFFC000  }
0x27: {  	[spmem:s9] =	stream.linear.scatter [tilespmem:s24], [sflag:$0x1], $0x4000, $0x38;
	[tilespmem:$0x1C080] =	vst v63  }
0x28: {  	_ =	swait.ge [sflag:s23], $0x4000  }
0x29: {  	[sflag:s23] =	ssyncset.done $0x0  }
0x2a: {  	[sflag:s23] =	ssyncadd.s32 $0xFFFFC000  }
0x2b: {  	[spmem:s10] =	stream.linear.scatter [tilespmem:s24], [sflag:$0x1], $0x4000, $0x38;
	[tilespmem:$0x1C080] =	vst v63  }
0x2c: {  	_ =	swait.ge [sflag:s23], $0x4000  }
0x2d: {  	[sflag:s23] =	ssyncset.done $0x0  }
0x2e: {  	[sflag:s23] =	ssyncadd.s32 $0xFFFFC000  }
0x2f: {  	[spmem:s11] =	stream.linear.scatter [tilespmem:s24], [sflag:$0x1], $0x4000, $0x38;
	[tilespmem:$0x1C080] =	vst v63  }
0x30: {  	_ =	swait.ge [sflag:s23], $0x4000  }
0x31: {  	[sflag:s23] =	ssyncset.done $0x0  }
0x32: {  	[sflag:s23] =	ssyncadd.s32 $0xFFFFC000  }
0x33: {  	s26 =	sadd.s32 $0x0, s21;
	[bflag:$0x0] =	sbarrier.arrive $0xFFFF  }
0x34: {  	[tilespmem:s3], [sflag:$0x1] =	stream.linear.gather [hbm4b:s26+s3], $0x80, $0x38;
	[tilespmem:$0x1C080] =	vst v63  }
0x35: {  	_ =	swait.ge [sflag:s23], $0x80  }
0x36: {  	[sflag:s23] =	ssyncset.done $0x0  }
0x37: {  	[sflag:s23] =	ssyncadd.s32 $0xFFFFFF80  }
0x38: {  	[spmem:s1] =	stream.indirect.scatter.add.f32 [tilespmem:s22], [sflag:$0x1], $0x80, s3, s24, $0xb8;
	[tilespmem:$0x1C080] =	vst v63  }
0x39: {  	_ =	swait.ge [sflag:s23], $0x4000  }
0x3a: {  	s28 =	simm.s32 $0x20;
	s26 =	simm.s32 $0x10;
	[sflag:s23] =	ssyncset.done $0x0  }
.LBB2_2:
0x3b: {  	s29 =	sadd.s32 s26, s21  }
0x3c: {  	[sflag:s23] =	ssyncadd.s32 $0xFFFFC000;
	s26 =	smov.u32 s28;
	s30 =	sadd.s32 $0x10, s28  }
0x3d: {  	[tilespmem:s3], [sflag:$0x1] =	stream.linear.gather [hbm4b:s29+s3], $0x80, $0x38;
	[tilespmem:$0x1C080] =	vst v63  }
0x3e: {  	p0 =	sne.s32 s28, $0x2D0;
	_ =	swait.ge [sflag:s23], $0x80  }
.Ltmp0:
0x3f: {  	[sflag:s23] =	ssyncset.done $0x0;
	(pc) =	sbr.rel @p0 .LBB2_2-.Ltmp0, $4  }
0x40: {  	[sflag:s23] =	ssyncadd.s32 $0xFFFFFF80  }
0x41: {  	[spmem:s1] =	stream.indirect.scatter.add.f32 [tilespmem:s22], [sflag:$0x1], $0x80, s3, s24, $0xb8;
	[tilespmem:$0x1C080] =	vst v63  }
0x42: {  	_ =	swait.ge [sflag:s23], $0x4000  }
0x43: {  	s28 =	smov.u32 s30;
	[sflag:s23] =	ssyncset.done $0x0  }
0x44: {  	s26 =	sadd.s32 s26, s21;
	[sflag:s23] =	ssyncadd.s32 $0xFFFFC000  }
0x45: {  	[tilespmem:s3], [sflag:$0x1] =	stream.linear.gather [hbm4b:s26+s3], $0x80, $0x38;
	[tilespmem:$0x1C080] =	vst v63  }
0x46: {  	_ =	swait.ge [sflag:s23], $0x80  }
0x47: {  	[sflag:s23] =	ssyncset.done $0x0  }
0x48: {  	[sflag:s23] =	ssyncadd.s32 $0xFFFFFF80  }
0x49: {  	[spmem:s1] =	stream.indirect.scatter.add.f32 [tilespmem:s22], [sflag:$0x1], $0x80, s3, s24, $0xb8;
	[tilespmem:$0x1C080] =	vst v63  }
0x4a: {  	_ =	swait.ge [sflag:s23], $0x4000  }
0x4b: {  	[sflag:s23] =	ssyncset.done $0x0  }
0x4c: {  	[sflag:s23] =	ssyncadd.s32 $0xFFFFC000  }
0x4d: {  	[bflag:$0x0] =	sbarrier.arrive $0xFFFF  }
0x4e: {  	[tilespmem:s24], [sflag:$0x1] =	stream.linear.gather [spmem:s6], $0x4000, $0x38;
	[tilespmem:$0x1C080] =	vst v63  }
0x4f: {  	_ =	swait.ge [sflag:s23], $0x4000  }
0x50: {  	[sflag:s23] =	ssyncset.done $0x0  }
0x51: {  	[sflag:s23] =	ssyncadd.s32 $0xFFFFC000  }
0x52: {  	[hbm4b:s12+s3] =	stream.linear.scatter [tilespmem:s24], [sflag:$0x1], $0x4000, $0x38;
	[tilespmem:$0x1C080] =	vst v63  }
0x53: {  	_ =	swait.ge [sflag:s23], $0x4000  }
0x54: {  	[sflag:s23] =	ssyncset.done $0x0  }
0x55: {  	[sflag:s23] =	ssyncadd.s32 $0xFFFFC000  }
0x56: {  	[tilespmem:s24], [sflag:$0x1] =	stream.linear.gather [spmem:s13], $0x4000, $0x38;
	[tilespmem:$0x1C080] =	vst v63  }
0x57: {  	_ =	swait.ge [sflag:s23], $0x4000  }
0x58: {  	[sflag:s23] =	ssyncset.done $0x0  }
0x59: {  	[sflag:s23] =	ssyncadd.s32 $0xFFFFC000  }
0x5a: {  	[hbm4b:s14+s3] =	stream.linear.scatter [tilespmem:s24], [sflag:$0x1], $0x4000, $0x38;
	[tilespmem:$0x1C080] =	vst v63  }
0x5b: {  	_ =	swait.ge [sflag:s23], $0x4000  }
0x5c: {  	[sflag:s23] =	ssyncset.done $0x0  }
0x5d: {  	[sflag:s23] =	ssyncadd.s32 $0xFFFFC000  }
0x5e: {  	[tilespmem:s24], [sflag:$0x1] =	stream.linear.gather [spmem:s15], $0x4000, $0x38;
	[tilespmem:$0x1C080] =	vst v63  }
0x5f: {  	_ =	swait.ge [sflag:s23], $0x4000  }
0x60: {  	[sflag:s23] =	ssyncset.done $0x0  }
0x61: {  	[sflag:s23] =	ssyncadd.s32 $0xFFFFC000  }
0x62: {  	[hbm4b:s16+s3] =	stream.linear.scatter [tilespmem:s24], [sflag:$0x1], $0x4000, $0x38;
	[tilespmem:$0x1C080] =	vst v63  }
0x63: {  	_ =	swait.ge [sflag:s23], $0x4000  }
0x64: {  	[sflag:s23] =	ssyncset.done $0x0  }
0x65: {  	[sflag:s23] =	ssyncadd.s32 $0xFFFFC000  }
0x66: {  	[tilespmem:s24], [sflag:$0x1] =	stream.linear.gather [spmem:s17], $0x4000, $0x38;
	[tilespmem:$0x1C080] =	vst v63  }
0x67: {  	_ =	swait.ge [sflag:s23], $0x4000  }
0x68: {  	[sflag:s23] =	ssyncset.done $0x0  }
0x69: {  	[sflag:s23] =	ssyncadd.s32 $0xFFFFC000  }
0x6a: {  	[hbm4b:s18+s3] =	stream.linear.scatter [tilespmem:s24], [sflag:$0x1], $0x4000, $0x38;
	[tilespmem:$0x1C080] =	vst v63  }
0x6b: {  	_ =	swait.ge [sflag:s23], $0x4000  }
0x6c: {  	[sflag:s23] =	ssyncset.done $0x0  }
0x6d: {  	[sflag:s23] =	ssyncadd.s32 $0xFFFFC000  }
0x6e: {  	[tilespmem:s24], [sflag:$0x1] =	stream.linear.gather [spmem:s19], $0x4000, $0x38;
	[tilespmem:$0x1C080] =	vst v63  }
0x6f: {  	s25 =	sadd.s32 $0x1, s25;
	_ =	swait.ge [sflag:s23], $0x4000  }
0x70: {  	p0 =	sne.s32 s25, s7;
	[sflag:s23] =	ssyncset.done $0x0  }
.Ltmp1:
0x71: {  	[sflag:s23] =	ssyncadd.s32 $0xFFFFC000;
	(pc) =	sbr.rel @p0 .LBB2_1-.Ltmp1, $4  }
0x72: {  	[hbm4b:s20+s3] =	stream.linear.scatter [tilespmem:s24], [sflag:$0x1], $0x4000, $0x38;
	[tilespmem:$0x1C080] =	vst v63  }
0x73: {  	_ =	swait.ge [sflag:s23], $0x4000  }
0x74: {  	[sflag:s23] =	ssyncset.done $0x0  }
0x75: {  	[sflag:s23] =	ssyncadd.s32 $0xFFFFC000  }
0x76: {  	_ =	sfence.sel $0x180000  }
0x77: {  	[bflag:$0x0] =	sbarrier.arrive $0xFFFF  }
0x78: {  	p0 =	sne.s32 s2, $0x0;
	_ =	strace $0x9000004D  }
0x79: {  	s0 =	sadd.s32 @!p0 $0x100000, s0;
	[bflag:$0x2] =	sbarrier.arrive $0xFFFF  }
0x7a: {  	[sflag:s0] =	ssyncadd.tile.s32 @!p0 $0x1;
	_ =	shalt  }
.Lfunc_end2:
_tile_overlayer_lowered:
.L_overlay_start_2:
0x7b: {  	(tag) =	ssettag $0x2  }
0x7c: {  	s0 =	rddreg [dreg:$0x0];
	s2 =	stileid.u32  }
0x7d: {  	s1 =	rddreg [dreg:$0x1];
	p0 =	sne.s32 s2, $0x0  }
0x7e: {  	s3 =	rddreg [dreg:$0x2];
	[bflag:$0x3] =	sbarrier.arrive $0xFFFF;
	s2 =	simm.s32 @!p0 $0x1C01  }
0x7f: {  	[timem:s3], [sflag:s2] =	dma.local @!p0 [hbm:s0], s1  }
0x80: {  	s0 =	simm.s32 @!p0 $0x1  }
0x81: {  	_ =	swait.ge @!p0 [sflag:s0], s1  }
0x82: {  	s1 =	ssub.s32 @!p0 $0x0, s1;
	[sflag:s0] =	ssyncset.done @!p0 $0x0  }
0x83: {  	[sflag:s0] =	ssyncadd.s32 @!p0 s1  }
0x84: {  	[bflag:$0x3] =	sbarrier.arrive $0xFFFF  }
0x85: {  	_ =	shalt  }

// kernel: kernel.18.cloned.1.call-start
scs
__scs_entry_jumppad:
0x0: {  	(pc) =	sbr.rel $0x88, $3  }
0x1: {  	(tag) =	ssettag $0x0;
	lr =	simm.s32 $0x1  }
0x2: {  	[smem:$0x3F99] =	sst lr;
	_ =	strace $0xD0000000  }
0x3: {  	_ = 	snop  }
0x4: {  	_ = 	snop  }
0x5: {  	_ = 	snop  }
0x6: {  	_ = 	snop  }
0x7: {  	_ = 	snop  }
__scs_overlays_trampoline_lowered:
0x8: {  	[smem:$0x3FA8] =	sst s0  }
0x9: {  	[smem:$0x3FA9] =	sst s1  }
0xa: {  	[smem:$0x3FAA] =	sst s2  }
0xb: {  	[smem:$0x3FAB] =	sst s3  }
0xc: {  	[smem:$0x3FAC] =	sst s4  }
0xd: {  	[smem:$0x3FAD] =	sst s5  }
0xe: {  	[smem:$0x3FAE] =	sst s6  }
0xf: {  	[smem:$0x3FAF] =	sst s7  }
0x10: {  	[smem:$0x3FB0] =	sst s8  }
0x11: {  	[smem:$0x3FB1] =	sst s9;
	s0 =	simm.s32 @!p0 $0x0  }
0x12: {  	s1 =	sld [smem:$0x3F97];
	s0 =	simm.s32 @p0 $0x1  }
0x13: {  	[smem:$0x3FB2] =	sst s0;
	s0 =	simm.s32 @!p1 $0x0  }
0x14: {  	s2 =	sld [smem:$0x3F96];
	s0 =	simm.s32 @p1 $0x1  }
0x15: {  	[smem:$0x3FB3] =	sst s0;
	s0 =	simm.s32 @!p2 $0x0  }
0x16: {  	s3 =	sld [smem:$0x3FDB];
	s0 =	simm.s32 @p2 $0x1  }
0x17: {  	s4 =	simm.s32 $0x1BF5;
	[smem:$0x3FB5] =	sst s0  }
0x18: {  	s0 =	sld [smem:$0x3F98];
	_ =	swait.ge [sflag:s4], $0x0  }
0x19: {  	s7 =	sld [smem:$0x3F99]  }
0x1a: {  	s8 =	sadd.s32 $0xFFFFE003, lr  }
0x1b: {  	s9 =	sadd.s32 $0xFFFFFEF7, lr;
	s5 =	simm.s32 $0xFFFFFFFF;
	p2 =	slt.u32 s8, $0xFFFFF086  }
0x1c: {  	p1 =	slt.u32 s9, $0xF7A;
	s5 =	simm.s32 @!p2 $0x0  }
0x1d: {  	s5 =	simm.s32 @p1 $0x1;
	p0 =	seq.s32 s7, s2  }
0x1e: {  	s7 =	smul.u32 @!p0 $0xF7A, s2;
	p2 =	seq.s32 @!p0 s5, $0x0  }
0x1f: {  	s9 =	smul.u32 $0xF7A, s1;
	s8 =	simm.s32 @!p0 $0x1BF5;
	p2 =	por !p2, p0  }
0x20: {  	[sflag:s8] =	ssyncset.s32 @!p0 $0xFFFFF086;
	s6 =	sadd.s32 @!p0 s3, s7;
	s7 =	simm.s32 @!p0 $0x108  }
0x21: {  	s3 =	sadd.s32 s3, s9;
	s6 =	sadd.s32 @!p0 $0x88, s6;
	s7 =	simm.s32 @p2 $0x1082  }
0x22: {  	[simem:s7], [sflag:s8] =	dma.local @!p0 [hbm:s6], $0xF7A  }
0x23: {  	s9 =	sor.u32 $0xD0000000, s2;
	s6 =	simm.s32 $0x108;
	_ =	swait.ge @!p0 [sflag:s8], $0x0  }
0x24: {  	s3 =	sadd.s32 $0x88, s3;
	s6 =	simm.s32 @!p1 $0x1082;
	[sflag:s4] =	ssyncset.s32 $0xFFFFF086  }
0x25: {  	[simem:s6], [sflag:s4] =	dma.local [hbm:s3], $0xF7A  }
0x26: {  	[smem:$0x3F99] =	sst s1;
	(tag) =	ssettag s2;
	_ =	strace s9  }
0x27: {  	s1 =	sld [smem:$0x3FA9]  }
0x28: {  	s2 =	sld [smem:$0x3FAA]  }
0x29: {  	s4 =	sld [smem:$0x3FAC]  }
0x2a: {  	p0 =	seq.s32 s5, $0x0;
	s5 =	sld [smem:$0x3FAD]  }
0x2b: {  	s6 =	sld [smem:$0x3FAE]  }
0x2c: {  	s7 =	sld [smem:$0x3FAF]  }
0x2d: {  	s3 =	simm.s32 $0x108;
	s8 =	sld [smem:$0x3FB0]  }
0x2e: {  	s3 =	simm.s32 @!p0 $0x1082;
	s9 =	sld [smem:$0x3FB1]  }
0x2f: {  	lr =	sadd.s32 s0, s3;
	s0 =	sld [smem:$0x3FA8]  }
0x30: {  	s3 =	sld [smem:$0x3FAB]  }
0x31: {  	[smem:$0x3FB4] =	sst s10  }
0x32: {  	s10 =	sld [smem:$0x3FB2];
	_ =	sdelay $0x3  }
0x33: {  	p0 =	seq.s32 s10, $0x1;
	s10 =	sld [smem:$0x3FB4];
	_ =	sdelay $0x3  }
0x34: {  	[smem:$0x3FB4] =	sst s10  }
0x35: {  	s10 =	sld [smem:$0x3FB3];
	_ =	sdelay $0x3  }
0x36: {  	p1 =	seq.s32 s10, $0x1;
	s10 =	sld [smem:$0x3FB4];
	_ =	sdelay $0x3  }
0x37: {  	[smem:$0x3FB4] =	sst s10  }
0x38: {  	s10 =	sld [smem:$0x3FB5]  }
0x39: {  	_ = 	snop;
	(pc) =	sbr.ind lr, $3  }
0x3a: {  	_ = 	snop  }
0x3b: {  	_ = 	snop  }
0x3c: {  	p2 =	seq.s32 s10, $0x1;
	s10 =	sld [smem:$0x3FB4]  }
0x3d: {  	_ =	shalt  }
0x3e: {  	_ =	shalt  }
0x3f: {  	_ =	shalt  }
0x40: {  	_ =	shalt  }
0x41: {  	_ =	shalt  }
0x42: {  	_ =	shalt  }
0x43: {  	_ =	shalt  }
0x44: {  	_ =	shalt  }
0x45: {  	_ =	shalt  }
0x46: {  	_ =	shalt  }
0x47: {  	_ =	shalt  }
0x48: {  	_ =	shalt  }
0x49: {  	_ =	shalt  }
0x4a: {  	_ =	shalt  }
0x4b: {  	_ =	shalt  }
0x4c: {  	_ =	shalt  }
0x4d: {  	_ =	shalt  }
0x4e: {  	_ =	shalt  }
0x4f: {  	_ =	shalt  }
0x50: {  	_ =	shalt  }
0x51: {  	_ =	shalt  }
0x52: {  	_ =	shalt  }
0x53: {  	_ =	shalt  }
0x54: {  	_ =	shalt  }
0x55: {  	_ =	shalt  }
0x56: {  	_ =	shalt  }
0x57: {  	_ =	shalt  }
0x58: {  	_ =	shalt  }
0x59: {  	_ =	shalt  }
0x5a: {  	_ =	shalt  }
0x5b: {  	_ =	shalt  }
0x5c: {  	_ =	shalt  }
0x5d: {  	_ =	shalt  }
0x5e: {  	_ =	shalt  }
0x5f: {  	_ =	shalt  }
0x60: {  	_ =	shalt  }
0x61: {  	_ =	shalt  }
0x62: {  	_ =	shalt  }
0x63: {  	_ =	shalt  }
0x64: {  	_ =	shalt  }
0x65: {  	_ =	shalt  }
0x66: {  	_ =	shalt  }
0x67: {  	_ =	shalt  }
0x68: {  	_ =	shalt  }
0x69: {  	_ =	shalt  }
0x6a: {  	_ =	shalt  }
0x6b: {  	_ =	shalt  }
0x6c: {  	_ =	shalt  }
0x6d: {  	_ =	shalt  }
0x6e: {  	_ =	shalt  }
0x6f: {  	_ =	shalt  }
0x70: {  	_ =	shalt  }
0x71: {  	_ =	shalt  }
0x72: {  	_ =	shalt  }
0x73: {  	_ =	shalt  }
0x74: {  	_ =	shalt  }
0x75: {  	_ =	shalt  }
0x76: {  	_ =	shalt  }
0x77: {  	_ =	shalt  }
0x78: {  	_ =	shalt  }
0x79: {  	_ =	shalt  }
0x7a: {  	_ =	shalt  }
0x7b: {  	_ =	shalt  }
0x7c: {  	_ =	shalt  }
0x7d: {  	_ =	shalt  }
0x7e: {  	_ =	shalt  }
0x7f: {  	_ =	shalt  }
0x80: {  	_ =	shalt  }
0x81: {  	_ =	shalt  }
0x82: {  	_ =	shalt  }
0x83: {  	_ =	shalt  }
0x84: {  	_ =	shalt  }
0x85: {  	_ =	shalt  }
0x86: {  	_ =	shalt  }
0x87: {  	_ =	shalt  }
.Lfunc_end0:
.L_simem_size_0:
called_computation.2_lowered:
.L_overlay_start_0:
0x88: {  	s2 =	sld [smem:$0x3FD9]  }
0x89: {  	s3 =	sld [smem:$0x3FFE];
	_ =	sdelay $0x1  }
0x8a: {  	s1 =	srdreg.scid  }
0x8b: {  	s0 =	sand.u32 $0x1, s1  }
0x8c: {  	s16 =	sshll.u32 s0, $0xA;
	s2 =	sadd.s32 s3, s2  }
0x8d: {  	s2 =	sadd.s32 s2, s16  }
0x8e: {  	[smem:$0x3FC0] =	sst s2  }
0x8f: {  	_ = 	snop  }
0x90: {  	(tm) =	ssettm $0x1  }
0x91: {  	s17 =	sld [smem:$0x3FFB];
	_ =	sdelay $0x3  }
0x92: {  	_ =	strace s17  }
0x93: {  	s2 =	sld [smem:$0x3FFC];
	_ =	sdelay $0x3  }
0x94: {  	_ =	strace s2  }
0x95: {  	s2 =	sld [smem:$0x3FFD];
	_ =	sdelay $0x3  }
0x96: {  	_ =	strace s2  }
0x97: {  	_ =	strace $0x8FFFFFFF  }
0x98: {  	s18 =	sld [smem:$0x3FDB];
	_ =	sdelay $0x1  }
0x99: {  	s19 =	simm.s32 $_scs_section_size  }
0x9a: {  	s4 =	simm.s32 $_size__tile_overlayer_lowered;
	s5 =	simm.s32 $_tile_overlayer_lowered  }
0x9b: {  	s22 =	simm.s32 $0x1BFF;
	s21 =	sshll.u32 s5, $0x1;
	s2 =	sadd.s32 s19, s18  }
0x9c: {  	s6 =	simm.s32 $0x0;
	s20 =	sshll.u32 s4, $0x1;
	s4 =	sadd.s32 s21, s2  }
0x9d: {  	[timem:s6], [sflag:s22] =	dma.local [hbm:s4], s20  }
0x9e: {  	_ =	swait.ge [sflag:s22], s20  }
0x9f: {  	s3 =	ssub.s32 $0x0, s20;
	[sflag:s22] =	ssyncset.done $0x0  }
0xa0: {  	[sflag:s22] =	ssyncadd.s32 s3;
	_ =	sdelay $0x1  }
0xa1: {  	s23 =	simm.s32 $0x1B8B  }
0xa2: {  	_ =	swait.ge [sflag:s23], $0x1  }
0xa3: {  	[sflag:s23] =	ssyncset.done $0x0  }
0xa4: {  	s25 =	simm.s32 $0x1B8E;
	s24 =	sld [smem:$0x3FFE];
	[sflag:s23] =	ssyncadd.s32 $0xFFFFFFFF  }
0xa5: {  	s26 =	simm.s32 $execute0_lowered;
	[smem:$0x3FD2] =	sst s25  }
0xa6: {  	s4 =	sshll.u32 s26, $0x1;
	_ =	strace $0x80000049;
	[dreg:$0x1] =	wrdreg $0xFFFFFFFF  }
0xa7: {  	s28 =	simm.s32 $_size_execute0_lowered;
	s2 =	sadd.s32 s2, s4;
	[dreg:$0x0] =	wrdreg $0x0  }
0xa8: {  	s4 =	sshll.u32 s28, $0x1;
	[dreg:$0x2] =	wrdreg s2  }
0xa9: {  	[dreg:$0x3] =	wrdreg s4  }
0xaa: {  	[dreg:$0x4] =	wrdreg $0xC0  }
0xab: {  	_ =	task [dreg:s6], $0x5FFFF  }
0xac: {  	[dreg:$0x1] =	wrdreg $0xFFFFFFFF  }
0xad: {  	[dreg:$0x0] =	wrdreg $0x60  }
0xae: {  	[dreg:$0x2] =	wrdreg s24  }
0xaf: {  	[dreg:$0x3] =	wrdreg $0x81000  }
0xb0: {  	[dreg:$0x4] =	wrdreg $0xA  }
0xb1: {  	_ =	task.clear_ibuf [dreg:s6], $0x5FFFF;
	_ =	strace $0x90000049  }
0xb2: {  	s29 =	simm.s32 $0xA;
	_ =	strace $0x8000004B  }
0xb3: {  	_ =	swait.ge [sflag:s29], $0x1  }
0xb4: {  	[sflag:s29] =	ssyncadd.s32 $0xFFFFFFFF  }
0xb5: {  	_ =	strace $0x9000004B  }
0xb6: {  	_ =	sfence  }
0xb7: {  	s30 =	sld [smem:$0x0];
	_ =	sdelay $0x2  }
0xb8: {  	s31 =	sshll.u32 s1, $0xD;
	s1 =	sshrl.u32 s1, $0x2  }
0xb9: {  	s3 =	sand.u32 $0x4000, s31;
	s1 =	sadd.s32 s1, s30  }
0xba: {  	s0 =	sor.u32 s3, s0;
	s1 =	sshll.u32 s1, $0x11  }
0xbb: {  	s0 =	sor.u32 s1, s0  }
0xbc: {  	s0 =	sadd.s32 $0x8F2B, s0  }
0xbd: {  	[sflag:s0] =	ssyncadd.remote.s32 $0x1  }
0xbe: {  	_ =	sfence.sel $0xFFFF  }
0xbf: {  	[dreg:$0x0] =	wrdreg $0xFFFFFFFF;
	(pc) =	sbr.abs _section_cstart, $3  }
0xc0: {  	[dreg:$0x1] =	wrdreg $0xFFFFFFFF  }
0xc1: {  	_ =	task.clear_ibuf [dreg:s6], $0x2FFFF;
	_ =	strace $0x9FFFFFFF  }
0xc2: {  	(tm) =	ssettm $0x7FFFFFFF  }
0xc3: {  	_ =	shalt  }
tec
execute0_lowered:
.L_overlay_start_1:
0x0: {  	(tag) =	ssettag $0x1  }
0x1: {  	s7 =	rddreg [dreg:$0x0]  }
0x2: {  	s2 =	rddreg [dreg:$0x1]  }
0x3: {  	s0 =	rddreg [dreg:$0x2];
	s3 =	simm.s32 $0x0;
	s1 =	stileid.u32  }
0x4: {  	s4 =	srdreg.scid;
	s22 =	simm.s32 $0x80;
	s5 =	smul.u32 $0x5C0, s1  }
0x5: {  	s23 =	simm.s32 $0x2;
	s8 =	sand.u32 $0x1, s4;
	s4 =	smul.u32 $0x5C, s1  }
0x6: {  	s24 =	simm.s32 $0x3;
	s25 =	simm.s32 $0x0;
	s14 =	smul.u32 $0x14000, s1  }
0x7: {  	[smem:$0x7FF] =	sst s3;
	s18 =	sadd.s32 $0x51400, s7;
	s12 =	smul.u32 $0x50000, s1  }
0x8: {  	_ =	strace $0x8000004A;
	s6 =	ssub.s32 $0x2, s8;
	s15 =	smul.u32 $0x140000, s8  }
0x9: {  	s8 =	smul.u32 $0x1700000, s8;
	s9 =	sadd.s32 s5, s7;
	s10 =	sshrl.u32 s6, $0x1  }
0xa: {  	s5 =	sadd.s32 $0xA7200, s7;
	s7 =	sadd.s32 $0xA1610, s7;
	s13 =	sadd.s32 $0x4000, s14  }
0xb: {  	s12 =	sshrl.u32 s12, $0x2;
	s29 =	sadd.s32 $0x8000, s14;
	s19 =	sadd.s32 $0xC000, s14  }
0xc: {  	s21 =	sadd.s32 $0x10000, s14;
	s10 =	ssub.s32 s6, s10;
	s6 =	sadd.s32 $0xA1600, s9  }
0xd: {  	s11 =	sadd.s32 s15, s14;
	s28 =	sadd.s32 s15, s13;
	s13 =	sadd.s32 s13, s2  }
0xe: {  	s17 =	sadd.s32 s15, s29;
	s20 =	sadd.s32 s15, s19;
	s31 =	sadd.s32 s15, s21  }
0xf: {  	s15 =	sadd.s32 s29, s2;
	s9 =	smax.u32 s10, $0x1;
	s26 =	sshrl.u32 s11, $0x3  }
.Ltmp0:
0x10: {  	s16 =	sshrl.u32 s28, $0x3;
	s11 =	sadd.s32 s12, s2;
	(pc) =	sbr.rel .LBB2_1-.Ltmp0, $4  }
0x11: {  	s17 =	sshrl.u32 s17, $0x3;
	s30 =	sshrl.u32 s20, $0x3;
	s20 =	sshrl.u32 s31, $0x3  }
0x12: {  	s10 =	sadd.s32 s18, s26;
	s12 =	sadd.s32 s18, s16;
	s14 =	sadd.s32 s18, s17  }
0x13: {  	s16 =	sadd.s32 s18, s30;
	s17 =	sadd.s32 s19, s2;
	s18 =	sadd.s32 s18, s20  }
0x14: {  	s19 =	sadd.s32 s21, s2;
	s20 =	simm.s32 $0x100;
	s21 =	simm.s32 $0x4  }
.LBB2_6:
0x15: {  	s25 =	sadd.s32 $0x1, s25  }
0x16: {  	_ =	swait.ge [sflag:s24], $0x4000;
	p0 =	sne.s32 s25, s9  }
.Ltmp1:
0x17: {  	[sflag:s24] =	ssyncset.done $0x0;
	(pc) =	sbr.rel @!p0 .LBB2_7-.Ltmp1, $4  }
0x18: {  	[sflag:s24] =	ssyncadd.s32 $0xFFFFC000  }
0x19: {  	_ =	swait.ge [sflag:s24], $0x4000  }
0x1a: {  	[sflag:s24] =	ssyncset.done $0x0  }
0x1b: {  	[sflag:s24] =	ssyncadd.s32 $0xFFFFC000  }
.LBB2_1:
0x1c: {  	[tilespmem:s20], [sflag:$0x4] =	stream.linear.gather [hbm4b:s10+s3], $0x4000, $0x38;
	[tilespmem:$0x1C100] =	vst v63  }
0x1d: {  	_ =	swait.ge [sflag:s21], $0x4000  }
0x1e: {  	[sflag:s21] =	ssyncset.done $0x0  }
0x1f: {  	[sflag:s21] =	ssyncadd.s32 $0xFFFFC000  }
0x20: {  	[spmem:s11] =	stream.linear.scatter [tilespmem:s20], [sflag:$0x4], $0x4000, $0x38;
	[tilespmem:$0x1C100] =	vst v63  }
0x21: {  	_ =	swait.ge [sflag:s21], $0x4000  }
0x22: {  	[sflag:s21] =	ssyncset.done $0x0  }
0x23: {  	[sflag:s21] =	ssyncadd.s32 $0xFFFFC000  }
0x24: {  	[tilespmem:s20], [sflag:$0x4] =	stream.linear.gather [hbm4b:s12+s3], $0x4000, $0x38;
	[tilespmem:$0x1C100] =	vst v63  }
0x25: {  	_ =	swait.ge [sflag:s21], $0x4000  }
0x26: {  	[sflag:s21] =	ssyncset.done $0x0  }
0x27: {  	[sflag:s21] =	ssyncadd.s32 $0xFFFFC000  }
0x28: {  	[spmem:s13] =	stream.linear.scatter [tilespmem:s20], [sflag:$0x4], $0x4000, $0x38;
	[tilespmem:$0x1C100] =	vst v63  }
0x29: {  	_ =	swait.ge [sflag:s21], $0x4000  }
0x2a: {  	[sflag:s21] =	ssyncset.done $0x0  }
0x2b: {  	[sflag:s21] =	ssyncadd.s32 $0xFFFFC000  }
0x2c: {  	[tilespmem:s20], [sflag:$0x4] =	stream.linear.gather [hbm4b:s14+s3], $0x4000, $0x38;
	[tilespmem:$0x1C100] =	vst v63  }
0x2d: {  	_ =	swait.ge [sflag:s21], $0x4000  }
0x2e: {  	[sflag:s21] =	ssyncset.done $0x0  }
0x2f: {  	[sflag:s21] =	ssyncadd.s32 $0xFFFFC000  }
0x30: {  	[spmem:s15] =	stream.linear.scatter [tilespmem:s20], [sflag:$0x4], $0x4000, $0x38;
	[tilespmem:$0x1C100] =	vst v63  }
0x31: {  	_ =	swait.ge [sflag:s21], $0x4000  }
0x32: {  	[sflag:s21] =	ssyncset.done $0x0  }
0x33: {  	[sflag:s21] =	ssyncadd.s32 $0xFFFFC000  }
0x34: {  	[tilespmem:s20], [sflag:$0x4] =	stream.linear.gather [hbm4b:s16+s3], $0x4000, $0x38;
	[tilespmem:$0x1C100] =	vst v63  }
0x35: {  	_ =	swait.ge [sflag:s21], $0x4000  }
0x36: {  	[sflag:s21] =	ssyncset.done $0x0  }
0x37: {  	[sflag:s21] =	ssyncadd.s32 $0xFFFFC000  }
0x38: {  	[spmem:s17] =	stream.linear.scatter [tilespmem:s20], [sflag:$0x4], $0x4000, $0x38;
	[tilespmem:$0x1C100] =	vst v63  }
0x39: {  	_ =	swait.ge [sflag:s21], $0x4000  }
0x3a: {  	[sflag:s21] =	ssyncset.done $0x0  }
0x3b: {  	[sflag:s21] =	ssyncadd.s32 $0xFFFFC000  }
0x3c: {  	[tilespmem:s20], [sflag:$0x4] =	stream.linear.gather [hbm4b:s18+s3], $0x4000, $0x38;
	[tilespmem:$0x1C100] =	vst v63  }
0x3d: {  	_ =	swait.ge [sflag:s21], $0x4000  }
0x3e: {  	[sflag:s21] =	ssyncset.done $0x0  }
0x3f: {  	[sflag:s21] =	ssyncadd.s32 $0xFFFFC000  }
0x40: {  	[spmem:s19] =	stream.linear.scatter [tilespmem:s20], [sflag:$0x4], $0x4000, $0x38;
	[tilespmem:$0x1C100] =	vst v63  }
0x41: {  	_ =	swait.ge [sflag:s21], $0x4000  }
0x42: {  	[sflag:s21] =	ssyncset.done $0x0  }
0x43: {  	[sflag:s21] =	ssyncadd.s32 $0xFFFFC000  }
.Ltmp2:
0x44: {  	[bflag:$0x0] =	sbarrier.arrive $0xFFFF;
	(pc) =	sbr.rel .LBB2_2-.Ltmp2, $4  }
0x45: {  	[tilespmem:s3], [sflag:$0x4] =	stream.linear.gather [hbm4b:s6+s3], $0x80, $0x38;
	[tilespmem:$0x1C100] =	vst v63  }
0x46: {  	_ =	swait.ge [sflag:s21], $0x80  }
0x47: {  	[sflag:s21] =	ssyncset.done $0x0  }
0x48: {  	s26 =	simm.s32 $0x0;
	[sflag:s21] =	ssyncadd.s32 $0xFFFFFF80  }
.LBB2_4:
0x49: {  	s30 =	sshll.u32 s28, $0x4;
	s31 =	sshll.u32 s29, $0x7;
	s26 =	sadd.s32 $0x1, s26  }
0x4a: {  	p0 =	por $0x0, $0x0;
	s31 =	sxor.u32 $0x80, s31;
	s30 =	sadd.s32 s30, s7  }
0x4b: {  	[tilespmem:s31], [sflag:$0x1] =	stream.linear.gather [hbm4b:s30+s3], $0x80, $0x38;
	[tilespmem:$0x1C100] =	vst v63  }
.LBB2_5:
0x4c: {  	s30 =	sshll.u32 s29, $0xE  }
0x4d: {  	s31 =	sshll.u32 s29, $0x7;
	s28 =	sshll.u32 s28, $0xE;
	s30 =	sor.u32 $0x100, s30  }
0x4e: {  	[tilespmem:s30], [sflag:$0x2] =	stream.indirect.gather [spmem:s2], $0x80, s31, s22, $0xb8;
	[tilespmem:$0x1C100] =	vst v63  }
0x4f: {  	s28 =	sadd.s32 s8, s28;
	_ =	swait.ge [sflag:s23], $0x4000  }
0x50: {  	s28 =	sshrl.u32 s28, $0x3;
	[sflag:s23] =	ssyncset.done $0x0  }
0x51: {  	p1 =	slt.u32 s26, $0x5C;
	s28 =	sadd.s32 s5, s28;
	[sflag:s23] =	ssyncadd.s32 $0xFFFFC000  }
0x52: {  	[hbm4b:s28+s3] =	stream.linear.scatter [tilespmem:s30], [sflag:$0x3], $0x4000, $0x38;
	[tilespmem:$0x1C100] =	vst v63  }
.Ltmp3:
0x53: {  	_ = 	snop;
	(pc) =	sbr.rel @!p1 .LBB2_6-.Ltmp3, $4  }
0x54: {  	s28 =	simm.s32 @!p0 $0x1  }
0x55: {  	_ =	swait.ge @!p0 [sflag:s28], $0x80  }
0x56: {  	[sflag:s28] =	ssyncset.done @!p0 $0x0  }
0x57: {  	[sflag:s28] =	ssyncadd.s32 @!p0 $0xFFFFFF80  }
.LBB2_2:
0x58: {  	p0 =	slt.u32 s26, $0x2  }
0x59: {  	p1 =	seq.s32 @!p0 s26, $0x5B  }
0x5a: {  	p1 =	por p0, !p1  }
.Ltmp4:
0x5b: {  	_ = 	snop;
	(pc) =	sbr.rel @p1 .LBB2_4-.Ltmp4, $4  }
0x5c: {  	s30 =	simm.s32 @!p0 $0x3  }
0x5d: {  	_ =	swait.ge @!p0 [sflag:s30], $0x4000  }
0x5e: {  	[sflag:s30] =	ssyncset.done @!p0 $0x0  }
0x5f: {  	s29 =	sand.u32 $0x1, s26;
	s28 =	sadd.s32 s4, s26;
	[sflag:s30] =	ssyncadd.s32 @!p0 $0xFFFFC000  }
.Ltmp5:
0x60: {  	(pc) =	sbr.rel .LBB2_5-.Ltmp5, $2  }
0x61: {  	_ =	sdelay $0x2  }
0x62: {  	s26 =	simm.s32 @!p0 $0x5C;
	p0 =	por @!p0 $0x1, $0x1  }
.LBB2_7:
0x63: {  	_ =	sfence.sel $0x180000  }
0x64: {  	[bflag:$0x0] =	sbarrier.arrive $0xFFFF  }
0x65: {  	p0 =	sne.s32 s1, $0x0;
	_ =	strace $0x9000004A  }
0x66: {  	s0 =	sadd.s32 @!p0 $0x100000, s0;
	[bflag:$0x2] =	sbarrier.arrive $0xFFFF  }
0x67: {  	[sflag:s0] =	ssyncadd.tile.s32 @!p0 $0x1;
	_ =	shalt  }
.Lfunc_end2:
_tile_overlayer_lowered:
.L_overlay_start_2:
0x68: {  	(tag) =	ssettag $0x2  }
0x69: {  	s0 =	rddreg [dreg:$0x0];
	s2 =	stileid.u32  }
0x6a: {  	s1 =	rddreg [dreg:$0x1];
	p0 =	sne.s32 s2, $0x0  }
0x6b: {  	s3 =	rddreg [dreg:$0x2];
	[bflag:$0x3] =	sbarrier.arrive $0xFFFF;
	s2 =	simm.s32 @!p0 $0x1C04  }
0x6c: {  	[timem:s3], [sflag:s2] =	dma.local @!p0 [hbm:s0], s1  }
0x6d: {  	s0 =	simm.s32 @!p0 $0x4  }
0x6e: {  	_ =	swait.ge @!p0 [sflag:s0], s1  }
0x6f: {  	s1 =	ssub.s32 @!p0 $0x0, s1;
	[sflag:s0] =	ssyncset.done @!p0 $0x0  }
0x70: {  	[sflag:s0] =	ssyncadd.s32 @!p0 s1  }
0x71: {  	[bflag:$0x3] =	sbarrier.arrive $0xFFFF  }
0x72: {  	_ =	shalt  }

// kernel: kernel.21.cloned.1.call-start
scs
__scs_entry_jumppad:
0x0: {  	(pc) =	sbr.rel $0x88, $3  }
0x1: {  	(tag) =	ssettag $0x0;
	lr =	simm.s32 $0x1  }
0x2: {  	[smem:$0x3F99] =	sst lr;
	_ =	strace $0xD0000000  }
0x3: {  	_ = 	snop  }
0x4: {  	_ = 	snop  }
0x5: {  	_ = 	snop  }
0x6: {  	_ = 	snop  }
0x7: {  	_ = 	snop  }
__scs_overlays_trampoline_lowered:
0x8: {  	[smem:$0x3FA8] =	sst s0  }
0x9: {  	[smem:$0x3FA9] =	sst s1  }
0xa: {  	[smem:$0x3FAA] =	sst s2  }
0xb: {  	[smem:$0x3FAB] =	sst s3  }
0xc: {  	[smem:$0x3FAC] =	sst s4  }
0xd: {  	[smem:$0x3FAD] =	sst s5  }
0xe: {  	[smem:$0x3FAE] =	sst s6  }
0xf: {  	[smem:$0x3FAF] =	sst s7  }
0x10: {  	[smem:$0x3FB0] =	sst s8  }
0x11: {  	[smem:$0x3FB1] =	sst s9;
	s0 =	simm.s32 @!p0 $0x0  }
0x12: {  	s1 =	sld [smem:$0x3F97];
	s0 =	simm.s32 @p0 $0x1  }
0x13: {  	[smem:$0x3FB2] =	sst s0;
	s0 =	simm.s32 @!p1 $0x0  }
0x14: {  	s2 =	sld [smem:$0x3F96];
	s0 =	simm.s32 @p1 $0x1  }
0x15: {  	[smem:$0x3FB3] =	sst s0;
	s0 =	simm.s32 @!p2 $0x0  }
0x16: {  	s3 =	sld [smem:$0x3FDB];
	s0 =	simm.s32 @p2 $0x1  }
0x17: {  	s4 =	simm.s32 $0x1BF5;
	[smem:$0x3FB5] =	sst s0  }
0x18: {  	s0 =	sld [smem:$0x3F98];
	_ =	swait.ge [sflag:s4], $0x0  }
0x19: {  	s7 =	sld [smem:$0x3F99]  }
0x1a: {  	s8 =	sadd.s32 $0xFFFFE003, lr  }
0x1b: {  	s9 =	sadd.s32 $0xFFFFFEF7, lr;
	s5 =	simm.s32 $0xFFFFFFFF;
	p2 =	slt.u32 s8, $0xFFFFF086  }
0x1c: {  	p1 =	slt.u32 s9, $0xF7A;
	s5 =	simm.s32 @!p2 $0x0  }
0x1d: {  	s5 =	simm.s32 @p1 $0x1;
	p0 =	seq.s32 s7, s2  }
0x1e: {  	s7 =	smul.u32 @!p0 $0xF7A, s2;
	p2 =	seq.s32 @!p0 s5, $0x0  }
0x1f: {  	s9 =	smul.u32 $0xF7A, s1;
	s8 =	simm.s32 @!p0 $0x1BF5;
	p2 =	por !p2, p0  }
0x20: {  	[sflag:s8] =	ssyncset.s32 @!p0 $0xFFFFF086;
	s6 =	sadd.s32 @!p0 s3, s7;
	s7 =	simm.s32 @!p0 $0x108  }
0x21: {  	s3 =	sadd.s32 s3, s9;
	s6 =	sadd.s32 @!p0 $0x88, s6;
	s7 =	simm.s32 @p2 $0x1082  }
0x22: {  	[simem:s7], [sflag:s8] =	dma.local @!p0 [hbm:s6], $0xF7A  }
0x23: {  	s9 =	sor.u32 $0xD0000000, s2;
	s6 =	simm.s32 $0x108;
	_ =	swait.ge @!p0 [sflag:s8], $0x0  }
0x24: {  	s3 =	sadd.s32 $0x88, s3;
	s6 =	simm.s32 @!p1 $0x1082;
	[sflag:s4] =	ssyncset.s32 $0xFFFFF086  }
0x25: {  	[simem:s6], [sflag:s4] =	dma.local [hbm:s3], $0xF7A  }
0x26: {  	[smem:$0x3F99] =	sst s1;
	(tag) =	ssettag s2;
	_ =	strace s9  }
0x27: {  	s1 =	sld [smem:$0x3FA9]  }
0x28: {  	s2 =	sld [smem:$0x3FAA]  }
0x29: {  	s4 =	sld [smem:$0x3FAC]  }
0x2a: {  	p0 =	seq.s32 s5, $0x0;
	s5 =	sld [smem:$0x3FAD]  }
0x2b: {  	s6 =	sld [smem:$0x3FAE]  }
0x2c: {  	s7 =	sld [smem:$0x3FAF]  }
0x2d: {  	s3 =	simm.s32 $0x108;
	s8 =	sld [smem:$0x3FB0]  }
0x2e: {  	s3 =	simm.s32 @!p0 $0x1082;
	s9 =	sld [smem:$0x3FB1]  }
0x2f: {  	lr =	sadd.s32 s0, s3;
	s0 =	sld [smem:$0x3FA8]  }
0x30: {  	s3 =	sld [smem:$0x3FAB]  }
0x31: {  	[smem:$0x3FB4] =	sst s10  }
0x32: {  	s10 =	sld [smem:$0x3FB2];
	_ =	sdelay $0x3  }
0x33: {  	p0 =	seq.s32 s10, $0x1;
	s10 =	sld [smem:$0x3FB4];
	_ =	sdelay $0x3  }
0x34: {  	[smem:$0x3FB4] =	sst s10  }
0x35: {  	s10 =	sld [smem:$0x3FB3];
	_ =	sdelay $0x3  }
0x36: {  	p1 =	seq.s32 s10, $0x1;
	s10 =	sld [smem:$0x3FB4];
	_ =	sdelay $0x3  }
0x37: {  	[smem:$0x3FB4] =	sst s10  }
0x38: {  	s10 =	sld [smem:$0x3FB5]  }
0x39: {  	_ = 	snop;
	(pc) =	sbr.ind lr, $3  }
0x3a: {  	_ = 	snop  }
0x3b: {  	_ = 	snop  }
0x3c: {  	p2 =	seq.s32 s10, $0x1;
	s10 =	sld [smem:$0x3FB4]  }
0x3d: {  	_ =	shalt  }
0x3e: {  	_ =	shalt  }
0x3f: {  	_ =	shalt  }
0x40: {  	_ =	shalt  }
0x41: {  	_ =	shalt  }
0x42: {  	_ =	shalt  }
0x43: {  	_ =	shalt  }
0x44: {  	_ =	shalt  }
0x45: {  	_ =	shalt  }
0x46: {  	_ =	shalt  }
0x47: {  	_ =	shalt  }
0x48: {  	_ =	shalt  }
0x49: {  	_ =	shalt  }
0x4a: {  	_ =	shalt  }
0x4b: {  	_ =	shalt  }
0x4c: {  	_ =	shalt  }
0x4d: {  	_ =	shalt  }
0x4e: {  	_ =	shalt  }
0x4f: {  	_ =	shalt  }
0x50: {  	_ =	shalt  }
0x51: {  	_ =	shalt  }
0x52: {  	_ =	shalt  }
0x53: {  	_ =	shalt  }
0x54: {  	_ =	shalt  }
0x55: {  	_ =	shalt  }
0x56: {  	_ =	shalt  }
0x57: {  	_ =	shalt  }
0x58: {  	_ =	shalt  }
0x59: {  	_ =	shalt  }
0x5a: {  	_ =	shalt  }
0x5b: {  	_ =	shalt  }
0x5c: {  	_ =	shalt  }
0x5d: {  	_ =	shalt  }
0x5e: {  	_ =	shalt  }
0x5f: {  	_ =	shalt  }
0x60: {  	_ =	shalt  }
0x61: {  	_ =	shalt  }
0x62: {  	_ =	shalt  }
0x63: {  	_ =	shalt  }
0x64: {  	_ =	shalt  }
0x65: {  	_ =	shalt  }
0x66: {  	_ =	shalt  }
0x67: {  	_ =	shalt  }
0x68: {  	_ =	shalt  }
0x69: {  	_ =	shalt  }
0x6a: {  	_ =	shalt  }
0x6b: {  	_ =	shalt  }
0x6c: {  	_ =	shalt  }
0x6d: {  	_ =	shalt  }
0x6e: {  	_ =	shalt  }
0x6f: {  	_ =	shalt  }
0x70: {  	_ =	shalt  }
0x71: {  	_ =	shalt  }
0x72: {  	_ =	shalt  }
0x73: {  	_ =	shalt  }
0x74: {  	_ =	shalt  }
0x75: {  	_ =	shalt  }
0x76: {  	_ =	shalt  }
0x77: {  	_ =	shalt  }
0x78: {  	_ =	shalt  }
0x79: {  	_ =	shalt  }
0x7a: {  	_ =	shalt  }
0x7b: {  	_ =	shalt  }
0x7c: {  	_ =	shalt  }
0x7d: {  	_ =	shalt  }
0x7e: {  	_ =	shalt  }
0x7f: {  	_ =	shalt  }
0x80: {  	_ =	shalt  }
0x81: {  	_ =	shalt  }
0x82: {  	_ =	shalt  }
0x83: {  	_ =	shalt  }
0x84: {  	_ =	shalt  }
0x85: {  	_ =	shalt  }
0x86: {  	_ =	shalt  }
0x87: {  	_ =	shalt  }
.Lfunc_end0:
.L_simem_size_0:
called_computation.3_lowered:
.L_overlay_start_0:
0x88: {  	s2 =	sld [smem:$0x3FD9]  }
0x89: {  	s3 =	sld [smem:$0x3FFE];
	_ =	sdelay $0x1  }
0x8a: {  	s1 =	srdreg.scid  }
0x8b: {  	s0 =	sand.u32 $0x1, s1  }
0x8c: {  	s17 =	sshll.u32 s0, $0xA;
	s2 =	sadd.s32 s3, s2  }
0x8d: {  	s2 =	sadd.s32 s2, s17  }
0x8e: {  	[smem:$0x3FC0] =	sst s2  }
0x8f: {  	_ = 	snop  }
0x90: {  	s18 =	sld [smem:$0x3FD0];
	(tm) =	ssettm $0x1  }
0x91: {  	s19 =	sld [smem:$0x3FFB];
	_ =	sdelay $0x3  }
0x92: {  	_ =	strace s19  }
0x93: {  	s2 =	sld [smem:$0x3FFC];
	_ =	sdelay $0x3  }
0x94: {  	_ =	strace s2  }
0x95: {  	s2 =	sld [smem:$0x3FFD];
	_ =	sdelay $0x3  }
0x96: {  	_ =	strace s2  }
0x97: {  	_ =	strace $0x8FFFFFFF  }
0x98: {  	s20 =	sld [smem:$0x3FDB];
	_ =	sdelay $0x1  }
0x99: {  	s4 =	simm.s32 $_scs_section_size  }
0x9a: {  	s5 =	simm.s32 $_size__tile_overlayer_lowered;
	s6 =	simm.s32 $_tile_overlayer_lowered  }
0x9b: {  	s7 =	simm.s32 $0x1BFF;
	s21 =	sshll.u32 s6, $0x1;
	s4 =	sadd.s32 s4, s20  }
0x9c: {  	s22 =	simm.s32 $0x0;
	s5 =	sshll.u32 s5, $0x1;
	s6 =	sadd.s32 s21, s4  }
0x9d: {  	[timem:s22], [sflag:s7] =	dma.local [hbm:s6], s5  }
0x9e: {  	_ =	swait.ge [sflag:s7], s5  }
0x9f: {  	s5 =	ssub.s32 $0x0, s5;
	[sflag:s7] =	ssyncset.done $0x0  }
0xa0: {  	[sflag:s7] =	ssyncadd.s32 s5;
	_ =	sdelay $0x1  }
0xa1: {  	s23 =	simm.s32 $0x1B8B  }
0xa2: {  	_ =	swait.ge [sflag:s23], $0x1  }
0xa3: {  	[sflag:s23] =	ssyncset.done $0x0  }
0xa4: {  	[sflag:s23] =	ssyncadd.s32 $0xFFFFFFFF  }
0xa5: {  	s5 =	sld [smem:$0x0]  }
0xa6: {  	s6 =	sand.u32 $0xFFFFFFFE, s1  }
0xa7: {  	p0 =	sne.s32 s1, s6  }
0xa8: {  	s6 =	sshll.u32 @p0 s6, $0xE  }
0xa9: {  	s6 =	sadd.s32 @p0 $0x11B8D, s6;
	s7 =	sshll.u32 @p0 s5, $0x11  }
0xaa: {  	s6 =	sor.u32 @p0 s7, s6  }
0xab: {  	[sflag:s6] =	ssyncadd.remote.s32 @p0 $0x1;
	_ =	sdelay $0x1  }
0xac: {  	s6 =	simm.s32 @p0 $0x1B8D  }
0xad: {  	_ =	swait.eq @p0 [sflag:s6], $0x1  }
0xae: {  	[sflag:s6] =	ssyncadd.s32 @p0 $0xFFFFFFFF  }
0xaf: {  	s7 =	sshll.u32 @!p0 s1, $0xE  }
0xb0: {  	s7 =	sor.u32 @!p0 $0x4000, s7;
	s6 =	simm.s32 @!p0 $0x1B8D  }
0xb1: {  	s5 =	sshll.u32 @!p0 s5, $0x11;
	s7 =	sadd.s32 @!p0 $0x11B8D, s7;
	_ =	swait.eq @!p0 [sflag:s6], $0x1  }
0xb2: {  	s5 =	sor.u32 @!p0 s5, s7;
	[sflag:s6] =	ssyncadd.s32 @!p0 $0xFFFFFFFF  }
0xb3: {  	s25 =	simm.s32 $0x1B8E;
	s24 =	sld [smem:$0x3FFE];
	[sflag:s5] =	ssyncadd.remote.s32 @!p0 $0x1  }
0xb4: {  	s26 =	simm.s32 $execute0_lowered;
	[smem:$0x3FD2] =	sst s25  }
0xb5: {  	s6 =	sshll.u32 s26, $0x1;
	_ =	strace $0x8000004F;
	[dreg:$0x1] =	wrdreg $0xFFFFFFFF  }
0xb6: {  	s28 =	simm.s32 $_size_execute0_lowered;
	s4 =	sadd.s32 s4, s6;
	[dreg:$0x0] =	wrdreg $0x0  }
0xb7: {  	s6 =	sshll.u32 s28, $0x1;
	[dreg:$0x2] =	wrdreg s4  }
0xb8: {  	[dreg:$0x3] =	wrdreg s6  }
0xb9: {  	[dreg:$0x4] =	wrdreg $0xC0  }
0xba: {  	_ =	task [dreg:s22], $0x5FFFF  }
0xbb: {  	[dreg:$0x1] =	wrdreg $0xFFFFFFFF  }
0xbc: {  	[dreg:$0x0] =	wrdreg $0x60  }
0xbd: {  	[dreg:$0x2] =	wrdreg s24  }
0xbe: {  	[dreg:$0x3] =	wrdreg s18  }
0xbf: {  	[dreg:$0x4] =	wrdreg $0x81000  }
0xc0: {  	[dreg:$0x5] =	wrdreg $0xA  }
0xc1: {  	_ =	task.clear_ibuf [dreg:s22], $0x6FFFF;
	_ =	strace $0x9000004F  }
0xc2: {  	s29 =	simm.s32 $0xA;
	_ =	strace $0x80000051  }
0xc3: {  	_ =	swait.ge [sflag:s29], $0x1  }
0xc4: {  	[sflag:s29] =	ssyncadd.s32 $0xFFFFFFFF  }
0xc5: {  	_ =	strace $0x90000051  }
0xc6: {  	_ =	sfence  }
0xc7: {  	s30 =	sld [smem:$0x0];
	_ =	sdelay $0x2  }
0xc8: {  	s31 =	sshll.u32 s1, $0xD;
	s1 =	sshrl.u32 s1, $0x2  }
0xc9: {  	s4 =	sand.u32 $0x4000, s31;
	s1 =	sadd.s32 s1, s30  }
0xca: {  	s0 =	sor.u32 s4, s0;
	s1 =	sshll.u32 s1, $0x11  }
0xcb: {  	s0 =	sor.u32 s1, s0  }
0xcc: {  	s0 =	sadd.s32 $0x8F2B, s0  }
0xcd: {  	[sflag:s0] =	ssyncadd.remote.s32 $0x1  }
0xce: {  	_ =	sfence.sel $0xFFFF  }
0xcf: {  	[dreg:$0x0] =	wrdreg $0xFFFFFFFF;
	(pc) =	sbr.abs _section_cstart, $3  }
0xd0: {  	[dreg:$0x1] =	wrdreg $0xFFFFFFFF  }
0xd1: {  	_ =	task.clear_ibuf [dreg:s22], $0x2FFFF;
	_ =	strace $0x9FFFFFFF  }
0xd2: {  	(tm) =	ssettm $0x7FFFFFFF  }
0xd3: {  	_ =	shalt  }
tec
execute0_lowered:
.L_overlay_start_1:
0x0: {  	(tag) =	ssettag $0x1  }
0x1: {  	s0 =	rddreg [dreg:$0x0]  }
0x2: {  	s1 =	rddreg [dreg:$0x1]  }
0x3: {  	s2 =	rddreg [dreg:$0x2];
	s3 =	simm.s32 $0x0  }
0x4: {  	s4 =	srdreg.scid;
	s11 =	stileid.u32;
	s28 =	simm.s32 $0x1  }
0x5: {  	s29 =	simm.s32 $0x2;
	s31 =	simm.s32 $0x0;
	s5 =	smul.u32 $0x50000, s11  }
0x6: {  	[smem:$0x7FF] =	sst s3;
	s4 =	sand.u32 $0x1, s4;
	s10 =	smul.u32 $0x170000, s11  }
0x7: {  	s8 =	sadd.s32 $0x6B7200, s0;
	s12 =	sadd.s32 $0xE00, s0;
	s22 =	smul.u32 $0x5C0, s11  }
0x8: {  	s0 =	sadd.s32 $0xA7200, s0;
	s24 =	smul.u32 $0x14000, s11;
	_ =	strace $0x80000050  }
0x9: {  	s6 =	ssub.s32 $0x2, s4;
	s7 =	smul.u32 $0x1700000, s4;
	[dreg:$0x4] =	wrdreg s12  }
0xa: {  	s4 =	smul.u32 $0x140000, s4;
	s9 =	sshrl.u32 s6, $0x1;
	s5 =	sshrl.u32 s5, $0x2  }
0xb: {  	s14 =	sadd.s32 $0x4000, s24;
	s16 =	sadd.s32 $0x8000, s24;
	s18 =	sadd.s32 $0xC000, s24  }
0xc: {  	s9 =	ssub.s32 s6, s9;
	s7 =	sadd.s32 s10, s7;
	s5 =	sadd.s32 s5, s2  }
0xd: {  	s6 =	sadd.s32 s1, s22;
	s13 =	sadd.s32 s4, s24;
	s15 =	sadd.s32 s4, s14  }
0xe: {  	s14 =	sadd.s32 s14, s2;
	s17 =	sadd.s32 s4, s16;
	s16 =	sadd.s32 s16, s2  }
0xf: {  	s19 =	sadd.s32 s4, s18;
	s1 =	sadd.s32 $0x10000, s24;
	s18 =	sadd.s32 s18, s2  }
0x10: {  	s24 =	simm.s32 $0x100;
	s10 =	sshrl.u32 s7, $0x3;
	s9 =	smax.u32 s9, $0x1  }
0x11: {  	s25 =	sadd.s32 $0x4000, s5;
	s26 =	sadd.s32 $0x8000, s5;
	s11 =	sadd.s32 $0xC000, s5  }
0x12: {  	s12 =	sadd.s32 $0x10000, s5;
	s13 =	sshrl.u32 s13, $0x3;
	s15 =	sshrl.u32 s15, $0x3  }
0x13: {  	s17 =	sshrl.u32 s17, $0x3;
	s19 =	sshrl.u32 s19, $0x3;
	[dreg:$0x6] =	wrdreg s9  }
0x14: {  	s4 =	sadd.s32 s4, s1;
	s7 =	sor.u32 $0x4000, s7;
	[dreg:$0x7] =	wrdreg s25  }
0x15: {  	s20 =	sadd.s32 s1, s2;
	s23 =	sadd.s32 s8, s10;
	[dreg:$0x8] =	wrdreg s26  }
0x16: {  	s13 =	sadd.s32 s0, s13;
	s15 =	sadd.s32 s0, s15;
	s17 =	sadd.s32 s0, s17  }
0x17: {  	s19 =	sadd.s32 s0, s19;
	s4 =	sshrl.u32 s4, $0x3;
	s30 =	sshrl.u32 s7, $0x3  }
0x18: {  	s25 =	simm.s32 $0x3;
	s26 =	simm.s32 $0x80;
	[dreg:$0x5] =	wrdreg s23  }
0x19: {  	s21 =	sadd.s32 s0, s4;
	s22 =	sadd.s32 s30, s8;
	s23 =	sadd.s32 $0x10, s6  }
.LBB2_1:
0x1a: {  	s0 =	rddreg [dreg:$0x4]  }
0x1b: {  	[tilespmem:s24], [sflag:$0x3] =	stream.linear.gather [hbm4b:s0+s3], $0x4000, $0x38;
	[tilespmem:$0x1C100] =	vst v63  }
0x1c: {  	_ =	swait.ge [sflag:s25], $0x4000  }
0x1d: {  	[sflag:s25] =	ssyncset.done $0x0  }
0x1e: {  	[sflag:s25] =	ssyncadd.s32 $0xFFFFC000  }
0x1f: {  	[spmem:s5] =	stream.linear.scatter [tilespmem:s24], [sflag:$0x3], $0x4000, $0x38;
	[tilespmem:$0x1C100] =	vst v63  }
0x20: {  	_ =	swait.ge [sflag:s25], $0x4000  }
0x21: {  	[sflag:s25] =	ssyncset.done $0x0  }
0x22: {  	s10 =	rddreg [dreg:$0x7];
	[sflag:s25] =	ssyncadd.s32 $0xFFFFC000  }
0x23: {  	[spmem:s10] =	stream.linear.scatter [tilespmem:s24], [sflag:$0x3], $0x4000, $0x38;
	[tilespmem:$0x1C100] =	vst v63  }
0x24: {  	_ =	swait.ge [sflag:s25], $0x4000  }
0x25: {  	[sflag:s25] =	ssyncset.done $0x0  }
0x26: {  	s1 =	rddreg [dreg:$0x8];
	[sflag:s25] =	ssyncadd.s32 $0xFFFFC000  }
0x27: {  	[spmem:s1] =	stream.linear.scatter [tilespmem:s24], [sflag:$0x3], $0x4000, $0x38;
	[tilespmem:$0x1C100] =	vst v63  }
0x28: {  	_ =	swait.ge [sflag:s25], $0x4000  }
0x29: {  	[sflag:s25] =	ssyncset.done $0x0  }
0x2a: {  	[sflag:s25] =	ssyncadd.s32 $0xFFFFC000  }
0x2b: {  	[spmem:s11] =	stream.linear.scatter [tilespmem:s24], [sflag:$0x3], $0x4000, $0x38;
	[tilespmem:$0x1C100] =	vst v63  }
0x2c: {  	_ =	swait.ge [sflag:s25], $0x4000  }
0x2d: {  	[sflag:s25] =	ssyncset.done $0x0  }
0x2e: {  	[sflag:s25] =	ssyncadd.s32 $0xFFFFC000  }
0x2f: {  	[spmem:s12] =	stream.linear.scatter [tilespmem:s24], [sflag:$0x3], $0x4000, $0x38;
	[tilespmem:$0x1C100] =	vst v63  }
0x30: {  	_ =	swait.ge [sflag:s25], $0x4000  }
0x31: {  	[sflag:s25] =	ssyncset.done $0x0  }
0x32: {  	[sflag:s25] =	ssyncadd.s32 $0xFFFFC000  }
0x33: {  	[bflag:$0x0] =	sbarrier.arrive $0xFFFF  }
0x34: {  	[tilespmem:s3], [sflag:$0x3] =	stream.linear.gather [hbm4b:s6+s3], $0x80, $0x38;
	[tilespmem:$0x1C100] =	vst v63  }
0x35: {  	_ =	swait.ge [sflag:s25], $0x80  }
0x36: {  	[sflag:s25] =	ssyncset.done $0x0  }
0x37: {  	s4 =	rddreg [dreg:$0x5];
	[sflag:s25] =	ssyncadd.s32 $0xFFFFFF80  }
0x38: {  	[tilespmem:s24], [sflag:$0x3] =	stream.linear.gather [hbm4b:s4+s3], $0x4000, $0x38;
	[tilespmem:$0x1C100] =	vst v63  }
0x39: {  	s7 =	sand.u32 $0x1, s3;
	_ =	swait.ge [sflag:s25], $0x4000  }
0x3a: {  	s1 =	sxor.u32 $0x1, s7;
	[sflag:s25] =	ssyncset.done $0x0  }
0x3b: {  	s4 =	sshll.u32 s1, $0x7;
	s1 =	sshll.u32 s1, $0xE;
	[sflag:s25] =	ssyncadd.s32 $0xFFFFC000  }
0x3c: {  	[tilespmem:s4], [sflag:$0x1] =	stream.linear.gather [hbm4b:s23+s3], $0x80, $0x38;
	[tilespmem:$0x1C100] =	vst v63  }
0x3d: {  	s8 =	sshll.u32 s7, $0xE;
	s1 =	sor.u32 $0x100, s1  }
0x3e: {  	[tilespmem:s1], [sflag:$0x2] =	stream.linear.gather [hbm4b:s22+s3], $0x4000, $0x38;
	[tilespmem:$0x1C100] =	vst v63  }
0x3f: {  	s0 =	sshll.u32 s7, $0x7;
	s9 =	sor.u32 $0x100, s8  }
0x40: {  	[spmem:s2] =	stream.indirect.scatter.add.f32 [tilespmem:s9], [sflag:$0x3], $0x80, s0, s26, $0xb8;
	[tilespmem:$0x1C100] =	vst v63  }
0x41: {  	_ =	swait.ge [sflag:s25], $0x4000  }
0x42: {  	[sflag:s25] =	ssyncset.done $0x0  }
0x43: {  	[sflag:s25] =	ssyncadd.s32 $0xFFFFC000  }
0x44: {  	_ =	swait.ge [sflag:s28], $0x80  }
0x45: {  	s10 =	simm.s32 $0x1;
	[sflag:s28] =	ssyncset.done $0x0  }
0x46: {  	s30 =	simm.s32 $0x2;
	s4 =	sand.u32 $0x1, s10;
	[sflag:s28] =	ssyncadd.s32 $0xFFFFFF80  }
0x47: {  	s8 =	sxor.u32 $0x1, s4;
	s7 =	sshll.u32 s4, $0xE;
	_ =	swait.ge [sflag:s29], $0x4000  }
0x48: {  	s1 =	sadd.s32 $0x800, s22;
	s0 =	sadd.s32 $0x10, s23;
	[sflag:s29] =	ssyncset.done $0x0  }
.LBB2_2:
0x49: {  	s9 =	sshll.u32 s8, $0x7  }
0x4a: {  	s8 =	sshll.u32 s8, $0xE;
	[sflag:s29] =	ssyncadd.s32 $0xFFFFC000;
	s10 =	smov.u32 s30  }
0x4b: {  	[tilespmem:s9], [sflag:$0x1] =	stream.linear.gather [hbm4b:s0+s3], $0x80, $0x38;
	[tilespmem:$0x1C100] =	vst v63  }
0x4c: {  	p0 =	sne.s32 s30, $0x5A;
	s30 =	sadd.s32 $0x1, s30;
	s8 =	sor.u32 $0x100, s8  }
0x4d: {  	[tilespmem:s8], [sflag:$0x2] =	stream.linear.gather [hbm4b:s1+s3], $0x4000, $0x38;
	[tilespmem:$0x1C100] =	vst v63  }
0x4e: {  	s7 =	sor.u32 $0x100, s7;
	s4 =	sshll.u32 s4, $0x7  }
0x4f: {  	[spmem:s2] =	stream.indirect.scatter.add.f32 [tilespmem:s7], [sflag:$0x3], $0x80, s4, s26, $0xb8;
	[tilespmem:$0x1C100] =	vst v63  }
0x50: {  	_ =	swait.ge [sflag:s25], $0x4000  }
0x51: {  	[sflag:s25] =	ssyncset.done $0x0  }
0x52: {  	[sflag:s25] =	ssyncadd.s32 $0xFFFFC000  }
.Ltmp0:
0x53: {  	_ =	swait.ge [sflag:s28], $0x80;
	(pc) =	sbr.rel @p0 .LBB2_2-.Ltmp0, $4  }
0x54: {  	[sflag:s28] =	ssyncset.done $0x0  }
0x55: {  	s0 =	sadd.s32 $0x10, s0;
	[sflag:s28] =	ssyncadd.s32 $0xFFFFFF80  }
0x56: {  	s1 =	sadd.s32 $0x800, s1;
	s4 =	sand.u32 $0x1, s10;
	_ =	swait.ge [sflag:s29], $0x4000  }
0x57: {  	s8 =	sxor.u32 $0x1, s4;
	s7 =	sshll.u32 s4, $0xE;
	[sflag:s29] =	ssyncset.done $0x0  }
0x58: {  	s9 =	sshll.u32 s8, $0x7;
	s10 =	sshll.u32 s8, $0xE;
	[sflag:s29] =	ssyncadd.s32 $0xFFFFC000  }
0x59: {  	[tilespmem:s9], [sflag:$0x1] =	stream.linear.gather [hbm4b:s0+s3], $0x80, $0x38;
	[tilespmem:$0x1C100] =	vst v63  }
0x5a: {  	s30 =	sor.u32 $0x100, s10  }
0x5b: {  	[tilespmem:s30], [sflag:$0x2] =	stream.linear.gather [hbm4b:s1+s3], $0x4000, $0x38;
	[tilespmem:$0x1C100] =	vst v63  }
0x5c: {  	s8 =	sor.u32 $0x100, s7;
	s9 =	sshll.u32 s4, $0x7  }
0x5d: {  	[spmem:s2] =	stream.indirect.scatter.add.f32 [tilespmem:s8], [sflag:$0x3], $0x80, s9, s26, $0xb8;
	[tilespmem:$0x1C100] =	vst v63  }
0x5e: {  	_ =	swait.ge [sflag:s25], $0x4000  }
0x5f: {  	[sflag:s25] =	ssyncset.done $0x0  }
0x60: {  	[sflag:s25] =	ssyncadd.s32 $0xFFFFC000  }
0x61: {  	_ =	swait.ge [sflag:s28], $0x80  }
0x62: {  	[sflag:s28] =	ssyncset.done $0x0  }
0x63: {  	[sflag:s28] =	ssyncadd.s32 $0xFFFFFF80  }
0x64: {  	_ =	swait.ge [sflag:s29], $0x4000  }
0x65: {  	[sflag:s29] =	ssyncset.done $0x0  }
0x66: {  	s10 =	simm.s32 $0x4100;
	[sflag:s29] =	ssyncadd.s32 $0xFFFFC000  }
0x67: {  	[spmem:s2] =	stream.indirect.scatter.add.f32 [tilespmem:s10], [sflag:$0x3], $0x80, s26, s26, $0xb8;
	[tilespmem:$0x1C100] =	vst v63  }
0x68: {  	_ =	swait.ge [sflag:s25], $0x4000  }
0x69: {  	[sflag:s25] =	ssyncset.done $0x0  }
0x6a: {  	[sflag:s25] =	ssyncadd.s32 $0xFFFFC000  }
0x6b: {  	[bflag:$0x0] =	sbarrier.arrive $0xFFFF  }
0x6c: {  	[tilespmem:s24], [sflag:$0x3] =	stream.linear.gather [spmem:s5], $0x4000, $0x38;
	[tilespmem:$0x1C100] =	vst v63  }
0x6d: {  	_ =	swait.ge [sflag:s25], $0x4000  }
0x6e: {  	[sflag:s25] =	ssyncset.done $0x0  }
0x6f: {  	[sflag:s25] =	ssyncadd.s32 $0xFFFFC000  }
0x70: {  	[hbm4b:s13+s3] =	stream.linear.scatter [tilespmem:s24], [sflag:$0x3], $0x4000, $0x38;
	[tilespmem:$0x1C100] =	vst v63  }
0x71: {  	_ =	swait.ge [sflag:s25], $0x4000  }
0x72: {  	[sflag:s25] =	ssyncset.done $0x0  }
0x73: {  	[sflag:s25] =	ssyncadd.s32 $0xFFFFC000  }
0x74: {  	[tilespmem:s24], [sflag:$0x3] =	stream.linear.gather [spmem:s14], $0x4000, $0x38;
	[tilespmem:$0x1C100] =	vst v63  }
0x75: {  	_ =	swait.ge [sflag:s25], $0x4000  }
0x76: {  	[sflag:s25] =	ssyncset.done $0x0  }
0x77: {  	[sflag:s25] =	ssyncadd.s32 $0xFFFFC000  }
0x78: {  	[hbm4b:s15+s3] =	stream.linear.scatter [tilespmem:s24], [sflag:$0x3], $0x4000, $0x38;
	[tilespmem:$0x1C100] =	vst v63  }
0x79: {  	_ =	swait.ge [sflag:s25], $0x4000  }
0x7a: {  	[sflag:s25] =	ssyncset.done $0x0  }
0x7b: {  	[sflag:s25] =	ssyncadd.s32 $0xFFFFC000  }
0x7c: {  	[tilespmem:s24], [sflag:$0x3] =	stream.linear.gather [spmem:s16], $0x4000, $0x38;
	[tilespmem:$0x1C100] =	vst v63  }
0x7d: {  	_ =	swait.ge [sflag:s25], $0x4000  }
0x7e: {  	[sflag:s25] =	ssyncset.done $0x0  }
0x7f: {  	[sflag:s25] =	ssyncadd.s32 $0xFFFFC000  }
0x80: {  	[hbm4b:s17+s3] =	stream.linear.scatter [tilespmem:s24], [sflag:$0x3], $0x4000, $0x38;
	[tilespmem:$0x1C100] =	vst v63  }
0x81: {  	_ =	swait.ge [sflag:s25], $0x4000  }
0x82: {  	[sflag:s25] =	ssyncset.done $0x0  }
0x83: {  	[sflag:s25] =	ssyncadd.s32 $0xFFFFC000  }
0x84: {  	[tilespmem:s24], [sflag:$0x3] =	stream.linear.gather [spmem:s18], $0x4000, $0x38;
	[tilespmem:$0x1C100] =	vst v63  }
0x85: {  	_ =	swait.ge [sflag:s25], $0x4000  }
0x86: {  	[sflag:s25] =	ssyncset.done $0x0  }
0x87: {  	[sflag:s25] =	ssyncadd.s32 $0xFFFFC000  }
0x88: {  	[hbm4b:s19+s3] =	stream.linear.scatter [tilespmem:s24], [sflag:$0x3], $0x4000, $0x38;
	[tilespmem:$0x1C100] =	vst v63  }
0x89: {  	_ =	swait.ge [sflag:s25], $0x4000  }
0x8a: {  	[sflag:s25] =	ssyncset.done $0x0  }
0x8b: {  	[sflag:s25] =	ssyncadd.s32 $0xFFFFC000  }
0x8c: {  	[tilespmem:s24], [sflag:$0x3] =	stream.linear.gather [spmem:s20], $0x4000, $0x38;
	[tilespmem:$0x1C100] =	vst v63  }
0x8d: {  	_ =	swait.ge [sflag:s25], $0x4000  }
0x8e: {  	[sflag:s25] =	ssyncset.done $0x0  }
0x8f: {  	[sflag:s25] =	ssyncadd.s32 $0xFFFFC000  }
0x90: {  	[hbm4b:s21+s3] =	stream.linear.scatter [tilespmem:s24], [sflag:$0x3], $0x4000, $0x38;
	[tilespmem:$0x1C100] =	vst v63  }
0x91: {  	_ =	swait.ge [sflag:s25], $0x4000  }
0x92: {  	s31 =	sadd.s32 $0x1, s31;
	s30 =	rddreg [dreg:$0x6]  }
0x93: {  	p0 =	sne.s32 s31, s30  }
.Ltmp1:
0x94: {  	_ = 	snop;
	(pc) =	sbr.rel @p0 .LBB2_1-.Ltmp1, $3  }
0x95: {  	_ =	sdelay $0x1  }
0x96: {  	[sflag:s25] =	ssyncset.done $0x0  }
0x97: {  	[sflag:s25] =	ssyncadd.s32 $0xFFFFC000  }
0x98: {  	_ =	sfence.sel $0x180000  }
0x99: {  	[bflag:$0x0] =	sbarrier.arrive $0xFFFF  }
0x9a: {  	_ =	strace $0x90000050  }
0x9b: {  	s0 =	stileid.u32;
	[bflag:$0x2] =	sbarrier.arrive $0xFFFF  }
0x9c: {  	p0 =	sne.s32 s0, $0x0;
	s0 =	rddreg [dreg:$0x3]  }
0x9d: {  	s0 =	sadd.s32 @!p0 $0x100000, s0  }
0x9e: {  	[sflag:s0] =	ssyncadd.tile.s32 @!p0 $0x1;
	_ =	shalt  }
.Lfunc_end2:
_tile_overlayer_lowered:
.L_overlay_start_2:
0x9f: {  	(tag) =	ssettag $0x2  }
0xa0: {  	s0 =	rddreg [dreg:$0x0];
	s2 =	stileid.u32  }
0xa1: {  	s1 =	rddreg [dreg:$0x1];
	p0 =	sne.s32 s2, $0x0  }
0xa2: {  	s3 =	rddreg [dreg:$0x2];
	[bflag:$0x3] =	sbarrier.arrive $0xFFFF;
	s2 =	simm.s32 @!p0 $0x1C03  }
0xa3: {  	[timem:s3], [sflag:s2] =	dma.local @!p0 [hbm:s0], s1  }
0xa4: {  	s0 =	simm.s32 @!p0 $0x3  }
0xa5: {  	_ =	swait.ge @!p0 [sflag:s0], s1  }
0xa6: {  	s1 =	ssub.s32 @!p0 $0x0, s1;
	[sflag:s0] =	ssyncset.done @!p0 $0x0  }
0xa7: {  	[sflag:s0] =	ssyncadd.s32 @!p0 s1  }
0xa8: {  	[bflag:$0x3] =	sbarrier.arrive $0xFFFF  }
0xa9: {  	_ =	shalt  }

// kernel: kernel.24.cloned.1.call-start
scs
__scs_entry_jumppad:
0x0: {  	(pc) =	sbr.rel $0x88, $3  }
0x1: {  	(tag) =	ssettag $0x0;
	lr =	simm.s32 $0x1  }
0x2: {  	[smem:$0x3F99] =	sst lr;
	_ =	strace $0xD0000000  }
0x3: {  	_ = 	snop  }
0x4: {  	_ = 	snop  }
0x5: {  	_ = 	snop  }
0x6: {  	_ = 	snop  }
0x7: {  	_ = 	snop  }
__scs_overlays_trampoline_lowered:
0x8: {  	[smem:$0x3FA8] =	sst s0  }
0x9: {  	[smem:$0x3FA9] =	sst s1  }
0xa: {  	[smem:$0x3FAA] =	sst s2  }
0xb: {  	[smem:$0x3FAB] =	sst s3  }
0xc: {  	[smem:$0x3FAC] =	sst s4  }
0xd: {  	[smem:$0x3FAD] =	sst s5  }
0xe: {  	[smem:$0x3FAE] =	sst s6  }
0xf: {  	[smem:$0x3FAF] =	sst s7  }
0x10: {  	[smem:$0x3FB0] =	sst s8  }
0x11: {  	[smem:$0x3FB1] =	sst s9;
	s0 =	simm.s32 @!p0 $0x0  }
0x12: {  	s1 =	sld [smem:$0x3F97];
	s0 =	simm.s32 @p0 $0x1  }
0x13: {  	[smem:$0x3FB2] =	sst s0;
	s0 =	simm.s32 @!p1 $0x0  }
0x14: {  	s2 =	sld [smem:$0x3F96];
	s0 =	simm.s32 @p1 $0x1  }
0x15: {  	[smem:$0x3FB3] =	sst s0;
	s0 =	simm.s32 @!p2 $0x0  }
0x16: {  	s3 =	sld [smem:$0x3FDB];
	s0 =	simm.s32 @p2 $0x1  }
0x17: {  	s4 =	simm.s32 $0x1BF5;
	[smem:$0x3FB5] =	sst s0  }
0x18: {  	s0 =	sld [smem:$0x3F98];
	_ =	swait.ge [sflag:s4], $0x0  }
0x19: {  	s7 =	sld [smem:$0x3F99]  }
0x1a: {  	s8 =	sadd.s32 $0xFFFFE003, lr  }
0x1b: {  	s9 =	sadd.s32 $0xFFFFFEF7, lr;
	s5 =	simm.s32 $0xFFFFFFFF;
	p2 =	slt.u32 s8, $0xFFFFF086  }
0x1c: {  	p1 =	slt.u32 s9, $0xF7A;
	s5 =	simm.s32 @!p2 $0x0  }
0x1d: {  	s5 =	simm.s32 @p1 $0x1;
	p0 =	seq.s32 s7, s2  }
0x1e: {  	s7 =	smul.u32 @!p0 $0xF7A, s2;
	p2 =	seq.s32 @!p0 s5, $0x0  }
0x1f: {  	s9 =	smul.u32 $0xF7A, s1;
	s8 =	simm.s32 @!p0 $0x1BF5;
	p2 =	por !p2, p0  }
0x20: {  	[sflag:s8] =	ssyncset.s32 @!p0 $0xFFFFF086;
	s6 =	sadd.s32 @!p0 s3, s7;
	s7 =	simm.s32 @!p0 $0x108  }
0x21: {  	s3 =	sadd.s32 s3, s9;
	s6 =	sadd.s32 @!p0 $0x88, s6;
	s7 =	simm.s32 @p2 $0x1082  }
0x22: {  	[simem:s7], [sflag:s8] =	dma.local @!p0 [hbm:s6], $0xF7A  }
0x23: {  	s9 =	sor.u32 $0xD0000000, s2;
	s6 =	simm.s32 $0x108;
	_ =	swait.ge @!p0 [sflag:s8], $0x0  }
0x24: {  	s3 =	sadd.s32 $0x88, s3;
	s6 =	simm.s32 @!p1 $0x1082;
	[sflag:s4] =	ssyncset.s32 $0xFFFFF086  }
0x25: {  	[simem:s6], [sflag:s4] =	dma.local [hbm:s3], $0xF7A  }
0x26: {  	[smem:$0x3F99] =	sst s1;
	(tag) =	ssettag s2;
	_ =	strace s9  }
0x27: {  	s1 =	sld [smem:$0x3FA9]  }
0x28: {  	s2 =	sld [smem:$0x3FAA]  }
0x29: {  	s4 =	sld [smem:$0x3FAC]  }
0x2a: {  	p0 =	seq.s32 s5, $0x0;
	s5 =	sld [smem:$0x3FAD]  }
0x2b: {  	s6 =	sld [smem:$0x3FAE]  }
0x2c: {  	s7 =	sld [smem:$0x3FAF]  }
0x2d: {  	s3 =	simm.s32 $0x108;
	s8 =	sld [smem:$0x3FB0]  }
0x2e: {  	s3 =	simm.s32 @!p0 $0x1082;
	s9 =	sld [smem:$0x3FB1]  }
0x2f: {  	lr =	sadd.s32 s0, s3;
	s0 =	sld [smem:$0x3FA8]  }
0x30: {  	s3 =	sld [smem:$0x3FAB]  }
0x31: {  	[smem:$0x3FB4] =	sst s10  }
0x32: {  	s10 =	sld [smem:$0x3FB2];
	_ =	sdelay $0x3  }
0x33: {  	p0 =	seq.s32 s10, $0x1;
	s10 =	sld [smem:$0x3FB4];
	_ =	sdelay $0x3  }
0x34: {  	[smem:$0x3FB4] =	sst s10  }
0x35: {  	s10 =	sld [smem:$0x3FB3];
	_ =	sdelay $0x3  }
0x36: {  	p1 =	seq.s32 s10, $0x1;
	s10 =	sld [smem:$0x3FB4];
	_ =	sdelay $0x3  }
0x37: {  	[smem:$0x3FB4] =	sst s10  }
0x38: {  	s10 =	sld [smem:$0x3FB5]  }
0x39: {  	_ = 	snop;
	(pc) =	sbr.ind lr, $3  }
0x3a: {  	_ = 	snop  }
0x3b: {  	_ = 	snop  }
0x3c: {  	p2 =	seq.s32 s10, $0x1;
	s10 =	sld [smem:$0x3FB4]  }
0x3d: {  	_ =	shalt  }
0x3e: {  	_ =	shalt  }
0x3f: {  	_ =	shalt  }
0x40: {  	_ =	shalt  }
0x41: {  	_ =	shalt  }
0x42: {  	_ =	shalt  }
0x43: {  	_ =	shalt  }
0x44: {  	_ =	shalt  }
0x45: {  	_ =	shalt  }
0x46: {  	_ =	shalt  }
0x47: {  	_ =	shalt  }
0x48: {  	_ =	shalt  }
0x49: {  	_ =	shalt  }
0x4a: {  	_ =	shalt  }
0x4b: {  	_ =	shalt  }
0x4c: {  	_ =	shalt  }
0x4d: {  	_ =	shalt  }
0x4e: {  	_ =	shalt  }
0x4f: {  	_ =	shalt  }
0x50: {  	_ =	shalt  }
0x51: {  	_ =	shalt  }
0x52: {  	_ =	shalt  }
0x53: {  	_ =	shalt  }
0x54: {  	_ =	shalt  }
0x55: {  	_ =	shalt  }
0x56: {  	_ =	shalt  }
0x57: {  	_ =	shalt  }
0x58: {  	_ =	shalt  }
0x59: {  	_ =	shalt  }
0x5a: {  	_ =	shalt  }
0x5b: {  	_ =	shalt  }
0x5c: {  	_ =	shalt  }
0x5d: {  	_ =	shalt  }
0x5e: {  	_ =	shalt  }
0x5f: {  	_ =	shalt  }
0x60: {  	_ =	shalt  }
0x61: {  	_ =	shalt  }
0x62: {  	_ =	shalt  }
0x63: {  	_ =	shalt  }
0x64: {  	_ =	shalt  }
0x65: {  	_ =	shalt  }
0x66: {  	_ =	shalt  }
0x67: {  	_ =	shalt  }
0x68: {  	_ =	shalt  }
0x69: {  	_ =	shalt  }
0x6a: {  	_ =	shalt  }
0x6b: {  	_ =	shalt  }
0x6c: {  	_ =	shalt  }
0x6d: {  	_ =	shalt  }
0x6e: {  	_ =	shalt  }
0x6f: {  	_ =	shalt  }
0x70: {  	_ =	shalt  }
0x71: {  	_ =	shalt  }
0x72: {  	_ =	shalt  }
0x73: {  	_ =	shalt  }
0x74: {  	_ =	shalt  }
0x75: {  	_ =	shalt  }
0x76: {  	_ =	shalt  }
0x77: {  	_ =	shalt  }
0x78: {  	_ =	shalt  }
0x79: {  	_ =	shalt  }
0x7a: {  	_ =	shalt  }
0x7b: {  	_ =	shalt  }
0x7c: {  	_ =	shalt  }
0x7d: {  	_ =	shalt  }
0x7e: {  	_ =	shalt  }
0x7f: {  	_ =	shalt  }
0x80: {  	_ =	shalt  }
0x81: {  	_ =	shalt  }
0x82: {  	_ =	shalt  }
0x83: {  	_ =	shalt  }
0x84: {  	_ =	shalt  }
0x85: {  	_ =	shalt  }
0x86: {  	_ =	shalt  }
0x87: {  	_ =	shalt  }
.Lfunc_end0:
.L_simem_size_0:
called_computation.4_lowered:
.L_overlay_start_0:
0x88: {  	s2 =	sld [smem:$0x3FD9]  }
0x89: {  	s3 =	sld [smem:$0x3FFE];
	_ =	sdelay $0x1  }
0x8a: {  	s1 =	srdreg.scid  }
0x8b: {  	s0 =	sand.u32 $0x1, s1  }
0x8c: {  	s16 =	sshll.u32 s0, $0xA;
	s2 =	sadd.s32 s3, s2  }
0x8d: {  	s2 =	sadd.s32 s2, s16  }
0x8e: {  	[smem:$0x3FC0] =	sst s2  }
0x8f: {  	_ = 	snop  }
0x90: {  	(tm) =	ssettm $0x1  }
0x91: {  	s17 =	sld [smem:$0x3FFB];
	_ =	sdelay $0x3  }
0x92: {  	_ =	strace s17  }
0x93: {  	s2 =	sld [smem:$0x3FFC];
	_ =	sdelay $0x3  }
0x94: {  	_ =	strace s2  }
0x95: {  	s2 =	sld [smem:$0x3FFD];
	_ =	sdelay $0x3  }
0x96: {  	_ =	strace s2  }
0x97: {  	_ =	strace $0x8FFFFFFF  }
0x98: {  	s18 =	sld [smem:$0x3FDB];
	_ =	sdelay $0x1  }
0x99: {  	s19 =	simm.s32 $_scs_section_size  }
0x9a: {  	s4 =	simm.s32 $_size__tile_overlayer_lowered;
	s5 =	simm.s32 $_tile_overlayer_lowered  }
0x9b: {  	s22 =	simm.s32 $0x1BFF;
	s21 =	sshll.u32 s5, $0x1;
	s2 =	sadd.s32 s19, s18  }
0x9c: {  	s6 =	simm.s32 $0x0;
	s20 =	sshll.u32 s4, $0x1;
	s4 =	sadd.s32 s21, s2  }
0x9d: {  	[timem:s6], [sflag:s22] =	dma.local [hbm:s4], s20  }
0x9e: {  	_ =	swait.ge [sflag:s22], s20  }
0x9f: {  	s3 =	ssub.s32 $0x0, s20;
	[sflag:s22] =	ssyncset.done $0x0  }
0xa0: {  	[sflag:s22] =	ssyncadd.s32 s3;
	_ =	sdelay $0x1  }
0xa1: {  	s23 =	simm.s32 $0x1B8B  }
0xa2: {  	_ =	swait.ge [sflag:s23], $0x1  }
0xa3: {  	[sflag:s23] =	ssyncset.done $0x0  }
0xa4: {  	s25 =	simm.s32 $0x1B8E;
	s24 =	sld [smem:$0x3FFE];
	[sflag:s23] =	ssyncadd.s32 $0xFFFFFFFF  }
0xa5: {  	s26 =	simm.s32 $execute0_lowered;
	[smem:$0x3FD2] =	sst s25  }
0xa6: {  	s4 =	sshll.u32 s26, $0x1;
	_ =	strace $0x80000052;
	[dreg:$0x1] =	wrdreg $0xFFFFFFFF  }
0xa7: {  	s28 =	simm.s32 $_size_execute0_lowered;
	s2 =	sadd.s32 s2, s4;
	[dreg:$0x0] =	wrdreg $0x0  }
0xa8: {  	s4 =	sshll.u32 s28, $0x1;
	[dreg:$0x2] =	wrdreg s2  }
0xa9: {  	[dreg:$0x3] =	wrdreg s4  }
0xaa: {  	[dreg:$0x4] =	wrdreg $0xC0  }
0xab: {  	_ =	task [dreg:s6], $0x5FFFF  }
0xac: {  	[dreg:$0x1] =	wrdreg $0xFFFFFFFF  }
0xad: {  	[dreg:$0x0] =	wrdreg $0x60  }
0xae: {  	[dreg:$0x2] =	wrdreg s24  }
0xaf: {  	[dreg:$0x3] =	wrdreg $0x81000  }
0xb0: {  	[dreg:$0x4] =	wrdreg $0x9  }
0xb1: {  	_ =	task.clear_ibuf [dreg:s6], $0x5FFFF;
	_ =	strace $0x90000052  }
0xb2: {  	s29 =	simm.s32 $0x9;
	_ =	strace $0x80000054  }
0xb3: {  	_ =	swait.ge [sflag:s29], $0x1  }
0xb4: {  	[sflag:s29] =	ssyncadd.s32 $0xFFFFFFFF  }
0xb5: {  	_ =	strace $0x90000054  }
0xb6: {  	_ =	sfence  }
0xb7: {  	s30 =	sld [smem:$0x0];
	_ =	sdelay $0x2  }
0xb8: {  	s31 =	sshll.u32 s1, $0xD;
	s1 =	sshrl.u32 s1, $0x2  }
0xb9: {  	s3 =	sand.u32 $0x4000, s31;
	s1 =	sadd.s32 s1, s30  }
0xba: {  	s0 =	sor.u32 s3, s0;
	s1 =	sshll.u32 s1, $0x11  }
0xbb: {  	s0 =	sor.u32 s1, s0  }
0xbc: {  	s0 =	sadd.s32 $0x8F2B, s0  }
0xbd: {  	[sflag:s0] =	ssyncadd.remote.s32 $0x1  }
0xbe: {  	_ =	sfence.sel $0xFFFF  }
0xbf: {  	[dreg:$0x0] =	wrdreg $0xFFFFFFFF;
	(pc) =	sbr.abs _section_cstart, $3  }
0xc0: {  	[dreg:$0x1] =	wrdreg $0xFFFFFFFF  }
0xc1: {  	_ =	task.clear_ibuf [dreg:s6], $0x2FFFF;
	_ =	strace $0x9FFFFFFF  }
0xc2: {  	(tm) =	ssettm $0x7FFFFFFF  }
0xc3: {  	_ =	shalt  }
tec
execute0_lowered:
.L_overlay_start_1:
0x0: {  	(tag) =	ssettag $0x1  }
0x1: {  	s7 =	rddreg [dreg:$0x0]  }
0x2: {  	s2 =	rddreg [dreg:$0x1]  }
0x3: {  	s0 =	rddreg [dreg:$0x2];
	s3 =	simm.s32 $0x0;
	s1 =	stileid.u32  }
0x4: {  	s4 =	srdreg.scid;
	s22 =	simm.s32 $0x80;
	s5 =	smul.u32 $0x5C0, s1  }
0x5: {  	s23 =	simm.s32 $0x2;
	s8 =	sand.u32 $0x1, s4;
	s4 =	smul.u32 $0x5C, s1  }
0x6: {  	s24 =	simm.s32 $0x3;
	s25 =	simm.s32 $0x0;
	s14 =	smul.u32 $0x14000, s1  }
0x7: {  	[smem:$0x7FF] =	sst s3;
	s18 =	sadd.s32 $0x2000, s7;
	s12 =	smul.u32 $0x50000, s1  }
0x8: {  	_ =	strace $0x80000053;
	s6 =	ssub.s32 $0x2, s8;
	s15 =	smul.u32 $0x140000, s8  }
0x9: {  	s8 =	smul.u32 $0x1700000, s8;
	s9 =	sadd.s32 s5, s7;
	s10 =	sshrl.u32 s6, $0x1  }
0xa: {  	s5 =	sadd.s32 $0xA7200, s7;
	s7 =	sadd.s32 $0xA1610, s7;
	s13 =	sadd.s32 $0x4000, s14  }
0xb: {  	s12 =	sshrl.u32 s12, $0x2;
	s29 =	sadd.s32 $0x8000, s14;
	s19 =	sadd.s32 $0xC000, s14  }
0xc: {  	s21 =	sadd.s32 $0x10000, s14;
	s10 =	ssub.s32 s6, s10;
	s6 =	sadd.s32 $0xA1600, s9  }
0xd: {  	s11 =	sadd.s32 s15, s14;
	s28 =	sadd.s32 s15, s13;
	s13 =	sadd.s32 s13, s2  }
0xe: {  	s17 =	sadd.s32 s15, s29;
	s20 =	sadd.s32 s15, s19;
	s31 =	sadd.s32 s15, s21  }
0xf: {  	s15 =	sadd.s32 s29, s2;
	s9 =	smax.u32 s10, $0x1;
	s26 =	sshrl.u32 s11, $0x3  }
.Ltmp0:
0x10: {  	s16 =	sshrl.u32 s28, $0x3;
	s11 =	sadd.s32 s12, s2;
	(pc) =	sbr.rel .LBB2_1-.Ltmp0, $4  }
0x11: {  	s17 =	sshrl.u32 s17, $0x3;
	s30 =	sshrl.u32 s20, $0x3;
	s20 =	sshrl.u32 s31, $0x3  }
0x12: {  	s10 =	sadd.s32 s18, s26;
	s12 =	sadd.s32 s18, s16;
	s14 =	sadd.s32 s18, s17  }
0x13: {  	s16 =	sadd.s32 s18, s30;
	s17 =	sadd.s32 s19, s2;
	s18 =	sadd.s32 s18, s20  }
0x14: {  	s19 =	sadd.s32 s21, s2;
	s20 =	simm.s32 $0x100;
	s21 =	simm.s32 $0x4  }
.LBB2_6:
0x15: {  	s25 =	sadd.s32 $0x1, s25  }
0x16: {  	_ =	swait.ge [sflag:s24], $0x4000;
	p0 =	sne.s32 s25, s9  }
.Ltmp1:
0x17: {  	[sflag:s24] =	ssyncset.done $0x0;
	(pc) =	sbr.rel @!p0 .LBB2_7-.Ltmp1, $4  }
0x18: {  	[sflag:s24] =	ssyncadd.s32 $0xFFFFC000  }
0x19: {  	_ =	swait.ge [sflag:s24], $0x4000  }
0x1a: {  	[sflag:s24] =	ssyncset.done $0x0  }
0x1b: {  	[sflag:s24] =	ssyncadd.s32 $0xFFFFC000  }
.LBB2_1:
0x1c: {  	[tilespmem:s20], [sflag:$0x4] =	stream.linear.gather [hbm4b:s10+s3], $0x4000, $0x38;
	[tilespmem:$0x1C100] =	vst v63  }
0x1d: {  	_ =	swait.ge [sflag:s21], $0x4000  }
0x1e: {  	[sflag:s21] =	ssyncset.done $0x0  }
0x1f: {  	[sflag:s21] =	ssyncadd.s32 $0xFFFFC000  }
0x20: {  	[spmem:s11] =	stream.linear.scatter [tilespmem:s20], [sflag:$0x4], $0x4000, $0x38;
	[tilespmem:$0x1C100] =	vst v63  }
0x21: {  	_ =	swait.ge [sflag:s21], $0x4000  }
0x22: {  	[sflag:s21] =	ssyncset.done $0x0  }
0x23: {  	[sflag:s21] =	ssyncadd.s32 $0xFFFFC000  }
0x24: {  	[tilespmem:s20], [sflag:$0x4] =	stream.linear.gather [hbm4b:s12+s3], $0x4000, $0x38;
	[tilespmem:$0x1C100] =	vst v63  }
0x25: {  	_ =	swait.ge [sflag:s21], $0x4000  }
0x26: {  	[sflag:s21] =	ssyncset.done $0x0  }
0x27: {  	[sflag:s21] =	ssyncadd.s32 $0xFFFFC000  }
0x28: {  	[spmem:s13] =	stream.linear.scatter [tilespmem:s20], [sflag:$0x4], $0x4000, $0x38;
	[tilespmem:$0x1C100] =	vst v63  }
0x29: {  	_ =	swait.ge [sflag:s21], $0x4000  }
0x2a: {  	[sflag:s21] =	ssyncset.done $0x0  }
0x2b: {  	[sflag:s21] =	ssyncadd.s32 $0xFFFFC000  }
0x2c: {  	[tilespmem:s20], [sflag:$0x4] =	stream.linear.gather [hbm4b:s14+s3], $0x4000, $0x38;
	[tilespmem:$0x1C100] =	vst v63  }
0x2d: {  	_ =	swait.ge [sflag:s21], $0x4000  }
0x2e: {  	[sflag:s21] =	ssyncset.done $0x0  }
0x2f: {  	[sflag:s21] =	ssyncadd.s32 $0xFFFFC000  }
0x30: {  	[spmem:s15] =	stream.linear.scatter [tilespmem:s20], [sflag:$0x4], $0x4000, $0x38;
	[tilespmem:$0x1C100] =	vst v63  }
0x31: {  	_ =	swait.ge [sflag:s21], $0x4000  }
0x32: {  	[sflag:s21] =	ssyncset.done $0x0  }
0x33: {  	[sflag:s21] =	ssyncadd.s32 $0xFFFFC000  }
0x34: {  	[tilespmem:s20], [sflag:$0x4] =	stream.linear.gather [hbm4b:s16+s3], $0x4000, $0x38;
	[tilespmem:$0x1C100] =	vst v63  }
0x35: {  	_ =	swait.ge [sflag:s21], $0x4000  }
0x36: {  	[sflag:s21] =	ssyncset.done $0x0  }
0x37: {  	[sflag:s21] =	ssyncadd.s32 $0xFFFFC000  }
0x38: {  	[spmem:s17] =	stream.linear.scatter [tilespmem:s20], [sflag:$0x4], $0x4000, $0x38;
	[tilespmem:$0x1C100] =	vst v63  }
0x39: {  	_ =	swait.ge [sflag:s21], $0x4000  }
0x3a: {  	[sflag:s21] =	ssyncset.done $0x0  }
0x3b: {  	[sflag:s21] =	ssyncadd.s32 $0xFFFFC000  }
0x3c: {  	[tilespmem:s20], [sflag:$0x4] =	stream.linear.gather [hbm4b:s18+s3], $0x4000, $0x38;
	[tilespmem:$0x1C100] =	vst v63  }
0x3d: {  	_ =	swait.ge [sflag:s21], $0x4000  }
0x3e: {  	[sflag:s21] =	ssyncset.done $0x0  }
0x3f: {  	[sflag:s21] =	ssyncadd.s32 $0xFFFFC000  }
0x40: {  	[spmem:s19] =	stream.linear.scatter [tilespmem:s20], [sflag:$0x4], $0x4000, $0x38;
	[tilespmem:$0x1C100] =	vst v63  }
0x41: {  	_ =	swait.ge [sflag:s21], $0x4000  }
0x42: {  	[sflag:s21] =	ssyncset.done $0x0  }
0x43: {  	[sflag:s21] =	ssyncadd.s32 $0xFFFFC000  }
.Ltmp2:
0x44: {  	[bflag:$0x0] =	sbarrier.arrive $0xFFFF;
	(pc) =	sbr.rel .LBB2_2-.Ltmp2, $4  }
0x45: {  	[tilespmem:s3], [sflag:$0x4] =	stream.linear.gather [hbm4b:s6+s3], $0x80, $0x38;
	[tilespmem:$0x1C100] =	vst v63  }
0x46: {  	_ =	swait.ge [sflag:s21], $0x80  }
0x47: {  	[sflag:s21] =	ssyncset.done $0x0  }
0x48: {  	s26 =	simm.s32 $0x0;
	[sflag:s21] =	ssyncadd.s32 $0xFFFFFF80  }
.LBB2_4:
0x49: {  	s30 =	sshll.u32 s28, $0x4;
	s31 =	sshll.u32 s29, $0x7;
	s26 =	sadd.s32 $0x1, s26  }
0x4a: {  	p0 =	por $0x0, $0x0;
	s31 =	sxor.u32 $0x80, s31;
	s30 =	sadd.s32 s30, s7  }
0x4b: {  	[tilespmem:s31], [sflag:$0x1] =	stream.linear.gather [hbm4b:s30+s3], $0x80, $0x38;
	[tilespmem:$0x1C100] =	vst v63  }
.LBB2_5:
0x4c: {  	s30 =	sshll.u32 s29, $0xE  }
0x4d: {  	s31 =	sshll.u32 s29, $0x7;
	s28 =	sshll.u32 s28, $0xE;
	s30 =	sor.u32 $0x100, s30  }
0x4e: {  	[tilespmem:s30], [sflag:$0x2] =	stream.indirect.gather [spmem:s2], $0x80, s31, s22, $0xb8;
	[tilespmem:$0x1C100] =	vst v63  }
0x4f: {  	s28 =	sadd.s32 s8, s28;
	_ =	swait.ge [sflag:s23], $0x4000  }
0x50: {  	s28 =	sshrl.u32 s28, $0x3;
	[sflag:s23] =	ssyncset.done $0x0  }
0x51: {  	p1 =	slt.u32 s26, $0x5C;
	s28 =	sadd.s32 s5, s28;
	[sflag:s23] =	ssyncadd.s32 $0xFFFFC000  }
0x52: {  	[hbm4b:s28+s3] =	stream.linear.scatter [tilespmem:s30], [sflag:$0x3], $0x4000, $0x38;
	[tilespmem:$0x1C100] =	vst v63  }
.Ltmp3:
0x53: {  	_ = 	snop;
	(pc) =	sbr.rel @!p1 .LBB2_6-.Ltmp3, $4  }
0x54: {  	s28 =	simm.s32 @!p0 $0x1  }
0x55: {  	_ =	swait.ge @!p0 [sflag:s28], $0x80  }
0x56: {  	[sflag:s28] =	ssyncset.done @!p0 $0x0  }
0x57: {  	[sflag:s28] =	ssyncadd.s32 @!p0 $0xFFFFFF80  }
.LBB2_2:
0x58: {  	p0 =	slt.u32 s26, $0x2  }
0x59: {  	p1 =	seq.s32 @!p0 s26, $0x5B  }
0x5a: {  	p1 =	por p0, !p1  }
.Ltmp4:
0x5b: {  	_ = 	snop;
	(pc) =	sbr.rel @p1 .LBB2_4-.Ltmp4, $4  }
0x5c: {  	s30 =	simm.s32 @!p0 $0x3  }
0x5d: {  	_ =	swait.ge @!p0 [sflag:s30], $0x4000  }
0x5e: {  	[sflag:s30] =	ssyncset.done @!p0 $0x0  }
0x5f: {  	s29 =	sand.u32 $0x1, s26;
	s28 =	sadd.s32 s4, s26;
	[sflag:s30] =	ssyncadd.s32 @!p0 $0xFFFFC000  }
.Ltmp5:
0x60: {  	(pc) =	sbr.rel .LBB2_5-.Ltmp5, $2  }
0x61: {  	_ =	sdelay $0x2  }
0x62: {  	s26 =	simm.s32 @!p0 $0x5C;
	p0 =	por @!p0 $0x1, $0x1  }
.LBB2_7:
0x63: {  	_ =	sfence.sel $0x180000  }
0x64: {  	[bflag:$0x0] =	sbarrier.arrive $0xFFFF  }
0x65: {  	p0 =	sne.s32 s1, $0x0;
	_ =	strace $0x90000053  }
0x66: {  	s0 =	sadd.s32 @!p0 $0x100000, s0;
	[bflag:$0x2] =	sbarrier.arrive $0xFFFF  }
0x67: {  	[sflag:s0] =	ssyncadd.tile.s32 @!p0 $0x1;
	_ =	shalt  }
.Lfunc_end2:
_tile_overlayer_lowered:
.L_overlay_start_2:
0x68: {  	(tag) =	ssettag $0x2  }
0x69: {  	s0 =	rddreg [dreg:$0x0];
	s2 =	stileid.u32  }
0x6a: {  	s1 =	rddreg [dreg:$0x1];
	p0 =	sne.s32 s2, $0x0  }
0x6b: {  	s3 =	rddreg [dreg:$0x2];
	[bflag:$0x3] =	sbarrier.arrive $0xFFFF;
	s2 =	simm.s32 @!p0 $0x1C04  }
0x6c: {  	[timem:s3], [sflag:s2] =	dma.local @!p0 [hbm:s0], s1  }
0x6d: {  	s0 =	simm.s32 @!p0 $0x4  }
0x6e: {  	_ =	swait.ge @!p0 [sflag:s0], s1  }
0x6f: {  	s1 =	ssub.s32 @!p0 $0x0, s1;
	[sflag:s0] =	ssyncset.done @!p0 $0x0  }
0x70: {  	[sflag:s0] =	ssyncadd.s32 @!p0 s1  }
0x71: {  	[bflag:$0x3] =	sbarrier.arrive $0xFFFF  }
0x72: {  	_ =	shalt  }

// kernel: kernel.27.cloned.1.call-start
scs
__scs_entry_jumppad:
0x0: {  	(pc) =	sbr.rel $0x88, $3  }
0x1: {  	(tag) =	ssettag $0x0;
	lr =	simm.s32 $0x1  }
0x2: {  	[smem:$0x3F99] =	sst lr;
	_ =	strace $0xD0000000  }
0x3: {  	_ = 	snop  }
0x4: {  	_ = 	snop  }
0x5: {  	_ = 	snop  }
0x6: {  	_ = 	snop  }
0x7: {  	_ = 	snop  }
__scs_overlays_trampoline_lowered:
0x8: {  	[smem:$0x3FA8] =	sst s0  }
0x9: {  	[smem:$0x3FA9] =	sst s1  }
0xa: {  	[smem:$0x3FAA] =	sst s2  }
0xb: {  	[smem:$0x3FAB] =	sst s3  }
0xc: {  	[smem:$0x3FAC] =	sst s4  }
0xd: {  	[smem:$0x3FAD] =	sst s5  }
0xe: {  	[smem:$0x3FAE] =	sst s6  }
0xf: {  	[smem:$0x3FAF] =	sst s7  }
0x10: {  	[smem:$0x3FB0] =	sst s8  }
0x11: {  	[smem:$0x3FB1] =	sst s9;
	s0 =	simm.s32 @!p0 $0x0  }
0x12: {  	s1 =	sld [smem:$0x3F97];
	s0 =	simm.s32 @p0 $0x1  }
0x13: {  	[smem:$0x3FB2] =	sst s0;
	s0 =	simm.s32 @!p1 $0x0  }
0x14: {  	s2 =	sld [smem:$0x3F96];
	s0 =	simm.s32 @p1 $0x1  }
0x15: {  	[smem:$0x3FB3] =	sst s0;
	s0 =	simm.s32 @!p2 $0x0  }
0x16: {  	s3 =	sld [smem:$0x3FDB];
	s0 =	simm.s32 @p2 $0x1  }
0x17: {  	s4 =	simm.s32 $0x1BF5;
	[smem:$0x3FB5] =	sst s0  }
0x18: {  	s0 =	sld [smem:$0x3F98];
	_ =	swait.ge [sflag:s4], $0x0  }
0x19: {  	s7 =	sld [smem:$0x3F99]  }
0x1a: {  	s8 =	sadd.s32 $0xFFFFE003, lr  }
0x1b: {  	s9 =	sadd.s32 $0xFFFFFEF7, lr;
	s5 =	simm.s32 $0xFFFFFFFF;
	p2 =	slt.u32 s8, $0xFFFFF086  }
0x1c: {  	p1 =	slt.u32 s9, $0xF7A;
	s5 =	simm.s32 @!p2 $0x0  }
0x1d: {  	s5 =	simm.s32 @p1 $0x1;
	p0 =	seq.s32 s7, s2  }
0x1e: {  	s7 =	smul.u32 @!p0 $0xF7A, s2;
	p2 =	seq.s32 @!p0 s5, $0x0  }
0x1f: {  	s9 =	smul.u32 $0xF7A, s1;
	s8 =	simm.s32 @!p0 $0x1BF5;
	p2 =	por !p2, p0  }
0x20: {  	[sflag:s8] =	ssyncset.s32 @!p0 $0xFFFFF086;
	s6 =	sadd.s32 @!p0 s3, s7;
	s7 =	simm.s32 @!p0 $0x108  }
0x21: {  	s3 =	sadd.s32 s3, s9;
	s6 =	sadd.s32 @!p0 $0x88, s6;
	s7 =	simm.s32 @p2 $0x1082  }
0x22: {  	[simem:s7], [sflag:s8] =	dma.local @!p0 [hbm:s6], $0xF7A  }
0x23: {  	s9 =	sor.u32 $0xD0000000, s2;
	s6 =	simm.s32 $0x108;
	_ =	swait.ge @!p0 [sflag:s8], $0x0  }
0x24: {  	s3 =	sadd.s32 $0x88, s3;
	s6 =	simm.s32 @!p1 $0x1082;
	[sflag:s4] =	ssyncset.s32 $0xFFFFF086  }
0x25: {  	[simem:s6], [sflag:s4] =	dma.local [hbm:s3], $0xF7A  }
0x26: {  	[smem:$0x3F99] =	sst s1;
	(tag) =	ssettag s2;
	_ =	strace s9  }
0x27: {  	s1 =	sld [smem:$0x3FA9]  }
0x28: {  	s2 =	sld [smem:$0x3FAA]  }
0x29: {  	s4 =	sld [smem:$0x3FAC]  }
0x2a: {  	p0 =	seq.s32 s5, $0x0;
	s5 =	sld [smem:$0x3FAD]  }
0x2b: {  	s6 =	sld [smem:$0x3FAE]  }
0x2c: {  	s7 =	sld [smem:$0x3FAF]  }
0x2d: {  	s3 =	simm.s32 $0x108;
	s8 =	sld [smem:$0x3FB0]  }
0x2e: {  	s3 =	simm.s32 @!p0 $0x1082;
	s9 =	sld [smem:$0x3FB1]  }
0x2f: {  	lr =	sadd.s32 s0, s3;
	s0 =	sld [smem:$0x3FA8]  }
0x30: {  	s3 =	sld [smem:$0x3FAB]  }
0x31: {  	[smem:$0x3FB4] =	sst s10  }
0x32: {  	s10 =	sld [smem:$0x3FB2];
	_ =	sdelay $0x3  }
0x33: {  	p0 =	seq.s32 s10, $0x1;
	s10 =	sld [smem:$0x3FB4];
	_ =	sdelay $0x3  }
0x34: {  	[smem:$0x3FB4] =	sst s10  }
0x35: {  	s10 =	sld [smem:$0x3FB3];
	_ =	sdelay $0x3  }
0x36: {  	p1 =	seq.s32 s10, $0x1;
	s10 =	sld [smem:$0x3FB4];
	_ =	sdelay $0x3  }
0x37: {  	[smem:$0x3FB4] =	sst s10  }
0x38: {  	s10 =	sld [smem:$0x3FB5]  }
0x39: {  	_ = 	snop;
	(pc) =	sbr.ind lr, $3  }
0x3a: {  	_ = 	snop  }
0x3b: {  	_ = 	snop  }
0x3c: {  	p2 =	seq.s32 s10, $0x1;
	s10 =	sld [smem:$0x3FB4]  }
0x3d: {  	_ =	shalt  }
0x3e: {  	_ =	shalt  }
0x3f: {  	_ =	shalt  }
0x40: {  	_ =	shalt  }
0x41: {  	_ =	shalt  }
0x42: {  	_ =	shalt  }
0x43: {  	_ =	shalt  }
0x44: {  	_ =	shalt  }
0x45: {  	_ =	shalt  }
0x46: {  	_ =	shalt  }
0x47: {  	_ =	shalt  }
0x48: {  	_ =	shalt  }
0x49: {  	_ =	shalt  }
0x4a: {  	_ =	shalt  }
0x4b: {  	_ =	shalt  }
0x4c: {  	_ =	shalt  }
0x4d: {  	_ =	shalt  }
0x4e: {  	_ =	shalt  }
0x4f: {  	_ =	shalt  }
0x50: {  	_ =	shalt  }
0x51: {  	_ =	shalt  }
0x52: {  	_ =	shalt  }
0x53: {  	_ =	shalt  }
0x54: {  	_ =	shalt  }
0x55: {  	_ =	shalt  }
0x56: {  	_ =	shalt  }
0x57: {  	_ =	shalt  }
0x58: {  	_ =	shalt  }
0x59: {  	_ =	shalt  }
0x5a: {  	_ =	shalt  }
0x5b: {  	_ =	shalt  }
0x5c: {  	_ =	shalt  }
0x5d: {  	_ =	shalt  }
0x5e: {  	_ =	shalt  }
0x5f: {  	_ =	shalt  }
0x60: {  	_ =	shalt  }
0x61: {  	_ =	shalt  }
0x62: {  	_ =	shalt  }
0x63: {  	_ =	shalt  }
0x64: {  	_ =	shalt  }
0x65: {  	_ =	shalt  }
0x66: {  	_ =	shalt  }
0x67: {  	_ =	shalt  }
0x68: {  	_ =	shalt  }
0x69: {  	_ =	shalt  }
0x6a: {  	_ =	shalt  }
0x6b: {  	_ =	shalt  }
0x6c: {  	_ =	shalt  }
0x6d: {  	_ =	shalt  }
0x6e: {  	_ =	shalt  }
0x6f: {  	_ =	shalt  }
0x70: {  	_ =	shalt  }
0x71: {  	_ =	shalt  }
0x72: {  	_ =	shalt  }
0x73: {  	_ =	shalt  }
0x74: {  	_ =	shalt  }
0x75: {  	_ =	shalt  }
0x76: {  	_ =	shalt  }
0x77: {  	_ =	shalt  }
0x78: {  	_ =	shalt  }
0x79: {  	_ =	shalt  }
0x7a: {  	_ =	shalt  }
0x7b: {  	_ =	shalt  }
0x7c: {  	_ =	shalt  }
0x7d: {  	_ =	shalt  }
0x7e: {  	_ =	shalt  }
0x7f: {  	_ =	shalt  }
0x80: {  	_ =	shalt  }
0x81: {  	_ =	shalt  }
0x82: {  	_ =	shalt  }
0x83: {  	_ =	shalt  }
0x84: {  	_ =	shalt  }
0x85: {  	_ =	shalt  }
0x86: {  	_ =	shalt  }
0x87: {  	_ =	shalt  }
.Lfunc_end0:
.L_simem_size_0:
called_computation.5_lowered:
.L_overlay_start_0:
0x88: {  	s2 =	sld [smem:$0x3FD9]  }
0x89: {  	s3 =	sld [smem:$0x3FFE];
	_ =	sdelay $0x1  }
0x8a: {  	s1 =	srdreg.scid  }
0x8b: {  	s0 =	sand.u32 $0x1, s1  }
0x8c: {  	s17 =	sshll.u32 s0, $0xA;
	s2 =	sadd.s32 s3, s2  }
0x8d: {  	s2 =	sadd.s32 s2, s17  }
0x8e: {  	[smem:$0x3FC0] =	sst s2  }
0x8f: {  	_ = 	snop  }
0x90: {  	s2 =	sld [smem:$0x3FD0];
	(tm) =	ssettm $0x1  }
0x91: {  	s18 =	sld [smem:$0x3FFB];
	_ =	sdelay $0x3  }
0x92: {  	_ =	strace s18  }
0x93: {  	s3 =	sld [smem:$0x3FFC];
	_ =	sdelay $0x3  }
0x94: {  	_ =	strace s3  }
0x95: {  	s3 =	sld [smem:$0x3FFD];
	_ =	sdelay $0x3  }
0x96: {  	_ =	strace s3  }
0x97: {  	_ =	strace $0x8FFFFFFF  }
0x98: {  	s19 =	sld [smem:$0x3FDB];
	_ =	sdelay $0x1  }
0x99: {  	s4 =	simm.s32 $_scs_section_size  }
0x9a: {  	s5 =	simm.s32 $_size__tile_overlayer_lowered;
	s6 =	simm.s32 $_tile_overlayer_lowered  }
0x9b: {  	s22 =	simm.s32 $0x1BFF;
	s21 =	sshll.u32 s6, $0x1;
	s3 =	sadd.s32 s4, s19  }
0x9c: {  	s7 =	simm.s32 $0x0;
	s20 =	sshll.u32 s5, $0x1;
	s5 =	sadd.s32 s21, s3  }
0x9d: {  	[timem:s7], [sflag:s22] =	dma.local [hbm:s5], s20  }
0x9e: {  	_ =	swait.ge [sflag:s22], s20  }
0x9f: {  	s4 =	ssub.s32 $0x0, s20;
	[sflag:s22] =	ssyncset.done $0x0  }
0xa0: {  	[sflag:s22] =	ssyncadd.s32 s4;
	_ =	sdelay $0x1  }
0xa1: {  	s23 =	simm.s32 $0x1B8B  }
0xa2: {  	_ =	swait.ge [sflag:s23], $0x1  }
0xa3: {  	[sflag:s23] =	ssyncset.done $0x0  }
0xa4: {  	s25 =	simm.s32 $0x1B8E;
	s24 =	sld [smem:$0x3FFE];
	[sflag:s23] =	ssyncadd.s32 $0xFFFFFFFF  }
0xa5: {  	s26 =	simm.s32 $execute0_lowered;
	[smem:$0x3FD2] =	sst s25  }
0xa6: {  	s5 =	sshll.u32 s26, $0x1;
	_ =	strace $0x80000055;
	[dreg:$0x1] =	wrdreg $0xFFFFFFFF  }
0xa7: {  	s28 =	simm.s32 $_size_execute0_lowered;
	s3 =	sadd.s32 s3, s5;
	[dreg:$0x0] =	wrdreg $0x0  }
0xa8: {  	s5 =	sshll.u32 s28, $0x1;
	[dreg:$0x2] =	wrdreg s3  }
0xa9: {  	[dreg:$0x3] =	wrdreg s5  }
0xaa: {  	[dreg:$0x4] =	wrdreg $0xC0  }
0xab: {  	_ =	task [dreg:s7], $0x5FFFF  }
0xac: {  	[dreg:$0x1] =	wrdreg $0xFFFFFFFF  }
0xad: {  	[dreg:$0x0] =	wrdreg $0x60  }
0xae: {  	[dreg:$0x2] =	wrdreg s24  }
0xaf: {  	[dreg:$0x3] =	wrdreg s2  }
0xb0: {  	[dreg:$0x4] =	wrdreg $0x81000  }
0xb1: {  	[dreg:$0x5] =	wrdreg $0x9  }
0xb2: {  	_ =	task.clear_ibuf [dreg:s7], $0x6FFFF;
	_ =	strace $0x90000055  }
0xb3: {  	s29 =	simm.s32 $0x9;
	_ =	strace $0x80000057  }
0xb4: {  	_ =	swait.ge [sflag:s29], $0x1  }
0xb5: {  	[sflag:s29] =	ssyncadd.s32 $0xFFFFFFFF  }
0xb6: {  	_ =	strace $0x90000057  }
0xb7: {  	_ =	sfence  }
0xb8: {  	s30 =	sld [smem:$0x0];
	_ =	sdelay $0x2  }
0xb9: {  	s31 =	sshll.u32 s1, $0xD;
	s1 =	sshrl.u32 s1, $0x2  }
0xba: {  	s3 =	sand.u32 $0x4000, s31;
	s1 =	sadd.s32 s1, s30  }
0xbb: {  	s0 =	sor.u32 s3, s0;
	s1 =	sshll.u32 s1, $0x11  }
0xbc: {  	s0 =	sor.u32 s1, s0  }
0xbd: {  	s0 =	sadd.s32 $0x8F2B, s0  }
0xbe: {  	[sflag:s0] =	ssyncadd.remote.s32 $0x1  }
0xbf: {  	_ =	sfence.sel $0xFFFF  }
0xc0: {  	[dreg:$0x0] =	wrdreg $0xFFFFFFFF;
	(pc) =	sbr.abs _section_cstart, $3  }
0xc1: {  	[dreg:$0x1] =	wrdreg $0xFFFFFFFF  }
0xc2: {  	_ =	task.clear_ibuf [dreg:s7], $0x2FFFF;
	_ =	strace $0x9FFFFFFF  }
0xc3: {  	(tm) =	ssettm $0x7FFFFFFF  }
tec
execute0_lowered:
.L_overlay_start_1:
0x0: {  	(tag) =	ssettag $0x1  }
0x1: {  	s0 =	rddreg [dreg:$0x0]  }
0x2: {  	s1 =	rddreg [dreg:$0x1]  }
0x3: {  	s2 =	rddreg [dreg:$0x2];
	s3 =	simm.s32 $0x0  }
0x4: {  	s4 =	srdreg.scid;
	s11 =	stileid.u32;
	s28 =	simm.s32 $0x1  }
0x5: {  	s29 =	simm.s32 $0x2;
	s31 =	simm.s32 $0x0;
	s5 =	smul.u32 $0x50000, s11  }
0x6: {  	[smem:$0x7FF] =	sst s3;
	s4 =	sand.u32 $0x1, s4;
	s10 =	smul.u32 $0x170000, s11  }
0x7: {  	s8 =	sadd.s32 $0x6B7200, s0;
	s12 =	sadd.s32 $0xE00, s0;
	s22 =	smul.u32 $0x5C0, s11  }
0x8: {  	s0 =	sadd.s32 $0x52000, s0;
	s24 =	smul.u32 $0x14000, s11;
	_ =	strace $0x80000056  }
0x9: {  	s6 =	ssub.s32 $0x2, s4;
	s7 =	smul.u32 $0x1700000, s4;
	[dreg:$0x4] =	wrdreg s12  }
0xa: {  	s4 =	smul.u32 $0x140000, s4;
	s9 =	sshrl.u32 s6, $0x1;
	s5 =	sshrl.u32 s5, $0x2  }
0xb: {  	s14 =	sadd.s32 $0x4000, s24;
	s16 =	sadd.s32 $0x8000, s24;
	s18 =	sadd.s32 $0xC000, s24  }
0xc: {  	s9 =	ssub.s32 s6, s9;
	s7 =	sadd.s32 s10, s7;
	s5 =	sadd.s32 s5, s2  }
0xd: {  	s6 =	sadd.s32 s1, s22;
	s13 =	sadd.s32 s4, s24;
	s15 =	sadd.s32 s4, s14  }
0xe: {  	s14 =	sadd.s32 s14, s2;
	s17 =	sadd.s32 s4, s16;
	s16 =	sadd.s32 s16, s2  }
0xf: {  	s19 =	sadd.s32 s4, s18;
	s1 =	sadd.s32 $0x10000, s24;
	s18 =	sadd.s32 s18, s2  }
0x10: {  	s24 =	simm.s32 $0x100;
	s10 =	sshrl.u32 s7, $0x3;
	s9 =	smax.u32 s9, $0x1  }
0x11: {  	s25 =	sadd.s32 $0x4000, s5;
	s26 =	sadd.s32 $0x8000, s5;
	s11 =	sadd.s32 $0xC000, s5  }
0x12: {  	s12 =	sadd.s32 $0x10000, s5;
	s13 =	sshrl.u32 s13, $0x3;
	s15 =	sshrl.u32 s15, $0x3  }
0x13: {  	s17 =	sshrl.u32 s17, $0x3;
	s19 =	sshrl.u32 s19, $0x3;
	[dreg:$0x6] =	wrdreg s9  }
0x14: {  	s4 =	sadd.s32 s4, s1;
	s7 =	sor.u32 $0x4000, s7;
	[dreg:$0x7] =	wrdreg s25  }
0x15: {  	s20 =	sadd.s32 s1, s2;
	s23 =	sadd.s32 s8, s10;
	[dreg:$0x8] =	wrdreg s26  }
0x16: {  	s13 =	sadd.s32 s0, s13;
	s15 =	sadd.s32 s0, s15;
	s17 =	sadd.s32 s0, s17  }
0x17: {  	s19 =	sadd.s32 s0, s19;
	s4 =	sshrl.u32 s4, $0x3;
	s30 =	sshrl.u32 s7, $0x3  }
0x18: {  	s25 =	simm.s32 $0x3;
	s26 =	simm.s32 $0x80;
	[dreg:$0x5] =	wrdreg s23  }
0x19: {  	s21 =	sadd.s32 s0, s4;
	s22 =	sadd.s32 s30, s8;
	s23 =	sadd.s32 $0x10, s6  }
.LBB2_1:
0x1a: {  	s0 =	rddreg [dreg:$0x4]  }
0x1b: {  	[tilespmem:s24], [sflag:$0x3] =	stream.linear.gather [hbm4b:s0+s3], $0x4000, $0x38;
	[tilespmem:$0x1C100] =	vst v63  }
0x1c: {  	_ =	swait.ge [sflag:s25], $0x4000  }
0x1d: {  	[sflag:s25] =	ssyncset.done $0x0  }
0x1e: {  	[sflag:s25] =	ssyncadd.s32 $0xFFFFC000  }
0x1f: {  	[spmem:s5] =	stream.linear.scatter [tilespmem:s24], [sflag:$0x3], $0x4000, $0x38;
	[tilespmem:$0x1C100] =	vst v63  }
0x20: {  	_ =	swait.ge [sflag:s25], $0x4000  }
0x21: {  	[sflag:s25] =	ssyncset.done $0x0  }
0x22: {  	s10 =	rddreg [dreg:$0x7];
	[sflag:s25] =	ssyncadd.s32 $0xFFFFC000  }
0x23: {  	[spmem:s10] =	stream.linear.scatter [tilespmem:s24], [sflag:$0x3], $0x4000, $0x38;
	[tilespmem:$0x1C100] =	vst v63  }
0x24: {  	_ =	swait.ge [sflag:s25], $0x4000  }
0x25: {  	[sflag:s25] =	ssyncset.done $0x0  }
0x26: {  	s1 =	rddreg [dreg:$0x8];
	[sflag:s25] =	ssyncadd.s32 $0xFFFFC000  }
0x27: {  	[spmem:s1] =	stream.linear.scatter [tilespmem:s24], [sflag:$0x3], $0x4000, $0x38;
	[tilespmem:$0x1C100] =	vst v63  }
0x28: {  	_ =	swait.ge [sflag:s25], $0x4000  }
0x29: {  	[sflag:s25] =	ssyncset.done $0x0  }
0x2a: {  	[sflag:s25] =	ssyncadd.s32 $0xFFFFC000  }
0x2b: {  	[spmem:s11] =	stream.linear.scatter [tilespmem:s24], [sflag:$0x3], $0x4000, $0x38;
	[tilespmem:$0x1C100] =	vst v63  }
0x2c: {  	_ =	swait.ge [sflag:s25], $0x4000  }
0x2d: {  	[sflag:s25] =	ssyncset.done $0x0  }
0x2e: {  	[sflag:s25] =	ssyncadd.s32 $0xFFFFC000  }
0x2f: {  	[spmem:s12] =	stream.linear.scatter [tilespmem:s24], [sflag:$0x3], $0x4000, $0x38;
	[tilespmem:$0x1C100] =	vst v63  }
0x30: {  	_ =	swait.ge [sflag:s25], $0x4000  }
0x31: {  	[sflag:s25] =	ssyncset.done $0x0  }
0x32: {  	[sflag:s25] =	ssyncadd.s32 $0xFFFFC000  }
0x33: {  	[bflag:$0x0] =	sbarrier.arrive $0xFFFF  }
0x34: {  	[tilespmem:s3], [sflag:$0x3] =	stream.linear.gather [hbm4b:s6+s3], $0x80, $0x38;
	[tilespmem:$0x1C100] =	vst v63  }
0x35: {  	_ =	swait.ge [sflag:s25], $0x80  }
0x36: {  	[sflag:s25] =	ssyncset.done $0x0  }
0x37: {  	s4 =	rddreg [dreg:$0x5];
	[sflag:s25] =	ssyncadd.s32 $0xFFFFFF80  }
0x38: {  	[tilespmem:s24], [sflag:$0x3] =	stream.linear.gather [hbm4b:s4+s3], $0x4000, $0x38;
	[tilespmem:$0x1C100] =	vst v63  }
0x39: {  	s7 =	sand.u32 $0x1, s3;
	_ =	swait.ge [sflag:s25], $0x4000  }
0x3a: {  	s1 =	sxor.u32 $0x1, s7;
	[sflag:s25] =	ssyncset.done $0x0  }
0x3b: {  	s4 =	sshll.u32 s1, $0x7;
	s1 =	sshll.u32 s1, $0xE;
	[sflag:s25] =	ssyncadd.s32 $0xFFFFC000  }
0x3c: {  	[tilespmem:s4], [sflag:$0x1] =	stream.linear.gather [hbm4b:s23+s3], $0x80, $0x38;
	[tilespmem:$0x1C100] =	vst v63  }
0x3d: {  	s8 =	sshll.u32 s7, $0xE;
	s1 =	sor.u32 $0x100, s1  }
0x3e: {  	[tilespmem:s1], [sflag:$0x2] =	stream.linear.gather [hbm4b:s22+s3], $0x4000, $0x38;
	[tilespmem:$0x1C100] =	vst v63  }
0x3f: {  	s0 =	sshll.u32 s7, $0x7;
	s9 =	sor.u32 $0x100, s8  }
0x40: {  	[spmem:s2] =	stream.indirect.scatter.add.f32 [tilespmem:s9], [sflag:$0x3], $0x80, s0, s26, $0xb8;
	[tilespmem:$0x1C100] =	vst v63  }
0x41: {  	_ =	swait.ge [sflag:s25], $0x4000  }
0x42: {  	[sflag:s25] =	ssyncset.done $0x0  }
0x43: {  	[sflag:s25] =	ssyncadd.s32 $0xFFFFC000  }
0x44: {  	_ =	swait.ge [sflag:s28], $0x80  }
0x45: {  	s10 =	simm.s32 $0x1;
	[sflag:s28] =	ssyncset.done $0x0  }
0x46: {  	s30 =	simm.s32 $0x2;
	s4 =	sand.u32 $0x1, s10;
	[sflag:s28] =	ssyncadd.s32 $0xFFFFFF80  }
0x47: {  	s8 =	sxor.u32 $0x1, s4;
	s7 =	sshll.u32 s4, $0xE;
	_ =	swait.ge [sflag:s29], $0x4000  }
0x48: {  	s1 =	sadd.s32 $0x800, s22;
	s0 =	sadd.s32 $0x10, s23;
	[sflag:s29] =	ssyncset.done $0x0  }
.LBB2_2:
0x49: {  	s9 =	sshll.u32 s8, $0x7  }
0x4a: {  	s8 =	sshll.u32 s8, $0xE;
	[sflag:s29] =	ssyncadd.s32 $0xFFFFC000;
	s10 =	smov.u32 s30  }
0x4b: {  	[tilespmem:s9], [sflag:$0x1] =	stream.linear.gather [hbm4b:s0+s3], $0x80, $0x38;
	[tilespmem:$0x1C100] =	vst v63  }
0x4c: {  	p0 =	sne.s32 s30, $0x5A;
	s30 =	sadd.s32 $0x1, s30;
	s8 =	sor.u32 $0x100, s8  }
0x4d: {  	[tilespmem:s8], [sflag:$0x2] =	stream.linear.gather [hbm4b:s1+s3], $0x4000, $0x38;
	[tilespmem:$0x1C100] =	vst v63  }
0x4e: {  	s7 =	sor.u32 $0x100, s7;
	s4 =	sshll.u32 s4, $0x7  }
0x4f: {  	[spmem:s2] =	stream.indirect.scatter.add.f32 [tilespmem:s7], [sflag:$0x3], $0x80, s4, s26, $0xb8;
	[tilespmem:$0x1C100] =	vst v63  }
0x50: {  	_ =	swait.ge [sflag:s25], $0x4000  }
0x51: {  	[sflag:s25] =	ssyncset.done $0x0  }
0x52: {  	[sflag:s25] =	ssyncadd.s32 $0xFFFFC000  }
.Ltmp0:
0x53: {  	_ =	swait.ge [sflag:s28], $0x80;
	(pc) =	sbr.rel @p0 .LBB2_2-.Ltmp0, $4  }
0x54: {  	[sflag:s28] =	ssyncset.done $0x0  }
0x55: {  	s0 =	sadd.s32 $0x10, s0;
	[sflag:s28] =	ssyncadd.s32 $0xFFFFFF80  }
0x56: {  	s1 =	sadd.s32 $0x800, s1;
	s4 =	sand.u32 $0x1, s10;
	_ =	swait.ge [sflag:s29], $0x4000  }
0x57: {  	s8 =	sxor.u32 $0x1, s4;
	s7 =	sshll.u32 s4, $0xE;
	[sflag:s29] =	ssyncset.done $0x0  }
0x58: {  	s9 =	sshll.u32 s8, $0x7;
	s10 =	sshll.u32 s8, $0xE;
	[sflag:s29] =	ssyncadd.s32 $0xFFFFC000  }
0x59: {  	[tilespmem:s9], [sflag:$0x1] =	stream.linear.gather [hbm4b:s0+s3], $0x80, $0x38;
	[tilespmem:$0x1C100] =	vst v63  }
0x5a: {  	s30 =	sor.u32 $0x100, s10  }
0x5b: {  	[tilespmem:s30], [sflag:$0x2] =	stream.linear.gather [hbm4b:s1+s3], $0x4000, $0x38;
	[tilespmem:$0x1C100] =	vst v63  }
0x5c: {  	s8 =	sor.u32 $0x100, s7;
	s9 =	sshll.u32 s4, $0x7  }
0x5d: {  	[spmem:s2] =	stream.indirect.scatter.add.f32 [tilespmem:s8], [sflag:$0x3], $0x80, s9, s26, $0xb8;
	[tilespmem:$0x1C100] =	vst v63  }
0x5e: {  	_ =	swait.ge [sflag:s25], $0x4000  }
0x5f: {  	[sflag:s25] =	ssyncset.done $0x0  }
0x60: {  	[sflag:s25] =	ssyncadd.s32 $0xFFFFC000  }
0x61: {  	_ =	swait.ge [sflag:s28], $0x80  }
0x62: {  	[sflag:s28] =	ssyncset.done $0x0  }
0x63: {  	[sflag:s28] =	ssyncadd.s32 $0xFFFFFF80  }
0x64: {  	_ =	swait.ge [sflag:s29], $0x4000  }
0x65: {  	[sflag:s29] =	ssyncset.done $0x0  }
0x66: {  	s10 =	simm.s32 $0x4100;
	[sflag:s29] =	ssyncadd.s32 $0xFFFFC000  }
0x67: {  	[spmem:s2] =	stream.indirect.scatter.add.f32 [tilespmem:s10], [sflag:$0x3], $0x80, s26, s26, $0xb8;
	[tilespmem:$0x1C100] =	vst v63  }
0x68: {  	_ =	swait.ge [sflag:s25], $0x4000  }
0x69: {  	[sflag:s25] =	ssyncset.done $0x0  }
0x6a: {  	[sflag:s25] =	ssyncadd.s32 $0xFFFFC000  }
0x6b: {  	[bflag:$0x0] =	sbarrier.arrive $0xFFFF  }
0x6c: {  	[tilespmem:s24], [sflag:$0x3] =	stream.linear.gather [spmem:s5], $0x4000, $0x38;
	[tilespmem:$0x1C100] =	vst v63  }
0x6d: {  	_ =	swait.ge [sflag:s25], $0x4000  }
0x6e: {  	[sflag:s25] =	ssyncset.done $0x0  }
0x6f: {  	[sflag:s25] =	ssyncadd.s32 $0xFFFFC000  }
0x70: {  	[hbm4b:s13+s3] =	stream.linear.scatter [tilespmem:s24], [sflag:$0x3], $0x4000, $0x38;
	[tilespmem:$0x1C100] =	vst v63  }
0x71: {  	_ =	swait.ge [sflag:s25], $0x4000  }
0x72: {  	[sflag:s25] =	ssyncset.done $0x0  }
0x73: {  	[sflag:s25] =	ssyncadd.s32 $0xFFFFC000  }
0x74: {  	[tilespmem:s24], [sflag:$0x3] =	stream.linear.gather [spmem:s14], $0x4000, $0x38;
	[tilespmem:$0x1C100] =	vst v63  }
0x75: {  	_ =	swait.ge [sflag:s25], $0x4000  }
0x76: {  	[sflag:s25] =	ssyncset.done $0x0  }
0x77: {  	[sflag:s25] =	ssyncadd.s32 $0xFFFFC000  }
0x78: {  	[hbm4b:s15+s3] =	stream.linear.scatter [tilespmem:s24], [sflag:$0x3], $0x4000, $0x38;
	[tilespmem:$0x1C100] =	vst v63  }
0x79: {  	_ =	swait.ge [sflag:s25], $0x4000  }
0x7a: {  	[sflag:s25] =	ssyncset.done $0x0  }
0x7b: {  	[sflag:s25] =	ssyncadd.s32 $0xFFFFC000  }
0x7c: {  	[tilespmem:s24], [sflag:$0x3] =	stream.linear.gather [spmem:s16], $0x4000, $0x38;
	[tilespmem:$0x1C100] =	vst v63  }
0x7d: {  	_ =	swait.ge [sflag:s25], $0x4000  }
0x7e: {  	[sflag:s25] =	ssyncset.done $0x0  }
0x7f: {  	[sflag:s25] =	ssyncadd.s32 $0xFFFFC000  }
0x80: {  	[hbm4b:s17+s3] =	stream.linear.scatter [tilespmem:s24], [sflag:$0x3], $0x4000, $0x38;
	[tilespmem:$0x1C100] =	vst v63  }
0x81: {  	_ =	swait.ge [sflag:s25], $0x4000  }
0x82: {  	[sflag:s25] =	ssyncset.done $0x0  }
0x83: {  	[sflag:s25] =	ssyncadd.s32 $0xFFFFC000  }
0x84: {  	[tilespmem:s24], [sflag:$0x3] =	stream.linear.gather [spmem:s18], $0x4000, $0x38;
	[tilespmem:$0x1C100] =	vst v63  }
0x85: {  	_ =	swait.ge [sflag:s25], $0x4000  }
0x86: {  	[sflag:s25] =	ssyncset.done $0x0  }
0x87: {  	[sflag:s25] =	ssyncadd.s32 $0xFFFFC000  }
0x88: {  	[hbm4b:s19+s3] =	stream.linear.scatter [tilespmem:s24], [sflag:$0x3], $0x4000, $0x38;
	[tilespmem:$0x1C100] =	vst v63  }
0x89: {  	_ =	swait.ge [sflag:s25], $0x4000  }
0x8a: {  	[sflag:s25] =	ssyncset.done $0x0  }
0x8b: {  	[sflag:s25] =	ssyncadd.s32 $0xFFFFC000  }
0x8c: {  	[tilespmem:s24], [sflag:$0x3] =	stream.linear.gather [spmem:s20], $0x4000, $0x38;
	[tilespmem:$0x1C100] =	vst v63  }
0x8d: {  	_ =	swait.ge [sflag:s25], $0x4000  }
0x8e: {  	[sflag:s25] =	ssyncset.done $0x0  }
0x8f: {  	[sflag:s25] =	ssyncadd.s32 $0xFFFFC000  }
0x90: {  	[hbm4b:s21+s3] =	stream.linear.scatter [tilespmem:s24], [sflag:$0x3], $0x4000, $0x38;
	[tilespmem:$0x1C100] =	vst v63  }
0x91: {  	_ =	swait.ge [sflag:s25], $0x4000  }
0x92: {  	s31 =	sadd.s32 $0x1, s31;
	s30 =	rddreg [dreg:$0x6]  }
0x93: {  	p0 =	sne.s32 s31, s30  }
.Ltmp1:
0x94: {  	_ = 	snop;
	(pc) =	sbr.rel @p0 .LBB2_1-.Ltmp1, $3  }
0x95: {  	_ =	sdelay $0x1  }
0x96: {  	[sflag:s25] =	ssyncset.done $0x0  }
0x97: {  	[sflag:s25] =	ssyncadd.s32 $0xFFFFC000  }
0x98: {  	_ =	sfence.sel $0x180000  }
0x99: {  	[bflag:$0x0] =	sbarrier.arrive $0xFFFF  }
0x9a: {  	_ =	strace $0x90000056  }
0x9b: {  	s0 =	stileid.u32;
	[bflag:$0x2] =	sbarrier.arrive $0xFFFF  }
0x9c: {  	p0 =	sne.s32 s0, $0x0;
	s0 =	rddreg [dreg:$0x3]  }
0x9d: {  	s0 =	sadd.s32 @!p0 $0x100000, s0  }
0x9e: {  	[sflag:s0] =	ssyncadd.tile.s32 @!p0 $0x1;
	_ =	shalt  }
.Lfunc_end2:
_tile_overlayer_lowered:
.L_overlay_start_2:
0x9f: {  	(tag) =	ssettag $0x2  }
0xa0: {  	s0 =	rddreg [dreg:$0x0];
	s2 =	stileid.u32  }
0xa1: {  	s1 =	rddreg [dreg:$0x1];
	p0 =	sne.s32 s2, $0x0  }
0xa2: {  	s3 =	rddreg [dreg:$0x2];
	[bflag:$0x3] =	sbarrier.arrive $0xFFFF;
	s2 =	simm.s32 @!p0 $0x1C03  }
0xa3: {  	[timem:s3], [sflag:s2] =	dma.local @!p0 [hbm:s0], s1  }
0xa4: {  	s0 =	simm.s32 @!p0 $0x3  }
0xa5: {  	_ =	swait.ge @!p0 [sflag:s0], s1  }
0xa6: {  	s1 =	ssub.s32 @!p0 $0x0, s1;
	[sflag:s0] =	ssyncset.done @!p0 $0x0  }
0xa7: {  	[sflag:s0] =	ssyncadd.s32 @!p0 s1  }
0xa8: {  	[bflag:$0x3] =	sbarrier.arrive $0xFFFF  }
0xa9: {  	_ =	shalt  }

</sc_bundles>
